<compile_context>
chip_gen: v7x
topology: tpu7x:2x2x1
jax: 0.10.2.dev20260603
libtpu: 0.0.44.dev20260713+nightly
codegen_flags: <defaults>
</compile_context>

<pallas_src>
import functools

import jax
import jax.numpy as jnp
from jax import lax
from jax.experimental import pallas as pl
from jax.experimental.pallas import tpu as pltpu
from jax.experimental.pallas import tpu_sc as plsc

_INV_SQRT_AVG_NEIGH = 1.0 / (16.0 ** 0.5)


def _node_matmuls(nf, w_up, w_skip0):
    n, d = nf.shape
    ks = w_skip0.shape[1]
    cn = 1000
    assert n % cn == 0

    def body(nf_ref, wu_ref, wsk_ref, h_ref, skip_ref):
        x = nf_ref[...]
        h_ref[...] = jnp.dot(x, wu_ref[...], preferred_element_type=jnp.float32)
        skip_ref[...] = jnp.dot(x, wsk_ref[...], preferred_element_type=jnp.float32)

    return pl.pallas_call(
        body,
        grid=(n // cn,),
        in_specs=[
            pl.BlockSpec((cn, d), lambda i: (i, 0)),
            pl.BlockSpec((d, d), lambda i: (0, 0)),
            pl.BlockSpec((d, ks), lambda i: (0, 0)),
        ],
        out_specs=[
            pl.BlockSpec((cn, d), lambda i: (i, 0)),
            pl.BlockSpec((cn, ks), lambda i: (i, 0)),
        ],
        out_shape=[
            jax.ShapeDtypeStruct((n, d), jnp.float32),
            jax.ShapeDtypeStruct((n, ks), jnp.float32),
        ],
    )(nf, w_up, w_skip0)


def _sc_gather(h, senders):
    n, d = h.shape
    e = senders.shape[0]
    nw = 32
    ch = 128
    n_ch = e // ch
    tmax = (n_ch + nw - 1) // nw
    assert e % ch == 0

    mesh = plsc.VectorSubcoreMesh(core_axis_name="c", subcore_axis_name="s")

    @functools.partial(
        pl.kernel,
        out_type=jax.ShapeDtypeStruct((e, d), jnp.float32),
        mesh=mesh,
        scratch_types=[
            pltpu.VMEM((2, 1, ch), jnp.int32),
            pltpu.VMEM((2, ch, d), jnp.float32),
            pltpu.SemaphoreType.DMA,
            pltpu.SemaphoreType.DMA,
        ],
    )
    def k(h_hbm, s_hbm, out_hbm, idxb, rows, isem, osem):
        c = lax.axis_index("c")
        s = lax.axis_index("s")
        wid = s * 2 + c
        trips = (n_ch - wid + nw - 1) // nw

        def start_idx(t):
            @pl.when(t < trips)
            def _():
                eb = (wid + t * nw) * ch
                pltpu.async_copy(s_hbm.at[pl.ds(eb, ch)], idxb.at[t % 2, 0],
                                 isem)

        def wait_idx(t):
            @pl.when(t < trips)
            def _():
                pltpu.make_async_copy(s_hbm.at[pl.ds(0, ch)],
                                      idxb.at[t % 2, 0], isem).wait()

        def wait_store(t):
            @pl.when((t >= 0) & (t < trips))
            def _():
                pltpu.make_async_copy(rows.at[t % 2],
                                      out_hbm.at[pl.ds(0, ch)], osem).wait()

        start_idx(0)

        def body(t, carry):
            b = t % 2
            wait_idx(t)
            start_idx(t + 1)
            wait_store(t - 2)

            @pl.when(t < trips)
            def _():
                pltpu.sync_copy(h_hbm.at[idxb.at[b, 0]], rows.at[b])
                pltpu.async_copy(rows.at[b],
                                 out_hbm.at[pl.ds((wid + t * nw) * ch, ch)],
                                 osem)

            return carry

        lax.fori_loop(0, tmax, body, 0)
        wait_store(tmax - 2)
        wait_store(tmax - 1)

    return k(h, senders)


def _edge_payload(rad, ef, hs, w_r1, w_r2, w_d0, w_d1, w_d2):
    e, r = rad.shape
    d = hs.shape[1]
    ce = 2000
    assert e % ce == 0

    bf = jnp.bfloat16
    zero_d32 = jnp.zeros((d, 32), jnp.float32)
    zero_d96 = jnp.zeros((d, 96), jnp.float32)
    w_a = jnp.concatenate([w_d1, w_d1, w_d1, zero_d32], axis=1).astype(bf)
    w_b = jnp.concatenate([zero_d96, w_d2], axis=1).astype(bf)
    w_c = jnp.concatenate([w_d2, w_d2, w_d2, w_d2], axis=1).astype(bf)
    w_dd = jnp.concatenate([w_d0, zero_d32], axis=1).astype(bf)
    m = jnp.zeros((9, 384), jnp.float32)
    for i in range(3):
        m = m.at[1 + i, 32 * i:32 * (i + 1)].set(1.0)
    m = m.at[8, 96:128].set(1.0)
    for i in range(4):
        m = m.at[4 + i, 128 + 32 * i:160 + 32 * i].set(1.0)
    m = m.at[0, 256:352].set(1.0)

    def body(rad_ref, ef_ref, hs_ref, wr1_ref, wr2_ref, wa_ref, wb_ref,
             wc_ref, wd_ref, m_ref, pay_ref):
        radb = rad_ref[...]
        efb = ef_ref[...]
        hsb = hs_ref[...]
        hid = jnp.dot(radb, wr1_ref[...], preferred_element_type=jnp.float32)
        hid = hid * jax.nn.sigmoid(hid)
        w = jnp.dot(hid.astype(bf), wr2_ref[...].astype(bf),
                    preferred_element_type=jnp.float32)
        p0 = (w[:, 0:d] * hsb).astype(bf)
        p1 = (w[:, d:2 * d] * hsb).astype(bf)
        p2 = (w[:, 2 * d:3 * d] * hsb).astype(bf)
        shb = jnp.dot(efb, m_ref[...], preferred_element_type=jnp.float32)
        g0 = jnp.dot(p1, wa_ref[...], preferred_element_type=jnp.float32)
        g0 = g0 + jnp.dot(p2, wb_ref[...], preferred_element_type=jnp.float32)
        g1 = jnp.dot(p2, wc_ref[...], preferred_element_type=jnp.float32)
        g2 = jnp.dot(p0, wd_ref[...], preferred_element_type=jnp.float32)
        pay_ref[0] = g0 * shb[:, 0:128]
        pay_ref[1] = g1 * shb[:, 128:256]
        pay_ref[2] = g2 * shb[:, 256:384]

    return pl.pallas_call(
        body,
        grid=(e // ce,),
        in_specs=[
            pl.BlockSpec((ce, r), lambda i: (i, 0)),
            pl.BlockSpec((ce, 9), lambda i: (i, 0)),
            pl.BlockSpec((ce, d), lambda i: (i, 0)),
            pl.BlockSpec((r, 8), lambda i: (0, 0)),
            pl.BlockSpec((8, 3 * d), lambda i: (0, 0)),
            pl.BlockSpec((d, 128), lambda i: (0, 0)),
            pl.BlockSpec((d, 128), lambda i: (0, 0)),
            pl.BlockSpec((d, 128), lambda i: (0, 0)),
            pl.BlockSpec((d, 128), lambda i: (0, 0)),
            pl.BlockSpec((9, 384), lambda i: (0, 0)),
        ],
        out_specs=pl.BlockSpec((3, ce, 128), lambda i: (0, i, 0)),
        out_shape=jax.ShapeDtypeStruct((3, e, 128), jnp.float32),
    )(rad, ef, hs, w_r1, w_r2, w_a, w_b, w_c, w_dd, m)


def _sc_scatter(pay, recv, zeros_init, n):
    ng, e, w = pay.shape
    ch = 128
    ns = 16
    epc = e // 2
    n_ch = epc // ch
    npt = n // ns
    assert e % (2 * ch) == 0 and n % ns == 0 and npt % 8 == 0

    mesh = plsc.VectorSubcoreMesh(core_axis_name="c", subcore_axis_name="s")

    @functools.partial(
        pl.kernel,
        out_type=jax.ShapeDtypeStruct((2, ng, n, w), jnp.float32),
        mesh=mesh,
        scratch_types=[
            pltpu.VMEM_SHARED((n, w), jnp.float32),
            pltpu.VMEM((2, 1, ch), jnp.int32),
            pltpu.VMEM((2, ch, w), jnp.float32),
            pltpu.SemaphoreType.DMA,
            pltpu.SemaphoreType.DMA,
        ],
    )
    def k(pay_hbm, recv_hbm, zero_hbm, out_hbm, acc, idxb, payb, lsem, ssem):
        c = lax.axis_index("c")
        s = lax.axis_index("s")
        ebase = c * epc
        trips = (n_ch - s + ns - 1) // ns
        tmax = (n_ch + ns - 1) // ns

        for g in range(ng):
            pltpu.sync_copy(zero_hbm, acc.at[pl.ds(s * npt, npt)])
            plsc.subcore_barrier()

            def start_loads(t, g=g):
                @pl.when(t < trips)
                def _():
                    b = t % 2
                    eb = ebase + (s + t * ns) * ch
                    pltpu.async_copy(recv_hbm.at[pl.ds(eb, ch)],
                                     idxb.at[b, 0], lsem)
                    pltpu.async_copy(pay_hbm.at[g, pl.ds(eb, ch)],
                                     payb.at[b], lsem)

            def wait_loads(t):
                @pl.when(t < trips)
                def _():
                    b = t % 2
                    pltpu.make_async_copy(recv_hbm.at[pl.ds(0, ch)],
                                          idxb.at[b, 0], lsem).wait()
                    pltpu.make_async_copy(pay_hbm.at[0, pl.ds(0, ch)],
                                          payb.at[b], lsem).wait()

            def wait_scat(t):
                @pl.when((t >= 0) & (t < trips))
                def _():
                    b = t % 2
                    pltpu.make_async_copy(payb.at[b], acc.at[idxb.at[b, 0]],
                                          ssem).wait()

            start_loads(0)

            def body(t, carry):
                wait_scat(t - 1)
                wait_loads(t)

                @pl.when(t < trips)
                def _():
                    b = t % 2
                    pltpu.async_copy(payb.at[b], acc.at[idxb.at[b, 0]],
                                     ssem, add=True)

                start_loads(t + 1)
                return carry

            lax.fori_loop(0, tmax, body, 0)
            wait_scat(tmax - 1)
            plsc.subcore_barrier()
            pltpu.sync_copy(acc.at[pl.ds(s * npt, npt)],
                            out_hbm.at[c, g, pl.ds(s * npt, npt)])
            plsc.subcore_barrier()

    return k(pay, recv, zeros_init)


def _gate(acc, acc2, skip, n):
    cn = 1000
    assert n % cn == 0

    def body(acc_ref, acc2_ref, skip_ref, s_ref, v_ref, t_ref):
        a = (acc_ref[0] + acc_ref[1]
             + acc2_ref[0] + acc2_ref[1])
        a0, a1, a2 = a[0], a[1], a[2]
        seg_s = a2[:, 0:96]
        s = 0.5 * (seg_s * _INV_SQRT_AVG_NEIGH + skip_ref[...])
        scal = s[:, 0:32]
        g1 = s[:, 32:64]
        g2 = s[:, 64:96]
        s_ref[...] = scal * jax.nn.sigmoid(scal)
        v_sh = a0[:, 0:96]
        t_sh = jnp.concatenate([a1, a0[:, 96:128]], axis=1)
        gate1 = g1 * jax.nn.sigmoid(g1)
        gate2 = g2 * jax.nn.sigmoid(g2)
        half_inv = 0.5 * _INV_SQRT_AVG_NEIGH
        v_ref[...] = (v_sh * half_inv) * jnp.concatenate([gate1] * 3, axis=1)
        t_ref[...] = (t_sh * half_inv) * jnp.concatenate([gate2] * 5, axis=1)

    return pl.pallas_call(
        body,
        grid=(n // cn,),
        in_specs=[
            pl.BlockSpec((2, 3, cn, 128), lambda i: (0, 0, i, 0)),
            pl.BlockSpec((2, 3, cn, 128), lambda i: (0, 0, i, 0)),
            pl.BlockSpec((cn, 96), lambda i: (i, 0)),
        ],
        out_specs=[
            pl.BlockSpec((cn, 32), lambda i: (i, 0)),
            pl.BlockSpec((cn, 96), lambda i: (i, 0)),
            pl.BlockSpec((cn, 160), lambda i: (i, 0)),
        ],
        out_shape=[
            jax.ShapeDtypeStruct((n, 32), jnp.float32),
            jax.ShapeDtypeStruct((n, 96), jnp.float32),
            jax.ShapeDtypeStruct((n, 160), jnp.float32),
        ],
    )(acc, acc2, skip)


def kernel(node_features, edge_features, radial_embedding, senders, receivers,
           node_species, W_up, W_r1, W_r2, W_down0, W_down1, W_down2, W_skip):
    n, d = node_features.shape
    e = senders.shape[0]
    del node_species

    h, skip = _node_matmuls(node_features, W_up, W_skip[0])
    e1 = 64000
    snd = senders.astype(jnp.int32)
    rcv = receivers.astype(jnp.int32)
    n_pad = 10240
    zeros_init = jnp.zeros((n_pad // 16, 128), jnp.float32)
    hs1 = _sc_gather(h, snd[:e1])
    pay1 = _edge_payload(radial_embedding[:e1], edge_features[:e1], hs1,
                         W_r1, W_r2, W_down0, W_down1, W_down2)
    hs2 = _sc_gather(h, snd[e1:])
    acc1 = _sc_scatter(pay1, rcv[:e1], zeros_init, n_pad)
    pay2 = _edge_payload(radial_embedding[e1:], edge_features[e1:], hs2,
                         W_r1, W_r2, W_down0, W_down1, W_down2)
    acc2 = _sc_scatter(pay2, rcv[e1:], zeros_init, n_pad)
    out_s, out_v_sh, out_t_sh = _gate(acc1, acc2, skip, n)

    out_v = out_v_sh.reshape(n, 3, 32).transpose(0, 2, 1).reshape(n, 96)
    out_t = out_t_sh.reshape(n, 5, 32).transpose(0, 2, 1).reshape(n, 160)
    return jnp.concatenate([out_s, out_v, out_t], axis=1)

# --- scband reference (transcript-rebuilt; emitter-appended) ---
"""Pipeline reference for scband-nequip-layer-80401787781524 (READ-ONLY COPY).

The authoritative reference and input builder live on the scoring server;
editing this copy changes nothing except your own understanding.
"""

import jax, jax.numpy as jnp
import numpy as np

N = 10000
E = 160000
D = 128
R = 8
MULT = 32
NUM_SPECIES = 1
AVG_NEIGH = 16.0


def setup_inputs(seed: int = 0) -> dict:
    key = jax.random.key(seed)
    ks = jax.random.split(key, 13)
    node_features = jax.random.normal(ks[0], (N, D), dtype=jnp.float32)
    edge_features = jax.random.normal(ks[1], (E, 9), dtype=jnp.float32)
    radial_embedding = jax.random.uniform(ks[2], (E, R), dtype=jnp.float32)
    senders = jax.random.randint(ks[3], (E,), 0, N)
    receivers = jax.random.randint(ks[4], (E,), 0, N)
    node_species = jax.random.randint(ks[5], (N,), 0, NUM_SPECIES)
    W_up = jax.random.normal(ks[6], (D, D), dtype=jnp.float32) / np.sqrt(D)
    W_r1 = jax.random.normal(ks[7], (R, 8), dtype=jnp.float32) / np.sqrt(R)
    W_r2 = jax.random.normal(ks[8], (8, 3 * D), dtype=jnp.float32) / np.sqrt(8.0)
    W_down0 = jax.random.normal(ks[9], (D, 3 * MULT), dtype=jnp.float32) / np.sqrt(D)
    W_down1 = jax.random.normal(ks[10], (D, MULT), dtype=jnp.float32) / np.sqrt(D)
    W_down2 = jax.random.normal(ks[11], (D, MULT), dtype=jnp.float32) / np.sqrt(D)
    W_skip = jax.random.normal(ks[12], (NUM_SPECIES, D, 3 * MULT), dtype=jnp.float32) / np.sqrt(D)
    return {
        'node_features': node_features,
        'edge_features': edge_features,
        'radial_embedding': radial_embedding,
        'senders': senders,
        'receivers': receivers,
        'node_species': node_species,
        'W_up': W_up,
        'W_r1': W_r1,
        'W_r2': W_r2,
        'W_down0': W_down0,
        'W_down1': W_down1,
        'W_down2': W_down2,
        'W_skip': W_skip,
    }


def reference(node_features, edge_features, radial_embedding, senders, receivers, node_species, W_up, W_r1, W_r2, W_down0, W_down1, W_down2, W_skip):
    n = node_features.shape[0]
    e = senders.shape[0]
    silu = jax.nn.silu
    # linear_up on node scalars (128x0e -> 128x0e)
    h = node_features @ W_up
    # radial MLP: 1 hidden layer, swish, producing tensor-product path weights
    hid = silu(radial_embedding @ W_r1)
    w = (hid @ W_r2).reshape(e, 3, -1)  # [E, 3 paths (l=0,1,2), D channels]
    # gather sender features per edge
    hs = jnp.take(h, senders, axis=0)  # [E, D]
    # split edge spherical harmonics by degree: Y0 (1), Y1 (3), Y2 (5)
    sh0 = edge_features[:, 0:1]
    sh1 = edge_features[:, 1:4]
    sh2 = edge_features[:, 4:9]
    # tensor product 0e x l -> l (CG = identity for scalar inputs), weighted per edge
    m0 = (w[:, 0, :] * hs)[:, :, None] * sh0[:, None, :]  # [E, D, 1]
    m1 = (w[:, 1, :] * hs)[:, :, None] * sh1[:, None, :]  # [E, D, 3]
    m2 = (w[:, 2, :] * hs)[:, :, None] * sh2[:, None, :]  # [E, D, 5]
    inv_sqrt = 1.0 / jnp.sqrt(AVG_NEIGH)
    # scatter-add aggregate to receivers, normalize by sqrt(avg num neighbours)
    a0 = jax.ops.segment_sum(m0, receivers, num_segments=n) * inv_sqrt
    a1 = jax.ops.segment_sum(m1, receivers, num_segments=n) * inv_sqrt
    a2 = jax.ops.segment_sum(m2, receivers, num_segments=n) * inv_sqrt
    # linear_down to gate irreps: (32+64)x0e + 32x1o + 32x2e
    s = a0[:, :, 0] @ W_down0  # [N, 96]
    v = jnp.einsum('ndi,dk->nki', a1, W_down1)  # [N, 32, 3]
    t = jnp.einsum('ndi,dk->nki', a2, W_down2)  # [N, 32, 5]
    # species-indexed skip connection (only scalar irreps match input irreps)
    skip_all = jnp.einsum('nd,sdk->nsk', node_features, W_skip)  # [N, S, 96]
    skip_s = jnp.take_along_axis(skip_all, node_species[:, None, None], axis=1)[:, 0, :]
    s = 0.5 * (s + skip_s)
    v = 0.5 * v
    t = 0.5 * t
    # gate nonlinearity: silu on even scalars, gate 1o and 2e by silu(gate scalars)
    scal = s[:, :MULT]
    g1 = s[:, MULT:2 * MULT]
    g2 = s[:, 2 * MULT:3 * MULT]
    out_s = silu(scal)
    out_v = v * silu(g1)[:, :, None]
    out_t = t * silu(g2)[:, :, None]
    return jnp.concatenate([out_s, out_v.reshape(n, -1), out_t.reshape(n, -1)], axis=1)

if __name__ == "__main__":
    import jax
    _d = setup_inputs()
    print(jax.jit(kernel)(*tuple(_d.values())))

</pallas_src>

<mosaic_0001>
#map = affine_map<(d0, d1) -> (0, 0)>
#map1 = affine_map<(d0, d1) -> (0)>
module attributes {stable_mosaic.version = 14 : i64} {
  func.func @k(%arg0: i32, %arg1: i32, %arg2: memref<10000x128xf32, #tpu.memory_space<hbm>>, %arg3: memref<96000xi32, #tpu.memory_space<hbm>>, %arg4: memref<96000x128xf32, #tpu.memory_space<hbm>>, %arg5: memref<2x1x128xi32, #tpu.memory_space<vmem>>, %arg6: memref<2x128x128xf32, #tpu.memory_space<vmem>>, %arg7: memref<!tpu.dma_semaphore, #tpu.memory_space<semaphore_mem>>, %arg8: memref<!tpu.dma_semaphore, #tpu.memory_space<semaphore_mem>>) attributes {dimension_semantics = [#tpu.dimension_semantics<core_parallel>, #tpu.dimension_semantics<subcore_parallel>], iteration_bounds = array<i64: 2, 16>, scalar_prefetch = 0 : i64, scratch_operands = 4 : i64, tpu.core_type = #tpu.core_type<sc_vector_subcore>, window_params = [{transform_indices = #map}, {transform_indices = #map1}, {transform_indices = #map}]} {
    %mul3A = arith.constant 2 : i32
    %mul3A_0 = arith.muli %arg1, %mul3A : i32
    %add3A = arith.addi %mul3A_0, %arg0 : i32
    %sub3A = arith.constant 750 : i32
    %sub3A_1 = arith.subi %sub3A, %add3A : i32
    %add3A_2 = arith.constant 32 : i32
    %add3A_3 = arith.addi %sub3A_1, %add3A_2 : i32
    %sub3A_4 = arith.constant 1 : i32
    %sub3A_5 = arith.subi %add3A_3, %sub3A_4 : i32
    %jit3A = arith.constant 32 : i32
    %div3A = arith.divsi %sub3A_5, %jit3A : i32
    %sign3A = arith.constant 0 : i32
    %sign3A_6 = arith.cmpi sgt, %sub3A_5, %sign3A : i32
    %sign3A_7 = arith.extui %sign3A_6 : i1 to i32
    %sign3A_8 = arith.constant 0 : i32
    %sign3A_9 = arith.cmpi slt, %sub3A_5, %sign3A_8 : i32
    %sign3A_10 = arith.extui %sign3A_9 : i1 to i32
    %sign3A_11 = arith.subi %sign3A_7, %sign3A_10 : i32
    %sign3A_12 = arith.constant 0 : i32
    %sign3A_13 = arith.cmpi sgt, %jit3A, %sign3A_12 : i32
    %sign3A_14 = arith.extui %sign3A_13 : i1 to i32
    %sign3A_15 = arith.constant 0 : i32
    %sign3A_16 = arith.cmpi slt, %jit3A, %sign3A_15 : i32
    %sign3A_17 = arith.extui %sign3A_16 : i1 to i32
    %sign3A_18 = arith.subi %sign3A_14, %sign3A_17 : i32
    %ne3A = arith.cmpi ne, %sign3A_11, %sign3A_18 : i32
    %rem3A = arith.remsi %sub3A_5, %jit3A : i32
    %ne3A_19 = arith.constant 0 : i32
    %ne3A_20 = arith.cmpi ne, %rem3A, %ne3A_19 : i32
    %and3A = arith.andi %ne3A, %ne3A_20 : i1
    %sub3A_21 = arith.constant 1 : i32
    %sub3A_22 = arith.subi %div3A, %sub3A_21 : i32
    %select_n3A = arith.select %and3A, %sub3A_22, %div3A : i32
    %gt3A = arith.constant 0 : i32
    %gt3A_23 = arith.cmpi sgt, %select_n3A, %gt3A : i32
    %convert_element_type3A = arith.extui %gt3A_23 : i1 to i32
    %cond3A = arith.constant 0 : i32
    %cond3A_24 = arith.cmpi ne, %convert_element_type3A, %cond3A : i32
    scf.if %cond3A_24 {
      %add3A_44 = arith.constant 0 : i32
      %add3A_45 = arith.addi %add3A, %add3A_44 : i32
      %mul3A_46 = arith.constant 128 : i32
      %mul3A_47 = arith.muli %add3A_45, %mul3A_46 : i32
      %dma_start3A = arith.constant 0 : i32
      %dma_start3A_48 = arith.constant 0 : i32
      %dma_start3A_49 = arith.constant 0 : i32
      %dma_start3A_50 = tpu.memref_slice %arg5[%dma_start3A, %dma_start3A_48, %dma_start3A_49] : memref<2x1x128xi32, #tpu.memory_space<vmem>> -> memref<1x1x128xi32, #tpu.memory_space<vmem>>
      %dma_start3A_51 = tpu.memref_squeeze %dma_start3A_50 : memref<1x1x128xi32, #tpu.memory_space<vmem>> -> memref<128xi32, #tpu.memory_space<vmem>>
      %dma_start3A_52 = tpu.memref_slice %arg3[%mul3A_47] : memref<96000xi32, #tpu.memory_space<hbm>> -> memref<128xi32, #tpu.memory_space<hbm>>
      %dma_start3A_53 = arith.constant 0 : i32
      %dma_start3A_54 = tpu.memref_slice %arg5[%dma_start3A, %dma_start3A_48, %dma_start3A_53] : memref<2x1x128xi32, #tpu.memory_space<vmem>> -> memref<1x1x128xi32, #tpu.memory_space<vmem>>
      %dma_start3A_55 = tpu.memref_squeeze %dma_start3A_54 : memref<1x1x128xi32, #tpu.memory_space<vmem>> -> memref<128xi32, #tpu.memory_space<vmem>>
      %dma_start3A_56 = tpu.memref_slice %arg3[%mul3A_47] : memref<96000xi32, #tpu.memory_space<hbm>> -> memref<128xi32, #tpu.memory_space<hbm>>
      tpu.enqueue_dma source(%dma_start3A_56 : memref<128xi32, #tpu.memory_space<hbm>>) target(%dma_start3A_55 : memref<128xi32, #tpu.memory_space<vmem>>) target_semaphore(%arg7 : memref<!tpu.dma_semaphore, #tpu.memory_space<semaphore_mem>>)
    } else {
    }
    %scan3A = arith.constant 0 : i32
    %scan3A_25 = arith.constant 0 : i32
    %scan3A_26 = arith.constant 24 : i32
    %scan3A_27 = arith.addi %scan3A_25, %scan3A_26 : i32
    %scan3A_28 = arith.constant 1 : i32
    scf.for %scan3A_44 = %scan3A_25 to %scan3A_27 step %scan3A_28  : i32 {
      %jit3A_45 = arith.constant 2 : i32
      %eq3A = arith.constant 0 : i32
      %eq3A_46 = arith.cmpi eq, %jit3A_45, %eq3A : i32
      %jit3A_47 = arith.constant 1 : i32
      %select_n3A_48 = arith.select %eq3A_46, %jit3A_47, %jit3A_45 : i32
      %rem3A_49 = arith.remsi %scan3A_44, %select_n3A_48 : i32
      %ne3A_50 = arith.constant 0 : i32
      %ne3A_51 = arith.cmpi ne, %rem3A_49, %ne3A_50 : i32
      %lt3A = arith.constant 0 : i32
      %lt3A_52 = arith.cmpi slt, %rem3A_49, %lt3A : i32
      %lt3A_53 = arith.constant 0 : i32
      %lt3A_54 = arith.cmpi slt, %select_n3A_48, %lt3A_53 : i32
      %ne3A_55 = arith.xori %lt3A_52, %lt3A_54 : i1
      %and3A_56 = arith.andi %ne3A_55, %ne3A_51 : i1
      %add3A_57 = arith.addi %rem3A_49, %select_n3A_48 : i32
      %select_n3A_58 = arith.select %and3A_56, %add3A_57, %rem3A_49 : i32
      %lt3A_59 = arith.cmpi slt, %scan3A_44, %select_n3A : i32
      %convert_element_type3A_60 = arith.extui %lt3A_59 : i1 to i32
      %cond3A_61 = arith.constant 0 : i32
      %cond3A_62 = arith.cmpi ne, %convert_element_type3A_60, %cond3A_61 : i32
      scf.if %cond3A_62 {
        %jit3A_81 = arith.constant 2 : i32
        %eq3A_82 = arith.constant 0 : i32
        %eq3A_83 = arith.cmpi eq, %jit3A_81, %eq3A_82 : i32
        %jit3A_84 = arith.constant 1 : i32
        %select_n3A_85 = arith.select %eq3A_83, %jit3A_84, %jit3A_81 : i32
        %rem3A_86 = arith.remsi %scan3A_44, %select_n3A_85 : i32
        %ne3A_87 = arith.constant 0 : i32
        %ne3A_88 = arith.cmpi ne, %rem3A_86, %ne3A_87 : i32
        %lt3A_89 = arith.constant 0 : i32
        %lt3A_90 = arith.cmpi slt, %rem3A_86, %lt3A_89 : i32
        %lt3A_91 = arith.constant 0 : i32
        %lt3A_92 = arith.cmpi slt, %select_n3A_85, %lt3A_91 : i32
        %ne3A_93 = arith.xori %lt3A_90, %lt3A_92 : i1
        %and3A_94 = arith.andi %ne3A_93, %ne3A_88 : i1
        %add3A_95 = arith.addi %rem3A_86, %select_n3A_85 : i32
        %select_n3A_96 = arith.select %and3A_94, %add3A_95, %rem3A_86 : i32
        %dma_wait3A = arith.constant 0 : i32
        %dma_wait3A_97 = arith.constant 0 : i32
        %dma_wait3A_98 = tpu.memref_slice %arg5[%select_n3A_96, %dma_wait3A, %dma_wait3A_97] : memref<2x1x128xi32, #tpu.memory_space<vmem>> -> memref<1x1x128xi32, #tpu.memory_space<vmem>>
        %dma_wait3A_99 = tpu.memref_squeeze %dma_wait3A_98 : memref<1x1x128xi32, #tpu.memory_space<vmem>> -> memref<128xi32, #tpu.memory_space<vmem>>
        %dma_wait3A_100 = arith.constant 0 : i32
        %dma_wait3A_101 = tpu.memref_slice %arg3[%dma_wait3A_100] : memref<96000xi32, #tpu.memory_space<hbm>> -> memref<128xi32, #tpu.memory_space<hbm>>
        %dma_wait3A_102 = arith.constant 0 : i32
        %dma_wait3A_103 = tpu.memref_slice %arg5[%select_n3A_96, %dma_wait3A, %dma_wait3A_102] : memref<2x1x128xi32, #tpu.memory_space<vmem>> -> memref<1x1x128xi32, #tpu.memory_space<vmem>>
        %dma_wait3A_104 = tpu.memref_squeeze %dma_wait3A_103 : memref<1x1x128xi32, #tpu.memory_space<vmem>> -> memref<128xi32, #tpu.memory_space<vmem>>
        %dma_wait3A_105 = arith.constant 0 : i32
        %dma_wait3A_106 = tpu.memref_slice %arg3[%dma_wait3A_105] : memref<96000xi32, #tpu.memory_space<hbm>> -> memref<128xi32, #tpu.memory_space<hbm>>
        tpu.wait_dma2 semaphore(%arg7 : memref<!tpu.dma_semaphore, #tpu.memory_space<semaphore_mem>>) src(%dma_wait3A_106 : memref<128xi32, #tpu.memory_space<hbm>>) dst(%dma_wait3A_104 : memref<128xi32, #tpu.memory_space<vmem>>)
      } else {
      }
      %add3A_63 = arith.constant 1 : i32
      %add3A_64 = arith.addi %scan3A_44, %add3A_63 : i32
      %lt3A_65 = arith.cmpi slt, %add3A_64, %select_n3A : i32
      %convert_element_type3A_66 = arith.extui %lt3A_65 : i1 to i32
      %cond3A_67 = arith.constant 0 : i32
      %cond3A_68 = arith.cmpi ne, %convert_element_type3A_66, %cond3A_67 : i32
      scf.if %cond3A_68 {
        %mul3A_81 = arith.constant 32 : i32
        %mul3A_82 = arith.muli %add3A_64, %mul3A_81 : i32
        %add3A_83 = arith.addi %add3A, %mul3A_82 : i32
        %mul3A_84 = arith.constant 128 : i32
        %mul3A_85 = arith.muli %add3A_83, %mul3A_84 : i32
        %jit3A_86 = arith.constant 2 : i32
        %eq3A_87 = arith.constant 0 : i32
        %eq3A_88 = arith.cmpi eq, %jit3A_86, %eq3A_87 : i32
        %jit3A_89 = arith.constant 1 : i32
        %select_n3A_90 = arith.select %eq3A_88, %jit3A_89, %jit3A_86 : i32
        %rem3A_91 = arith.remsi %add3A_64, %select_n3A_90 : i32
        %ne3A_92 = arith.constant 0 : i32
        %ne3A_93 = arith.cmpi ne, %rem3A_91, %ne3A_92 : i32
        %lt3A_94 = arith.constant 0 : i32
        %lt3A_95 = arith.cmpi slt, %rem3A_91, %lt3A_94 : i32
        %lt3A_96 = arith.constant 0 : i32
        %lt3A_97 = arith.cmpi slt, %select_n3A_90, %lt3A_96 : i32
        %ne3A_98 = arith.xori %lt3A_95, %lt3A_97 : i1
        %and3A_99 = arith.andi %ne3A_98, %ne3A_93 : i1
        %add3A_100 = arith.addi %rem3A_91, %select_n3A_90 : i32
        %select_n3A_101 = arith.select %and3A_99, %add3A_100, %rem3A_91 : i32
        %dma_start3A = arith.constant 0 : i32
        %dma_start3A_102 = arith.constant 0 : i32
        %dma_start3A_103 = tpu.memref_slice %arg5[%select_n3A_101, %dma_start3A, %dma_start3A_102] : memref<2x1x128xi32, #tpu.memory_space<vmem>> -> memref<1x1x128xi32, #tpu.memory_space<vmem>>
        %dma_start3A_104 = tpu.memref_squeeze %dma_start3A_103 : memref<1x1x128xi32, #tpu.memory_space<vmem>> -> memref<128xi32, #tpu.memory_space<vmem>>
        %dma_start3A_105 = tpu.memref_slice %arg3[%mul3A_85] : memref<96000xi32, #tpu.memory_space<hbm>> -> memref<128xi32, #tpu.memory_space<hbm>>
        %dma_start3A_106 = arith.constant 0 : i32
        %dma_start3A_107 = tpu.memref_slice %arg5[%select_n3A_101, %dma_start3A, %dma_start3A_106] : memref<2x1x128xi32, #tpu.memory_space<vmem>> -> memref<1x1x128xi32, #tpu.memory_space<vmem>>
        %dma_start3A_108 = tpu.memref_squeeze %dma_start3A_107 : memref<1x1x128xi32, #tpu.memory_space<vmem>> -> memref<128xi32, #tpu.memory_space<vmem>>
        %dma_start3A_109 = tpu.memref_slice %arg3[%mul3A_85] : memref<96000xi32, #tpu.memory_space<hbm>> -> memref<128xi32, #tpu.memory_space<hbm>>
        tpu.enqueue_dma source(%dma_start3A_109 : memref<128xi32, #tpu.memory_space<hbm>>) target(%dma_start3A_108 : memref<128xi32, #tpu.memory_space<vmem>>) target_semaphore(%arg7 : memref<!tpu.dma_semaphore, #tpu.memory_space<semaphore_mem>>)
      } else {
      }
      %sub3A_69 = arith.constant 2 : i32
      %sub3A_70 = arith.subi %scan3A_44, %sub3A_69 : i32
      %ge3A = arith.constant 0 : i32
      %ge3A_71 = arith.cmpi sge, %sub3A_70, %ge3A : i32
      %lt3A_72 = arith.cmpi slt, %sub3A_70, %select_n3A : i32
      %and3A_73 = arith.andi %ge3A_71, %lt3A_72 : i1
      %convert_element_type3A_74 = arith.extui %and3A_73 : i1 to i32
      %cond3A_75 = arith.constant 0 : i32
      %cond3A_76 = arith.cmpi ne, %convert_element_type3A_74, %cond3A_75 : i32
      scf.if %cond3A_76 {
        %jit3A_81 = arith.constant 2 : i32
        %eq3A_82 = arith.constant 0 : i32
        %eq3A_83 = arith.cmpi eq, %jit3A_81, %eq3A_82 : i32
        %jit3A_84 = arith.constant 1 : i32
        %select_n3A_85 = arith.select %eq3A_83, %jit3A_84, %jit3A_81 : i32
        %rem3A_86 = arith.remsi %sub3A_70, %select_n3A_85 : i32
        %ne3A_87 = arith.constant 0 : i32
        %ne3A_88 = arith.cmpi ne, %rem3A_86, %ne3A_87 : i32
        %lt3A_89 = arith.constant 0 : i32
        %lt3A_90 = arith.cmpi slt, %rem3A_86, %lt3A_89 : i32
        %lt3A_91 = arith.constant 0 : i32
        %lt3A_92 = arith.cmpi slt, %select_n3A_85, %lt3A_91 : i32
        %ne3A_93 = arith.xori %lt3A_90, %lt3A_92 : i1
        %and3A_94 = arith.andi %ne3A_93, %ne3A_88 : i1
        %add3A_95 = arith.addi %rem3A_86, %select_n3A_85 : i32
        %select_n3A_96 = arith.select %and3A_94, %add3A_95, %rem3A_86 : i32
        %dma_wait3A = arith.constant 0 : i32
        %dma_wait3A_97 = arith.constant 0 : i32
        %dma_wait3A_98 = tpu.memref_slice %arg6[%select_n3A_96, %dma_wait3A, %dma_wait3A_97] : memref<2x128x128xf32, #tpu.memory_space<vmem>> -> memref<1x128x128xf32, #tpu.memory_space<vmem>>
        %dma_wait3A_99 = tpu.memref_squeeze %dma_wait3A_98 : memref<1x128x128xf32, #tpu.memory_space<vmem>> -> memref<128x128xf32, #tpu.memory_space<vmem>>
        %dma_wait3A_100 = arith.constant 0 : i32
        %dma_wait3A_101 = arith.constant 0 : i32
        %dma_wait3A_102 = tpu.memref_slice %arg4[%dma_wait3A_100, %dma_wait3A_101] : memref<96000x128xf32, #tpu.memory_space<hbm>> -> memref<128x128xf32, #tpu.memory_space<hbm>>
        %dma_wait3A_103 = arith.constant 0 : i32
        %dma_wait3A_104 = arith.constant 0 : i32
        %dma_wait3A_105 = tpu.memref_slice %arg4[%dma_wait3A_103, %dma_wait3A_104] : memref<96000x128xf32, #tpu.memory_space<hbm>> -> memref<128x128xf32, #tpu.memory_space<hbm>>
        %dma_wait3A_106 = arith.constant 0 : i32
        %dma_wait3A_107 = arith.constant 0 : i32
        %dma_wait3A_108 = tpu.memref_slice %arg6[%select_n3A_96, %dma_wait3A_106, %dma_wait3A_107] : memref<2x128x128xf32, #tpu.memory_space<vmem>> -> memref<1x128x128xf32, #tpu.memory_space<vmem>>
        %dma_wait3A_109 = tpu.memref_squeeze %dma_wait3A_108 : memref<1x128x128xf32, #tpu.memory_space<vmem>> -> memref<128x128xf32, #tpu.memory_space<vmem>>
        tpu.wait_dma2 semaphore(%arg8 : memref<!tpu.dma_semaphore, #tpu.memory_space<semaphore_mem>>) src(%dma_wait3A_109 : memref<128x128xf32, #tpu.memory_space<vmem>>) dst(%dma_wait3A_105 : memref<128x128xf32, #tpu.memory_space<hbm>>)
      } else {
      }
      %lt3A_77 = arith.cmpi slt, %scan3A_44, %select_n3A : i32
      %convert_element_type3A_78 = arith.extui %lt3A_77 : i1 to i32
      %cond3A_79 = arith.constant 0 : i32
      %cond3A_80 = arith.cmpi ne, %convert_element_type3A_78, %cond3A_79 : i32
      scf.if %cond3A_80 {
        %run_scoped3A = arith.constant 0 : i32
        "tpu.region"() ({
          %run_scoped3A_97 = tpu.sem_alloc : memref<!tpu.dma_semaphore, #tpu.memory_space<semaphore_mem>>
          %dma_start3A_98 = arith.constant 0 : i32
          %dma_start3A_99 = arith.constant 0 : i32
          %dma_start3A_100 = tpu.memref_slice %arg6[%select_n3A_58, %dma_start3A_98, %dma_start3A_99] : memref<2x128x128xf32, #tpu.memory_space<vmem>> -> memref<1x128x128xf32, #tpu.memory_space<vmem>>
          %dma_start3A_101 = tpu.memref_squeeze %dma_start3A_100 : memref<1x128x128xf32, #tpu.memory_space<vmem>> -> memref<128x128xf32, #tpu.memory_space<vmem>>
          %dma_start3A_102 = arith.constant 0 : i32
          %dma_start3A_103 = tpu.memref_slice %arg5[%select_n3A_58, %run_scoped3A, %dma_start3A_102] : memref<2x1x128xi32, #tpu.memory_space<vmem>> -> memref<1x1x128xi32, #tpu.memory_space<vmem>>
          %dma_start3A_104 = tpu.memref_squeeze %dma_start3A_103 : memref<1x1x128xi32, #tpu.memory_space<vmem>> -> memref<128xi32, #tpu.memory_space<vmem>>
          %dma_start3A_105 = arith.constant 0 : i32
          %dma_start3A_106 = arith.constant 0 : i32
          %dma_start3A_107 = tpu.memref_slice %arg2[%dma_start3A_105, %dma_start3A_106] : memref<10000x128xf32, #tpu.memory_space<hbm>> -> memref<10000x128xf32, #tpu.memory_space<hbm>>
          tpu.enqueue_indirect_dma source(%dma_start3A_107 : memref<10000x128xf32, #tpu.memory_space<hbm>>) target(%dma_start3A_101 : memref<128x128xf32, #tpu.memory_space<vmem>>) offsets(%dma_start3A_104 : memref<128xi32, #tpu.memory_space<vmem>>) semaphore(%run_scoped3A_97 : memref<!tpu.dma_semaphore, #tpu.memory_space<semaphore_mem>>)
          %dma_wait3A = arith.constant 0 : i32
          %dma_wait3A_108 = arith.constant 0 : i32
          %dma_wait3A_109 = tpu.memref_slice %arg6[%select_n3A_58, %dma_wait3A, %dma_wait3A_108] : memref<2x128x128xf32, #tpu.memory_space<vmem>> -> memref<1x128x128xf32, #tpu.memory_space<vmem>>
          %dma_wait3A_110 = tpu.memref_squeeze %dma_wait3A_109 : memref<1x128x128xf32, #tpu.memory_space<vmem>> -> memref<128x128xf32, #tpu.memory_space<vmem>>
          %dma_wait3A_111 = arith.constant 0 : i32
          %dma_wait3A_112 = tpu.memref_slice %arg5[%select_n3A_58, %run_scoped3A, %dma_wait3A_111] : memref<2x1x128xi32, #tpu.memory_space<vmem>> -> memref<1x1x128xi32, #tpu.memory_space<vmem>>
          %dma_wait3A_113 = tpu.memref_squeeze %dma_wait3A_112 : memref<1x1x128xi32, #tpu.memory_space<vmem>> -> memref<128xi32, #tpu.memory_space<vmem>>
          %dma_wait3A_114 = arith.constant 0 : i32
          %dma_wait3A_115 = arith.constant 0 : i32
          %dma_wait3A_116 = tpu.memref_slice %arg2[%dma_wait3A_114, %dma_wait3A_115] : memref<10000x128xf32, #tpu.memory_space<hbm>> -> memref<10000x128xf32, #tpu.memory_space<hbm>>
          tpu.wait_indirect_dma semaphore(%run_scoped3A_97 : memref<!tpu.dma_semaphore, #tpu.memory_space<semaphore_mem>>) src(%dma_wait3A_116 : memref<10000x128xf32, #tpu.memory_space<hbm>>) dst(%dma_wait3A_110 : memref<128x128xf32, #tpu.memory_space<vmem>>)
          tpu.yield
        }) : () -> ()
        %mul3A_81 = arith.constant 32 : i32
        %mul3A_82 = arith.muli %scan3A_44, %mul3A_81 : i32
        %add3A_83 = arith.addi %add3A, %mul3A_82 : i32
        %mul3A_84 = arith.constant 128 : i32
        %mul3A_85 = arith.muli %add3A_83, %mul3A_84 : i32
        %dma_start3A = arith.constant 0 : i32
        %dma_start3A_86 = arith.constant 0 : i32
        %dma_start3A_87 = tpu.memref_slice %arg6[%select_n3A_58, %dma_start3A, %dma_start3A_86] : memref<2x128x128xf32, #tpu.memory_space<vmem>> -> memref<1x128x128xf32, #tpu.memory_space<vmem>>
        %dma_start3A_88 = tpu.memref_squeeze %dma_start3A_87 : memref<1x128x128xf32, #tpu.memory_space<vmem>> -> memref<128x128xf32, #tpu.memory_space<vmem>>
        %dma_start3A_89 = arith.constant 0 : i32
        %dma_start3A_90 = tpu.memref_slice %arg4[%mul3A_85, %dma_start3A_89] : memref<96000x128xf32, #tpu.memory_space<hbm>> -> memref<128x128xf32, #tpu.memory_space<hbm>>
        %dma_start3A_91 = arith.constant 0 : i32
        %dma_start3A_92 = tpu.memref_slice %arg4[%mul3A_85, %dma_start3A_91] : memref<96000x128xf32, #tpu.memory_space<hbm>> -> memref<128x128xf32, #tpu.memory_space<hbm>>
        %dma_start3A_93 = arith.constant 0 : i32
        %dma_start3A_94 = arith.constant 0 : i32
        %dma_start3A_95 = tpu.memref_slice %arg6[%select_n3A_58, %dma_start3A_93, %dma_start3A_94] : memref<2x128x128xf32, #tpu.memory_space<vmem>> -> memref<1x128x128xf32, #tpu.memory_space<vmem>>
        %dma_start3A_96 = tpu.memref_squeeze %dma_start3A_95 : memref<1x128x128xf32, #tpu.memory_space<vmem>> -> memref<128x128xf32, #tpu.memory_space<vmem>>
        tpu.enqueue_dma source(%dma_start3A_96 : memref<128x128xf32, #tpu.memory_space<vmem>>) target(%dma_start3A_92 : memref<128x128xf32, #tpu.memory_space<hbm>>) target_semaphore(%arg8 : memref<!tpu.dma_semaphore, #tpu.memory_space<semaphore_mem>>)
      } else {
      }
    }
    %scan3A_29 = arith.constant 24 : i32
    %gt3A_30 = arith.constant 22 : i32
    %gt3A_31 = arith.cmpi sgt, %select_n3A, %gt3A_30 : i32
    %and3A_32 = arith.constant true
    %and3A_33 = arith.andi %and3A_32, %gt3A_31 : i1
    %convert_element_type3A_34 = arith.extui %and3A_33 : i1 to i32
    %cond3A_35 = arith.constant 0 : i32
    %cond3A_36 = arith.cmpi ne, %convert_element_type3A_34, %cond3A_35 : i32
    scf.if %cond3A_36 {
      %dma_wait3A = arith.constant 0 : i32
      %dma_wait3A_44 = arith.constant 0 : i32
      %dma_wait3A_45 = arith.constant 0 : i32
      %dma_wait3A_46 = tpu.memref_slice %arg6[%dma_wait3A, %dma_wait3A_44, %dma_wait3A_45] : memref<2x128x128xf32, #tpu.memory_space<vmem>> -> memref<1x128x128xf32, #tpu.memory_space<vmem>>
      %dma_wait3A_47 = tpu.memref_squeeze %dma_wait3A_46 : memref<1x128x128xf32, #tpu.memory_space<vmem>> -> memref<128x128xf32, #tpu.memory_space<vmem>>
      %dma_wait3A_48 = arith.constant 0 : i32
      %dma_wait3A_49 = arith.constant 0 : i32
      %dma_wait3A_50 = tpu.memref_slice %arg4[%dma_wait3A_48, %dma_wait3A_49] : memref<96000x128xf32, #tpu.memory_space<hbm>> -> memref<128x128xf32, #tpu.memory_space<hbm>>
      %dma_wait3A_51 = arith.constant 0 : i32
      %dma_wait3A_52 = arith.constant 0 : i32
      %dma_wait3A_53 = tpu.memref_slice %arg4[%dma_wait3A_51, %dma_wait3A_52] : memref<96000x128xf32, #tpu.memory_space<hbm>> -> memref<128x128xf32, #tpu.memory_space<hbm>>
      %dma_wait3A_54 = arith.constant 0 : i32
      %dma_wait3A_55 = arith.constant 0 : i32
      %dma_wait3A_56 = tpu.memref_slice %arg6[%dma_wait3A, %dma_wait3A_54, %dma_wait3A_55] : memref<2x128x128xf32, #tpu.memory_space<vmem>> -> memref<1x128x128xf32, #tpu.memory_space<vmem>>
      %dma_wait3A_57 = tpu.memref_squeeze %dma_wait3A_56 : memref<1x128x128xf32, #tpu.memory_space<vmem>> -> memref<128x128xf32, #tpu.memory_space<vmem>>
      tpu.wait_dma2 semaphore(%arg8 : memref<!tpu.dma_semaphore, #tpu.memory_space<semaphore_mem>>) src(%dma_wait3A_57 : memref<128x128xf32, #tpu.memory_space<vmem>>) dst(%dma_wait3A_53 : memref<128x128xf32, #tpu.memory_space<hbm>>)
    } else {
    }
    %gt3A_37 = arith.constant 23 : i32
    %gt3A_38 = arith.cmpi sgt, %select_n3A, %gt3A_37 : i32
    %and3A_39 = arith.constant true
    %and3A_40 = arith.andi %and3A_39, %gt3A_38 : i1
    %convert_element_type3A_41 = arith.extui %and3A_40 : i1 to i32
    %cond3A_42 = arith.constant 0 : i32
    %cond3A_43 = arith.cmpi ne, %convert_element_type3A_41, %cond3A_42 : i32
    scf.if %cond3A_43 {
      %dma_wait3A = arith.constant 1 : i32
      %dma_wait3A_44 = arith.constant 0 : i32
      %dma_wait3A_45 = arith.constant 0 : i32
      %dma_wait3A_46 = tpu.memref_slice %arg6[%dma_wait3A, %dma_wait3A_44, %dma_wait3A_45] : memref<2x128x128xf32, #tpu.memory_space<vmem>> -> memref<1x128x128xf32, #tpu.memory_space<vmem>>
      %dma_wait3A_47 = tpu.memref_squeeze %dma_wait3A_46 : memref<1x128x128xf32, #tpu.memory_space<vmem>> -> memref<128x128xf32, #tpu.memory_space<vmem>>
      %dma_wait3A_48 = arith.constant 0 : i32
      %dma_wait3A_49 = arith.constant 0 : i32
      %dma_wait3A_50 = tpu.memref_slice %arg4[%dma_wait3A_48, %dma_wait3A_49] : memref<96000x128xf32, #tpu.memory_space<hbm>> -> memref<128x128xf32, #tpu.memory_space<hbm>>
      %dma_wait3A_51 = arith.constant 0 : i32
      %dma_wait3A_52 = arith.constant 0 : i32
      %dma_wait3A_53 = tpu.memref_slice %arg4[%dma_wait3A_51, %dma_wait3A_52] : memref<96000x128xf32, #tpu.memory_space<hbm>> -> memref<128x128xf32, #tpu.memory_space<hbm>>
      %dma_wait3A_54 = arith.constant 0 : i32
      %dma_wait3A_55 = arith.constant 0 : i32
      %dma_wait3A_56 = tpu.memref_slice %arg6[%dma_wait3A, %dma_wait3A_54, %dma_wait3A_55] : memref<2x128x128xf32, #tpu.memory_space<vmem>> -> memref<1x128x128xf32, #tpu.memory_space<vmem>>
      %dma_wait3A_57 = tpu.memref_squeeze %dma_wait3A_56 : memref<1x128x128xf32, #tpu.memory_space<vmem>> -> memref<128x128xf32, #tpu.memory_space<vmem>>
      tpu.wait_dma2 semaphore(%arg8 : memref<!tpu.dma_semaphore, #tpu.memory_space<semaphore_mem>>) src(%dma_wait3A_57 : memref<128x128xf32, #tpu.memory_space<vmem>>) dst(%dma_wait3A_53 : memref<128x128xf32, #tpu.memory_space<hbm>>)
    } else {
    }
    return
  }
}

#map = affine_map<(d0, d1) -> (0, 0, 0)>
#map1 = affine_map<(d0, d1) -> (0)>
#map2 = affine_map<(d0, d1) -> (0, 0)>
#map3 = affine_map<(d0, d1) -> (0, 0, 0, 0)>
module attributes {stable_mosaic.version = 14 : i64} {
  func.func @k(%arg0: i32, %arg1: i32, %arg2: memref<3x64000x128xf32, #tpu.memory_space<hbm>>, %arg3: memref<64000xi32, #tpu.memory_space<hbm>>, %arg4: memref<640x128xf32, #tpu.memory_space<hbm>>, %arg5: memref<2x3x10240x128xf32, #tpu.memory_space<hbm>>, %arg6: memref<10240x128xf32, #tpu.memory_space<vmem_shared>>, %arg7: memref<2x1x128xi32, #tpu.memory_space<vmem>>, %arg8: memref<2x128x128xf32, #tpu.memory_space<vmem>>, %arg9: memref<!tpu.dma_semaphore, #tpu.memory_space<semaphore_mem>>, %arg10: memref<!tpu.dma_semaphore, #tpu.memory_space<semaphore_mem>>) attributes {dimension_semantics = [#tpu.dimension_semantics<core_parallel>, #tpu.dimension_semantics<subcore_parallel>], iteration_bounds = array<i64: 2, 16>, scalar_prefetch = 0 : i64, scratch_operands = 5 : i64, tpu.core_type = #tpu.core_type<sc_vector_subcore>, window_params = [{transform_indices = #map}, {transform_indices = #map1}, {transform_indices = #map2}, {transform_indices = #map3}]} {
    %mul3A = arith.constant 32000 : i32
    %mul3A_0 = arith.muli %arg0, %mul3A : i32
    %sub3A = arith.constant 250 : i32
    %sub3A_1 = arith.subi %sub3A, %arg1 : i32
    %add3A = arith.constant 16 : i32
    %add3A_2 = arith.addi %sub3A_1, %add3A : i32
    %sub3A_3 = arith.constant 1 : i32
    %sub3A_4 = arith.subi %add3A_2, %sub3A_3 : i32
    %jit3A = arith.constant 16 : i32
    %div3A = arith.divsi %sub3A_4, %jit3A : i32
    %sign3A = arith.constant 0 : i32
    %sign3A_5 = arith.cmpi sgt, %sub3A_4, %sign3A : i32
    %sign3A_6 = arith.extui %sign3A_5 : i1 to i32
    %sign3A_7 = arith.constant 0 : i32
    %sign3A_8 = arith.cmpi slt, %sub3A_4, %sign3A_7 : i32
    %sign3A_9 = arith.extui %sign3A_8 : i1 to i32
    %sign3A_10 = arith.subi %sign3A_6, %sign3A_9 : i32
    %sign3A_11 = arith.constant 0 : i32
    %sign3A_12 = arith.cmpi sgt, %jit3A, %sign3A_11 : i32
    %sign3A_13 = arith.extui %sign3A_12 : i1 to i32
    %sign3A_14 = arith.constant 0 : i32
    %sign3A_15 = arith.cmpi slt, %jit3A, %sign3A_14 : i32
    %sign3A_16 = arith.extui %sign3A_15 : i1 to i32
    %sign3A_17 = arith.subi %sign3A_13, %sign3A_16 : i32
    %ne3A = arith.cmpi ne, %sign3A_10, %sign3A_17 : i32
    %rem3A = arith.remsi %sub3A_4, %jit3A : i32
    %ne3A_18 = arith.constant 0 : i32
    %ne3A_19 = arith.cmpi ne, %rem3A, %ne3A_18 : i32
    %and3A = arith.andi %ne3A, %ne3A_19 : i1
    %sub3A_20 = arith.constant 1 : i32
    %sub3A_21 = arith.subi %div3A, %sub3A_20 : i32
    %select_n3A = arith.select %and3A, %sub3A_21, %div3A : i32
    %mul3A_22 = arith.constant 640 : i32
    %mul3A_23 = arith.muli %arg1, %mul3A_22 : i32
    "tpu.region"() ({
      %run_scoped3A_100 = tpu.sem_alloc : memref<!tpu.dma_semaphore, #tpu.memory_space<semaphore_mem>>
      %dma_start3A = arith.constant 0 : i32
      %dma_start3A_101 = tpu.memref_slice %arg6[%mul3A_23, %dma_start3A] : memref<10240x128xf32, #tpu.memory_space<vmem_shared>> -> memref<640x128xf32, #tpu.memory_space<vmem_shared>>
      tpu.enqueue_dma source(%arg4 : memref<640x128xf32, #tpu.memory_space<hbm>>) target(%dma_start3A_101 : memref<640x128xf32, #tpu.memory_space<vmem_shared>>) target_semaphore(%run_scoped3A_100 : memref<!tpu.dma_semaphore, #tpu.memory_space<semaphore_mem>>)
      %dma_wait3A = arith.constant 0 : i32
      %dma_wait3A_102 = tpu.memref_slice %arg6[%mul3A_23, %dma_wait3A] : memref<10240x128xf32, #tpu.memory_space<vmem_shared>> -> memref<640x128xf32, #tpu.memory_space<vmem_shared>>
      tpu.wait_dma2 semaphore(%run_scoped3A_100 : memref<!tpu.dma_semaphore, #tpu.memory_space<semaphore_mem>>) src(%arg4 : memref<640x128xf32, #tpu.memory_space<hbm>>) dst(%dma_wait3A_102 : memref<640x128xf32, #tpu.memory_space<vmem_shared>>)
      tpu.yield
    }) : () -> ()
    %barrier3A = arith.constant 0 : index
    tpu.barrier barrier_id(%barrier3A)
    %gt3A = arith.constant 0 : i32
    %gt3A_24 = arith.cmpi sgt, %select_n3A, %gt3A : i32
    %convert_element_type3A = arith.extui %gt3A_24 : i1 to i32
    %cond3A = arith.constant 0 : i32
    %cond3A_25 = arith.cmpi ne, %convert_element_type3A, %cond3A : i32
    scf.if %cond3A_25 {
      %add3A_100 = arith.constant 0 : i32
      %add3A_101 = arith.addi %arg1, %add3A_100 : i32
      %mul3A_102 = arith.constant 128 : i32
      %mul3A_103 = arith.muli %add3A_101, %mul3A_102 : i32
      %add3A_104 = arith.addi %mul3A_0, %mul3A_103 : i32
      %dma_start3A = arith.constant 0 : i32
      %dma_start3A_105 = arith.constant 0 : i32
      %dma_start3A_106 = arith.constant 0 : i32
      %dma_start3A_107 = tpu.memref_slice %arg7[%dma_start3A, %dma_start3A_105, %dma_start3A_106] : memref<2x1x128xi32, #tpu.memory_space<vmem>> -> memref<1x1x128xi32, #tpu.memory_space<vmem>>
      %dma_start3A_108 = tpu.memref_squeeze %dma_start3A_107 : memref<1x1x128xi32, #tpu.memory_space<vmem>> -> memref<128xi32, #tpu.memory_space<vmem>>
      %dma_start3A_109 = tpu.memref_slice %arg3[%add3A_104] : memref<64000xi32, #tpu.memory_space<hbm>> -> memref<128xi32, #tpu.memory_space<hbm>>
      %dma_start3A_110 = arith.constant 0 : i32
      %dma_start3A_111 = tpu.memref_slice %arg7[%dma_start3A, %dma_start3A_105, %dma_start3A_110] : memref<2x1x128xi32, #tpu.memory_space<vmem>> -> memref<1x1x128xi32, #tpu.memory_space<vmem>>
      %dma_start3A_112 = tpu.memref_squeeze %dma_start3A_111 : memref<1x1x128xi32, #tpu.memory_space<vmem>> -> memref<128xi32, #tpu.memory_space<vmem>>
      %dma_start3A_113 = tpu.memref_slice %arg3[%add3A_104] : memref<64000xi32, #tpu.memory_space<hbm>> -> memref<128xi32, #tpu.memory_space<hbm>>
      tpu.enqueue_dma source(%dma_start3A_113 : memref<128xi32, #tpu.memory_space<hbm>>) target(%dma_start3A_112 : memref<128xi32, #tpu.memory_space<vmem>>) target_semaphore(%arg9 : memref<!tpu.dma_semaphore, #tpu.memory_space<semaphore_mem>>)
      %dma_start3A_114 = arith.constant 0 : i32
      %dma_start3A_115 = arith.constant 0 : i32
      %dma_start3A_116 = arith.constant 0 : i32
      %dma_start3A_117 = arith.constant 0 : i32
      %dma_start3A_118 = tpu.memref_slice %arg8[%dma_start3A_115, %dma_start3A_116, %dma_start3A_117] : memref<2x128x128xf32, #tpu.memory_space<vmem>> -> memref<1x128x128xf32, #tpu.memory_space<vmem>>
      %dma_start3A_119 = tpu.memref_squeeze %dma_start3A_118 : memref<1x128x128xf32, #tpu.memory_space<vmem>> -> memref<128x128xf32, #tpu.memory_space<vmem>>
      %dma_start3A_120 = arith.constant 0 : i32
      %dma_start3A_121 = tpu.memref_slice %arg2[%dma_start3A_114, %add3A_104, %dma_start3A_120] : memref<3x64000x128xf32, #tpu.memory_space<hbm>> -> memref<1x128x128xf32, #tpu.memory_space<hbm>>
      %dma_start3A_122 = tpu.memref_squeeze %dma_start3A_121 : memref<1x128x128xf32, #tpu.memory_space<hbm>> -> memref<128x128xf32, #tpu.memory_space<hbm>>
      %dma_start3A_123 = arith.constant 0 : i32
      %dma_start3A_124 = arith.constant 0 : i32
      %dma_start3A_125 = tpu.memref_slice %arg8[%dma_start3A_115, %dma_start3A_123, %dma_start3A_124] : memref<2x128x128xf32, #tpu.memory_space<vmem>> -> memref<1x128x128xf32, #tpu.memory_space<vmem>>
      %dma_start3A_126 = tpu.memref_squeeze %dma_start3A_125 : memref<1x128x128xf32, #tpu.memory_space<vmem>> -> memref<128x128xf32, #tpu.memory_space<vmem>>
      %dma_start3A_127 = arith.constant 0 : i32
      %dma_start3A_128 = tpu.memref_slice %arg2[%dma_start3A_114, %add3A_104, %dma_start3A_127] : memref<3x64000x128xf32, #tpu.memory_space<hbm>> -> memref<1x128x128xf32, #tpu.memory_space<hbm>>
      %dma_start3A_129 = tpu.memref_squeeze %dma_start3A_128 : memref<1x128x128xf32, #tpu.memory_space<hbm>> -> memref<128x128xf32, #tpu.memory_space<hbm>>
      tpu.enqueue_dma source(%dma_start3A_129 : memref<128x128xf32, #tpu.memory_space<hbm>>) target(%dma_start3A_126 : memref<128x128xf32, #tpu.memory_space<vmem>>) target_semaphore(%arg9 : memref<!tpu.dma_semaphore, #tpu.memory_space<semaphore_mem>>)
    } else {
    }
    %scan3A = arith.constant 0 : i32
    %scan3A_26 = arith.constant 0 : i32
    %scan3A_27 = arith.constant 16 : i32
    %scan3A_28 = arith.addi %scan3A_26, %scan3A_27 : i32
    %scan3A_29 = arith.constant 1 : i32
    scf.for %scan3A_100 = %scan3A_26 to %scan3A_28 step %scan3A_29  : i32 {
      %sub3A_101 = arith.constant 1 : i32
      %sub3A_102 = arith.subi %scan3A_100, %sub3A_101 : i32
      %ge3A = arith.constant 0 : i32
      %ge3A_103 = arith.cmpi sge, %sub3A_102, %ge3A : i32
      %lt3A = arith.cmpi slt, %sub3A_102, %select_n3A : i32
      %and3A_104 = arith.andi %ge3A_103, %lt3A : i1
      %convert_element_type3A_105 = arith.extui %and3A_104 : i1 to i32
      %cond3A_106 = arith.constant 0 : i32
      %cond3A_107 = arith.cmpi ne, %convert_element_type3A_105, %cond3A_106 : i32
      scf.if %cond3A_107 {
        %jit3A_122 = arith.constant 2 : i32
        %eq3A = arith.constant 0 : i32
        %eq3A_123 = arith.cmpi eq, %jit3A_122, %eq3A : i32
        %jit3A_124 = arith.constant 1 : i32
        %select_n3A_125 = arith.select %eq3A_123, %jit3A_124, %jit3A_122 : i32
        %rem3A_126 = arith.remsi %sub3A_102, %select_n3A_125 : i32
        %ne3A_127 = arith.constant 0 : i32
        %ne3A_128 = arith.cmpi ne, %rem3A_126, %ne3A_127 : i32
        %lt3A_129 = arith.constant 0 : i32
        %lt3A_130 = arith.cmpi slt, %rem3A_126, %lt3A_129 : i32
        %lt3A_131 = arith.constant 0 : i32
        %lt3A_132 = arith.cmpi slt, %select_n3A_125, %lt3A_131 : i32
        %ne3A_133 = arith.xori %lt3A_130, %lt3A_132 : i1
        %and3A_134 = arith.andi %ne3A_133, %ne3A_128 : i1
        %add3A_135 = arith.addi %rem3A_126, %select_n3A_125 : i32
        %select_n3A_136 = arith.select %and3A_134, %add3A_135, %rem3A_126 : i32
        %dma_wait3A = arith.constant 0 : i32
        %dma_wait3A_137 = arith.constant 0 : i32
        %dma_wait3A_138 = arith.constant 0 : i32
        %dma_wait3A_139 = tpu.memref_slice %arg8[%select_n3A_136, %dma_wait3A_137, %dma_wait3A_138] : memref<2x128x128xf32, #tpu.memory_space<vmem>> -> memref<1x128x128xf32, #tpu.memory_space<vmem>>
        %dma_wait3A_140 = tpu.memref_squeeze %dma_wait3A_139 : memref<1x128x128xf32, #tpu.memory_space<vmem>> -> memref<128x128xf32, #tpu.memory_space<vmem>>
        %dma_wait3A_141 = arith.constant 0 : i32
        %dma_wait3A_142 = tpu.memref_slice %arg7[%select_n3A_136, %dma_wait3A, %dma_wait3A_141] : memref<2x1x128xi32, #tpu.memory_space<vmem>> -> memref<1x1x128xi32, #tpu.memory_space<vmem>>
        %dma_wait3A_143 = tpu.memref_squeeze %dma_wait3A_142 : memref<1x1x128xi32, #tpu.memory_space<vmem>> -> memref<128xi32, #tpu.memory_space<vmem>>
        %dma_wait3A_144 = arith.constant 0 : i32
        %dma_wait3A_145 = arith.constant 0 : i32
        %dma_wait3A_146 = tpu.memref_slice %arg6[%dma_wait3A_144, %dma_wait3A_145] : memref<10240x128xf32, #tpu.memory_space<vmem_shared>> -> memref<10240x128xf32, #tpu.memory_space<vmem_shared>>
        tpu.wait_indirect_dma semaphore(%arg10 : memref<!tpu.dma_semaphore, #tpu.memory_space<semaphore_mem>>) src(%dma_wait3A_140 : memref<128x128xf32, #tpu.memory_space<vmem>>) dst(%dma_wait3A_146 : memref<10240x128xf32, #tpu.memory_space<vmem_shared>>)
      } else {
      }
      %lt3A_108 = arith.cmpi slt, %scan3A_100, %select_n3A : i32
      %convert_element_type3A_109 = arith.extui %lt3A_108 : i1 to i32
      %cond3A_110 = arith.constant 0 : i32
      %cond3A_111 = arith.cmpi ne, %convert_element_type3A_109, %cond3A_110 : i32
      scf.if %cond3A_111 {
        %jit3A_122 = arith.constant 2 : i32
        %eq3A = arith.constant 0 : i32
        %eq3A_123 = arith.cmpi eq, %jit3A_122, %eq3A : i32
        %jit3A_124 = arith.constant 1 : i32
        %select_n3A_125 = arith.select %eq3A_123, %jit3A_124, %jit3A_122 : i32
        %rem3A_126 = arith.remsi %scan3A_100, %select_n3A_125 : i32
        %ne3A_127 = arith.constant 0 : i32
        %ne3A_128 = arith.cmpi ne, %rem3A_126, %ne3A_127 : i32
        %lt3A_129 = arith.constant 0 : i32
        %lt3A_130 = arith.cmpi slt, %rem3A_126, %lt3A_129 : i32
        %lt3A_131 = arith.constant 0 : i32
        %lt3A_132 = arith.cmpi slt, %select_n3A_125, %lt3A_131 : i32
        %ne3A_133 = arith.xori %lt3A_130, %lt3A_132 : i1
        %and3A_134 = arith.andi %ne3A_133, %ne3A_128 : i1
        %add3A_135 = arith.addi %rem3A_126, %select_n3A_125 : i32
        %select_n3A_136 = arith.select %and3A_134, %add3A_135, %rem3A_126 : i32
        %dma_wait3A = arith.constant 0 : i32
        %dma_wait3A_137 = arith.constant 0 : i32
        %dma_wait3A_138 = tpu.memref_slice %arg7[%select_n3A_136, %dma_wait3A, %dma_wait3A_137] : memref<2x1x128xi32, #tpu.memory_space<vmem>> -> memref<1x1x128xi32, #tpu.memory_space<vmem>>
        %dma_wait3A_139 = tpu.memref_squeeze %dma_wait3A_138 : memref<1x1x128xi32, #tpu.memory_space<vmem>> -> memref<128xi32, #tpu.memory_space<vmem>>
        %dma_wait3A_140 = arith.constant 0 : i32
        %dma_wait3A_141 = tpu.memref_slice %arg3[%dma_wait3A_140] : memref<64000xi32, #tpu.memory_space<hbm>> -> memref<128xi32, #tpu.memory_space<hbm>>
        %dma_wait3A_142 = arith.constant 0 : i32
        %dma_wait3A_143 = tpu.memref_slice %arg7[%select_n3A_136, %dma_wait3A, %dma_wait3A_142] : memref<2x1x128xi32, #tpu.memory_space<vmem>> -> memref<1x1x128xi32, #tpu.memory_space<vmem>>
        %dma_wait3A_144 = tpu.memref_squeeze %dma_wait3A_143 : memref<1x1x128xi32, #tpu.memory_space<vmem>> -> memref<128xi32, #tpu.memory_space<vmem>>
        %dma_wait3A_145 = arith.constant 0 : i32
        %dma_wait3A_146 = tpu.memref_slice %arg3[%dma_wait3A_145] : memref<64000xi32, #tpu.memory_space<hbm>> -> memref<128xi32, #tpu.memory_space<hbm>>
        tpu.wait_dma2 semaphore(%arg9 : memref<!tpu.dma_semaphore, #tpu.memory_space<semaphore_mem>>) src(%dma_wait3A_146 : memref<128xi32, #tpu.memory_space<hbm>>) dst(%dma_wait3A_144 : memref<128xi32, #tpu.memory_space<vmem>>)
        %dma_wait3A_147 = arith.constant 0 : i32
        %dma_wait3A_148 = arith.constant 0 : i32
        %dma_wait3A_149 = arith.constant 0 : i32
        %dma_wait3A_150 = tpu.memref_slice %arg8[%select_n3A_136, %dma_wait3A_148, %dma_wait3A_149] : memref<2x128x128xf32, #tpu.memory_space<vmem>> -> memref<1x128x128xf32, #tpu.memory_space<vmem>>
        %dma_wait3A_151 = tpu.memref_squeeze %dma_wait3A_150 : memref<1x128x128xf32, #tpu.memory_space<vmem>> -> memref<128x128xf32, #tpu.memory_space<vmem>>
        %dma_wait3A_152 = arith.constant 0 : i32
        %dma_wait3A_153 = arith.constant 0 : i32
        %dma_wait3A_154 = tpu.memref_slice %arg2[%dma_wait3A_147, %dma_wait3A_152, %dma_wait3A_153] : memref<3x64000x128xf32, #tpu.memory_space<hbm>> -> memref<1x128x128xf32, #tpu.memory_space<hbm>>
        %dma_wait3A_155 = tpu.memref_squeeze %dma_wait3A_154 : memref<1x128x128xf32, #tpu.memory_space<hbm>> -> memref<128x128xf32, #tpu.memory_space<hbm>>
        %dma_wait3A_156 = arith.constant 0 : i32
        %dma_wait3A_157 = arith.constant 0 : i32
        %dma_wait3A_158 = tpu.memref_slice %arg8[%select_n3A_136, %dma_wait3A_156, %dma_wait3A_157] : memref<2x128x128xf32, #tpu.memory_space<vmem>> -> memref<1x128x128xf32, #tpu.memory_space<vmem>>
        %dma_wait3A_159 = tpu.memref_squeeze %dma_wait3A_158 : memref<1x128x128xf32, #tpu.memory_space<vmem>> -> memref<128x128xf32, #tpu.memory_space<vmem>>
        %dma_wait3A_160 = arith.constant 0 : i32
        %dma_wait3A_161 = arith.constant 0 : i32
        %dma_wait3A_162 = tpu.memref_slice %arg2[%dma_wait3A_147, %dma_wait3A_160, %dma_wait3A_161] : memref<3x64000x128xf32, #tpu.memory_space<hbm>> -> memref<1x128x128xf32, #tpu.memory_space<hbm>>
        %dma_wait3A_163 = tpu.memref_squeeze %dma_wait3A_162 : memref<1x128x128xf32, #tpu.memory_space<hbm>> -> memref<128x128xf32, #tpu.memory_space<hbm>>
        tpu.wait_dma2 semaphore(%arg9 : memref<!tpu.dma_semaphore, #tpu.memory_space<semaphore_mem>>) src(%dma_wait3A_163 : memref<128x128xf32, #tpu.memory_space<hbm>>) dst(%dma_wait3A_159 : memref<128x128xf32, #tpu.memory_space<vmem>>)
      } else {
      }
      %lt3A_112 = arith.cmpi slt, %scan3A_100, %select_n3A : i32
      %convert_element_type3A_113 = arith.extui %lt3A_112 : i1 to i32
      %cond3A_114 = arith.constant 0 : i32
      %cond3A_115 = arith.cmpi ne, %convert_element_type3A_113, %cond3A_114 : i32
      scf.if %cond3A_115 {
        %jit3A_122 = arith.constant 2 : i32
        %eq3A = arith.constant 0 : i32
        %eq3A_123 = arith.cmpi eq, %jit3A_122, %eq3A : i32
        %jit3A_124 = arith.constant 1 : i32
        %select_n3A_125 = arith.select %eq3A_123, %jit3A_124, %jit3A_122 : i32
        %rem3A_126 = arith.remsi %scan3A_100, %select_n3A_125 : i32
        %ne3A_127 = arith.constant 0 : i32
        %ne3A_128 = arith.cmpi ne, %rem3A_126, %ne3A_127 : i32
        %lt3A_129 = arith.constant 0 : i32
        %lt3A_130 = arith.cmpi slt, %rem3A_126, %lt3A_129 : i32
        %lt3A_131 = arith.constant 0 : i32
        %lt3A_132 = arith.cmpi slt, %select_n3A_125, %lt3A_131 : i32
        %ne3A_133 = arith.xori %lt3A_130, %lt3A_132 : i1
        %and3A_134 = arith.andi %ne3A_133, %ne3A_128 : i1
        %add3A_135 = arith.addi %rem3A_126, %select_n3A_125 : i32
        %select_n3A_136 = arith.select %and3A_134, %add3A_135, %rem3A_126 : i32
        %dma_start3A = arith.constant 0 : i32
        %dma_start3A_137 = arith.constant 0 : i32
        %dma_start3A_138 = arith.constant 0 : i32
        %dma_start3A_139 = tpu.memref_slice %arg8[%select_n3A_136, %dma_start3A_137, %dma_start3A_138] : memref<2x128x128xf32, #tpu.memory_space<vmem>> -> memref<1x128x128xf32, #tpu.memory_space<vmem>>
        %dma_start3A_140 = tpu.memref_squeeze %dma_start3A_139 : memref<1x128x128xf32, #tpu.memory_space<vmem>> -> memref<128x128xf32, #tpu.memory_space<vmem>>
        %dma_start3A_141 = arith.constant 0 : i32
        %dma_start3A_142 = tpu.memref_slice %arg7[%select_n3A_136, %dma_start3A, %dma_start3A_141] : memref<2x1x128xi32, #tpu.memory_space<vmem>> -> memref<1x1x128xi32, #tpu.memory_space<vmem>>
        %dma_start3A_143 = tpu.memref_squeeze %dma_start3A_142 : memref<1x1x128xi32, #tpu.memory_space<vmem>> -> memref<128xi32, #tpu.memory_space<vmem>>
        %dma_start3A_144 = arith.constant 0 : i32
        %dma_start3A_145 = arith.constant 0 : i32
        %dma_start3A_146 = tpu.memref_slice %arg6[%dma_start3A_144, %dma_start3A_145] : memref<10240x128xf32, #tpu.memory_space<vmem_shared>> -> memref<10240x128xf32, #tpu.memory_space<vmem_shared>>
        tpu.enqueue_indirect_dma source(%dma_start3A_140 : memref<128x128xf32, #tpu.memory_space<vmem>>) target(%dma_start3A_146 : memref<10240x128xf32, #tpu.memory_space<vmem_shared>>) offsets(%dma_start3A_143 : memref<128xi32, #tpu.memory_space<vmem>>) semaphore(%arg10 : memref<!tpu.dma_semaphore, #tpu.memory_space<semaphore_mem>>) {add = true}
      } else {
      }
      %add3A_116 = arith.constant 1 : i32
      %add3A_117 = arith.addi %scan3A_100, %add3A_116 : i32
      %lt3A_118 = arith.cmpi slt, %add3A_117, %select_n3A : i32
      %convert_element_type3A_119 = arith.extui %lt3A_118 : i1 to i32
      %cond3A_120 = arith.constant 0 : i32
      %cond3A_121 = arith.cmpi ne, %convert_element_type3A_119, %cond3A_120 : i32
      scf.if %cond3A_121 {
        %jit3A_122 = arith.constant 2 : i32
        %eq3A = arith.constant 0 : i32
        %eq3A_123 = arith.cmpi eq, %jit3A_122, %eq3A : i32
        %jit3A_124 = arith.constant 1 : i32
        %select_n3A_125 = arith.select %eq3A_123, %jit3A_124, %jit3A_122 : i32
        %rem3A_126 = arith.remsi %add3A_117, %select_n3A_125 : i32
        %ne3A_127 = arith.constant 0 : i32
        %ne3A_128 = arith.cmpi ne, %rem3A_126, %ne3A_127 : i32
        %lt3A_129 = arith.constant 0 : i32
        %lt3A_130 = arith.cmpi slt, %rem3A_126, %lt3A_129 : i32
        %lt3A_131 = arith.constant 0 : i32
        %lt3A_132 = arith.cmpi slt, %select_n3A_125, %lt3A_131 : i32
        %ne3A_133 = arith.xori %lt3A_130, %lt3A_132 : i1
        %and3A_134 = arith.andi %ne3A_133, %ne3A_128 : i1
        %add3A_135 = arith.addi %rem3A_126, %select_n3A_125 : i32
        %select_n3A_136 = arith.select %and3A_134, %add3A_135, %rem3A_126 : i32
        %mul3A_137 = arith.constant 16 : i32
        %mul3A_138 = arith.muli %add3A_117, %mul3A_137 : i32
        %add3A_139 = arith.addi %arg1, %mul3A_138 : i32
        %mul3A_140 = arith.constant 128 : i32
        %mul3A_141 = arith.muli %add3A_139, %mul3A_140 : i32
        %add3A_142 = arith.addi %mul3A_0, %mul3A_141 : i32
        %dma_start3A = arith.constant 0 : i32
        %dma_start3A_143 = arith.constant 0 : i32
        %dma_start3A_144 = tpu.memref_slice %arg7[%select_n3A_136, %dma_start3A, %dma_start3A_143] : memref<2x1x128xi32, #tpu.memory_space<vmem>> -> memref<1x1x128xi32, #tpu.memory_space<vmem>>
        %dma_start3A_145 = tpu.memref_squeeze %dma_start3A_144 : memref<1x1x128xi32, #tpu.memory_space<vmem>> -> memref<128xi32, #tpu.memory_space<vmem>>
        %dma_start3A_146 = tpu.memref_slice %arg3[%add3A_142] : memref<64000xi32, #tpu.memory_space<hbm>> -> memref<128xi32, #tpu.memory_space<hbm>>
        %dma_start3A_147 = arith.constant 0 : i32
        %dma_start3A_148 = tpu.memref_slice %arg7[%select_n3A_136, %dma_start3A, %dma_start3A_147] : memref<2x1x128xi32, #tpu.memory_space<vmem>> -> memref<1x1x128xi32, #tpu.memory_space<vmem>>
        %dma_start3A_149 = tpu.memref_squeeze %dma_start3A_148 : memref<1x1x128xi32, #tpu.memory_space<vmem>> -> memref<128xi32, #tpu.memory_space<vmem>>
        %dma_start3A_150 = tpu.memref_slice %arg3[%add3A_142] : memref<64000xi32, #tpu.memory_space<hbm>> -> memref<128xi32, #tpu.memory_space<hbm>>
        tpu.enqueue_dma source(%dma_start3A_150 : memref<128xi32, #tpu.memory_space<hbm>>) target(%dma_start3A_149 : memref<128xi32, #tpu.memory_space<vmem>>) target_semaphore(%arg9 : memref<!tpu.dma_semaphore, #tpu.memory_space<semaphore_mem>>)
        %dma_start3A_151 = arith.constant 0 : i32
        %dma_start3A_152 = arith.constant 0 : i32
        %dma_start3A_153 = arith.constant 0 : i32
        %dma_start3A_154 = tpu.memref_slice %arg8[%select_n3A_136, %dma_start3A_152, %dma_start3A_153] : memref<2x128x128xf32, #tpu.memory_space<vmem>> -> memref<1x128x128xf32, #tpu.memory_space<vmem>>
        %dma_start3A_155 = tpu.memref_squeeze %dma_start3A_154 : memref<1x128x128xf32, #tpu.memory_space<vmem>> -> memref<128x128xf32, #tpu.memory_space<vmem>>
        %dma_start3A_156 = arith.constant 0 : i32
        %dma_start3A_157 = tpu.memref_slice %arg2[%dma_start3A_151, %add3A_142, %dma_start3A_156] : memref<3x64000x128xf32, #tpu.memory_space<hbm>> -> memref<1x128x128xf32, #tpu.memory_space<hbm>>
        %dma_start3A_158 = tpu.memref_squeeze %dma_start3A_157 : memref<1x128x128xf32, #tpu.memory_space<hbm>> -> memref<128x128xf32, #tpu.memory_space<hbm>>
        %dma_start3A_159 = arith.constant 0 : i32
        %dma_start3A_160 = arith.constant 0 : i32
        %dma_start3A_161 = tpu.memref_slice %arg8[%select_n3A_136, %dma_start3A_159, %dma_start3A_160] : memref<2x128x128xf32, #tpu.memory_space<vmem>> -> memref<1x128x128xf32, #tpu.memory_space<vmem>>
        %dma_start3A_162 = tpu.memref_squeeze %dma_start3A_161 : memref<1x128x128xf32, #tpu.memory_space<vmem>> -> memref<128x128xf32, #tpu.memory_space<vmem>>
        %dma_start3A_163 = arith.constant 0 : i32
        %dma_start3A_164 = tpu.memref_slice %arg2[%dma_start3A_151, %add3A_142, %dma_start3A_163] : memref<3x64000x128xf32, #tpu.memory_space<hbm>> -> memref<1x128x128xf32, #tpu.memory_space<hbm>>
        %dma_start3A_165 = tpu.memref_squeeze %dma_start3A_164 : memref<1x128x128xf32, #tpu.memory_space<hbm>> -> memref<128x128xf32, #tpu.memory_space<hbm>>
        tpu.enqueue_dma source(%dma_start3A_165 : memref<128x128xf32, #tpu.memory_space<hbm>>) target(%dma_start3A_162 : memref<128x128xf32, #tpu.memory_space<vmem>>) target_semaphore(%arg9 : memref<!tpu.dma_semaphore, #tpu.memory_space<semaphore_mem>>)
      } else {
      }
    }
    %scan3A_30 = arith.constant 16 : i32
    %gt3A_31 = arith.constant 15 : i32
    %gt3A_32 = arith.cmpi sgt, %select_n3A, %gt3A_31 : i32
    %and3A_33 = arith.constant true
    %and3A_34 = arith.andi %and3A_33, %gt3A_32 : i1
    %convert_element_type3A_35 = arith.extui %and3A_34 : i1 to i32
    %cond3A_36 = arith.constant 0 : i32
    %cond3A_37 = arith.cmpi ne, %convert_element_type3A_35, %cond3A_36 : i32
    scf.if %cond3A_37 {
      %dma_wait3A = arith.constant 1 : i32
      %dma_wait3A_100 = arith.constant 1 : i32
      %dma_wait3A_101 = arith.constant 0 : i32
      %dma_wait3A_102 = arith.constant 0 : i32
      %dma_wait3A_103 = arith.constant 0 : i32
      %dma_wait3A_104 = tpu.memref_slice %arg8[%dma_wait3A, %dma_wait3A_102, %dma_wait3A_103] : memref<2x128x128xf32, #tpu.memory_space<vmem>> -> memref<1x128x128xf32, #tpu.memory_space<vmem>>
      %dma_wait3A_105 = tpu.memref_squeeze %dma_wait3A_104 : memref<1x128x128xf32, #tpu.memory_space<vmem>> -> memref<128x128xf32, #tpu.memory_space<vmem>>
      %dma_wait3A_106 = arith.constant 0 : i32
      %dma_wait3A_107 = tpu.memref_slice %arg7[%dma_wait3A_100, %dma_wait3A_101, %dma_wait3A_106] : memref<2x1x128xi32, #tpu.memory_space<vmem>> -> memref<1x1x128xi32, #tpu.memory_space<vmem>>
      %dma_wait3A_108 = tpu.memref_squeeze %dma_wait3A_107 : memref<1x1x128xi32, #tpu.memory_space<vmem>> -> memref<128xi32, #tpu.memory_space<vmem>>
      %dma_wait3A_109 = arith.constant 0 : i32
      %dma_wait3A_110 = arith.constant 0 : i32
      %dma_wait3A_111 = tpu.memref_slice %arg6[%dma_wait3A_109, %dma_wait3A_110] : memref<10240x128xf32, #tpu.memory_space<vmem_shared>> -> memref<10240x128xf32, #tpu.memory_space<vmem_shared>>
      tpu.wait_indirect_dma semaphore(%arg10 : memref<!tpu.dma_semaphore, #tpu.memory_space<semaphore_mem>>) src(%dma_wait3A_105 : memref<128x128xf32, #tpu.memory_space<vmem>>) dst(%dma_wait3A_111 : memref<10240x128xf32, #tpu.memory_space<vmem_shared>>)
    } else {
    }
    %barrier3A_38 = arith.constant 0 : index
    tpu.barrier barrier_id(%barrier3A_38)
    %mul3A_39 = arith.constant 640 : i32
    %mul3A_40 = arith.muli %arg1, %mul3A_39 : i32
    %mul3A_41 = arith.constant 640 : i32
    %mul3A_42 = arith.muli %arg1, %mul3A_41 : i32
    %run_scoped3A = arith.constant 0 : i32
    "tpu.region"() ({
      %run_scoped3A_100 = tpu.sem_alloc : memref<!tpu.dma_semaphore, #tpu.memory_space<semaphore_mem>>
      %dma_start3A = arith.constant 0 : i32
      %dma_start3A_101 = tpu.memref_slice %arg5[%arg0, %run_scoped3A, %mul3A_42, %dma_start3A] : memref<2x3x10240x128xf32, #tpu.memory_space<hbm>> -> memref<1x1x640x128xf32, #tpu.memory_space<hbm>>
      %dma_start3A_102 = tpu.memref_squeeze %dma_start3A_101 : memref<1x1x640x128xf32, #tpu.memory_space<hbm>> -> memref<640x128xf32, #tpu.memory_space<hbm>>
      %dma_start3A_103 = arith.constant 0 : i32
      %dma_start3A_104 = tpu.memref_slice %arg6[%mul3A_40, %dma_start3A_103] : memref<10240x128xf32, #tpu.memory_space<vmem_shared>> -> memref<640x128xf32, #tpu.memory_space<vmem_shared>>
      tpu.enqueue_dma source(%dma_start3A_104 : memref<640x128xf32, #tpu.memory_space<vmem_shared>>) target(%dma_start3A_102 : memref<640x128xf32, #tpu.memory_space<hbm>>) target_semaphore(%run_scoped3A_100 : memref<!tpu.dma_semaphore, #tpu.memory_space<semaphore_mem>>)
      %dma_wait3A = arith.constant 0 : i32
      %dma_wait3A_105 = tpu.memref_slice %arg5[%arg0, %run_scoped3A, %mul3A_42, %dma_wait3A] : memref<2x3x10240x128xf32, #tpu.memory_space<hbm>> -> memref<1x1x640x128xf32, #tpu.memory_space<hbm>>
      %dma_wait3A_106 = tpu.memref_squeeze %dma_wait3A_105 : memref<1x1x640x128xf32, #tpu.memory_space<hbm>> -> memref<640x128xf32, #tpu.memory_space<hbm>>
      %dma_wait3A_107 = arith.constant 0 : i32
      %dma_wait3A_108 = tpu.memref_slice %arg6[%mul3A_40, %dma_wait3A_107] : memref<10240x128xf32, #tpu.memory_space<vmem_shared>> -> memref<640x128xf32, #tpu.memory_space<vmem_shared>>
      tpu.wait_dma2 semaphore(%run_scoped3A_100 : memref<!tpu.dma_semaphore, #tpu.memory_space<semaphore_mem>>) src(%dma_wait3A_108 : memref<640x128xf32, #tpu.memory_space<vmem_shared>>) dst(%dma_wait3A_106 : memref<640x128xf32, #tpu.memory_space<hbm>>)
      tpu.yield
    }) : () -> ()
    %barrier3A_43 = arith.constant 0 : index
    tpu.barrier barrier_id(%barrier3A_43)
    %mul3A_44 = arith.constant 640 : i32
    %mul3A_45 = arith.muli %arg1, %mul3A_44 : i32
    "tpu.region"() ({
      %run_scoped3A_100 = tpu.sem_alloc : memref<!tpu.dma_semaphore, #tpu.memory_space<semaphore_mem>>
      %dma_start3A = arith.constant 0 : i32
      %dma_start3A_101 = tpu.memref_slice %arg6[%mul3A_45, %dma_start3A] : memref<10240x128xf32, #tpu.memory_space<vmem_shared>> -> memref<640x128xf32, #tpu.memory_space<vmem_shared>>
      tpu.enqueue_dma source(%arg4 : memref<640x128xf32, #tpu.memory_space<hbm>>) target(%dma_start3A_101 : memref<640x128xf32, #tpu.memory_space<vmem_shared>>) target_semaphore(%run_scoped3A_100 : memref<!tpu.dma_semaphore, #tpu.memory_space<semaphore_mem>>)
      %dma_wait3A = arith.constant 0 : i32
      %dma_wait3A_102 = tpu.memref_slice %arg6[%mul3A_45, %dma_wait3A] : memref<10240x128xf32, #tpu.memory_space<vmem_shared>> -> memref<640x128xf32, #tpu.memory_space<vmem_shared>>
      tpu.wait_dma2 semaphore(%run_scoped3A_100 : memref<!tpu.dma_semaphore, #tpu.memory_space<semaphore_mem>>) src(%arg4 : memref<640x128xf32, #tpu.memory_space<hbm>>) dst(%dma_wait3A_102 : memref<640x128xf32, #tpu.memory_space<vmem_shared>>)
      tpu.yield
    }) : () -> ()
    %barrier3A_46 = arith.constant 0 : index
    tpu.barrier barrier_id(%barrier3A_46)
    %gt3A_47 = arith.constant 0 : i32
    %gt3A_48 = arith.cmpi sgt, %select_n3A, %gt3A_47 : i32
    %convert_element_type3A_49 = arith.extui %gt3A_48 : i1 to i32
    %cond3A_50 = arith.constant 0 : i32
    %cond3A_51 = arith.cmpi ne, %convert_element_type3A_49, %cond3A_50 : i32
    scf.if %cond3A_51 {
      %add3A_100 = arith.constant 0 : i32
      %add3A_101 = arith.addi %arg1, %add3A_100 : i32
      %mul3A_102 = arith.constant 128 : i32
      %mul3A_103 = arith.muli %add3A_101, %mul3A_102 : i32
      %add3A_104 = arith.addi %mul3A_0, %mul3A_103 : i32
      %dma_start3A = arith.constant 0 : i32
      %dma_start3A_105 = arith.constant 0 : i32
      %dma_start3A_106 = arith.constant 0 : i32
      %dma_start3A_107 = tpu.memref_slice %arg7[%dma_start3A, %dma_start3A_105, %dma_start3A_106] : memref<2x1x128xi32, #tpu.memory_space<vmem>> -> memref<1x1x128xi32, #tpu.memory_space<vmem>>
      %dma_start3A_108 = tpu.memref_squeeze %dma_start3A_107 : memref<1x1x128xi32, #tpu.memory_space<vmem>> -> memref<128xi32, #tpu.memory_space<vmem>>
      %dma_start3A_109 = tpu.memref_slice %arg3[%add3A_104] : memref<64000xi32, #tpu.memory_space<hbm>> -> memref<128xi32, #tpu.memory_space<hbm>>
      %dma_start3A_110 = arith.constant 0 : i32
      %dma_start3A_111 = tpu.memref_slice %arg7[%dma_start3A, %dma_start3A_105, %dma_start3A_110] : memref<2x1x128xi32, #tpu.memory_space<vmem>> -> memref<1x1x128xi32, #tpu.memory_space<vmem>>
      %dma_start3A_112 = tpu.memref_squeeze %dma_start3A_111 : memref<1x1x128xi32, #tpu.memory_space<vmem>> -> memref<128xi32, #tpu.memory_space<vmem>>
      %dma_start3A_113 = tpu.memref_slice %arg3[%add3A_104] : memref<64000xi32, #tpu.memory_space<hbm>> -> memref<128xi32, #tpu.memory_space<hbm>>
      tpu.enqueue_dma source(%dma_start3A_113 : memref<128xi32, #tpu.memory_space<hbm>>) target(%dma_start3A_112 : memref<128xi32, #tpu.memory_space<vmem>>) target_semaphore(%arg9 : memref<!tpu.dma_semaphore, #tpu.memory_space<semaphore_mem>>)
      %dma_start3A_114 = arith.constant 1 : i32
      %dma_start3A_115 = arith.constant 0 : i32
      %dma_start3A_116 = arith.constant 0 : i32
      %dma_start3A_117 = arith.constant 0 : i32
      %dma_start3A_118 = tpu.memref_slice %arg8[%dma_start3A_115, %dma_start3A_116, %dma_start3A_117] : memref<2x128x128xf32, #tpu.memory_space<vmem>> -> memref<1x128x128xf32, #tpu.memory_space<vmem>>
      %dma_start3A_119 = tpu.memref_squeeze %dma_start3A_118 : memref<1x128x128xf32, #tpu.memory_space<vmem>> -> memref<128x128xf32, #tpu.memory_space<vmem>>
      %dma_start3A_120 = arith.constant 0 : i32
      %dma_start3A_121 = tpu.memref_slice %arg2[%dma_start3A_114, %add3A_104, %dma_start3A_120] : memref<3x64000x128xf32, #tpu.memory_space<hbm>> -> memref<1x128x128xf32, #tpu.memory_space<hbm>>
      %dma_start3A_122 = tpu.memref_squeeze %dma_start3A_121 : memref<1x128x128xf32, #tpu.memory_space<hbm>> -> memref<128x128xf32, #tpu.memory_space<hbm>>
      %dma_start3A_123 = arith.constant 0 : i32
      %dma_start3A_124 = arith.constant 0 : i32
      %dma_start3A_125 = tpu.memref_slice %arg8[%dma_start3A_115, %dma_start3A_123, %dma_start3A_124] : memref<2x128x128xf32, #tpu.memory_space<vmem>> -> memref<1x128x128xf32, #tpu.memory_space<vmem>>
      %dma_start3A_126 = tpu.memref_squeeze %dma_start3A_125 : memref<1x128x128xf32, #tpu.memory_space<vmem>> -> memref<128x128xf32, #tpu.memory_space<vmem>>
      %dma_start3A_127 = arith.constant 0 : i32
      %dma_start3A_128 = tpu.memref_slice %arg2[%dma_start3A_114, %add3A_104, %dma_start3A_127] : memref<3x64000x128xf32, #tpu.memory_space<hbm>> -> memref<1x128x128xf32, #tpu.memory_space<hbm>>
      %dma_start3A_129 = tpu.memref_squeeze %dma_start3A_128 : memref<1x128x128xf32, #tpu.memory_space<hbm>> -> memref<128x128xf32, #tpu.memory_space<hbm>>
      tpu.enqueue_dma source(%dma_start3A_129 : memref<128x128xf32, #tpu.memory_space<hbm>>) target(%dma_start3A_126 : memref<128x128xf32, #tpu.memory_space<vmem>>) target_semaphore(%arg9 : memref<!tpu.dma_semaphore, #tpu.memory_space<semaphore_mem>>)
    } else {
    }
    %scan3A_52 = arith.constant 0 : i32
    %scan3A_53 = arith.constant 0 : i32
    %scan3A_54 = arith.constant 16 : i32
    %scan3A_55 = arith.addi %scan3A_53, %scan3A_54 : i32
    %scan3A_56 = arith.constant 1 : i32
    scf.for %scan3A_100 = %scan3A_53 to %scan3A_55 step %scan3A_56  : i32 {
      %sub3A_101 = arith.constant 1 : i32
      %sub3A_102 = arith.subi %scan3A_100, %sub3A_101 : i32
      %ge3A = arith.constant 0 : i32
      %ge3A_103 = arith.cmpi sge, %sub3A_102, %ge3A : i32
      %lt3A = arith.cmpi slt, %sub3A_102, %select_n3A : i32
      %and3A_104 = arith.andi %ge3A_103, %lt3A : i1
      %convert_element_type3A_105 = arith.extui %and3A_104 : i1 to i32
      %cond3A_106 = arith.constant 0 : i32
      %cond3A_107 = arith.cmpi ne, %convert_element_type3A_105, %cond3A_106 : i32
      scf.if %cond3A_107 {
        %jit3A_122 = arith.constant 2 : i32
        %eq3A = arith.constant 0 : i32
        %eq3A_123 = arith.cmpi eq, %jit3A_122, %eq3A : i32
        %jit3A_124 = arith.constant 1 : i32
        %select_n3A_125 = arith.select %eq3A_123, %jit3A_124, %jit3A_122 : i32
        %rem3A_126 = arith.remsi %sub3A_102, %select_n3A_125 : i32
        %ne3A_127 = arith.constant 0 : i32
        %ne3A_128 = arith.cmpi ne, %rem3A_126, %ne3A_127 : i32
        %lt3A_129 = arith.constant 0 : i32
        %lt3A_130 = arith.cmpi slt, %rem3A_126, %lt3A_129 : i32
        %lt3A_131 = arith.constant 0 : i32
        %lt3A_132 = arith.cmpi slt, %select_n3A_125, %lt3A_131 : i32
        %ne3A_133 = arith.xori %lt3A_130, %lt3A_132 : i1
        %and3A_134 = arith.andi %ne3A_133, %ne3A_128 : i1
        %add3A_135 = arith.addi %rem3A_126, %select_n3A_125 : i32
        %select_n3A_136 = arith.select %and3A_134, %add3A_135, %rem3A_126 : i32
        %dma_wait3A = arith.constant 0 : i32
        %dma_wait3A_137 = arith.constant 0 : i32
        %dma_wait3A_138 = arith.constant 0 : i32
        %dma_wait3A_139 = tpu.memref_slice %arg8[%select_n3A_136, %dma_wait3A_137, %dma_wait3A_138] : memref<2x128x128xf32, #tpu.memory_space<vmem>> -> memref<1x128x128xf32, #tpu.memory_space<vmem>>
        %dma_wait3A_140 = tpu.memref_squeeze %dma_wait3A_139 : memref<1x128x128xf32, #tpu.memory_space<vmem>> -> memref<128x128xf32, #tpu.memory_space<vmem>>
        %dma_wait3A_141 = arith.constant 0 : i32
        %dma_wait3A_142 = tpu.memref_slice %arg7[%select_n3A_136, %dma_wait3A, %dma_wait3A_141] : memref<2x1x128xi32, #tpu.memory_space<vmem>> -> memref<1x1x128xi32, #tpu.memory_space<vmem>>
        %dma_wait3A_143 = tpu.memref_squeeze %dma_wait3A_142 : memref<1x1x128xi32, #tpu.memory_space<vmem>> -> memref<128xi32, #tpu.memory_space<vmem>>
        %dma_wait3A_144 = arith.constant 0 : i32
        %dma_wait3A_145 = arith.constant 0 : i32
        %dma_wait3A_146 = tpu.memref_slice %arg6[%dma_wait3A_144, %dma_wait3A_145] : memref<10240x128xf32, #tpu.memory_space<vmem_shared>> -> memref<10240x128xf32, #tpu.memory_space<vmem_shared>>
        tpu.wait_indirect_dma semaphore(%arg10 : memref<!tpu.dma_semaphore, #tpu.memory_space<semaphore_mem>>) src(%dma_wait3A_140 : memref<128x128xf32, #tpu.memory_space<vmem>>) dst(%dma_wait3A_146 : memref<10240x128xf32, #tpu.memory_space<vmem_shared>>)
      } else {
      }
      %lt3A_108 = arith.cmpi slt, %scan3A_100, %select_n3A : i32
      %convert_element_type3A_109 = arith.extui %lt3A_108 : i1 to i32
      %cond3A_110 = arith.constant 0 : i32
      %cond3A_111 = arith.cmpi ne, %convert_element_type3A_109, %cond3A_110 : i32
      scf.if %cond3A_111 {
        %jit3A_122 = arith.constant 2 : i32
        %eq3A = arith.constant 0 : i32
        %eq3A_123 = arith.cmpi eq, %jit3A_122, %eq3A : i32
        %jit3A_124 = arith.constant 1 : i32
        %select_n3A_125 = arith.select %eq3A_123, %jit3A_124, %jit3A_122 : i32
        %rem3A_126 = arith.remsi %scan3A_100, %select_n3A_125 : i32
        %ne3A_127 = arith.constant 0 : i32
        %ne3A_128 = arith.cmpi ne, %rem3A_126, %ne3A_127 : i32
        %lt3A_129 = arith.constant 0 : i32
        %lt3A_130 = arith.cmpi slt, %rem3A_126, %lt3A_129 : i32
        %lt3A_131 = arith.constant 0 : i32
        %lt3A_132 = arith.cmpi slt, %select_n3A_125, %lt3A_131 : i32
        %ne3A_133 = arith.xori %lt3A_130, %lt3A_132 : i1
        %and3A_134 = arith.andi %ne3A_133, %ne3A_128 : i1
        %add3A_135 = arith.addi %rem3A_126, %select_n3A_125 : i32
        %select_n3A_136 = arith.select %and3A_134, %add3A_135, %rem3A_126 : i32
        %dma_wait3A = arith.constant 0 : i32
        %dma_wait3A_137 = arith.constant 0 : i32
        %dma_wait3A_138 = tpu.memref_slice %arg7[%select_n3A_136, %dma_wait3A, %dma_wait3A_137] : memref<2x1x128xi32, #tpu.memory_space<vmem>> -> memref<1x1x128xi32, #tpu.memory_space<vmem>>
        %dma_wait3A_139 = tpu.memref_squeeze %dma_wait3A_138 : memref<1x1x128xi32, #tpu.memory_space<vmem>> -> memref<128xi32, #tpu.memory_space<vmem>>
        %dma_wait3A_140 = arith.constant 0 : i32
        %dma_wait3A_141 = tpu.memref_slice %arg3[%dma_wait3A_140] : memref<64000xi32, #tpu.memory_space<hbm>> -> memref<128xi32, #tpu.memory_space<hbm>>
        %dma_wait3A_142 = arith.constant 0 : i32
        %dma_wait3A_143 = tpu.memref_slice %arg7[%select_n3A_136, %dma_wait3A, %dma_wait3A_142] : memref<2x1x128xi32, #tpu.memory_space<vmem>> -> memref<1x1x128xi32, #tpu.memory_space<vmem>>
        %dma_wait3A_144 = tpu.memref_squeeze %dma_wait3A_143 : memref<1x1x128xi32, #tpu.memory_space<vmem>> -> memref<128xi32, #tpu.memory_space<vmem>>
        %dma_wait3A_145 = arith.constant 0 : i32
        %dma_wait3A_146 = tpu.memref_slice %arg3[%dma_wait3A_145] : memref<64000xi32, #tpu.memory_space<hbm>> -> memref<128xi32, #tpu.memory_space<hbm>>
        tpu.wait_dma2 semaphore(%arg9 : memref<!tpu.dma_semaphore, #tpu.memory_space<semaphore_mem>>) src(%dma_wait3A_146 : memref<128xi32, #tpu.memory_space<hbm>>) dst(%dma_wait3A_144 : memref<128xi32, #tpu.memory_space<vmem>>)
        %dma_wait3A_147 = arith.constant 0 : i32
        %dma_wait3A_148 = arith.constant 0 : i32
        %dma_wait3A_149 = arith.constant 0 : i32
        %dma_wait3A_150 = tpu.memref_slice %arg8[%select_n3A_136, %dma_wait3A_148, %dma_wait3A_149] : memref<2x128x128xf32, #tpu.memory_space<vmem>> -> memref<1x128x128xf32, #tpu.memory_space<vmem>>
        %dma_wait3A_151 = tpu.memref_squeeze %dma_wait3A_150 : memref<1x128x128xf32, #tpu.memory_space<vmem>> -> memref<128x128xf32, #tpu.memory_space<vmem>>
        %dma_wait3A_152 = arith.constant 0 : i32
        %dma_wait3A_153 = arith.constant 0 : i32
        %dma_wait3A_154 = tpu.memref_slice %arg2[%dma_wait3A_147, %dma_wait3A_152, %dma_wait3A_153] : memref<3x64000x128xf32, #tpu.memory_space<hbm>> -> memref<1x128x128xf32, #tpu.memory_space<hbm>>
        %dma_wait3A_155 = tpu.memref_squeeze %dma_wait3A_154 : memref<1x128x128xf32, #tpu.memory_space<hbm>> -> memref<128x128xf32, #tpu.memory_space<hbm>>
        %dma_wait3A_156 = arith.constant 0 : i32
        %dma_wait3A_157 = arith.constant 0 : i32
        %dma_wait3A_158 = tpu.memref_slice %arg8[%select_n3A_136, %dma_wait3A_156, %dma_wait3A_157] : memref<2x128x128xf32, #tpu.memory_space<vmem>> -> memref<1x128x128xf32, #tpu.memory_space<vmem>>
        %dma_wait3A_159 = tpu.memref_squeeze %dma_wait3A_158 : memref<1x128x128xf32, #tpu.memory_space<vmem>> -> memref<128x128xf32, #tpu.memory_space<vmem>>
        %dma_wait3A_160 = arith.constant 0 : i32
        %dma_wait3A_161 = arith.constant 0 : i32
        %dma_wait3A_162 = tpu.memref_slice %arg2[%dma_wait3A_147, %dma_wait3A_160, %dma_wait3A_161] : memref<3x64000x128xf32, #tpu.memory_space<hbm>> -> memref<1x128x128xf32, #tpu.memory_space<hbm>>
        %dma_wait3A_163 = tpu.memref_squeeze %dma_wait3A_162 : memref<1x128x128xf32, #tpu.memory_space<hbm>> -> memref<128x128xf32, #tpu.memory_space<hbm>>
        tpu.wait_dma2 semaphore(%arg9 : memref<!tpu.dma_semaphore, #tpu.memory_space<semaphore_mem>>) src(%dma_wait3A_163 : memref<128x128xf32, #tpu.memory_space<hbm>>) dst(%dma_wait3A_159 : memref<128x128xf32, #tpu.memory_space<vmem>>)
      } else {
      }
      %lt3A_112 = arith.cmpi slt, %scan3A_100, %select_n3A : i32
      %convert_element_type3A_113 = arith.extui %lt3A_112 : i1 to i32
      %cond3A_114 = arith.constant 0 : i32
      %cond3A_115 = arith.cmpi ne, %convert_element_type3A_113, %cond3A_114 : i32
      scf.if %cond3A_115 {
        %jit3A_122 = arith.constant 2 : i32
        %eq3A = arith.constant 0 : i32
        %eq3A_123 = arith.cmpi eq, %jit3A_122, %eq3A : i32
        %jit3A_124 = arith.constant 1 : i32
        %select_n3A_125 = arith.select %eq3A_123, %jit3A_124, %jit3A_122 : i32
        %rem3A_126 = arith.remsi %scan3A_100, %select_n3A_125 : i32
        %ne3A_127 = arith.constant 0 : i32
        %ne3A_128 = arith.cmpi ne, %rem3A_126, %ne3A_127 : i32
        %lt3A_129 = arith.constant 0 : i32
        %lt3A_130 = arith.cmpi slt, %rem3A_126, %lt3A_129 : i32
        %lt3A_131 = arith.constant 0 : i32
        %lt3A_132 = arith.cmpi slt, %select_n3A_125, %lt3A_131 : i32
        %ne3A_133 = arith.xori %lt3A_130, %lt3A_132 : i1
        %and3A_134 = arith.andi %ne3A_133, %ne3A_128 : i1
        %add3A_135 = arith.addi %rem3A_126, %select_n3A_125 : i32
        %select_n3A_136 = arith.select %and3A_134, %add3A_135, %rem3A_126 : i32
        %dma_start3A = arith.constant 0 : i32
        %dma_start3A_137 = arith.constant 0 : i32
        %dma_start3A_138 = arith.constant 0 : i32
        %dma_start3A_139 = tpu.memref_slice %arg8[%select_n3A_136, %dma_start3A_137, %dma_start3A_138] : memref<2x128x128xf32, #tpu.memory_space<vmem>> -> memref<1x128x128xf32, #tpu.memory_space<vmem>>
        %dma_start3A_140 = tpu.memref_squeeze %dma_start3A_139 : memref<1x128x128xf32, #tpu.memory_space<vmem>> -> memref<128x128xf32, #tpu.memory_space<vmem>>
        %dma_start3A_141 = arith.constant 0 : i32
        %dma_start3A_142 = tpu.memref_slice %arg7[%select_n3A_136, %dma_start3A, %dma_start3A_141] : memref<2x1x128xi32, #tpu.memory_space<vmem>> -> memref<1x1x128xi32, #tpu.memory_space<vmem>>
        %dma_start3A_143 = tpu.memref_squeeze %dma_start3A_142 : memref<1x1x128xi32, #tpu.memory_space<vmem>> -> memref<128xi32, #tpu.memory_space<vmem>>
        %dma_start3A_144 = arith.constant 0 : i32
        %dma_start3A_145 = arith.constant 0 : i32
        %dma_start3A_146 = tpu.memref_slice %arg6[%dma_start3A_144, %dma_start3A_145] : memref<10240x128xf32, #tpu.memory_space<vmem_shared>> -> memref<10240x128xf32, #tpu.memory_space<vmem_shared>>
        tpu.enqueue_indirect_dma source(%dma_start3A_140 : memref<128x128xf32, #tpu.memory_space<vmem>>) target(%dma_start3A_146 : memref<10240x128xf32, #tpu.memory_space<vmem_shared>>) offsets(%dma_start3A_143 : memref<128xi32, #tpu.memory_space<vmem>>) semaphore(%arg10 : memref<!tpu.dma_semaphore, #tpu.memory_space<semaphore_mem>>) {add = true}
      } else {
      }
      %add3A_116 = arith.constant 1 : i32
      %add3A_117 = arith.addi %scan3A_100, %add3A_116 : i32
      %lt3A_118 = arith.cmpi slt, %add3A_117, %select_n3A : i32
      %convert_element_type3A_119 = arith.extui %lt3A_118 : i1 to i32
      %cond3A_120 = arith.constant 0 : i32
      %cond3A_121 = arith.cmpi ne, %convert_element_type3A_119, %cond3A_120 : i32
      scf.if %cond3A_121 {
        %jit3A_122 = arith.constant 2 : i32
        %eq3A = arith.constant 0 : i32
        %eq3A_123 = arith.cmpi eq, %jit3A_122, %eq3A : i32
        %jit3A_124 = arith.constant 1 : i32
        %select_n3A_125 = arith.select %eq3A_123, %jit3A_124, %jit3A_122 : i32
        %rem3A_126 = arith.remsi %add3A_117, %select_n3A_125 : i32
        %ne3A_127 = arith.constant 0 : i32
        %ne3A_128 = arith.cmpi ne, %rem3A_126, %ne3A_127 : i32
        %lt3A_129 = arith.constant 0 : i32
        %lt3A_130 = arith.cmpi slt, %rem3A_126, %lt3A_129 : i32
        %lt3A_131 = arith.constant 0 : i32
        %lt3A_132 = arith.cmpi slt, %select_n3A_125, %lt3A_131 : i32
        %ne3A_133 = arith.xori %lt3A_130, %lt3A_132 : i1
        %and3A_134 = arith.andi %ne3A_133, %ne3A_128 : i1
        %add3A_135 = arith.addi %rem3A_126, %select_n3A_125 : i32
        %select_n3A_136 = arith.select %and3A_134, %add3A_135, %rem3A_126 : i32
        %mul3A_137 = arith.constant 16 : i32
        %mul3A_138 = arith.muli %add3A_117, %mul3A_137 : i32
        %add3A_139 = arith.addi %arg1, %mul3A_138 : i32
        %mul3A_140 = arith.constant 128 : i32
        %mul3A_141 = arith.muli %add3A_139, %mul3A_140 : i32
        %add3A_142 = arith.addi %mul3A_0, %mul3A_141 : i32
        %dma_start3A = arith.constant 0 : i32
        %dma_start3A_143 = arith.constant 0 : i32
        %dma_start3A_144 = tpu.memref_slice %arg7[%select_n3A_136, %dma_start3A, %dma_start3A_143] : memref<2x1x128xi32, #tpu.memory_space<vmem>> -> memref<1x1x128xi32, #tpu.memory_space<vmem>>
        %dma_start3A_145 = tpu.memref_squeeze %dma_start3A_144 : memref<1x1x128xi32, #tpu.memory_space<vmem>> -> memref<128xi32, #tpu.memory_space<vmem>>
        %dma_start3A_146 = tpu.memref_slice %arg3[%add3A_142] : memref<64000xi32, #tpu.memory_space<hbm>> -> memref<128xi32, #tpu.memory_space<hbm>>
        %dma_start3A_147 = arith.constant 0 : i32
        %dma_start3A_148 = tpu.memref_slice %arg7[%select_n3A_136, %dma_start3A, %dma_start3A_147] : memref<2x1x128xi32, #tpu.memory_space<vmem>> -> memref<1x1x128xi32, #tpu.memory_space<vmem>>
        %dma_start3A_149 = tpu.memref_squeeze %dma_start3A_148 : memref<1x1x128xi32, #tpu.memory_space<vmem>> -> memref<128xi32, #tpu.memory_space<vmem>>
        %dma_start3A_150 = tpu.memref_slice %arg3[%add3A_142] : memref<64000xi32, #tpu.memory_space<hbm>> -> memref<128xi32, #tpu.memory_space<hbm>>
        tpu.enqueue_dma source(%dma_start3A_150 : memref<128xi32, #tpu.memory_space<hbm>>) target(%dma_start3A_149 : memref<128xi32, #tpu.memory_space<vmem>>) target_semaphore(%arg9 : memref<!tpu.dma_semaphore, #tpu.memory_space<semaphore_mem>>)
        %dma_start3A_151 = arith.constant 1 : i32
        %dma_start3A_152 = arith.constant 0 : i32
        %dma_start3A_153 = arith.constant 0 : i32
        %dma_start3A_154 = tpu.memref_slice %arg8[%select_n3A_136, %dma_start3A_152, %dma_start3A_153] : memref<2x128x128xf32, #tpu.memory_space<vmem>> -> memref<1x128x128xf32, #tpu.memory_space<vmem>>
        %dma_start3A_155 = tpu.memref_squeeze %dma_start3A_154 : memref<1x128x128xf32, #tpu.memory_space<vmem>> -> memref<128x128xf32, #tpu.memory_space<vmem>>
        %dma_start3A_156 = arith.constant 0 : i32
        %dma_start3A_157 = tpu.memref_slice %arg2[%dma_start3A_151, %add3A_142, %dma_start3A_156] : memref<3x64000x128xf32, #tpu.memory_space<hbm>> -> memref<1x128x128xf32, #tpu.memory_space<hbm>>
        %dma_start3A_158 = tpu.memref_squeeze %dma_start3A_157 : memref<1x128x128xf32, #tpu.memory_space<hbm>> -> memref<128x128xf32, #tpu.memory_space<hbm>>
        %dma_start3A_159 = arith.constant 0 : i32
        %dma_start3A_160 = arith.constant 0 : i32
        %dma_start3A_161 = tpu.memref_slice %arg8[%select_n3A_136, %dma_start3A_159, %dma_start3A_160] : memref<2x128x128xf32, #tpu.memory_space<vmem>> -> memref<1x128x128xf32, #tpu.memory_space<vmem>>
        %dma_start3A_162 = tpu.memref_squeeze %dma_start3A_161 : memref<1x128x128xf32, #tpu.memory_space<vmem>> -> memref<128x128xf32, #tpu.memory_space<vmem>>
        %dma_start3A_163 = arith.constant 0 : i32
        %dma_start3A_164 = tpu.memref_slice %arg2[%dma_start3A_151, %add3A_142, %dma_start3A_163] : memref<3x64000x128xf32, #tpu.memory_space<hbm>> -> memref<1x128x128xf32, #tpu.memory_space<hbm>>
        %dma_start3A_165 = tpu.memref_squeeze %dma_start3A_164 : memref<1x128x128xf32, #tpu.memory_space<hbm>> -> memref<128x128xf32, #tpu.memory_space<hbm>>
        tpu.enqueue_dma source(%dma_start3A_165 : memref<128x128xf32, #tpu.memory_space<hbm>>) target(%dma_start3A_162 : memref<128x128xf32, #tpu.memory_space<vmem>>) target_semaphore(%arg9 : memref<!tpu.dma_semaphore, #tpu.memory_space<semaphore_mem>>)
      } else {
      }
    }
    %scan3A_57 = arith.constant 16 : i32
    %gt3A_58 = arith.constant 15 : i32
    %gt3A_59 = arith.cmpi sgt, %select_n3A, %gt3A_58 : i32
    %and3A_60 = arith.constant true
    %and3A_61 = arith.andi %and3A_60, %gt3A_59 : i1
    %convert_element_type3A_62 = arith.extui %and3A_61 : i1 to i32
    %cond3A_63 = arith.constant 0 : i32
    %cond3A_64 = arith.cmpi ne, %convert_element_type3A_62, %cond3A_63 : i32
    scf.if %cond3A_64 {
      %dma_wait3A = arith.constant 1 : i32
      %dma_wait3A_100 = arith.constant 1 : i32
      %dma_wait3A_101 = arith.constant 0 : i32
      %dma_wait3A_102 = arith.constant 0 : i32
      %dma_wait3A_103 = arith.constant 0 : i32
      %dma_wait3A_104 = tpu.memref_slice %arg8[%dma_wait3A, %dma_wait3A_102, %dma_wait3A_103] : memref<2x128x128xf32, #tpu.memory_space<vmem>> -> memref<1x128x128xf32, #tpu.memory_space<vmem>>
      %dma_wait3A_105 = tpu.memref_squeeze %dma_wait3A_104 : memref<1x128x128xf32, #tpu.memory_space<vmem>> -> memref<128x128xf32, #tpu.memory_space<vmem>>
      %dma_wait3A_106 = arith.constant 0 : i32
      %dma_wait3A_107 = tpu.memref_slice %arg7[%dma_wait3A_100, %dma_wait3A_101, %dma_wait3A_106] : memref<2x1x128xi32, #tpu.memory_space<vmem>> -> memref<1x1x128xi32, #tpu.memory_space<vmem>>
      %dma_wait3A_108 = tpu.memref_squeeze %dma_wait3A_107 : memref<1x1x128xi32, #tpu.memory_space<vmem>> -> memref<128xi32, #tpu.memory_space<vmem>>
      %dma_wait3A_109 = arith.constant 0 : i32
      %dma_wait3A_110 = arith.constant 0 : i32
      %dma_wait3A_111 = tpu.memref_slice %arg6[%dma_wait3A_109, %dma_wait3A_110] : memref<10240x128xf32, #tpu.memory_space<vmem_shared>> -> memref<10240x128xf32, #tpu.memory_space<vmem_shared>>
      tpu.wait_indirect_dma semaphore(%arg10 : memref<!tpu.dma_semaphore, #tpu.memory_space<semaphore_mem>>) src(%dma_wait3A_105 : memref<128x128xf32, #tpu.memory_space<vmem>>) dst(%dma_wait3A_111 : memref<10240x128xf32, #tpu.memory_space<vmem_shared>>)
    } else {
    }
    %barrier3A_65 = arith.constant 0 : index
    tpu.barrier barrier_id(%barrier3A_65)
    %mul3A_66 = arith.constant 640 : i32
    %mul3A_67 = arith.muli %arg1, %mul3A_66 : i32
    %mul3A_68 = arith.constant 640 : i32
    %mul3A_69 = arith.muli %arg1, %mul3A_68 : i32
    %run_scoped3A_70 = arith.constant 1 : i32
    "tpu.region"() ({
      %run_scoped3A_100 = tpu.sem_alloc : memref<!tpu.dma_semaphore, #tpu.memory_space<semaphore_mem>>
      %dma_start3A = arith.constant 0 : i32
      %dma_start3A_101 = tpu.memref_slice %arg5[%arg0, %run_scoped3A_70, %mul3A_69, %dma_start3A] : memref<2x3x10240x128xf32, #tpu.memory_space<hbm>> -> memref<1x1x640x128xf32, #tpu.memory_space<hbm>>
      %dma_start3A_102 = tpu.memref_squeeze %dma_start3A_101 : memref<1x1x640x128xf32, #tpu.memory_space<hbm>> -> memref<640x128xf32, #tpu.memory_space<hbm>>
      %dma_start3A_103 = arith.constant 0 : i32
      %dma_start3A_104 = tpu.memref_slice %arg6[%mul3A_67, %dma_start3A_103] : memref<10240x128xf32, #tpu.memory_space<vmem_shared>> -> memref<640x128xf32, #tpu.memory_space<vmem_shared>>
      tpu.enqueue_dma source(%dma_start3A_104 : memref<640x128xf32, #tpu.memory_space<vmem_shared>>) target(%dma_start3A_102 : memref<640x128xf32, #tpu.memory_space<hbm>>) target_semaphore(%run_scoped3A_100 : memref<!tpu.dma_semaphore, #tpu.memory_space<semaphore_mem>>)
      %dma_wait3A = arith.constant 0 : i32
      %dma_wait3A_105 = tpu.memref_slice %arg5[%arg0, %run_scoped3A_70, %mul3A_69, %dma_wait3A] : memref<2x3x10240x128xf32, #tpu.memory_space<hbm>> -> memref<1x1x640x128xf32, #tpu.memory_space<hbm>>
      %dma_wait3A_106 = tpu.memref_squeeze %dma_wait3A_105 : memref<1x1x640x128xf32, #tpu.memory_space<hbm>> -> memref<640x128xf32, #tpu.memory_space<hbm>>
      %dma_wait3A_107 = arith.constant 0 : i32
      %dma_wait3A_108 = tpu.memref_slice %arg6[%mul3A_67, %dma_wait3A_107] : memref<10240x128xf32, #tpu.memory_space<vmem_shared>> -> memref<640x128xf32, #tpu.memory_space<vmem_shared>>
      tpu.wait_dma2 semaphore(%run_scoped3A_100 : memref<!tpu.dma_semaphore, #tpu.memory_space<semaphore_mem>>) src(%dma_wait3A_108 : memref<640x128xf32, #tpu.memory_space<vmem_shared>>) dst(%dma_wait3A_106 : memref<640x128xf32, #tpu.memory_space<hbm>>)
      tpu.yield
    }) : () -> ()
    %barrier3A_71 = arith.constant 0 : index
    tpu.barrier barrier_id(%barrier3A_71)
    %mul3A_72 = arith.constant 640 : i32
    %mul3A_73 = arith.muli %arg1, %mul3A_72 : i32
    "tpu.region"() ({
      %run_scoped3A_100 = tpu.sem_alloc : memref<!tpu.dma_semaphore, #tpu.memory_space<semaphore_mem>>
      %dma_start3A = arith.constant 0 : i32
      %dma_start3A_101 = tpu.memref_slice %arg6[%mul3A_73, %dma_start3A] : memref<10240x128xf32, #tpu.memory_space<vmem_shared>> -> memref<640x128xf32, #tpu.memory_space<vmem_shared>>
      tpu.enqueue_dma source(%arg4 : memref<640x128xf32, #tpu.memory_space<hbm>>) target(%dma_start3A_101 : memref<640x128xf32, #tpu.memory_space<vmem_shared>>) target_semaphore(%run_scoped3A_100 : memref<!tpu.dma_semaphore, #tpu.memory_space<semaphore_mem>>)
      %dma_wait3A = arith.constant 0 : i32
      %dma_wait3A_102 = tpu.memref_slice %arg6[%mul3A_73, %dma_wait3A] : memref<10240x128xf32, #tpu.memory_space<vmem_shared>> -> memref<640x128xf32, #tpu.memory_space<vmem_shared>>
      tpu.wait_dma2 semaphore(%run_scoped3A_100 : memref<!tpu.dma_semaphore, #tpu.memory_space<semaphore_mem>>) src(%arg4 : memref<640x128xf32, #tpu.memory_space<hbm>>) dst(%dma_wait3A_102 : memref<640x128xf32, #tpu.memory_space<vmem_shared>>)
      tpu.yield
    }) : () -> ()
    %barrier3A_74 = arith.constant 0 : index
    tpu.barrier barrier_id(%barrier3A_74)
    %gt3A_75 = arith.constant 0 : i32
    %gt3A_76 = arith.cmpi sgt, %select_n3A, %gt3A_75 : i32
    %convert_element_type3A_77 = arith.extui %gt3A_76 : i1 to i32
    %cond3A_78 = arith.constant 0 : i32
    %cond3A_79 = arith.cmpi ne, %convert_element_type3A_77, %cond3A_78 : i32
    scf.if %cond3A_79 {
      %add3A_100 = arith.constant 0 : i32
      %add3A_101 = arith.addi %arg1, %add3A_100 : i32
      %mul3A_102 = arith.constant 128 : i32
      %mul3A_103 = arith.muli %add3A_101, %mul3A_102 : i32
      %add3A_104 = arith.addi %mul3A_0, %mul3A_103 : i32
      %dma_start3A = arith.constant 0 : i32
      %dma_start3A_105 = arith.constant 0 : i32
      %dma_start3A_106 = arith.constant 0 : i32
      %dma_start3A_107 = tpu.memref_slice %arg7[%dma_start3A, %dma_start3A_105, %dma_start3A_106] : memref<2x1x128xi32, #tpu.memory_space<vmem>> -> memref<1x1x128xi32, #tpu.memory_space<vmem>>
      %dma_start3A_108 = tpu.memref_squeeze %dma_start3A_107 : memref<1x1x128xi32, #tpu.memory_space<vmem>> -> memref<128xi32, #tpu.memory_space<vmem>>
      %dma_start3A_109 = tpu.memref_slice %arg3[%add3A_104] : memref<64000xi32, #tpu.memory_space<hbm>> -> memref<128xi32, #tpu.memory_space<hbm>>
      %dma_start3A_110 = arith.constant 0 : i32
      %dma_start3A_111 = tpu.memref_slice %arg7[%dma_start3A, %dma_start3A_105, %dma_start3A_110] : memref<2x1x128xi32, #tpu.memory_space<vmem>> -> memref<1x1x128xi32, #tpu.memory_space<vmem>>
      %dma_start3A_112 = tpu.memref_squeeze %dma_start3A_111 : memref<1x1x128xi32, #tpu.memory_space<vmem>> -> memref<128xi32, #tpu.memory_space<vmem>>
      %dma_start3A_113 = tpu.memref_slice %arg3[%add3A_104] : memref<64000xi32, #tpu.memory_space<hbm>> -> memref<128xi32, #tpu.memory_space<hbm>>
      tpu.enqueue_dma source(%dma_start3A_113 : memref<128xi32, #tpu.memory_space<hbm>>) target(%dma_start3A_112 : memref<128xi32, #tpu.memory_space<vmem>>) target_semaphore(%arg9 : memref<!tpu.dma_semaphore, #tpu.memory_space<semaphore_mem>>)
      %dma_start3A_114 = arith.constant 2 : i32
      %dma_start3A_115 = arith.constant 0 : i32
      %dma_start3A_116 = arith.constant 0 : i32
      %dma_start3A_117 = arith.constant 0 : i32
      %dma_start3A_118 = tpu.memref_slice %arg8[%dma_start3A_115, %dma_start3A_116, %dma_start3A_117] : memref<2x128x128xf32, #tpu.memory_space<vmem>> -> memref<1x128x128xf32, #tpu.memory_space<vmem>>
      %dma_start3A_119 = tpu.memref_squeeze %dma_start3A_118 : memref<1x128x128xf32, #tpu.memory_space<vmem>> -> memref<128x128xf32, #tpu.memory_space<vmem>>
      %dma_start3A_120 = arith.constant 0 : i32
      %dma_start3A_121 = tpu.memref_slice %arg2[%dma_start3A_114, %add3A_104, %dma_start3A_120] : memref<3x64000x128xf32, #tpu.memory_space<hbm>> -> memref<1x128x128xf32, #tpu.memory_space<hbm>>
      %dma_start3A_122 = tpu.memref_squeeze %dma_start3A_121 : memref<1x128x128xf32, #tpu.memory_space<hbm>> -> memref<128x128xf32, #tpu.memory_space<hbm>>
      %dma_start3A_123 = arith.constant 0 : i32
      %dma_start3A_124 = arith.constant 0 : i32
      %dma_start3A_125 = tpu.memref_slice %arg8[%dma_start3A_115, %dma_start3A_123, %dma_start3A_124] : memref<2x128x128xf32, #tpu.memory_space<vmem>> -> memref<1x128x128xf32, #tpu.memory_space<vmem>>
      %dma_start3A_126 = tpu.memref_squeeze %dma_start3A_125 : memref<1x128x128xf32, #tpu.memory_space<vmem>> -> memref<128x128xf32, #tpu.memory_space<vmem>>
      %dma_start3A_127 = arith.constant 0 : i32
      %dma_start3A_128 = tpu.memref_slice %arg2[%dma_start3A_114, %add3A_104, %dma_start3A_127] : memref<3x64000x128xf32, #tpu.memory_space<hbm>> -> memref<1x128x128xf32, #tpu.memory_space<hbm>>
      %dma_start3A_129 = tpu.memref_squeeze %dma_start3A_128 : memref<1x128x128xf32, #tpu.memory_space<hbm>> -> memref<128x128xf32, #tpu.memory_space<hbm>>
      tpu.enqueue_dma source(%dma_start3A_129 : memref<128x128xf32, #tpu.memory_space<hbm>>) target(%dma_start3A_126 : memref<128x128xf32, #tpu.memory_space<vmem>>) target_semaphore(%arg9 : memref<!tpu.dma_semaphore, #tpu.memory_space<semaphore_mem>>)
    } else {
    }
    %scan3A_80 = arith.constant 0 : i32
    %scan3A_81 = arith.constant 0 : i32
    %scan3A_82 = arith.constant 16 : i32
    %scan3A_83 = arith.addi %scan3A_81, %scan3A_82 : i32
    %scan3A_84 = arith.constant 1 : i32
    scf.for %scan3A_100 = %scan3A_81 to %scan3A_83 step %scan3A_84  : i32 {
      %sub3A_101 = arith.constant 1 : i32
      %sub3A_102 = arith.subi %scan3A_100, %sub3A_101 : i32
      %ge3A = arith.constant 0 : i32
      %ge3A_103 = arith.cmpi sge, %sub3A_102, %ge3A : i32
      %lt3A = arith.cmpi slt, %sub3A_102, %select_n3A : i32
      %and3A_104 = arith.andi %ge3A_103, %lt3A : i1
      %convert_element_type3A_105 = arith.extui %and3A_104 : i1 to i32
      %cond3A_106 = arith.constant 0 : i32
      %cond3A_107 = arith.cmpi ne, %convert_element_type3A_105, %cond3A_106 : i32
      scf.if %cond3A_107 {
        %jit3A_122 = arith.constant 2 : i32
        %eq3A = arith.constant 0 : i32
        %eq3A_123 = arith.cmpi eq, %jit3A_122, %eq3A : i32
        %jit3A_124 = arith.constant 1 : i32
        %select_n3A_125 = arith.select %eq3A_123, %jit3A_124, %jit3A_122 : i32
        %rem3A_126 = arith.remsi %sub3A_102, %select_n3A_125 : i32
        %ne3A_127 = arith.constant 0 : i32
        %ne3A_128 = arith.cmpi ne, %rem3A_126, %ne3A_127 : i32
        %lt3A_129 = arith.constant 0 : i32
        %lt3A_130 = arith.cmpi slt, %rem3A_126, %lt3A_129 : i32
        %lt3A_131 = arith.constant 0 : i32
        %lt3A_132 = arith.cmpi slt, %select_n3A_125, %lt3A_131 : i32
        %ne3A_133 = arith.xori %lt3A_130, %lt3A_132 : i1
        %and3A_134 = arith.andi %ne3A_133, %ne3A_128 : i1
        %add3A_135 = arith.addi %rem3A_126, %select_n3A_125 : i32
        %select_n3A_136 = arith.select %and3A_134, %add3A_135, %rem3A_126 : i32
        %dma_wait3A = arith.constant 0 : i32
        %dma_wait3A_137 = arith.constant 0 : i32
        %dma_wait3A_138 = arith.constant 0 : i32
        %dma_wait3A_139 = tpu.memref_slice %arg8[%select_n3A_136, %dma_wait3A_137, %dma_wait3A_138] : memref<2x128x128xf32, #tpu.memory_space<vmem>> -> memref<1x128x128xf32, #tpu.memory_space<vmem>>
        %dma_wait3A_140 = tpu.memref_squeeze %dma_wait3A_139 : memref<1x128x128xf32, #tpu.memory_space<vmem>> -> memref<128x128xf32, #tpu.memory_space<vmem>>
        %dma_wait3A_141 = arith.constant 0 : i32
        %dma_wait3A_142 = tpu.memref_slice %arg7[%select_n3A_136, %dma_wait3A, %dma_wait3A_141] : memref<2x1x128xi32, #tpu.memory_space<vmem>> -> memref<1x1x128xi32, #tpu.memory_space<vmem>>
        %dma_wait3A_143 = tpu.memref_squeeze %dma_wait3A_142 : memref<1x1x128xi32, #tpu.memory_space<vmem>> -> memref<128xi32, #tpu.memory_space<vmem>>
        %dma_wait3A_144 = arith.constant 0 : i32
        %dma_wait3A_145 = arith.constant 0 : i32
        %dma_wait3A_146 = tpu.memref_slice %arg6[%dma_wait3A_144, %dma_wait3A_145] : memref<10240x128xf32, #tpu.memory_space<vmem_shared>> -> memref<10240x128xf32, #tpu.memory_space<vmem_shared>>
        tpu.wait_indirect_dma semaphore(%arg10 : memref<!tpu.dma_semaphore, #tpu.memory_space<semaphore_mem>>) src(%dma_wait3A_140 : memref<128x128xf32, #tpu.memory_space<vmem>>) dst(%dma_wait3A_146 : memref<10240x128xf32, #tpu.memory_space<vmem_shared>>)
      } else {
      }
      %lt3A_108 = arith.cmpi slt, %scan3A_100, %select_n3A : i32
      %convert_element_type3A_109 = arith.extui %lt3A_108 : i1 to i32
      %cond3A_110 = arith.constant 0 : i32
      %cond3A_111 = arith.cmpi ne, %convert_element_type3A_109, %cond3A_110 : i32
      scf.if %cond3A_111 {
        %jit3A_122 = arith.constant 2 : i32
        %eq3A = arith.constant 0 : i32
        %eq3A_123 = arith.cmpi eq, %jit3A_122, %eq3A : i32
        %jit3A_124 = arith.constant 1 : i32
        %select_n3A_125 = arith.select %eq3A_123, %jit3A_124, %jit3A_122 : i32
        %rem3A_126 = arith.remsi %scan3A_100, %select_n3A_125 : i32
        %ne3A_127 = arith.constant 0 : i32
        %ne3A_128 = arith.cmpi ne, %rem3A_126, %ne3A_127 : i32
        %lt3A_129 = arith.constant 0 : i32
        %lt3A_130 = arith.cmpi slt, %rem3A_126, %lt3A_129 : i32
        %lt3A_131 = arith.constant 0 : i32
        %lt3A_132 = arith.cmpi slt, %select_n3A_125, %lt3A_131 : i32
        %ne3A_133 = arith.xori %lt3A_130, %lt3A_132 : i1
        %and3A_134 = arith.andi %ne3A_133, %ne3A_128 : i1
        %add3A_135 = arith.addi %rem3A_126, %select_n3A_125 : i32
        %select_n3A_136 = arith.select %and3A_134, %add3A_135, %rem3A_126 : i32
        %dma_wait3A = arith.constant 0 : i32
        %dma_wait3A_137 = arith.constant 0 : i32
        %dma_wait3A_138 = tpu.memref_slice %arg7[%select_n3A_136, %dma_wait3A, %dma_wait3A_137] : memref<2x1x128xi32, #tpu.memory_space<vmem>> -> memref<1x1x128xi32, #tpu.memory_space<vmem>>
        %dma_wait3A_139 = tpu.memref_squeeze %dma_wait3A_138 : memref<1x1x128xi32, #tpu.memory_space<vmem>> -> memref<128xi32, #tpu.memory_space<vmem>>
        %dma_wait3A_140 = arith.constant 0 : i32
        %dma_wait3A_141 = tpu.memref_slice %arg3[%dma_wait3A_140] : memref<64000xi32, #tpu.memory_space<hbm>> -> memref<128xi32, #tpu.memory_space<hbm>>
        %dma_wait3A_142 = arith.constant 0 : i32
        %dma_wait3A_143 = tpu.memref_slice %arg7[%select_n3A_136, %dma_wait3A, %dma_wait3A_142] : memref<2x1x128xi32, #tpu.memory_space<vmem>> -> memref<1x1x128xi32, #tpu.memory_space<vmem>>
        %dma_wait3A_144 = tpu.memref_squeeze %dma_wait3A_143 : memref<1x1x128xi32, #tpu.memory_space<vmem>> -> memref<128xi32, #tpu.memory_space<vmem>>
        %dma_wait3A_145 = arith.constant 0 : i32
        %dma_wait3A_146 = tpu.memref_slice %arg3[%dma_wait3A_145] : memref<64000xi32, #tpu.memory_space<hbm>> -> memref<128xi32, #tpu.memory_space<hbm>>
        tpu.wait_dma2 semaphore(%arg9 : memref<!tpu.dma_semaphore, #tpu.memory_space<semaphore_mem>>) src(%dma_wait3A_146 : memref<128xi32, #tpu.memory_space<hbm>>) dst(%dma_wait3A_144 : memref<128xi32, #tpu.memory_space<vmem>>)
        %dma_wait3A_147 = arith.constant 0 : i32
        %dma_wait3A_148 = arith.constant 0 : i32
        %dma_wait3A_149 = arith.constant 0 : i32
        %dma_wait3A_150 = tpu.memref_slice %arg8[%select_n3A_136, %dma_wait3A_148, %dma_wait3A_149] : memref<2x128x128xf32, #tpu.memory_space<vmem>> -> memref<1x128x128xf32, #tpu.memory_space<vmem>>
        %dma_wait3A_151 = tpu.memref_squeeze %dma_wait3A_150 : memref<1x128x128xf32, #tpu.memory_space<vmem>> -> memref<128x128xf32, #tpu.memory_space<vmem>>
        %dma_wait3A_152 = arith.constant 0 : i32
        %dma_wait3A_153 = arith.constant 0 : i32
        %dma_wait3A_154 = tpu.memref_slice %arg2[%dma_wait3A_147, %dma_wait3A_152, %dma_wait3A_153] : memref<3x64000x128xf32, #tpu.memory_space<hbm>> -> memref<1x128x128xf32, #tpu.memory_space<hbm>>
        %dma_wait3A_155 = tpu.memref_squeeze %dma_wait3A_154 : memref<1x128x128xf32, #tpu.memory_space<hbm>> -> memref<128x128xf32, #tpu.memory_space<hbm>>
        %dma_wait3A_156 = arith.constant 0 : i32
        %dma_wait3A_157 = arith.constant 0 : i32
        %dma_wait3A_158 = tpu.memref_slice %arg8[%select_n3A_136, %dma_wait3A_156, %dma_wait3A_157] : memref<2x128x128xf32, #tpu.memory_space<vmem>> -> memref<1x128x128xf32, #tpu.memory_space<vmem>>
        %dma_wait3A_159 = tpu.memref_squeeze %dma_wait3A_158 : memref<1x128x128xf32, #tpu.memory_space<vmem>> -> memref<128x128xf32, #tpu.memory_space<vmem>>
        %dma_wait3A_160 = arith.constant 0 : i32
        %dma_wait3A_161 = arith.constant 0 : i32
        %dma_wait3A_162 = tpu.memref_slice %arg2[%dma_wait3A_147, %dma_wait3A_160, %dma_wait3A_161] : memref<3x64000x128xf32, #tpu.memory_space<hbm>> -> memref<1x128x128xf32, #tpu.memory_space<hbm>>
        %dma_wait3A_163 = tpu.memref_squeeze %dma_wait3A_162 : memref<1x128x128xf32, #tpu.memory_space<hbm>> -> memref<128x128xf32, #tpu.memory_space<hbm>>
        tpu.wait_dma2 semaphore(%arg9 : memref<!tpu.dma_semaphore, #tpu.memory_space<semaphore_mem>>) src(%dma_wait3A_163 : memref<128x128xf32, #tpu.memory_space<hbm>>) dst(%dma_wait3A_159 : memref<128x128xf32, #tpu.memory_space<vmem>>)
      } else {
      }
      %lt3A_112 = arith.cmpi slt, %scan3A_100, %select_n3A : i32
      %convert_element_type3A_113 = arith.extui %lt3A_112 : i1 to i32
      %cond3A_114 = arith.constant 0 : i32
      %cond3A_115 = arith.cmpi ne, %convert_element_type3A_113, %cond3A_114 : i32
      scf.if %cond3A_115 {
        %jit3A_122 = arith.constant 2 : i32
        %eq3A = arith.constant 0 : i32
        %eq3A_123 = arith.cmpi eq, %jit3A_122, %eq3A : i32
        %jit3A_124 = arith.constant 1 : i32
        %select_n3A_125 = arith.select %eq3A_123, %jit3A_124, %jit3A_122 : i32
        %rem3A_126 = arith.remsi %scan3A_100, %select_n3A_125 : i32
        %ne3A_127 = arith.constant 0 : i32
        %ne3A_128 = arith.cmpi ne, %rem3A_126, %ne3A_127 : i32
        %lt3A_129 = arith.constant 0 : i32
        %lt3A_130 = arith.cmpi slt, %rem3A_126, %lt3A_129 : i32
        %lt3A_131 = arith.constant 0 : i32
        %lt3A_132 = arith.cmpi slt, %select_n3A_125, %lt3A_131 : i32
        %ne3A_133 = arith.xori %lt3A_130, %lt3A_132 : i1
        %and3A_134 = arith.andi %ne3A_133, %ne3A_128 : i1
        %add3A_135 = arith.addi %rem3A_126, %select_n3A_125 : i32
        %select_n3A_136 = arith.select %and3A_134, %add3A_135, %rem3A_126 : i32
        %dma_start3A = arith.constant 0 : i32
        %dma_start3A_137 = arith.constant 0 : i32
        %dma_start3A_138 = arith.constant 0 : i32
        %dma_start3A_139 = tpu.memref_slice %arg8[%select_n3A_136, %dma_start3A_137, %dma_start3A_138] : memref<2x128x128xf32, #tpu.memory_space<vmem>> -> memref<1x128x128xf32, #tpu.memory_space<vmem>>
        %dma_start3A_140 = tpu.memref_squeeze %dma_start3A_139 : memref<1x128x128xf32, #tpu.memory_space<vmem>> -> memref<128x128xf32, #tpu.memory_space<vmem>>
        %dma_start3A_141 = arith.constant 0 : i32
        %dma_start3A_142 = tpu.memref_slice %arg7[%select_n3A_136, %dma_start3A, %dma_start3A_141] : memref<2x1x128xi32, #tpu.memory_space<vmem>> -> memref<1x1x128xi32, #tpu.memory_space<vmem>>
        %dma_start3A_143 = tpu.memref_squeeze %dma_start3A_142 : memref<1x1x128xi32, #tpu.memory_space<vmem>> -> memref<128xi32, #tpu.memory_space<vmem>>
        %dma_start3A_144 = arith.constant 0 : i32
        %dma_start3A_145 = arith.constant 0 : i32
        %dma_start3A_146 = tpu.memref_slice %arg6[%dma_start3A_144, %dma_start3A_145] : memref<10240x128xf32, #tpu.memory_space<vmem_shared>> -> memref<10240x128xf32, #tpu.memory_space<vmem_shared>>
        tpu.enqueue_indirect_dma source(%dma_start3A_140 : memref<128x128xf32, #tpu.memory_space<vmem>>) target(%dma_start3A_146 : memref<10240x128xf32, #tpu.memory_space<vmem_shared>>) offsets(%dma_start3A_143 : memref<128xi32, #tpu.memory_space<vmem>>) semaphore(%arg10 : memref<!tpu.dma_semaphore, #tpu.memory_space<semaphore_mem>>) {add = true}
      } else {
      }
      %add3A_116 = arith.constant 1 : i32
      %add3A_117 = arith.addi %scan3A_100, %add3A_116 : i32
      %lt3A_118 = arith.cmpi slt, %add3A_117, %select_n3A : i32
      %convert_element_type3A_119 = arith.extui %lt3A_118 : i1 to i32
      %cond3A_120 = arith.constant 0 : i32
      %cond3A_121 = arith.cmpi ne, %convert_element_type3A_119, %cond3A_120 : i32
      scf.if %cond3A_121 {
        %jit3A_122 = arith.constant 2 : i32
        %eq3A = arith.constant 0 : i32
        %eq3A_123 = arith.cmpi eq, %jit3A_122, %eq3A : i32
        %jit3A_124 = arith.constant 1 : i32
        %select_n3A_125 = arith.select %eq3A_123, %jit3A_124, %jit3A_122 : i32
        %rem3A_126 = arith.remsi %add3A_117, %select_n3A_125 : i32
        %ne3A_127 = arith.constant 0 : i32
        %ne3A_128 = arith.cmpi ne, %rem3A_126, %ne3A_127 : i32
        %lt3A_129 = arith.constant 0 : i32
        %lt3A_130 = arith.cmpi slt, %rem3A_126, %lt3A_129 : i32
        %lt3A_131 = arith.constant 0 : i32
        %lt3A_132 = arith.cmpi slt, %select_n3A_125, %lt3A_131 : i32
        %ne3A_133 = arith.xori %lt3A_130, %lt3A_132 : i1
        %and3A_134 = arith.andi %ne3A_133, %ne3A_128 : i1
        %add3A_135 = arith.addi %rem3A_126, %select_n3A_125 : i32
        %select_n3A_136 = arith.select %and3A_134, %add3A_135, %rem3A_126 : i32
        %mul3A_137 = arith.constant 16 : i32
        %mul3A_138 = arith.muli %add3A_117, %mul3A_137 : i32
        %add3A_139 = arith.addi %arg1, %mul3A_138 : i32
        %mul3A_140 = arith.constant 128 : i32
        %mul3A_141 = arith.muli %add3A_139, %mul3A_140 : i32
        %add3A_142 = arith.addi %mul3A_0, %mul3A_141 : i32
        %dma_start3A = arith.constant 0 : i32
        %dma_start3A_143 = arith.constant 0 : i32
        %dma_start3A_144 = tpu.memref_slice %arg7[%select_n3A_136, %dma_start3A, %dma_start3A_143] : memref<2x1x128xi32, #tpu.memory_space<vmem>> -> memref<1x1x128xi32, #tpu.memory_space<vmem>>
        %dma_start3A_145 = tpu.memref_squeeze %dma_start3A_144 : memref<1x1x128xi32, #tpu.memory_space<vmem>> -> memref<128xi32, #tpu.memory_space<vmem>>
        %dma_start3A_146 = tpu.memref_slice %arg3[%add3A_142] : memref<64000xi32, #tpu.memory_space<hbm>> -> memref<128xi32, #tpu.memory_space<hbm>>
        %dma_start3A_147 = arith.constant 0 : i32
        %dma_start3A_148 = tpu.memref_slice %arg7[%select_n3A_136, %dma_start3A, %dma_start3A_147] : memref<2x1x128xi32, #tpu.memory_space<vmem>> -> memref<1x1x128xi32, #tpu.memory_space<vmem>>
        %dma_start3A_149 = tpu.memref_squeeze %dma_start3A_148 : memref<1x1x128xi32, #tpu.memory_space<vmem>> -> memref<128xi32, #tpu.memory_space<vmem>>
        %dma_start3A_150 = tpu.memref_slice %arg3[%add3A_142] : memref<64000xi32, #tpu.memory_space<hbm>> -> memref<128xi32, #tpu.memory_space<hbm>>
        tpu.enqueue_dma source(%dma_start3A_150 : memref<128xi32, #tpu.memory_space<hbm>>) target(%dma_start3A_149 : memref<128xi32, #tpu.memory_space<vmem>>) target_semaphore(%arg9 : memref<!tpu.dma_semaphore, #tpu.memory_space<semaphore_mem>>)
        %dma_start3A_151 = arith.constant 2 : i32
        %dma_start3A_152 = arith.constant 0 : i32
        %dma_start3A_153 = arith.constant 0 : i32
        %dma_start3A_154 = tpu.memref_slice %arg8[%select_n3A_136, %dma_start3A_152, %dma_start3A_153] : memref<2x128x128xf32, #tpu.memory_space<vmem>> -> memref<1x128x128xf32, #tpu.memory_space<vmem>>
        %dma_start3A_155 = tpu.memref_squeeze %dma_start3A_154 : memref<1x128x128xf32, #tpu.memory_space<vmem>> -> memref<128x128xf32, #tpu.memory_space<vmem>>
        %dma_start3A_156 = arith.constant 0 : i32
        %dma_start3A_157 = tpu.memref_slice %arg2[%dma_start3A_151, %add3A_142, %dma_start3A_156] : memref<3x64000x128xf32, #tpu.memory_space<hbm>> -> memref<1x128x128xf32, #tpu.memory_space<hbm>>
        %dma_start3A_158 = tpu.memref_squeeze %dma_start3A_157 : memref<1x128x128xf32, #tpu.memory_space<hbm>> -> memref<128x128xf32, #tpu.memory_space<hbm>>
        %dma_start3A_159 = arith.constant 0 : i32
        %dma_start3A_160 = arith.constant 0 : i32
        %dma_start3A_161 = tpu.memref_slice %arg8[%select_n3A_136, %dma_start3A_159, %dma_start3A_160] : memref<2x128x128xf32, #tpu.memory_space<vmem>> -> memref<1x128x128xf32, #tpu.memory_space<vmem>>
        %dma_start3A_162 = tpu.memref_squeeze %dma_start3A_161 : memref<1x128x128xf32, #tpu.memory_space<vmem>> -> memref<128x128xf32, #tpu.memory_space<vmem>>
        %dma_start3A_163 = arith.constant 0 : i32
        %dma_start3A_164 = tpu.memref_slice %arg2[%dma_start3A_151, %add3A_142, %dma_start3A_163] : memref<3x64000x128xf32, #tpu.memory_space<hbm>> -> memref<1x128x128xf32, #tpu.memory_space<hbm>>
        %dma_start3A_165 = tpu.memref_squeeze %dma_start3A_164 : memref<1x128x128xf32, #tpu.memory_space<hbm>> -> memref<128x128xf32, #tpu.memory_space<hbm>>
        tpu.enqueue_dma source(%dma_start3A_165 : memref<128x128xf32, #tpu.memory_space<hbm>>) target(%dma_start3A_162 : memref<128x128xf32, #tpu.memory_space<vmem>>) target_semaphore(%arg9 : memref<!tpu.dma_semaphore, #tpu.memory_space<semaphore_mem>>)
      } else {
      }
    }
    %scan3A_85 = arith.constant 16 : i32
    %gt3A_86 = arith.constant 15 : i32
    %gt3A_87 = arith.cmpi sgt, %select_n3A, %gt3A_86 : i32
    %and3A_88 = arith.constant true
    %and3A_89 = arith.andi %and3A_88, %gt3A_87 : i1
    %convert_element_type3A_90 = arith.extui %and3A_89 : i1 to i32
    %cond3A_91 = arith.constant 0 : i32
    %cond3A_92 = arith.cmpi ne, %convert_element_type3A_90, %cond3A_91 : i32
    scf.if %cond3A_92 {
      %dma_wait3A = arith.constant 1 : i32
      %dma_wait3A_100 = arith.constant 1 : i32
      %dma_wait3A_101 = arith.constant 0 : i32
      %dma_wait3A_102 = arith.constant 0 : i32
      %dma_wait3A_103 = arith.constant 0 : i32
      %dma_wait3A_104 = tpu.memref_slice %arg8[%dma_wait3A, %dma_wait3A_102, %dma_wait3A_103] : memref<2x128x128xf32, #tpu.memory_space<vmem>> -> memref<1x128x128xf32, #tpu.memory_space<vmem>>
      %dma_wait3A_105 = tpu.memref_squeeze %dma_wait3A_104 : memref<1x128x128xf32, #tpu.memory_space<vmem>> -> memref<128x128xf32, #tpu.memory_space<vmem>>
      %dma_wait3A_106 = arith.constant 0 : i32
      %dma_wait3A_107 = tpu.memref_slice %arg7[%dma_wait3A_100, %dma_wait3A_101, %dma_wait3A_106] : memref<2x1x128xi32, #tpu.memory_space<vmem>> -> memref<1x1x128xi32, #tpu.memory_space<vmem>>
      %dma_wait3A_108 = tpu.memref_squeeze %dma_wait3A_107 : memref<1x1x128xi32, #tpu.memory_space<vmem>> -> memref<128xi32, #tpu.memory_space<vmem>>
      %dma_wait3A_109 = arith.constant 0 : i32
      %dma_wait3A_110 = arith.constant 0 : i32
      %dma_wait3A_111 = tpu.memref_slice %arg6[%dma_wait3A_109, %dma_wait3A_110] : memref<10240x128xf32, #tpu.memory_space<vmem_shared>> -> memref<10240x128xf32, #tpu.memory_space<vmem_shared>>
      tpu.wait_indirect_dma semaphore(%arg10 : memref<!tpu.dma_semaphore, #tpu.memory_space<semaphore_mem>>) src(%dma_wait3A_105 : memref<128x128xf32, #tpu.memory_space<vmem>>) dst(%dma_wait3A_111 : memref<10240x128xf32, #tpu.memory_space<vmem_shared>>)
    } else {
    }
    %barrier3A_93 = arith.constant 0 : index
    tpu.barrier barrier_id(%barrier3A_93)
    %mul3A_94 = arith.constant 640 : i32
    %mul3A_95 = arith.muli %arg1, %mul3A_94 : i32
    %mul3A_96 = arith.constant 640 : i32
    %mul3A_97 = arith.muli %arg1, %mul3A_96 : i32
    %run_scoped3A_98 = arith.constant 2 : i32
    "tpu.region"() ({
      %run_scoped3A_100 = tpu.sem_alloc : memref<!tpu.dma_semaphore, #tpu.memory_space<semaphore_mem>>
      %dma_start3A = arith.constant 0 : i32
      %dma_start3A_101 = tpu.memref_slice %arg5[%arg0, %run_scoped3A_98, %mul3A_97, %dma_start3A] : memref<2x3x10240x128xf32, #tpu.memory_space<hbm>> -> memref<1x1x640x128xf32, #tpu.memory_space<hbm>>
      %dma_start3A_102 = tpu.memref_squeeze %dma_start3A_101 : memref<1x1x640x128xf32, #tpu.memory_space<hbm>> -> memref<640x128xf32, #tpu.memory_space<hbm>>
      %dma_start3A_103 = arith.constant 0 : i32
      %dma_start3A_104 = tpu.memref_slice %arg6[%mul3A_95, %dma_start3A_103] : memref<10240x128xf32, #tpu.memory_space<vmem_shared>> -> memref<640x128xf32, #tpu.memory_space<vmem_shared>>
      tpu.enqueue_dma source(%dma_start3A_104 : memref<640x128xf32, #tpu.memory_space<vmem_shared>>) target(%dma_start3A_102 : memref<640x128xf32, #tpu.memory_space<hbm>>) target_semaphore(%run_scoped3A_100 : memref<!tpu.dma_semaphore, #tpu.memory_space<semaphore_mem>>)
      %dma_wait3A = arith.constant 0 : i32
      %dma_wait3A_105 = tpu.memref_slice %arg5[%arg0, %run_scoped3A_98, %mul3A_97, %dma_wait3A] : memref<2x3x10240x128xf32, #tpu.memory_space<hbm>> -> memref<1x1x640x128xf32, #tpu.memory_space<hbm>>
      %dma_wait3A_106 = tpu.memref_squeeze %dma_wait3A_105 : memref<1x1x640x128xf32, #tpu.memory_space<hbm>> -> memref<640x128xf32, #tpu.memory_space<hbm>>
      %dma_wait3A_107 = arith.constant 0 : i32
      %dma_wait3A_108 = tpu.memref_slice %arg6[%mul3A_95, %dma_wait3A_107] : memref<10240x128xf32, #tpu.memory_space<vmem_shared>> -> memref<640x128xf32, #tpu.memory_space<vmem_shared>>
      tpu.wait_dma2 semaphore(%run_scoped3A_100 : memref<!tpu.dma_semaphore, #tpu.memory_space<semaphore_mem>>) src(%dma_wait3A_108 : memref<640x128xf32, #tpu.memory_space<vmem_shared>>) dst(%dma_wait3A_106 : memref<640x128xf32, #tpu.memory_space<hbm>>)
      tpu.yield
    }) : () -> ()
    %barrier3A_99 = arith.constant 0 : index
    tpu.barrier barrier_id(%barrier3A_99)
    return
  }
}

#map = affine_map<(d0, d1) -> (0, 0, 0)>
#map1 = affine_map<(d0, d1) -> (0)>
#map2 = affine_map<(d0, d1) -> (0, 0)>
#map3 = affine_map<(d0, d1) -> (0, 0, 0, 0)>
module attributes {stable_mosaic.version = 14 : i64} {
  func.func @k(%arg0: i32, %arg1: i32, %arg2: memref<3x96000x128xf32, #tpu.memory_space<hbm>>, %arg3: memref<96000xi32, #tpu.memory_space<hbm>>, %arg4: memref<640x128xf32, #tpu.memory_space<hbm>>, %arg5: memref<2x3x10240x128xf32, #tpu.memory_space<hbm>>, %arg6: memref<10240x128xf32, #tpu.memory_space<vmem_shared>>, %arg7: memref<2x1x128xi32, #tpu.memory_space<vmem>>, %arg8: memref<2x128x128xf32, #tpu.memory_space<vmem>>, %arg9: memref<!tpu.dma_semaphore, #tpu.memory_space<semaphore_mem>>, %arg10: memref<!tpu.dma_semaphore, #tpu.memory_space<semaphore_mem>>) attributes {dimension_semantics = [#tpu.dimension_semantics<core_parallel>, #tpu.dimension_semantics<subcore_parallel>], iteration_bounds = array<i64: 2, 16>, scalar_prefetch = 0 : i64, scratch_operands = 5 : i64, tpu.core_type = #tpu.core_type<sc_vector_subcore>, window_params = [{transform_indices = #map}, {transform_indices = #map1}, {transform_indices = #map2}, {transform_indices = #map3}]} {
    %mul3A = arith.constant 48000 : i32
    %mul3A_0 = arith.muli %arg0, %mul3A : i32
    %sub3A = arith.constant 375 : i32
    %sub3A_1 = arith.subi %sub3A, %arg1 : i32
    %add3A = arith.constant 16 : i32
    %add3A_2 = arith.addi %sub3A_1, %add3A : i32
    %sub3A_3 = arith.constant 1 : i32
    %sub3A_4 = arith.subi %add3A_2, %sub3A_3 : i32
    %jit3A = arith.constant 16 : i32
    %div3A = arith.divsi %sub3A_4, %jit3A : i32
    %sign3A = arith.constant 0 : i32
    %sign3A_5 = arith.cmpi sgt, %sub3A_4, %sign3A : i32
    %sign3A_6 = arith.extui %sign3A_5 : i1 to i32
    %sign3A_7 = arith.constant 0 : i32
    %sign3A_8 = arith.cmpi slt, %sub3A_4, %sign3A_7 : i32
    %sign3A_9 = arith.extui %sign3A_8 : i1 to i32
    %sign3A_10 = arith.subi %sign3A_6, %sign3A_9 : i32
    %sign3A_11 = arith.constant 0 : i32
    %sign3A_12 = arith.cmpi sgt, %jit3A, %sign3A_11 : i32
    %sign3A_13 = arith.extui %sign3A_12 : i1 to i32
    %sign3A_14 = arith.constant 0 : i32
    %sign3A_15 = arith.cmpi slt, %jit3A, %sign3A_14 : i32
    %sign3A_16 = arith.extui %sign3A_15 : i1 to i32
    %sign3A_17 = arith.subi %sign3A_13, %sign3A_16 : i32
    %ne3A = arith.cmpi ne, %sign3A_10, %sign3A_17 : i32
    %rem3A = arith.remsi %sub3A_4, %jit3A : i32
    %ne3A_18 = arith.constant 0 : i32
    %ne3A_19 = arith.cmpi ne, %rem3A, %ne3A_18 : i32
    %and3A = arith.andi %ne3A, %ne3A_19 : i1
    %sub3A_20 = arith.constant 1 : i32
    %sub3A_21 = arith.subi %div3A, %sub3A_20 : i32
    %select_n3A = arith.select %and3A, %sub3A_21, %div3A : i32
    %mul3A_22 = arith.constant 640 : i32
    %mul3A_23 = arith.muli %arg1, %mul3A_22 : i32
    "tpu.region"() ({
      %run_scoped3A_100 = tpu.sem_alloc : memref<!tpu.dma_semaphore, #tpu.memory_space<semaphore_mem>>
      %dma_start3A = arith.constant 0 : i32
      %dma_start3A_101 = tpu.memref_slice %arg6[%mul3A_23, %dma_start3A] : memref<10240x128xf32, #tpu.memory_space<vmem_shared>> -> memref<640x128xf32, #tpu.memory_space<vmem_shared>>
      tpu.enqueue_dma source(%arg4 : memref<640x128xf32, #tpu.memory_space<hbm>>) target(%dma_start3A_101 : memref<640x128xf32, #tpu.memory_space<vmem_shared>>) target_semaphore(%run_scoped3A_100 : memref<!tpu.dma_semaphore, #tpu.memory_space<semaphore_mem>>)
      %dma_wait3A = arith.constant 0 : i32
      %dma_wait3A_102 = tpu.memref_slice %arg6[%mul3A_23, %dma_wait3A] : memref<10240x128xf32, #tpu.memory_space<vmem_shared>> -> memref<640x128xf32, #tpu.memory_space<vmem_shared>>
      tpu.wait_dma2 semaphore(%run_scoped3A_100 : memref<!tpu.dma_semaphore, #tpu.memory_space<semaphore_mem>>) src(%arg4 : memref<640x128xf32, #tpu.memory_space<hbm>>) dst(%dma_wait3A_102 : memref<640x128xf32, #tpu.memory_space<vmem_shared>>)
      tpu.yield
    }) : () -> ()
    %barrier3A = arith.constant 0 : index
    tpu.barrier barrier_id(%barrier3A)
    %gt3A = arith.constant 0 : i32
    %gt3A_24 = arith.cmpi sgt, %select_n3A, %gt3A : i32
    %convert_element_type3A = arith.extui %gt3A_24 : i1 to i32
    %cond3A = arith.constant 0 : i32
    %cond3A_25 = arith.cmpi ne, %convert_element_type3A, %cond3A : i32
    scf.if %cond3A_25 {
      %add3A_100 = arith.constant 0 : i32
      %add3A_101 = arith.addi %arg1, %add3A_100 : i32
      %mul3A_102 = arith.constant 128 : i32
      %mul3A_103 = arith.muli %add3A_101, %mul3A_102 : i32
      %add3A_104 = arith.addi %mul3A_0, %mul3A_103 : i32
      %dma_start3A = arith.constant 0 : i32
      %dma_start3A_105 = arith.constant 0 : i32
      %dma_start3A_106 = arith.constant 0 : i32
      %dma_start3A_107 = tpu.memref_slice %arg7[%dma_start3A, %dma_start3A_105, %dma_start3A_106] : memref<2x1x128xi32, #tpu.memory_space<vmem>> -> memref<1x1x128xi32, #tpu.memory_space<vmem>>
      %dma_start3A_108 = tpu.memref_squeeze %dma_start3A_107 : memref<1x1x128xi32, #tpu.memory_space<vmem>> -> memref<128xi32, #tpu.memory_space<vmem>>
      %dma_start3A_109 = tpu.memref_slice %arg3[%add3A_104] : memref<96000xi32, #tpu.memory_space<hbm>> -> memref<128xi32, #tpu.memory_space<hbm>>
      %dma_start3A_110 = arith.constant 0 : i32
      %dma_start3A_111 = tpu.memref_slice %arg7[%dma_start3A, %dma_start3A_105, %dma_start3A_110] : memref<2x1x128xi32, #tpu.memory_space<vmem>> -> memref<1x1x128xi32, #tpu.memory_space<vmem>>
      %dma_start3A_112 = tpu.memref_squeeze %dma_start3A_111 : memref<1x1x128xi32, #tpu.memory_space<vmem>> -> memref<128xi32, #tpu.memory_space<vmem>>
      %dma_start3A_113 = tpu.memref_slice %arg3[%add3A_104] : memref<96000xi32, #tpu.memory_space<hbm>> -> memref<128xi32, #tpu.memory_space<hbm>>
      tpu.enqueue_dma source(%dma_start3A_113 : memref<128xi32, #tpu.memory_space<hbm>>) target(%dma_start3A_112 : memref<128xi32, #tpu.memory_space<vmem>>) target_semaphore(%arg9 : memref<!tpu.dma_semaphore, #tpu.memory_space<semaphore_mem>>)
      %dma_start3A_114 = arith.constant 0 : i32
      %dma_start3A_115 = arith.constant 0 : i32
      %dma_start3A_116 = arith.constant 0 : i32
      %dma_start3A_117 = arith.constant 0 : i32
      %dma_start3A_118 = tpu.memref_slice %arg8[%dma_start3A_115, %dma_start3A_116, %dma_start3A_117] : memref<2x128x128xf32, #tpu.memory_space<vmem>> -> memref<1x128x128xf32, #tpu.memory_space<vmem>>
      %dma_start3A_119 = tpu.memref_squeeze %dma_start3A_118 : memref<1x128x128xf32, #tpu.memory_space<vmem>> -> memref<128x128xf32, #tpu.memory_space<vmem>>
      %dma_start3A_120 = arith.constant 0 : i32
      %dma_start3A_121 = tpu.memref_slice %arg2[%dma_start3A_114, %add3A_104, %dma_start3A_120] : memref<3x96000x128xf32, #tpu.memory_space<hbm>> -> memref<1x128x128xf32, #tpu.memory_space<hbm>>
      %dma_start3A_122 = tpu.memref_squeeze %dma_start3A_121 : memref<1x128x128xf32, #tpu.memory_space<hbm>> -> memref<128x128xf32, #tpu.memory_space<hbm>>
      %dma_start3A_123 = arith.constant 0 : i32
      %dma_start3A_124 = arith.constant 0 : i32
      %dma_start3A_125 = tpu.memref_slice %arg8[%dma_start3A_115, %dma_start3A_123, %dma_start3A_124] : memref<2x128x128xf32, #tpu.memory_space<vmem>> -> memref<1x128x128xf32, #tpu.memory_space<vmem>>
      %dma_start3A_126 = tpu.memref_squeeze %dma_start3A_125 : memref<1x128x128xf32, #tpu.memory_space<vmem>> -> memref<128x128xf32, #tpu.memory_space<vmem>>
      %dma_start3A_127 = arith.constant 0 : i32
      %dma_start3A_128 = tpu.memref_slice %arg2[%dma_start3A_114, %add3A_104, %dma_start3A_127] : memref<3x96000x128xf32, #tpu.memory_space<hbm>> -> memref<1x128x128xf32, #tpu.memory_space<hbm>>
      %dma_start3A_129 = tpu.memref_squeeze %dma_start3A_128 : memref<1x128x128xf32, #tpu.memory_space<hbm>> -> memref<128x128xf32, #tpu.memory_space<hbm>>
      tpu.enqueue_dma source(%dma_start3A_129 : memref<128x128xf32, #tpu.memory_space<hbm>>) target(%dma_start3A_126 : memref<128x128xf32, #tpu.memory_space<vmem>>) target_semaphore(%arg9 : memref<!tpu.dma_semaphore, #tpu.memory_space<semaphore_mem>>)
    } else {
    }
    %scan3A = arith.constant 0 : i32
    %scan3A_26 = arith.constant 0 : i32
    %scan3A_27 = arith.constant 24 : i32
    %scan3A_28 = arith.addi %scan3A_26, %scan3A_27 : i32
    %scan3A_29 = arith.constant 1 : i32
    scf.for %scan3A_100 = %scan3A_26 to %scan3A_28 step %scan3A_29  : i32 {
      %sub3A_101 = arith.constant 1 : i32
      %sub3A_102 = arith.subi %scan3A_100, %sub3A_101 : i32
      %ge3A = arith.constant 0 : i32
      %ge3A_103 = arith.cmpi sge, %sub3A_102, %ge3A : i32
      %lt3A = arith.cmpi slt, %sub3A_102, %select_n3A : i32
      %and3A_104 = arith.andi %ge3A_103, %lt3A : i1
      %convert_element_type3A_105 = arith.extui %and3A_104 : i1 to i32
      %cond3A_106 = arith.constant 0 : i32
      %cond3A_107 = arith.cmpi ne, %convert_element_type3A_105, %cond3A_106 : i32
      scf.if %cond3A_107 {
        %jit3A_122 = arith.constant 2 : i32
        %eq3A = arith.constant 0 : i32
        %eq3A_123 = arith.cmpi eq, %jit3A_122, %eq3A : i32
        %jit3A_124 = arith.constant 1 : i32
        %select_n3A_125 = arith.select %eq3A_123, %jit3A_124, %jit3A_122 : i32
        %rem3A_126 = arith.remsi %sub3A_102, %select_n3A_125 : i32
        %ne3A_127 = arith.constant 0 : i32
        %ne3A_128 = arith.cmpi ne, %rem3A_126, %ne3A_127 : i32
        %lt3A_129 = arith.constant 0 : i32
        %lt3A_130 = arith.cmpi slt, %rem3A_126, %lt3A_129 : i32
        %lt3A_131 = arith.constant 0 : i32
        %lt3A_132 = arith.cmpi slt, %select_n3A_125, %lt3A_131 : i32
        %ne3A_133 = arith.xori %lt3A_130, %lt3A_132 : i1
        %and3A_134 = arith.andi %ne3A_133, %ne3A_128 : i1
        %add3A_135 = arith.addi %rem3A_126, %select_n3A_125 : i32
        %select_n3A_136 = arith.select %and3A_134, %add3A_135, %rem3A_126 : i32
        %dma_wait3A = arith.constant 0 : i32
        %dma_wait3A_137 = arith.constant 0 : i32
        %dma_wait3A_138 = arith.constant 0 : i32
        %dma_wait3A_139 = tpu.memref_slice %arg8[%select_n3A_136, %dma_wait3A_137, %dma_wait3A_138] : memref<2x128x128xf32, #tpu.memory_space<vmem>> -> memref<1x128x128xf32, #tpu.memory_space<vmem>>
        %dma_wait3A_140 = tpu.memref_squeeze %dma_wait3A_139 : memref<1x128x128xf32, #tpu.memory_space<vmem>> -> memref<128x128xf32, #tpu.memory_space<vmem>>
        %dma_wait3A_141 = arith.constant 0 : i32
        %dma_wait3A_142 = tpu.memref_slice %arg7[%select_n3A_136, %dma_wait3A, %dma_wait3A_141] : memref<2x1x128xi32, #tpu.memory_space<vmem>> -> memref<1x1x128xi32, #tpu.memory_space<vmem>>
        %dma_wait3A_143 = tpu.memref_squeeze %dma_wait3A_142 : memref<1x1x128xi32, #tpu.memory_space<vmem>> -> memref<128xi32, #tpu.memory_space<vmem>>
        %dma_wait3A_144 = arith.constant 0 : i32
        %dma_wait3A_145 = arith.constant 0 : i32
        %dma_wait3A_146 = tpu.memref_slice %arg6[%dma_wait3A_144, %dma_wait3A_145] : memref<10240x128xf32, #tpu.memory_space<vmem_shared>> -> memref<10240x128xf32, #tpu.memory_space<vmem_shared>>
        tpu.wait_indirect_dma semaphore(%arg10 : memref<!tpu.dma_semaphore, #tpu.memory_space<semaphore_mem>>) src(%dma_wait3A_140 : memref<128x128xf32, #tpu.memory_space<vmem>>) dst(%dma_wait3A_146 : memref<10240x128xf32, #tpu.memory_space<vmem_shared>>)
      } else {
      }
      %lt3A_108 = arith.cmpi slt, %scan3A_100, %select_n3A : i32
      %convert_element_type3A_109 = arith.extui %lt3A_108 : i1 to i32
      %cond3A_110 = arith.constant 0 : i32
      %cond3A_111 = arith.cmpi ne, %convert_element_type3A_109, %cond3A_110 : i32
      scf.if %cond3A_111 {
        %jit3A_122 = arith.constant 2 : i32
        %eq3A = arith.constant 0 : i32
        %eq3A_123 = arith.cmpi eq, %jit3A_122, %eq3A : i32
        %jit3A_124 = arith.constant 1 : i32
        %select_n3A_125 = arith.select %eq3A_123, %jit3A_124, %jit3A_122 : i32
        %rem3A_126 = arith.remsi %scan3A_100, %select_n3A_125 : i32
        %ne3A_127 = arith.constant 0 : i32
        %ne3A_128 = arith.cmpi ne, %rem3A_126, %ne3A_127 : i32
        %lt3A_129 = arith.constant 0 : i32
        %lt3A_130 = arith.cmpi slt, %rem3A_126, %lt3A_129 : i32
        %lt3A_131 = arith.constant 0 : i32
        %lt3A_132 = arith.cmpi slt, %select_n3A_125, %lt3A_131 : i32
        %ne3A_133 = arith.xori %lt3A_130, %lt3A_132 : i1
        %and3A_134 = arith.andi %ne3A_133, %ne3A_128 : i1
        %add3A_135 = arith.addi %rem3A_126, %select_n3A_125 : i32
        %select_n3A_136 = arith.select %and3A_134, %add3A_135, %rem3A_126 : i32
        %dma_wait3A = arith.constant 0 : i32
        %dma_wait3A_137 = arith.constant 0 : i32
        %dma_wait3A_138 = tpu.memref_slice %arg7[%select_n3A_136, %dma_wait3A, %dma_wait3A_137] : memref<2x1x128xi32, #tpu.memory_space<vmem>> -> memref<1x1x128xi32, #tpu.memory_space<vmem>>
        %dma_wait3A_139 = tpu.memref_squeeze %dma_wait3A_138 : memref<1x1x128xi32, #tpu.memory_space<vmem>> -> memref<128xi32, #tpu.memory_space<vmem>>
        %dma_wait3A_140 = arith.constant 0 : i32
        %dma_wait3A_141 = tpu.memref_slice %arg3[%dma_wait3A_140] : memref<96000xi32, #tpu.memory_space<hbm>> -> memref<128xi32, #tpu.memory_space<hbm>>
        %dma_wait3A_142 = arith.constant 0 : i32
        %dma_wait3A_143 = tpu.memref_slice %arg7[%select_n3A_136, %dma_wait3A, %dma_wait3A_142] : memref<2x1x128xi32, #tpu.memory_space<vmem>> -> memref<1x1x128xi32, #tpu.memory_space<vmem>>
        %dma_wait3A_144 = tpu.memref_squeeze %dma_wait3A_143 : memref<1x1x128xi32, #tpu.memory_space<vmem>> -> memref<128xi32, #tpu.memory_space<vmem>>
        %dma_wait3A_145 = arith.constant 0 : i32
        %dma_wait3A_146 = tpu.memref_slice %arg3[%dma_wait3A_145] : memref<96000xi32, #tpu.memory_space<hbm>> -> memref<128xi32, #tpu.memory_space<hbm>>
        tpu.wait_dma2 semaphore(%arg9 : memref<!tpu.dma_semaphore, #tpu.memory_space<semaphore_mem>>) src(%dma_wait3A_146 : memref<128xi32, #tpu.memory_space<hbm>>) dst(%dma_wait3A_144 : memref<128xi32, #tpu.memory_space<vmem>>)
        %dma_wait3A_147 = arith.constant 0 : i32
        %dma_wait3A_148 = arith.constant 0 : i32
        %dma_wait3A_149 = arith.constant 0 : i32
        %dma_wait3A_150 = tpu.memref_slice %arg8[%select_n3A_136, %dma_wait3A_148, %dma_wait3A_149] : memref<2x128x128xf32, #tpu.memory_space<vmem>> -> memref<1x128x128xf32, #tpu.memory_space<vmem>>
        %dma_wait3A_151 = tpu.memref_squeeze %dma_wait3A_150 : memref<1x128x128xf32, #tpu.memory_space<vmem>> -> memref<128x128xf32, #tpu.memory_space<vmem>>
        %dma_wait3A_152 = arith.constant 0 : i32
        %dma_wait3A_153 = arith.constant 0 : i32
        %dma_wait3A_154 = tpu.memref_slice %arg2[%dma_wait3A_147, %dma_wait3A_152, %dma_wait3A_153] : memref<3x96000x128xf32, #tpu.memory_space<hbm>> -> memref<1x128x128xf32, #tpu.memory_space<hbm>>
        %dma_wait3A_155 = tpu.memref_squeeze %dma_wait3A_154 : memref<1x128x128xf32, #tpu.memory_space<hbm>> -> memref<128x128xf32, #tpu.memory_space<hbm>>
        %dma_wait3A_156 = arith.constant 0 : i32
        %dma_wait3A_157 = arith.constant 0 : i32
        %dma_wait3A_158 = tpu.memref_slice %arg8[%select_n3A_136, %dma_wait3A_156, %dma_wait3A_157] : memref<2x128x128xf32, #tpu.memory_space<vmem>> -> memref<1x128x128xf32, #tpu.memory_space<vmem>>
        %dma_wait3A_159 = tpu.memref_squeeze %dma_wait3A_158 : memref<1x128x128xf32, #tpu.memory_space<vmem>> -> memref<128x128xf32, #tpu.memory_space<vmem>>
        %dma_wait3A_160 = arith.constant 0 : i32
        %dma_wait3A_161 = arith.constant 0 : i32
        %dma_wait3A_162 = tpu.memref_slice %arg2[%dma_wait3A_147, %dma_wait3A_160, %dma_wait3A_161] : memref<3x96000x128xf32, #tpu.memory_space<hbm>> -> memref<1x128x128xf32, #tpu.memory_space<hbm>>
        %dma_wait3A_163 = tpu.memref_squeeze %dma_wait3A_162 : memref<1x128x128xf32, #tpu.memory_space<hbm>> -> memref<128x128xf32, #tpu.memory_space<hbm>>
        tpu.wait_dma2 semaphore(%arg9 : memref<!tpu.dma_semaphore, #tpu.memory_space<semaphore_mem>>) src(%dma_wait3A_163 : memref<128x128xf32, #tpu.memory_space<hbm>>) dst(%dma_wait3A_159 : memref<128x128xf32, #tpu.memory_space<vmem>>)
      } else {
      }
      %lt3A_112 = arith.cmpi slt, %scan3A_100, %select_n3A : i32
      %convert_element_type3A_113 = arith.extui %lt3A_112 : i1 to i32
      %cond3A_114 = arith.constant 0 : i32
      %cond3A_115 = arith.cmpi ne, %convert_element_type3A_113, %cond3A_114 : i32
      scf.if %cond3A_115 {
        %jit3A_122 = arith.constant 2 : i32
        %eq3A = arith.constant 0 : i32
        %eq3A_123 = arith.cmpi eq, %jit3A_122, %eq3A : i32
        %jit3A_124 = arith.constant 1 : i32
        %select_n3A_125 = arith.select %eq3A_123, %jit3A_124, %jit3A_122 : i32
        %rem3A_126 = arith.remsi %scan3A_100, %select_n3A_125 : i32
        %ne3A_127 = arith.constant 0 : i32
        %ne3A_128 = arith.cmpi ne, %rem3A_126, %ne3A_127 : i32
        %lt3A_129 = arith.constant 0 : i32
        %lt3A_130 = arith.cmpi slt, %rem3A_126, %lt3A_129 : i32
        %lt3A_131 = arith.constant 0 : i32
        %lt3A_132 = arith.cmpi slt, %select_n3A_125, %lt3A_131 : i32
        %ne3A_133 = arith.xori %lt3A_130, %lt3A_132 : i1
        %and3A_134 = arith.andi %ne3A_133, %ne3A_128 : i1
        %add3A_135 = arith.addi %rem3A_126, %select_n3A_125 : i32
        %select_n3A_136 = arith.select %and3A_134, %add3A_135, %rem3A_126 : i32
        %dma_start3A = arith.constant 0 : i32
        %dma_start3A_137 = arith.constant 0 : i32
        %dma_start3A_138 = arith.constant 0 : i32
        %dma_start3A_139 = tpu.memref_slice %arg8[%select_n3A_136, %dma_start3A_137, %dma_start3A_138] : memref<2x128x128xf32, #tpu.memory_space<vmem>> -> memref<1x128x128xf32, #tpu.memory_space<vmem>>
        %dma_start3A_140 = tpu.memref_squeeze %dma_start3A_139 : memref<1x128x128xf32, #tpu.memory_space<vmem>> -> memref<128x128xf32, #tpu.memory_space<vmem>>
        %dma_start3A_141 = arith.constant 0 : i32
        %dma_start3A_142 = tpu.memref_slice %arg7[%select_n3A_136, %dma_start3A, %dma_start3A_141] : memref<2x1x128xi32, #tpu.memory_space<vmem>> -> memref<1x1x128xi32, #tpu.memory_space<vmem>>
        %dma_start3A_143 = tpu.memref_squeeze %dma_start3A_142 : memref<1x1x128xi32, #tpu.memory_space<vmem>> -> memref<128xi32, #tpu.memory_space<vmem>>
        %dma_start3A_144 = arith.constant 0 : i32
        %dma_start3A_145 = arith.constant 0 : i32
        %dma_start3A_146 = tpu.memref_slice %arg6[%dma_start3A_144, %dma_start3A_145] : memref<10240x128xf32, #tpu.memory_space<vmem_shared>> -> memref<10240x128xf32, #tpu.memory_space<vmem_shared>>
        tpu.enqueue_indirect_dma source(%dma_start3A_140 : memref<128x128xf32, #tpu.memory_space<vmem>>) target(%dma_start3A_146 : memref<10240x128xf32, #tpu.memory_space<vmem_shared>>) offsets(%dma_start3A_143 : memref<128xi32, #tpu.memory_space<vmem>>) semaphore(%arg10 : memref<!tpu.dma_semaphore, #tpu.memory_space<semaphore_mem>>) {add = true}
      } else {
      }
      %add3A_116 = arith.constant 1 : i32
      %add3A_117 = arith.addi %scan3A_100, %add3A_116 : i32
      %lt3A_118 = arith.cmpi slt, %add3A_117, %select_n3A : i32
      %convert_element_type3A_119 = arith.extui %lt3A_118 : i1 to i32
      %cond3A_120 = arith.constant 0 : i32
      %cond3A_121 = arith.cmpi ne, %convert_element_type3A_119, %cond3A_120 : i32
      scf.if %cond3A_121 {
        %jit3A_122 = arith.constant 2 : i32
        %eq3A = arith.constant 0 : i32
        %eq3A_123 = arith.cmpi eq, %jit3A_122, %eq3A : i32
        %jit3A_124 = arith.constant 1 : i32
        %select_n3A_125 = arith.select %eq3A_123, %jit3A_124, %jit3A_122 : i32
        %rem3A_126 = arith.remsi %add3A_117, %select_n3A_125 : i32
        %ne3A_127 = arith.constant 0 : i32
        %ne3A_128 = arith.cmpi ne, %rem3A_126, %ne3A_127 : i32
        %lt3A_129 = arith.constant 0 : i32
        %lt3A_130 = arith.cmpi slt, %rem3A_126, %lt3A_129 : i32
        %lt3A_131 = arith.constant 0 : i32
        %lt3A_132 = arith.cmpi slt, %select_n3A_125, %lt3A_131 : i32
        %ne3A_133 = arith.xori %lt3A_130, %lt3A_132 : i1
        %and3A_134 = arith.andi %ne3A_133, %ne3A_128 : i1
        %add3A_135 = arith.addi %rem3A_126, %select_n3A_125 : i32
        %select_n3A_136 = arith.select %and3A_134, %add3A_135, %rem3A_126 : i32
        %mul3A_137 = arith.constant 16 : i32
        %mul3A_138 = arith.muli %add3A_117, %mul3A_137 : i32
        %add3A_139 = arith.addi %arg1, %mul3A_138 : i32
        %mul3A_140 = arith.constant 128 : i32
        %mul3A_141 = arith.muli %add3A_139, %mul3A_140 : i32
        %add3A_142 = arith.addi %mul3A_0, %mul3A_141 : i32
        %dma_start3A = arith.constant 0 : i32
        %dma_start3A_143 = arith.constant 0 : i32
        %dma_start3A_144 = tpu.memref_slice %arg7[%select_n3A_136, %dma_start3A, %dma_start3A_143] : memref<2x1x128xi32, #tpu.memory_space<vmem>> -> memref<1x1x128xi32, #tpu.memory_space<vmem>>
        %dma_start3A_145 = tpu.memref_squeeze %dma_start3A_144 : memref<1x1x128xi32, #tpu.memory_space<vmem>> -> memref<128xi32, #tpu.memory_space<vmem>>
        %dma_start3A_146 = tpu.memref_slice %arg3[%add3A_142] : memref<96000xi32, #tpu.memory_space<hbm>> -> memref<128xi32, #tpu.memory_space<hbm>>
        %dma_start3A_147 = arith.constant 0 : i32
        %dma_start3A_148 = tpu.memref_slice %arg7[%select_n3A_136, %dma_start3A, %dma_start3A_147] : memref<2x1x128xi32, #tpu.memory_space<vmem>> -> memref<1x1x128xi32, #tpu.memory_space<vmem>>
        %dma_start3A_149 = tpu.memref_squeeze %dma_start3A_148 : memref<1x1x128xi32, #tpu.memory_space<vmem>> -> memref<128xi32, #tpu.memory_space<vmem>>
        %dma_start3A_150 = tpu.memref_slice %arg3[%add3A_142] : memref<96000xi32, #tpu.memory_space<hbm>> -> memref<128xi32, #tpu.memory_space<hbm>>
        tpu.enqueue_dma source(%dma_start3A_150 : memref<128xi32, #tpu.memory_space<hbm>>) target(%dma_start3A_149 : memref<128xi32, #tpu.memory_space<vmem>>) target_semaphore(%arg9 : memref<!tpu.dma_semaphore, #tpu.memory_space<semaphore_mem>>)
        %dma_start3A_151 = arith.constant 0 : i32
        %dma_start3A_152 = arith.constant 0 : i32
        %dma_start3A_153 = arith.constant 0 : i32
        %dma_start3A_154 = tpu.memref_slice %arg8[%select_n3A_136, %dma_start3A_152, %dma_start3A_153] : memref<2x128x128xf32, #tpu.memory_space<vmem>> -> memref<1x128x128xf32, #tpu.memory_space<vmem>>
        %dma_start3A_155 = tpu.memref_squeeze %dma_start3A_154 : memref<1x128x128xf32, #tpu.memory_space<vmem>> -> memref<128x128xf32, #tpu.memory_space<vmem>>
        %dma_start3A_156 = arith.constant 0 : i32
        %dma_start3A_157 = tpu.memref_slice %arg2[%dma_start3A_151, %add3A_142, %dma_start3A_156] : memref<3x96000x128xf32, #tpu.memory_space<hbm>> -> memref<1x128x128xf32, #tpu.memory_space<hbm>>
        %dma_start3A_158 = tpu.memref_squeeze %dma_start3A_157 : memref<1x128x128xf32, #tpu.memory_space<hbm>> -> memref<128x128xf32, #tpu.memory_space<hbm>>
        %dma_start3A_159 = arith.constant 0 : i32
        %dma_start3A_160 = arith.constant 0 : i32
        %dma_start3A_161 = tpu.memref_slice %arg8[%select_n3A_136, %dma_start3A_159, %dma_start3A_160] : memref<2x128x128xf32, #tpu.memory_space<vmem>> -> memref<1x128x128xf32, #tpu.memory_space<vmem>>
        %dma_start3A_162 = tpu.memref_squeeze %dma_start3A_161 : memref<1x128x128xf32, #tpu.memory_space<vmem>> -> memref<128x128xf32, #tpu.memory_space<vmem>>
        %dma_start3A_163 = arith.constant 0 : i32
        %dma_start3A_164 = tpu.memref_slice %arg2[%dma_start3A_151, %add3A_142, %dma_start3A_163] : memref<3x96000x128xf32, #tpu.memory_space<hbm>> -> memref<1x128x128xf32, #tpu.memory_space<hbm>>
        %dma_start3A_165 = tpu.memref_squeeze %dma_start3A_164 : memref<1x128x128xf32, #tpu.memory_space<hbm>> -> memref<128x128xf32, #tpu.memory_space<hbm>>
        tpu.enqueue_dma source(%dma_start3A_165 : memref<128x128xf32, #tpu.memory_space<hbm>>) target(%dma_start3A_162 : memref<128x128xf32, #tpu.memory_space<vmem>>) target_semaphore(%arg9 : memref<!tpu.dma_semaphore, #tpu.memory_space<semaphore_mem>>)
      } else {
      }
    }
    %scan3A_30 = arith.constant 24 : i32
    %gt3A_31 = arith.constant 23 : i32
    %gt3A_32 = arith.cmpi sgt, %select_n3A, %gt3A_31 : i32
    %and3A_33 = arith.constant true
    %and3A_34 = arith.andi %and3A_33, %gt3A_32 : i1
    %convert_element_type3A_35 = arith.extui %and3A_34 : i1 to i32
    %cond3A_36 = arith.constant 0 : i32
    %cond3A_37 = arith.cmpi ne, %convert_element_type3A_35, %cond3A_36 : i32
    scf.if %cond3A_37 {
      %dma_wait3A = arith.constant 1 : i32
      %dma_wait3A_100 = arith.constant 1 : i32
      %dma_wait3A_101 = arith.constant 0 : i32
      %dma_wait3A_102 = arith.constant 0 : i32
      %dma_wait3A_103 = arith.constant 0 : i32
      %dma_wait3A_104 = tpu.memref_slice %arg8[%dma_wait3A, %dma_wait3A_102, %dma_wait3A_103] : memref<2x128x128xf32, #tpu.memory_space<vmem>> -> memref<1x128x128xf32, #tpu.memory_space<vmem>>
      %dma_wait3A_105 = tpu.memref_squeeze %dma_wait3A_104 : memref<1x128x128xf32, #tpu.memory_space<vmem>> -> memref<128x128xf32, #tpu.memory_space<vmem>>
      %dma_wait3A_106 = arith.constant 0 : i32
      %dma_wait3A_107 = tpu.memref_slice %arg7[%dma_wait3A_100, %dma_wait3A_101, %dma_wait3A_106] : memref<2x1x128xi32, #tpu.memory_space<vmem>> -> memref<1x1x128xi32, #tpu.memory_space<vmem>>
      %dma_wait3A_108 = tpu.memref_squeeze %dma_wait3A_107 : memref<1x1x128xi32, #tpu.memory_space<vmem>> -> memref<128xi32, #tpu.memory_space<vmem>>
      %dma_wait3A_109 = arith.constant 0 : i32
      %dma_wait3A_110 = arith.constant 0 : i32
      %dma_wait3A_111 = tpu.memref_slice %arg6[%dma_wait3A_109, %dma_wait3A_110] : memref<10240x128xf32, #tpu.memory_space<vmem_shared>> -> memref<10240x128xf32, #tpu.memory_space<vmem_shared>>
      tpu.wait_indirect_dma semaphore(%arg10 : memref<!tpu.dma_semaphore, #tpu.memory_space<semaphore_mem>>) src(%dma_wait3A_105 : memref<128x128xf32, #tpu.memory_space<vmem>>) dst(%dma_wait3A_111 : memref<10240x128xf32, #tpu.memory_space<vmem_shared>>)
    } else {
    }
    %barrier3A_38 = arith.constant 0 : index
    tpu.barrier barrier_id(%barrier3A_38)
    %mul3A_39 = arith.constant 640 : i32
    %mul3A_40 = arith.muli %arg1, %mul3A_39 : i32
    %mul3A_41 = arith.constant 640 : i32
    %mul3A_42 = arith.muli %arg1, %mul3A_41 : i32
    %run_scoped3A = arith.constant 0 : i32
    "tpu.region"() ({
      %run_scoped3A_100 = tpu.sem_alloc : memref<!tpu.dma_semaphore, #tpu.memory_space<semaphore_mem>>
      %dma_start3A = arith.constant 0 : i32
      %dma_start3A_101 = tpu.memref_slice %arg5[%arg0, %run_scoped3A, %mul3A_42, %dma_start3A] : memref<2x3x10240x128xf32, #tpu.memory_space<hbm>> -> memref<1x1x640x128xf32, #tpu.memory_space<hbm>>
      %dma_start3A_102 = tpu.memref_squeeze %dma_start3A_101 : memref<1x1x640x128xf32, #tpu.memory_space<hbm>> -> memref<640x128xf32, #tpu.memory_space<hbm>>
      %dma_start3A_103 = arith.constant 0 : i32
      %dma_start3A_104 = tpu.memref_slice %arg6[%mul3A_40, %dma_start3A_103] : memref<10240x128xf32, #tpu.memory_space<vmem_shared>> -> memref<640x128xf32, #tpu.memory_space<vmem_shared>>
      tpu.enqueue_dma source(%dma_start3A_104 : memref<640x128xf32, #tpu.memory_space<vmem_shared>>) target(%dma_start3A_102 : memref<640x128xf32, #tpu.memory_space<hbm>>) target_semaphore(%run_scoped3A_100 : memref<!tpu.dma_semaphore, #tpu.memory_space<semaphore_mem>>)
      %dma_wait3A = arith.constant 0 : i32
      %dma_wait3A_105 = tpu.memref_slice %arg5[%arg0, %run_scoped3A, %mul3A_42, %dma_wait3A] : memref<2x3x10240x128xf32, #tpu.memory_space<hbm>> -> memref<1x1x640x128xf32, #tpu.memory_space<hbm>>
      %dma_wait3A_106 = tpu.memref_squeeze %dma_wait3A_105 : memref<1x1x640x128xf32, #tpu.memory_space<hbm>> -> memref<640x128xf32, #tpu.memory_space<hbm>>
      %dma_wait3A_107 = arith.constant 0 : i32
      %dma_wait3A_108 = tpu.memref_slice %arg6[%mul3A_40, %dma_wait3A_107] : memref<10240x128xf32, #tpu.memory_space<vmem_shared>> -> memref<640x128xf32, #tpu.memory_space<vmem_shared>>
      tpu.wait_dma2 semaphore(%run_scoped3A_100 : memref<!tpu.dma_semaphore, #tpu.memory_space<semaphore_mem>>) src(%dma_wait3A_108 : memref<640x128xf32, #tpu.memory_space<vmem_shared>>) dst(%dma_wait3A_106 : memref<640x128xf32, #tpu.memory_space<hbm>>)
      tpu.yield
    }) : () -> ()
    %barrier3A_43 = arith.constant 0 : index
    tpu.barrier barrier_id(%barrier3A_43)
    %mul3A_44 = arith.constant 640 : i32
    %mul3A_45 = arith.muli %arg1, %mul3A_44 : i32
    "tpu.region"() ({
      %run_scoped3A_100 = tpu.sem_alloc : memref<!tpu.dma_semaphore, #tpu.memory_space<semaphore_mem>>
      %dma_start3A = arith.constant 0 : i32
      %dma_start3A_101 = tpu.memref_slice %arg6[%mul3A_45, %dma_start3A] : memref<10240x128xf32, #tpu.memory_space<vmem_shared>> -> memref<640x128xf32, #tpu.memory_space<vmem_shared>>
      tpu.enqueue_dma source(%arg4 : memref<640x128xf32, #tpu.memory_space<hbm>>) target(%dma_start3A_101 : memref<640x128xf32, #tpu.memory_space<vmem_shared>>) target_semaphore(%run_scoped3A_100 : memref<!tpu.dma_semaphore, #tpu.memory_space<semaphore_mem>>)
      %dma_wait3A = arith.constant 0 : i32
      %dma_wait3A_102 = tpu.memref_slice %arg6[%mul3A_45, %dma_wait3A] : memref<10240x128xf32, #tpu.memory_space<vmem_shared>> -> memref<640x128xf32, #tpu.memory_space<vmem_shared>>
      tpu.wait_dma2 semaphore(%run_scoped3A_100 : memref<!tpu.dma_semaphore, #tpu.memory_space<semaphore_mem>>) src(%arg4 : memref<640x128xf32, #tpu.memory_space<hbm>>) dst(%dma_wait3A_102 : memref<640x128xf32, #tpu.memory_space<vmem_shared>>)
      tpu.yield
    }) : () -> ()
    %barrier3A_46 = arith.constant 0 : index
    tpu.barrier barrier_id(%barrier3A_46)
    %gt3A_47 = arith.constant 0 : i32
    %gt3A_48 = arith.cmpi sgt, %select_n3A, %gt3A_47 : i32
    %convert_element_type3A_49 = arith.extui %gt3A_48 : i1 to i32
    %cond3A_50 = arith.constant 0 : i32
    %cond3A_51 = arith.cmpi ne, %convert_element_type3A_49, %cond3A_50 : i32
    scf.if %cond3A_51 {
      %add3A_100 = arith.constant 0 : i32
      %add3A_101 = arith.addi %arg1, %add3A_100 : i32
      %mul3A_102 = arith.constant 128 : i32
      %mul3A_103 = arith.muli %add3A_101, %mul3A_102 : i32
      %add3A_104 = arith.addi %mul3A_0, %mul3A_103 : i32
      %dma_start3A = arith.constant 0 : i32
      %dma_start3A_105 = arith.constant 0 : i32
      %dma_start3A_106 = arith.constant 0 : i32
      %dma_start3A_107 = tpu.memref_slice %arg7[%dma_start3A, %dma_start3A_105, %dma_start3A_106] : memref<2x1x128xi32, #tpu.memory_space<vmem>> -> memref<1x1x128xi32, #tpu.memory_space<vmem>>
      %dma_start3A_108 = tpu.memref_squeeze %dma_start3A_107 : memref<1x1x128xi32, #tpu.memory_space<vmem>> -> memref<128xi32, #tpu.memory_space<vmem>>
      %dma_start3A_109 = tpu.memref_slice %arg3[%add3A_104] : memref<96000xi32, #tpu.memory_space<hbm>> -> memref<128xi32, #tpu.memory_space<hbm>>
      %dma_start3A_110 = arith.constant 0 : i32
      %dma_start3A_111 = tpu.memref_slice %arg7[%dma_start3A, %dma_start3A_105, %dma_start3A_110] : memref<2x1x128xi32, #tpu.memory_space<vmem>> -> memref<1x1x128xi32, #tpu.memory_space<vmem>>
      %dma_start3A_112 = tpu.memref_squeeze %dma_start3A_111 : memref<1x1x128xi32, #tpu.memory_space<vmem>> -> memref<128xi32, #tpu.memory_space<vmem>>
      %dma_start3A_113 = tpu.memref_slice %arg3[%add3A_104] : memref<96000xi32, #tpu.memory_space<hbm>> -> memref<128xi32, #tpu.memory_space<hbm>>
      tpu.enqueue_dma source(%dma_start3A_113 : memref<128xi32, #tpu.memory_space<hbm>>) target(%dma_start3A_112 : memref<128xi32, #tpu.memory_space<vmem>>) target_semaphore(%arg9 : memref<!tpu.dma_semaphore, #tpu.memory_space<semaphore_mem>>)
      %dma_start3A_114 = arith.constant 1 : i32
      %dma_start3A_115 = arith.constant 0 : i32
      %dma_start3A_116 = arith.constant 0 : i32
      %dma_start3A_117 = arith.constant 0 : i32
      %dma_start3A_118 = tpu.memref_slice %arg8[%dma_start3A_115, %dma_start3A_116, %dma_start3A_117] : memref<2x128x128xf32, #tpu.memory_space<vmem>> -> memref<1x128x128xf32, #tpu.memory_space<vmem>>
      %dma_start3A_119 = tpu.memref_squeeze %dma_start3A_118 : memref<1x128x128xf32, #tpu.memory_space<vmem>> -> memref<128x128xf32, #tpu.memory_space<vmem>>
      %dma_start3A_120 = arith.constant 0 : i32
      %dma_start3A_121 = tpu.memref_slice %arg2[%dma_start3A_114, %add3A_104, %dma_start3A_120] : memref<3x96000x128xf32, #tpu.memory_space<hbm>> -> memref<1x128x128xf32, #tpu.memory_space<hbm>>
      %dma_start3A_122 = tpu.memref_squeeze %dma_start3A_121 : memref<1x128x128xf32, #tpu.memory_space<hbm>> -> memref<128x128xf32, #tpu.memory_space<hbm>>
      %dma_start3A_123 = arith.constant 0 : i32
      %dma_start3A_124 = arith.constant 0 : i32
      %dma_start3A_125 = tpu.memref_slice %arg8[%dma_start3A_115, %dma_start3A_123, %dma_start3A_124] : memref<2x128x128xf32, #tpu.memory_space<vmem>> -> memref<1x128x128xf32, #tpu.memory_space<vmem>>
      %dma_start3A_126 = tpu.memref_squeeze %dma_start3A_125 : memref<1x128x128xf32, #tpu.memory_space<vmem>> -> memref<128x128xf32, #tpu.memory_space<vmem>>
      %dma_start3A_127 = arith.constant 0 : i32
      %dma_start3A_128 = tpu.memref_slice %arg2[%dma_start3A_114, %add3A_104, %dma_start3A_127] : memref<3x96000x128xf32, #tpu.memory_space<hbm>> -> memref<1x128x128xf32, #tpu.memory_space<hbm>>
      %dma_start3A_129 = tpu.memref_squeeze %dma_start3A_128 : memref<1x128x128xf32, #tpu.memory_space<hbm>> -> memref<128x128xf32, #tpu.memory_space<hbm>>
      tpu.enqueue_dma source(%dma_start3A_129 : memref<128x128xf32, #tpu.memory_space<hbm>>) target(%dma_start3A_126 : memref<128x128xf32, #tpu.memory_space<vmem>>) target_semaphore(%arg9 : memref<!tpu.dma_semaphore, #tpu.memory_space<semaphore_mem>>)
    } else {
    }
    %scan3A_52 = arith.constant 0 : i32
    %scan3A_53 = arith.constant 0 : i32
    %scan3A_54 = arith.constant 24 : i32
    %scan3A_55 = arith.addi %scan3A_53, %scan3A_54 : i32
    %scan3A_56 = arith.constant 1 : i32
    scf.for %scan3A_100 = %scan3A_53 to %scan3A_55 step %scan3A_56  : i32 {
      %sub3A_101 = arith.constant 1 : i32
      %sub3A_102 = arith.subi %scan3A_100, %sub3A_101 : i32
      %ge3A = arith.constant 0 : i32
      %ge3A_103 = arith.cmpi sge, %sub3A_102, %ge3A : i32
      %lt3A = arith.cmpi slt, %sub3A_102, %select_n3A : i32
      %and3A_104 = arith.andi %ge3A_103, %lt3A : i1
      %convert_element_type3A_105 = arith.extui %and3A_104 : i1 to i32
      %cond3A_106 = arith.constant 0 : i32
      %cond3A_107 = arith.cmpi ne, %convert_element_type3A_105, %cond3A_106 : i32
      scf.if %cond3A_107 {
        %jit3A_122 = arith.constant 2 : i32
        %eq3A = arith.constant 0 : i32
        %eq3A_123 = arith.cmpi eq, %jit3A_122, %eq3A : i32
        %jit3A_124 = arith.constant 1 : i32
        %select_n3A_125 = arith.select %eq3A_123, %jit3A_124, %jit3A_122 : i32
        %rem3A_126 = arith.remsi %sub3A_102, %select_n3A_125 : i32
        %ne3A_127 = arith.constant 0 : i32
        %ne3A_128 = arith.cmpi ne, %rem3A_126, %ne3A_127 : i32
        %lt3A_129 = arith.constant 0 : i32
        %lt3A_130 = arith.cmpi slt, %rem3A_126, %lt3A_129 : i32
        %lt3A_131 = arith.constant 0 : i32
        %lt3A_132 = arith.cmpi slt, %select_n3A_125, %lt3A_131 : i32
        %ne3A_133 = arith.xori %lt3A_130, %lt3A_132 : i1
        %and3A_134 = arith.andi %ne3A_133, %ne3A_128 : i1
        %add3A_135 = arith.addi %rem3A_126, %select_n3A_125 : i32
        %select_n3A_136 = arith.select %and3A_134, %add3A_135, %rem3A_126 : i32
        %dma_wait3A = arith.constant 0 : i32
        %dma_wait3A_137 = arith.constant 0 : i32
        %dma_wait3A_138 = arith.constant 0 : i32
        %dma_wait3A_139 = tpu.memref_slice %arg8[%select_n3A_136, %dma_wait3A_137, %dma_wait3A_138] : memref<2x128x128xf32, #tpu.memory_space<vmem>> -> memref<1x128x128xf32, #tpu.memory_space<vmem>>
        %dma_wait3A_140 = tpu.memref_squeeze %dma_wait3A_139 : memref<1x128x128xf32, #tpu.memory_space<vmem>> -> memref<128x128xf32, #tpu.memory_space<vmem>>
        %dma_wait3A_141 = arith.constant 0 : i32
        %dma_wait3A_142 = tpu.memref_slice %arg7[%select_n3A_136, %dma_wait3A, %dma_wait3A_141] : memref<2x1x128xi32, #tpu.memory_space<vmem>> -> memref<1x1x128xi32, #tpu.memory_space<vmem>>
        %dma_wait3A_143 = tpu.memref_squeeze %dma_wait3A_142 : memref<1x1x128xi32, #tpu.memory_space<vmem>> -> memref<128xi32, #tpu.memory_space<vmem>>
        %dma_wait3A_144 = arith.constant 0 : i32
        %dma_wait3A_145 = arith.constant 0 : i32
        %dma_wait3A_146 = tpu.memref_slice %arg6[%dma_wait3A_144, %dma_wait3A_145] : memref<10240x128xf32, #tpu.memory_space<vmem_shared>> -> memref<10240x128xf32, #tpu.memory_space<vmem_shared>>
        tpu.wait_indirect_dma semaphore(%arg10 : memref<!tpu.dma_semaphore, #tpu.memory_space<semaphore_mem>>) src(%dma_wait3A_140 : memref<128x128xf32, #tpu.memory_space<vmem>>) dst(%dma_wait3A_146 : memref<10240x128xf32, #tpu.memory_space<vmem_shared>>)
      } else {
      }
      %lt3A_108 = arith.cmpi slt, %scan3A_100, %select_n3A : i32
      %convert_element_type3A_109 = arith.extui %lt3A_108 : i1 to i32
      %cond3A_110 = arith.constant 0 : i32
      %cond3A_111 = arith.cmpi ne, %convert_element_type3A_109, %cond3A_110 : i32
      scf.if %cond3A_111 {
        %jit3A_122 = arith.constant 2 : i32
        %eq3A = arith.constant 0 : i32
        %eq3A_123 = arith.cmpi eq, %jit3A_122, %eq3A : i32
        %jit3A_124 = arith.constant 1 : i32
        %select_n3A_125 = arith.select %eq3A_123, %jit3A_124, %jit3A_122 : i32
        %rem3A_126 = arith.remsi %scan3A_100, %select_n3A_125 : i32
        %ne3A_127 = arith.constant 0 : i32
        %ne3A_128 = arith.cmpi ne, %rem3A_126, %ne3A_127 : i32
        %lt3A_129 = arith.constant 0 : i32
        %lt3A_130 = arith.cmpi slt, %rem3A_126, %lt3A_129 : i32
        %lt3A_131 = arith.constant 0 : i32
        %lt3A_132 = arith.cmpi slt, %select_n3A_125, %lt3A_131 : i32
        %ne3A_133 = arith.xori %lt3A_130, %lt3A_132 : i1
        %and3A_134 = arith.andi %ne3A_133, %ne3A_128 : i1
        %add3A_135 = arith.addi %rem3A_126, %select_n3A_125 : i32
        %select_n3A_136 = arith.select %and3A_134, %add3A_135, %rem3A_126 : i32
        %dma_wait3A = arith.constant 0 : i32
        %dma_wait3A_137 = arith.constant 0 : i32
        %dma_wait3A_138 = tpu.memref_slice %arg7[%select_n3A_136, %dma_wait3A, %dma_wait3A_137] : memref<2x1x128xi32, #tpu.memory_space<vmem>> -> memref<1x1x128xi32, #tpu.memory_space<vmem>>
        %dma_wait3A_139 = tpu.memref_squeeze %dma_wait3A_138 : memref<1x1x128xi32, #tpu.memory_space<vmem>> -> memref<128xi32, #tpu.memory_space<vmem>>
        %dma_wait3A_140 = arith.constant 0 : i32
        %dma_wait3A_141 = tpu.memref_slice %arg3[%dma_wait3A_140] : memref<96000xi32, #tpu.memory_space<hbm>> -> memref<128xi32, #tpu.memory_space<hbm>>
        %dma_wait3A_142 = arith.constant 0 : i32
        %dma_wait3A_143 = tpu.memref_slice %arg7[%select_n3A_136, %dma_wait3A, %dma_wait3A_142] : memref<2x1x128xi32, #tpu.memory_space<vmem>> -> memref<1x1x128xi32, #tpu.memory_space<vmem>>
        %dma_wait3A_144 = tpu.memref_squeeze %dma_wait3A_143 : memref<1x1x128xi32, #tpu.memory_space<vmem>> -> memref<128xi32, #tpu.memory_space<vmem>>
        %dma_wait3A_145 = arith.constant 0 : i32
        %dma_wait3A_146 = tpu.memref_slice %arg3[%dma_wait3A_145] : memref<96000xi32, #tpu.memory_space<hbm>> -> memref<128xi32, #tpu.memory_space<hbm>>
        tpu.wait_dma2 semaphore(%arg9 : memref<!tpu.dma_semaphore, #tpu.memory_space<semaphore_mem>>) src(%dma_wait3A_146 : memref<128xi32, #tpu.memory_space<hbm>>) dst(%dma_wait3A_144 : memref<128xi32, #tpu.memory_space<vmem>>)
        %dma_wait3A_147 = arith.constant 0 : i32
        %dma_wait3A_148 = arith.constant 0 : i32
        %dma_wait3A_149 = arith.constant 0 : i32
        %dma_wait3A_150 = tpu.memref_slice %arg8[%select_n3A_136, %dma_wait3A_148, %dma_wait3A_149] : memref<2x128x128xf32, #tpu.memory_space<vmem>> -> memref<1x128x128xf32, #tpu.memory_space<vmem>>
        %dma_wait3A_151 = tpu.memref_squeeze %dma_wait3A_150 : memref<1x128x128xf32, #tpu.memory_space<vmem>> -> memref<128x128xf32, #tpu.memory_space<vmem>>
        %dma_wait3A_152 = arith.constant 0 : i32
        %dma_wait3A_153 = arith.constant 0 : i32
        %dma_wait3A_154 = tpu.memref_slice %arg2[%dma_wait3A_147, %dma_wait3A_152, %dma_wait3A_153] : memref<3x96000x128xf32, #tpu.memory_space<hbm>> -> memref<1x128x128xf32, #tpu.memory_space<hbm>>
        %dma_wait3A_155 = tpu.memref_squeeze %dma_wait3A_154 : memref<1x128x128xf32, #tpu.memory_space<hbm>> -> memref<128x128xf32, #tpu.memory_space<hbm>>
        %dma_wait3A_156 = arith.constant 0 : i32
        %dma_wait3A_157 = arith.constant 0 : i32
        %dma_wait3A_158 = tpu.memref_slice %arg8[%select_n3A_136, %dma_wait3A_156, %dma_wait3A_157] : memref<2x128x128xf32, #tpu.memory_space<vmem>> -> memref<1x128x128xf32, #tpu.memory_space<vmem>>
        %dma_wait3A_159 = tpu.memref_squeeze %dma_wait3A_158 : memref<1x128x128xf32, #tpu.memory_space<vmem>> -> memref<128x128xf32, #tpu.memory_space<vmem>>
        %dma_wait3A_160 = arith.constant 0 : i32
        %dma_wait3A_161 = arith.constant 0 : i32
        %dma_wait3A_162 = tpu.memref_slice %arg2[%dma_wait3A_147, %dma_wait3A_160, %dma_wait3A_161] : memref<3x96000x128xf32, #tpu.memory_space<hbm>> -> memref<1x128x128xf32, #tpu.memory_space<hbm>>
        %dma_wait3A_163 = tpu.memref_squeeze %dma_wait3A_162 : memref<1x128x128xf32, #tpu.memory_space<hbm>> -> memref<128x128xf32, #tpu.memory_space<hbm>>
        tpu.wait_dma2 semaphore(%arg9 : memref<!tpu.dma_semaphore, #tpu.memory_space<semaphore_mem>>) src(%dma_wait3A_163 : memref<128x128xf32, #tpu.memory_space<hbm>>) dst(%dma_wait3A_159 : memref<128x128xf32, #tpu.memory_space<vmem>>)
      } else {
      }
      %lt3A_112 = arith.cmpi slt, %scan3A_100, %select_n3A : i32
      %convert_element_type3A_113 = arith.extui %lt3A_112 : i1 to i32
      %cond3A_114 = arith.constant 0 : i32
      %cond3A_115 = arith.cmpi ne, %convert_element_type3A_113, %cond3A_114 : i32
      scf.if %cond3A_115 {
        %jit3A_122 = arith.constant 2 : i32
        %eq3A = arith.constant 0 : i32
        %eq3A_123 = arith.cmpi eq, %jit3A_122, %eq3A : i32
        %jit3A_124 = arith.constant 1 : i32
        %select_n3A_125 = arith.select %eq3A_123, %jit3A_124, %jit3A_122 : i32
        %rem3A_126 = arith.remsi %scan3A_100, %select_n3A_125 : i32
        %ne3A_127 = arith.constant 0 : i32
        %ne3A_128 = arith.cmpi ne, %rem3A_126, %ne3A_127 : i32
        %lt3A_129 = arith.constant 0 : i32
        %lt3A_130 = arith.cmpi slt, %rem3A_126, %lt3A_129 : i32
        %lt3A_131 = arith.constant 0 : i32
        %lt3A_132 = arith.cmpi slt, %select_n3A_125, %lt3A_131 : i32
        %ne3A_133 = arith.xori %lt3A_130, %lt3A_132 : i1
        %and3A_134 = arith.andi %ne3A_133, %ne3A_128 : i1
        %add3A_135 = arith.addi %rem3A_126, %select_n3A_125 : i32
        %select_n3A_136 = arith.select %and3A_134, %add3A_135, %rem3A_126 : i32
        %dma_start3A = arith.constant 0 : i32
        %dma_start3A_137 = arith.constant 0 : i32
        %dma_start3A_138 = arith.constant 0 : i32
        %dma_start3A_139 = tpu.memref_slice %arg8[%select_n3A_136, %dma_start3A_137, %dma_start3A_138] : memref<2x128x128xf32, #tpu.memory_space<vmem>> -> memref<1x128x128xf32, #tpu.memory_space<vmem>>
        %dma_start3A_140 = tpu.memref_squeeze %dma_start3A_139 : memref<1x128x128xf32, #tpu.memory_space<vmem>> -> memref<128x128xf32, #tpu.memory_space<vmem>>
        %dma_start3A_141 = arith.constant 0 : i32
        %dma_start3A_142 = tpu.memref_slice %arg7[%select_n3A_136, %dma_start3A, %dma_start3A_141] : memref<2x1x128xi32, #tpu.memory_space<vmem>> -> memref<1x1x128xi32, #tpu.memory_space<vmem>>
        %dma_start3A_143 = tpu.memref_squeeze %dma_start3A_142 : memref<1x1x128xi32, #tpu.memory_space<vmem>> -> memref<128xi32, #tpu.memory_space<vmem>>
        %dma_start3A_144 = arith.constant 0 : i32
        %dma_start3A_145 = arith.constant 0 : i32
        %dma_start3A_146 = tpu.memref_slice %arg6[%dma_start3A_144, %dma_start3A_145] : memref<10240x128xf32, #tpu.memory_space<vmem_shared>> -> memref<10240x128xf32, #tpu.memory_space<vmem_shared>>
        tpu.enqueue_indirect_dma source(%dma_start3A_140 : memref<128x128xf32, #tpu.memory_space<vmem>>) target(%dma_start3A_146 : memref<10240x128xf32, #tpu.memory_space<vmem_shared>>) offsets(%dma_start3A_143 : memref<128xi32, #tpu.memory_space<vmem>>) semaphore(%arg10 : memref<!tpu.dma_semaphore, #tpu.memory_space<semaphore_mem>>) {add = true}
      } else {
      }
      %add3A_116 = arith.constant 1 : i32
      %add3A_117 = arith.addi %scan3A_100, %add3A_116 : i32
      %lt3A_118 = arith.cmpi slt, %add3A_117, %select_n3A : i32
      %convert_element_type3A_119 = arith.extui %lt3A_118 : i1 to i32
      %cond3A_120 = arith.constant 0 : i32
      %cond3A_121 = arith.cmpi ne, %convert_element_type3A_119, %cond3A_120 : i32
      scf.if %cond3A_121 {
        %jit3A_122 = arith.constant 2 : i32
        %eq3A = arith.constant 0 : i32
        %eq3A_123 = arith.cmpi eq, %jit3A_122, %eq3A : i32
        %jit3A_124 = arith.constant 1 : i32
        %select_n3A_125 = arith.select %eq3A_123, %jit3A_124, %jit3A_122 : i32
        %rem3A_126 = arith.remsi %add3A_117, %select_n3A_125 : i32
        %ne3A_127 = arith.constant 0 : i32
        %ne3A_128 = arith.cmpi ne, %rem3A_126, %ne3A_127 : i32
        %lt3A_129 = arith.constant 0 : i32
        %lt3A_130 = arith.cmpi slt, %rem3A_126, %lt3A_129 : i32
        %lt3A_131 = arith.constant 0 : i32
        %lt3A_132 = arith.cmpi slt, %select_n3A_125, %lt3A_131 : i32
        %ne3A_133 = arith.xori %lt3A_130, %lt3A_132 : i1
        %and3A_134 = arith.andi %ne3A_133, %ne3A_128 : i1
        %add3A_135 = arith.addi %rem3A_126, %select_n3A_125 : i32
        %select_n3A_136 = arith.select %and3A_134, %add3A_135, %rem3A_126 : i32
        %mul3A_137 = arith.constant 16 : i32
        %mul3A_138 = arith.muli %add3A_117, %mul3A_137 : i32
        %add3A_139 = arith.addi %arg1, %mul3A_138 : i32
        %mul3A_140 = arith.constant 128 : i32
        %mul3A_141 = arith.muli %add3A_139, %mul3A_140 : i32
        %add3A_142 = arith.addi %mul3A_0, %mul3A_141 : i32
        %dma_start3A = arith.constant 0 : i32
        %dma_start3A_143 = arith.constant 0 : i32
        %dma_start3A_144 = tpu.memref_slice %arg7[%select_n3A_136, %dma_start3A, %dma_start3A_143] : memref<2x1x128xi32, #tpu.memory_space<vmem>> -> memref<1x1x128xi32, #tpu.memory_space<vmem>>
        %dma_start3A_145 = tpu.memref_squeeze %dma_start3A_144 : memref<1x1x128xi32, #tpu.memory_space<vmem>> -> memref<128xi32, #tpu.memory_space<vmem>>
        %dma_start3A_146 = tpu.memref_slice %arg3[%add3A_142] : memref<96000xi32, #tpu.memory_space<hbm>> -> memref<128xi32, #tpu.memory_space<hbm>>
        %dma_start3A_147 = arith.constant 0 : i32
        %dma_start3A_148 = tpu.memref_slice %arg7[%select_n3A_136, %dma_start3A, %dma_start3A_147] : memref<2x1x128xi32, #tpu.memory_space<vmem>> -> memref<1x1x128xi32, #tpu.memory_space<vmem>>
        %dma_start3A_149 = tpu.memref_squeeze %dma_start3A_148 : memref<1x1x128xi32, #tpu.memory_space<vmem>> -> memref<128xi32, #tpu.memory_space<vmem>>
        %dma_start3A_150 = tpu.memref_slice %arg3[%add3A_142] : memref<96000xi32, #tpu.memory_space<hbm>> -> memref<128xi32, #tpu.memory_space<hbm>>
        tpu.enqueue_dma source(%dma_start3A_150 : memref<128xi32, #tpu.memory_space<hbm>>) target(%dma_start3A_149 : memref<128xi32, #tpu.memory_space<vmem>>) target_semaphore(%arg9 : memref<!tpu.dma_semaphore, #tpu.memory_space<semaphore_mem>>)
        %dma_start3A_151 = arith.constant 1 : i32
        %dma_start3A_152 = arith.constant 0 : i32
        %dma_start3A_153 = arith.constant 0 : i32
        %dma_start3A_154 = tpu.memref_slice %arg8[%select_n3A_136, %dma_start3A_152, %dma_start3A_153] : memref<2x128x128xf32, #tpu.memory_space<vmem>> -> memref<1x128x128xf32, #tpu.memory_space<vmem>>
        %dma_start3A_155 = tpu.memref_squeeze %dma_start3A_154 : memref<1x128x128xf32, #tpu.memory_space<vmem>> -> memref<128x128xf32, #tpu.memory_space<vmem>>
        %dma_start3A_156 = arith.constant 0 : i32
        %dma_start3A_157 = tpu.memref_slice %arg2[%dma_start3A_151, %add3A_142, %dma_start3A_156] : memref<3x96000x128xf32, #tpu.memory_space<hbm>> -> memref<1x128x128xf32, #tpu.memory_space<hbm>>
        %dma_start3A_158 = tpu.memref_squeeze %dma_start3A_157 : memref<1x128x128xf32, #tpu.memory_space<hbm>> -> memref<128x128xf32, #tpu.memory_space<hbm>>
        %dma_start3A_159 = arith.constant 0 : i32
        %dma_start3A_160 = arith.constant 0 : i32
        %dma_start3A_161 = tpu.memref_slice %arg8[%select_n3A_136, %dma_start3A_159, %dma_start3A_160] : memref<2x128x128xf32, #tpu.memory_space<vmem>> -> memref<1x128x128xf32, #tpu.memory_space<vmem>>
        %dma_start3A_162 = tpu.memref_squeeze %dma_start3A_161 : memref<1x128x128xf32, #tpu.memory_space<vmem>> -> memref<128x128xf32, #tpu.memory_space<vmem>>
        %dma_start3A_163 = arith.constant 0 : i32
        %dma_start3A_164 = tpu.memref_slice %arg2[%dma_start3A_151, %add3A_142, %dma_start3A_163] : memref<3x96000x128xf32, #tpu.memory_space<hbm>> -> memref<1x128x128xf32, #tpu.memory_space<hbm>>
        %dma_start3A_165 = tpu.memref_squeeze %dma_start3A_164 : memref<1x128x128xf32, #tpu.memory_space<hbm>> -> memref<128x128xf32, #tpu.memory_space<hbm>>
        tpu.enqueue_dma source(%dma_start3A_165 : memref<128x128xf32, #tpu.memory_space<hbm>>) target(%dma_start3A_162 : memref<128x128xf32, #tpu.memory_space<vmem>>) target_semaphore(%arg9 : memref<!tpu.dma_semaphore, #tpu.memory_space<semaphore_mem>>)
      } else {
      }
    }
    %scan3A_57 = arith.constant 24 : i32
    %gt3A_58 = arith.constant 23 : i32
    %gt3A_59 = arith.cmpi sgt, %select_n3A, %gt3A_58 : i32
    %and3A_60 = arith.constant true
    %and3A_61 = arith.andi %and3A_60, %gt3A_59 : i1
    %convert_element_type3A_62 = arith.extui %and3A_61 : i1 to i32
    %cond3A_63 = arith.constant 0 : i32
    %cond3A_64 = arith.cmpi ne, %convert_element_type3A_62, %cond3A_63 : i32
    scf.if %cond3A_64 {
      %dma_wait3A = arith.constant 1 : i32
      %dma_wait3A_100 = arith.constant 1 : i32
      %dma_wait3A_101 = arith.constant 0 : i32
      %dma_wait3A_102 = arith.constant 0 : i32
      %dma_wait3A_103 = arith.constant 0 : i32
      %dma_wait3A_104 = tpu.memref_slice %arg8[%dma_wait3A, %dma_wait3A_102, %dma_wait3A_103] : memref<2x128x128xf32, #tpu.memory_space<vmem>> -> memref<1x128x128xf32, #tpu.memory_space<vmem>>
      %dma_wait3A_105 = tpu.memref_squeeze %dma_wait3A_104 : memref<1x128x128xf32, #tpu.memory_space<vmem>> -> memref<128x128xf32, #tpu.memory_space<vmem>>
      %dma_wait3A_106 = arith.constant 0 : i32
      %dma_wait3A_107 = tpu.memref_slice %arg7[%dma_wait3A_100, %dma_wait3A_101, %dma_wait3A_106] : memref<2x1x128xi32, #tpu.memory_space<vmem>> -> memref<1x1x128xi32, #tpu.memory_space<vmem>>
      %dma_wait3A_108 = tpu.memref_squeeze %dma_wait3A_107 : memref<1x1x128xi32, #tpu.memory_space<vmem>> -> memref<128xi32, #tpu.memory_space<vmem>>
      %dma_wait3A_109 = arith.constant 0 : i32
      %dma_wait3A_110 = arith.constant 0 : i32
      %dma_wait3A_111 = tpu.memref_slice %arg6[%dma_wait3A_109, %dma_wait3A_110] : memref<10240x128xf32, #tpu.memory_space<vmem_shared>> -> memref<10240x128xf32, #tpu.memory_space<vmem_shared>>
      tpu.wait_indirect_dma semaphore(%arg10 : memref<!tpu.dma_semaphore, #tpu.memory_space<semaphore_mem>>) src(%dma_wait3A_105 : memref<128x128xf32, #tpu.memory_space<vmem>>) dst(%dma_wait3A_111 : memref<10240x128xf32, #tpu.memory_space<vmem_shared>>)
    } else {
    }
    %barrier3A_65 = arith.constant 0 : index
    tpu.barrier barrier_id(%barrier3A_65)
    %mul3A_66 = arith.constant 640 : i32
    %mul3A_67 = arith.muli %arg1, %mul3A_66 : i32
    %mul3A_68 = arith.constant 640 : i32
    %mul3A_69 = arith.muli %arg1, %mul3A_68 : i32
    %run_scoped3A_70 = arith.constant 1 : i32
    "tpu.region"() ({
      %run_scoped3A_100 = tpu.sem_alloc : memref<!tpu.dma_semaphore, #tpu.memory_space<semaphore_mem>>
      %dma_start3A = arith.constant 0 : i32
      %dma_start3A_101 = tpu.memref_slice %arg5[%arg0, %run_scoped3A_70, %mul3A_69, %dma_start3A] : memref<2x3x10240x128xf32, #tpu.memory_space<hbm>> -> memref<1x1x640x128xf32, #tpu.memory_space<hbm>>
      %dma_start3A_102 = tpu.memref_squeeze %dma_start3A_101 : memref<1x1x640x128xf32, #tpu.memory_space<hbm>> -> memref<640x128xf32, #tpu.memory_space<hbm>>
      %dma_start3A_103 = arith.constant 0 : i32
      %dma_start3A_104 = tpu.memref_slice %arg6[%mul3A_67, %dma_start3A_103] : memref<10240x128xf32, #tpu.memory_space<vmem_shared>> -> memref<640x128xf32, #tpu.memory_space<vmem_shared>>
      tpu.enqueue_dma source(%dma_start3A_104 : memref<640x128xf32, #tpu.memory_space<vmem_shared>>) target(%dma_start3A_102 : memref<640x128xf32, #tpu.memory_space<hbm>>) target_semaphore(%run_scoped3A_100 : memref<!tpu.dma_semaphore, #tpu.memory_space<semaphore_mem>>)
      %dma_wait3A = arith.constant 0 : i32
      %dma_wait3A_105 = tpu.memref_slice %arg5[%arg0, %run_scoped3A_70, %mul3A_69, %dma_wait3A] : memref<2x3x10240x128xf32, #tpu.memory_space<hbm>> -> memref<1x1x640x128xf32, #tpu.memory_space<hbm>>
      %dma_wait3A_106 = tpu.memref_squeeze %dma_wait3A_105 : memref<1x1x640x128xf32, #tpu.memory_space<hbm>> -> memref<640x128xf32, #tpu.memory_space<hbm>>
      %dma_wait3A_107 = arith.constant 0 : i32
      %dma_wait3A_108 = tpu.memref_slice %arg6[%mul3A_67, %dma_wait3A_107] : memref<10240x128xf32, #tpu.memory_space<vmem_shared>> -> memref<640x128xf32, #tpu.memory_space<vmem_shared>>
      tpu.wait_dma2 semaphore(%run_scoped3A_100 : memref<!tpu.dma_semaphore, #tpu.memory_space<semaphore_mem>>) src(%dma_wait3A_108 : memref<640x128xf32, #tpu.memory_space<vmem_shared>>) dst(%dma_wait3A_106 : memref<640x128xf32, #tpu.memory_space<hbm>>)
      tpu.yield
    }) : () -> ()
    %barrier3A_71 = arith.constant 0 : index
    tpu.barrier barrier_id(%barrier3A_71)
    %mul3A_72 = arith.constant 640 : i32
    %mul3A_73 = arith.muli %arg1, %mul3A_72 : i32
    "tpu.region"() ({
      %run_scoped3A_100 = tpu.sem_alloc : memref<!tpu.dma_semaphore, #tpu.memory_space<semaphore_mem>>
      %dma_start3A = arith.constant 0 : i32
      %dma_start3A_101 = tpu.memref_slice %arg6[%mul3A_73, %dma_start3A] : memref<10240x128xf32, #tpu.memory_space<vmem_shared>> -> memref<640x128xf32, #tpu.memory_space<vmem_shared>>
      tpu.enqueue_dma source(%arg4 : memref<640x128xf32, #tpu.memory_space<hbm>>) target(%dma_start3A_101 : memref<640x128xf32, #tpu.memory_space<vmem_shared>>) target_semaphore(%run_scoped3A_100 : memref<!tpu.dma_semaphore, #tpu.memory_space<semaphore_mem>>)
      %dma_wait3A = arith.constant 0 : i32
      %dma_wait3A_102 = tpu.memref_slice %arg6[%mul3A_73, %dma_wait3A] : memref<10240x128xf32, #tpu.memory_space<vmem_shared>> -> memref<640x128xf32, #tpu.memory_space<vmem_shared>>
      tpu.wait_dma2 semaphore(%run_scoped3A_100 : memref<!tpu.dma_semaphore, #tpu.memory_space<semaphore_mem>>) src(%arg4 : memref<640x128xf32, #tpu.memory_space<hbm>>) dst(%dma_wait3A_102 : memref<640x128xf32, #tpu.memory_space<vmem_shared>>)
      tpu.yield
    }) : () -> ()
    %barrier3A_74 = arith.constant 0 : index
    tpu.barrier barrier_id(%barrier3A_74)
    %gt3A_75 = arith.constant 0 : i32
    %gt3A_76 = arith.cmpi sgt, %select_n3A, %gt3A_75 : i32
    %convert_element_type3A_77 = arith.extui %gt3A_76 : i1 to i32
    %cond3A_78 = arith.constant 0 : i32
    %cond3A_79 = arith.cmpi ne, %convert_element_type3A_77, %cond3A_78 : i32
    scf.if %cond3A_79 {
      %add3A_100 = arith.constant 0 : i32
      %add3A_101 = arith.addi %arg1, %add3A_100 : i32
      %mul3A_102 = arith.constant 128 : i32
      %mul3A_103 = arith.muli %add3A_101, %mul3A_102 : i32
      %add3A_104 = arith.addi %mul3A_0, %mul3A_103 : i32
      %dma_start3A = arith.constant 0 : i32
      %dma_start3A_105 = arith.constant 0 : i32
      %dma_start3A_106 = arith.constant 0 : i32
      %dma_start3A_107 = tpu.memref_slice %arg7[%dma_start3A, %dma_start3A_105, %dma_start3A_106] : memref<2x1x128xi32, #tpu.memory_space<vmem>> -> memref<1x1x128xi32, #tpu.memory_space<vmem>>
      %dma_start3A_108 = tpu.memref_squeeze %dma_start3A_107 : memref<1x1x128xi32, #tpu.memory_space<vmem>> -> memref<128xi32, #tpu.memory_space<vmem>>
      %dma_start3A_109 = tpu.memref_slice %arg3[%add3A_104] : memref<96000xi32, #tpu.memory_space<hbm>> -> memref<128xi32, #tpu.memory_space<hbm>>
      %dma_start3A_110 = arith.constant 0 : i32
      %dma_start3A_111 = tpu.memref_slice %arg7[%dma_start3A, %dma_start3A_105, %dma_start3A_110] : memref<2x1x128xi32, #tpu.memory_space<vmem>> -> memref<1x1x128xi32, #tpu.memory_space<vmem>>
      %dma_start3A_112 = tpu.memref_squeeze %dma_start3A_111 : memref<1x1x128xi32, #tpu.memory_space<vmem>> -> memref<128xi32, #tpu.memory_space<vmem>>
      %dma_start3A_113 = tpu.memref_slice %arg3[%add3A_104] : memref<96000xi32, #tpu.memory_space<hbm>> -> memref<128xi32, #tpu.memory_space<hbm>>
      tpu.enqueue_dma source(%dma_start3A_113 : memref<128xi32, #tpu.memory_space<hbm>>) target(%dma_start3A_112 : memref<128xi32, #tpu.memory_space<vmem>>) target_semaphore(%arg9 : memref<!tpu.dma_semaphore, #tpu.memory_space<semaphore_mem>>)
      %dma_start3A_114 = arith.constant 2 : i32
      %dma_start3A_115 = arith.constant 0 : i32
      %dma_start3A_116 = arith.constant 0 : i32
      %dma_start3A_117 = arith.constant 0 : i32
      %dma_start3A_118 = tpu.memref_slice %arg8[%dma_start3A_115, %dma_start3A_116, %dma_start3A_117] : memref<2x128x128xf32, #tpu.memory_space<vmem>> -> memref<1x128x128xf32, #tpu.memory_space<vmem>>
      %dma_start3A_119 = tpu.memref_squeeze %dma_start3A_118 : memref<1x128x128xf32, #tpu.memory_space<vmem>> -> memref<128x128xf32, #tpu.memory_space<vmem>>
      %dma_start3A_120 = arith.constant 0 : i32
      %dma_start3A_121 = tpu.memref_slice %arg2[%dma_start3A_114, %add3A_104, %dma_start3A_120] : memref<3x96000x128xf32, #tpu.memory_space<hbm>> -> memref<1x128x128xf32, #tpu.memory_space<hbm>>
      %dma_start3A_122 = tpu.memref_squeeze %dma_start3A_121 : memref<1x128x128xf32, #tpu.memory_space<hbm>> -> memref<128x128xf32, #tpu.memory_space<hbm>>
      %dma_start3A_123 = arith.constant 0 : i32
      %dma_start3A_124 = arith.constant 0 : i32
      %dma_start3A_125 = tpu.memref_slice %arg8[%dma_start3A_115, %dma_start3A_123, %dma_start3A_124] : memref<2x128x128xf32, #tpu.memory_space<vmem>> -> memref<1x128x128xf32, #tpu.memory_space<vmem>>
      %dma_start3A_126 = tpu.memref_squeeze %dma_start3A_125 : memref<1x128x128xf32, #tpu.memory_space<vmem>> -> memref<128x128xf32, #tpu.memory_space<vmem>>
      %dma_start3A_127 = arith.constant 0 : i32
      %dma_start3A_128 = tpu.memref_slice %arg2[%dma_start3A_114, %add3A_104, %dma_start3A_127] : memref<3x96000x128xf32, #tpu.memory_space<hbm>> -> memref<1x128x128xf32, #tpu.memory_space<hbm>>
      %dma_start3A_129 = tpu.memref_squeeze %dma_start3A_128 : memref<1x128x128xf32, #tpu.memory_space<hbm>> -> memref<128x128xf32, #tpu.memory_space<hbm>>
      tpu.enqueue_dma source(%dma_start3A_129 : memref<128x128xf32, #tpu.memory_space<hbm>>) target(%dma_start3A_126 : memref<128x128xf32, #tpu.memory_space<vmem>>) target_semaphore(%arg9 : memref<!tpu.dma_semaphore, #tpu.memory_space<semaphore_mem>>)
    } else {
    }
    %scan3A_80 = arith.constant 0 : i32
    %scan3A_81 = arith.constant 0 : i32
    %scan3A_82 = arith.constant 24 : i32
    %scan3A_83 = arith.addi %scan3A_81, %scan3A_82 : i32
    %scan3A_84 = arith.constant 1 : i32
    scf.for %scan3A_100 = %scan3A_81 to %scan3A_83 step %scan3A_84  : i32 {
      %sub3A_101 = arith.constant 1 : i32
      %sub3A_102 = arith.subi %scan3A_100, %sub3A_101 : i32
      %ge3A = arith.constant 0 : i32
      %ge3A_103 = arith.cmpi sge, %sub3A_102, %ge3A : i32
      %lt3A = arith.cmpi slt, %sub3A_102, %select_n3A : i32
      %and3A_104 = arith.andi %ge3A_103, %lt3A : i1
      %convert_element_type3A_105 = arith.extui %and3A_104 : i1 to i32
      %cond3A_106 = arith.constant 0 : i32
      %cond3A_107 = arith.cmpi ne, %convert_element_type3A_105, %cond3A_106 : i32
      scf.if %cond3A_107 {
        %jit3A_122 = arith.constant 2 : i32
        %eq3A = arith.constant 0 : i32
        %eq3A_123 = arith.cmpi eq, %jit3A_122, %eq3A : i32
        %jit3A_124 = arith.constant 1 : i32
        %select_n3A_125 = arith.select %eq3A_123, %jit3A_124, %jit3A_122 : i32
        %rem3A_126 = arith.remsi %sub3A_102, %select_n3A_125 : i32
        %ne3A_127 = arith.constant 0 : i32
        %ne3A_128 = arith.cmpi ne, %rem3A_126, %ne3A_127 : i32
        %lt3A_129 = arith.constant 0 : i32
        %lt3A_130 = arith.cmpi slt, %rem3A_126, %lt3A_129 : i32
        %lt3A_131 = arith.constant 0 : i32
        %lt3A_132 = arith.cmpi slt, %select_n3A_125, %lt3A_131 : i32
        %ne3A_133 = arith.xori %lt3A_130, %lt3A_132 : i1
        %and3A_134 = arith.andi %ne3A_133, %ne3A_128 : i1
        %add3A_135 = arith.addi %rem3A_126, %select_n3A_125 : i32
        %select_n3A_136 = arith.select %and3A_134, %add3A_135, %rem3A_126 : i32
        %dma_wait3A = arith.constant 0 : i32
        %dma_wait3A_137 = arith.constant 0 : i32
        %dma_wait3A_138 = arith.constant 0 : i32
        %dma_wait3A_139 = tpu.memref_slice %arg8[%select_n3A_136, %dma_wait3A_137, %dma_wait3A_138] : memref<2x128x128xf32, #tpu.memory_space<vmem>> -> memref<1x128x128xf32, #tpu.memory_space<vmem>>
        %dma_wait3A_140 = tpu.memref_squeeze %dma_wait3A_139 : memref<1x128x128xf32, #tpu.memory_space<vmem>> -> memref<128x128xf32, #tpu.memory_space<vmem>>
        %dma_wait3A_141 = arith.constant 0 : i32
        %dma_wait3A_142 = tpu.memref_slice %arg7[%select_n3A_136, %dma_wait3A, %dma_wait3A_141] : memref<2x1x128xi32, #tpu.memory_space<vmem>> -> memref<1x1x128xi32, #tpu.memory_space<vmem>>
        %dma_wait3A_143 = tpu.memref_squeeze %dma_wait3A_142 : memref<1x1x128xi32, #tpu.memory_space<vmem>> -> memref<128xi32, #tpu.memory_space<vmem>>
        %dma_wait3A_144 = arith.constant 0 : i32
        %dma_wait3A_145 = arith.constant 0 : i32
        %dma_wait3A_146 = tpu.memref_slice %arg6[%dma_wait3A_144, %dma_wait3A_145] : memref<10240x128xf32, #tpu.memory_space<vmem_shared>> -> memref<10240x128xf32, #tpu.memory_space<vmem_shared>>
        tpu.wait_indirect_dma semaphore(%arg10 : memref<!tpu.dma_semaphore, #tpu.memory_space<semaphore_mem>>) src(%dma_wait3A_140 : memref<128x128xf32, #tpu.memory_space<vmem>>) dst(%dma_wait3A_146 : memref<10240x128xf32, #tpu.memory_space<vmem_shared>>)
      } else {
      }
      %lt3A_108 = arith.cmpi slt, %scan3A_100, %select_n3A : i32
      %convert_element_type3A_109 = arith.extui %lt3A_108 : i1 to i32
      %cond3A_110 = arith.constant 0 : i32
      %cond3A_111 = arith.cmpi ne, %convert_element_type3A_109, %cond3A_110 : i32
      scf.if %cond3A_111 {
        %jit3A_122 = arith.constant 2 : i32
        %eq3A = arith.constant 0 : i32
        %eq3A_123 = arith.cmpi eq, %jit3A_122, %eq3A : i32
        %jit3A_124 = arith.constant 1 : i32
        %select_n3A_125 = arith.select %eq3A_123, %jit3A_124, %jit3A_122 : i32
        %rem3A_126 = arith.remsi %scan3A_100, %select_n3A_125 : i32
        %ne3A_127 = arith.constant 0 : i32
        %ne3A_128 = arith.cmpi ne, %rem3A_126, %ne3A_127 : i32
        %lt3A_129 = arith.constant 0 : i32
        %lt3A_130 = arith.cmpi slt, %rem3A_126, %lt3A_129 : i32
        %lt3A_131 = arith.constant 0 : i32
        %lt3A_132 = arith.cmpi slt, %select_n3A_125, %lt3A_131 : i32
        %ne3A_133 = arith.xori %lt3A_130, %lt3A_132 : i1
        %and3A_134 = arith.andi %ne3A_133, %ne3A_128 : i1
        %add3A_135 = arith.addi %rem3A_126, %select_n3A_125 : i32
        %select_n3A_136 = arith.select %and3A_134, %add3A_135, %rem3A_126 : i32
        %dma_wait3A = arith.constant 0 : i32
        %dma_wait3A_137 = arith.constant 0 : i32
        %dma_wait3A_138 = tpu.memref_slice %arg7[%select_n3A_136, %dma_wait3A, %dma_wait3A_137] : memref<2x1x128xi32, #tpu.memory_space<vmem>> -> memref<1x1x128xi32, #tpu.memory_space<vmem>>
        %dma_wait3A_139 = tpu.memref_squeeze %dma_wait3A_138 : memref<1x1x128xi32, #tpu.memory_space<vmem>> -> memref<128xi32, #tpu.memory_space<vmem>>
        %dma_wait3A_140 = arith.constant 0 : i32
        %dma_wait3A_141 = tpu.memref_slice %arg3[%dma_wait3A_140] : memref<96000xi32, #tpu.memory_space<hbm>> -> memref<128xi32, #tpu.memory_space<hbm>>
        %dma_wait3A_142 = arith.constant 0 : i32
        %dma_wait3A_143 = tpu.memref_slice %arg7[%select_n3A_136, %dma_wait3A, %dma_wait3A_142] : memref<2x1x128xi32, #tpu.memory_space<vmem>> -> memref<1x1x128xi32, #tpu.memory_space<vmem>>
        %dma_wait3A_144 = tpu.memref_squeeze %dma_wait3A_143 : memref<1x1x128xi32, #tpu.memory_space<vmem>> -> memref<128xi32, #tpu.memory_space<vmem>>
        %dma_wait3A_145 = arith.constant 0 : i32
        %dma_wait3A_146 = tpu.memref_slice %arg3[%dma_wait3A_145] : memref<96000xi32, #tpu.memory_space<hbm>> -> memref<128xi32, #tpu.memory_space<hbm>>
        tpu.wait_dma2 semaphore(%arg9 : memref<!tpu.dma_semaphore, #tpu.memory_space<semaphore_mem>>) src(%dma_wait3A_146 : memref<128xi32, #tpu.memory_space<hbm>>) dst(%dma_wait3A_144 : memref<128xi32, #tpu.memory_space<vmem>>)
        %dma_wait3A_147 = arith.constant 0 : i32
        %dma_wait3A_148 = arith.constant 0 : i32
        %dma_wait3A_149 = arith.constant 0 : i32
        %dma_wait3A_150 = tpu.memref_slice %arg8[%select_n3A_136, %dma_wait3A_148, %dma_wait3A_149] : memref<2x128x128xf32, #tpu.memory_space<vmem>> -> memref<1x128x128xf32, #tpu.memory_space<vmem>>
        %dma_wait3A_151 = tpu.memref_squeeze %dma_wait3A_150 : memref<1x128x128xf32, #tpu.memory_space<vmem>> -> memref<128x128xf32, #tpu.memory_space<vmem>>
        %dma_wait3A_152 = arith.constant 0 : i32
        %dma_wait3A_153 = arith.constant 0 : i32
        %dma_wait3A_154 = tpu.memref_slice %arg2[%dma_wait3A_147, %dma_wait3A_152, %dma_wait3A_153] : memref<3x96000x128xf32, #tpu.memory_space<hbm>> -> memref<1x128x128xf32, #tpu.memory_space<hbm>>
        %dma_wait3A_155 = tpu.memref_squeeze %dma_wait3A_154 : memref<1x128x128xf32, #tpu.memory_space<hbm>> -> memref<128x128xf32, #tpu.memory_space<hbm>>
        %dma_wait3A_156 = arith.constant 0 : i32
        %dma_wait3A_157 = arith.constant 0 : i32
        %dma_wait3A_158 = tpu.memref_slice %arg8[%select_n3A_136, %dma_wait3A_156, %dma_wait3A_157] : memref<2x128x128xf32, #tpu.memory_space<vmem>> -> memref<1x128x128xf32, #tpu.memory_space<vmem>>
        %dma_wait3A_159 = tpu.memref_squeeze %dma_wait3A_158 : memref<1x128x128xf32, #tpu.memory_space<vmem>> -> memref<128x128xf32, #tpu.memory_space<vmem>>
        %dma_wait3A_160 = arith.constant 0 : i32
        %dma_wait3A_161 = arith.constant 0 : i32
        %dma_wait3A_162 = tpu.memref_slice %arg2[%dma_wait3A_147, %dma_wait3A_160, %dma_wait3A_161] : memref<3x96000x128xf32, #tpu.memory_space<hbm>> -> memref<1x128x128xf32, #tpu.memory_space<hbm>>
        %dma_wait3A_163 = tpu.memref_squeeze %dma_wait3A_162 : memref<1x128x128xf32, #tpu.memory_space<hbm>> -> memref<128x128xf32, #tpu.memory_space<hbm>>
        tpu.wait_dma2 semaphore(%arg9 : memref<!tpu.dma_semaphore, #tpu.memory_space<semaphore_mem>>) src(%dma_wait3A_163 : memref<128x128xf32, #tpu.memory_space<hbm>>) dst(%dma_wait3A_159 : memref<128x128xf32, #tpu.memory_space<vmem>>)
      } else {
      }
      %lt3A_112 = arith.cmpi slt, %scan3A_100, %select_n3A : i32
      %convert_element_type3A_113 = arith.extui %lt3A_112 : i1 to i32
      %cond3A_114 = arith.constant 0 : i32
      %cond3A_115 = arith.cmpi ne, %convert_element_type3A_113, %cond3A_114 : i32
      scf.if %cond3A_115 {
        %jit3A_122 = arith.constant 2 : i32
        %eq3A = arith.constant 0 : i32
        %eq3A_123 = arith.cmpi eq, %jit3A_122, %eq3A : i32
        %jit3A_124 = arith.constant 1 : i32
        %select_n3A_125 = arith.select %eq3A_123, %jit3A_124, %jit3A_122 : i32
        %rem3A_126 = arith.remsi %scan3A_100, %select_n3A_125 : i32
        %ne3A_127 = arith.constant 0 : i32
        %ne3A_128 = arith.cmpi ne, %rem3A_126, %ne3A_127 : i32
        %lt3A_129 = arith.constant 0 : i32
        %lt3A_130 = arith.cmpi slt, %rem3A_126, %lt3A_129 : i32
        %lt3A_131 = arith.constant 0 : i32
        %lt3A_132 = arith.cmpi slt, %select_n3A_125, %lt3A_131 : i32
        %ne3A_133 = arith.xori %lt3A_130, %lt3A_132 : i1
        %and3A_134 = arith.andi %ne3A_133, %ne3A_128 : i1
        %add3A_135 = arith.addi %rem3A_126, %select_n3A_125 : i32
        %select_n3A_136 = arith.select %and3A_134, %add3A_135, %rem3A_126 : i32
        %dma_start3A = arith.constant 0 : i32
        %dma_start3A_137 = arith.constant 0 : i32
        %dma_start3A_138 = arith.constant 0 : i32
        %dma_start3A_139 = tpu.memref_slice %arg8[%select_n3A_136, %dma_start3A_137, %dma_start3A_138] : memref<2x128x128xf32, #tpu.memory_space<vmem>> -> memref<1x128x128xf32, #tpu.memory_space<vmem>>
        %dma_start3A_140 = tpu.memref_squeeze %dma_start3A_139 : memref<1x128x128xf32, #tpu.memory_space<vmem>> -> memref<128x128xf32, #tpu.memory_space<vmem>>
        %dma_start3A_141 = arith.constant 0 : i32
        %dma_start3A_142 = tpu.memref_slice %arg7[%select_n3A_136, %dma_start3A, %dma_start3A_141] : memref<2x1x128xi32, #tpu.memory_space<vmem>> -> memref<1x1x128xi32, #tpu.memory_space<vmem>>
        %dma_start3A_143 = tpu.memref_squeeze %dma_start3A_142 : memref<1x1x128xi32, #tpu.memory_space<vmem>> -> memref<128xi32, #tpu.memory_space<vmem>>
        %dma_start3A_144 = arith.constant 0 : i32
        %dma_start3A_145 = arith.constant 0 : i32
        %dma_start3A_146 = tpu.memref_slice %arg6[%dma_start3A_144, %dma_start3A_145] : memref<10240x128xf32, #tpu.memory_space<vmem_shared>> -> memref<10240x128xf32, #tpu.memory_space<vmem_shared>>
        tpu.enqueue_indirect_dma source(%dma_start3A_140 : memref<128x128xf32, #tpu.memory_space<vmem>>) target(%dma_start3A_146 : memref<10240x128xf32, #tpu.memory_space<vmem_shared>>) offsets(%dma_start3A_143 : memref<128xi32, #tpu.memory_space<vmem>>) semaphore(%arg10 : memref<!tpu.dma_semaphore, #tpu.memory_space<semaphore_mem>>) {add = true}
      } else {
      }
      %add3A_116 = arith.constant 1 : i32
      %add3A_117 = arith.addi %scan3A_100, %add3A_116 : i32
      %lt3A_118 = arith.cmpi slt, %add3A_117, %select_n3A : i32
      %convert_element_type3A_119 = arith.extui %lt3A_118 : i1 to i32
      %cond3A_120 = arith.constant 0 : i32
      %cond3A_121 = arith.cmpi ne, %convert_element_type3A_119, %cond3A_120 : i32
      scf.if %cond3A_121 {
        %jit3A_122 = arith.constant 2 : i32
        %eq3A = arith.constant 0 : i32
        %eq3A_123 = arith.cmpi eq, %jit3A_122, %eq3A : i32
        %jit3A_124 = arith.constant 1 : i32
        %select_n3A_125 = arith.select %eq3A_123, %jit3A_124, %jit3A_122 : i32
        %rem3A_126 = arith.remsi %add3A_117, %select_n3A_125 : i32
        %ne3A_127 = arith.constant 0 : i32
        %ne3A_128 = arith.cmpi ne, %rem3A_126, %ne3A_127 : i32
        %lt3A_129 = arith.constant 0 : i32
        %lt3A_130 = arith.cmpi slt, %rem3A_126, %lt3A_129 : i32
        %lt3A_131 = arith.constant 0 : i32
        %lt3A_132 = arith.cmpi slt, %select_n3A_125, %lt3A_131 : i32
        %ne3A_133 = arith.xori %lt3A_130, %lt3A_132 : i1
        %and3A_134 = arith.andi %ne3A_133, %ne3A_128 : i1
        %add3A_135 = arith.addi %rem3A_126, %select_n3A_125 : i32
        %select_n3A_136 = arith.select %and3A_134, %add3A_135, %rem3A_126 : i32
        %mul3A_137 = arith.constant 16 : i32
        %mul3A_138 = arith.muli %add3A_117, %mul3A_137 : i32
        %add3A_139 = arith.addi %arg1, %mul3A_138 : i32
        %mul3A_140 = arith.constant 128 : i32
        %mul3A_141 = arith.muli %add3A_139, %mul3A_140 : i32
        %add3A_142 = arith.addi %mul3A_0, %mul3A_141 : i32
        %dma_start3A = arith.constant 0 : i32
        %dma_start3A_143 = arith.constant 0 : i32
        %dma_start3A_144 = tpu.memref_slice %arg7[%select_n3A_136, %dma_start3A, %dma_start3A_143] : memref<2x1x128xi32, #tpu.memory_space<vmem>> -> memref<1x1x128xi32, #tpu.memory_space<vmem>>
        %dma_start3A_145 = tpu.memref_squeeze %dma_start3A_144 : memref<1x1x128xi32, #tpu.memory_space<vmem>> -> memref<128xi32, #tpu.memory_space<vmem>>
        %dma_start3A_146 = tpu.memref_slice %arg3[%add3A_142] : memref<96000xi32, #tpu.memory_space<hbm>> -> memref<128xi32, #tpu.memory_space<hbm>>
        %dma_start3A_147 = arith.constant 0 : i32
        %dma_start3A_148 = tpu.memref_slice %arg7[%select_n3A_136, %dma_start3A, %dma_start3A_147] : memref<2x1x128xi32, #tpu.memory_space<vmem>> -> memref<1x1x128xi32, #tpu.memory_space<vmem>>
        %dma_start3A_149 = tpu.memref_squeeze %dma_start3A_148 : memref<1x1x128xi32, #tpu.memory_space<vmem>> -> memref<128xi32, #tpu.memory_space<vmem>>
        %dma_start3A_150 = tpu.memref_slice %arg3[%add3A_142] : memref<96000xi32, #tpu.memory_space<hbm>> -> memref<128xi32, #tpu.memory_space<hbm>>
        tpu.enqueue_dma source(%dma_start3A_150 : memref<128xi32, #tpu.memory_space<hbm>>) target(%dma_start3A_149 : memref<128xi32, #tpu.memory_space<vmem>>) target_semaphore(%arg9 : memref<!tpu.dma_semaphore, #tpu.memory_space<semaphore_mem>>)
        %dma_start3A_151 = arith.constant 2 : i32
        %dma_start3A_152 = arith.constant 0 : i32
        %dma_start3A_153 = arith.constant 0 : i32
        %dma_start3A_154 = tpu.memref_slice %arg8[%select_n3A_136, %dma_start3A_152, %dma_start3A_153] : memref<2x128x128xf32, #tpu.memory_space<vmem>> -> memref<1x128x128xf32, #tpu.memory_space<vmem>>
        %dma_start3A_155 = tpu.memref_squeeze %dma_start3A_154 : memref<1x128x128xf32, #tpu.memory_space<vmem>> -> memref<128x128xf32, #tpu.memory_space<vmem>>
        %dma_start3A_156 = arith.constant 0 : i32
        %dma_start3A_157 = tpu.memref_slice %arg2[%dma_start3A_151, %add3A_142, %dma_start3A_156] : memref<3x96000x128xf32, #tpu.memory_space<hbm>> -> memref<1x128x128xf32, #tpu.memory_space<hbm>>
        %dma_start3A_158 = tpu.memref_squeeze %dma_start3A_157 : memref<1x128x128xf32, #tpu.memory_space<hbm>> -> memref<128x128xf32, #tpu.memory_space<hbm>>
        %dma_start3A_159 = arith.constant 0 : i32
        %dma_start3A_160 = arith.constant 0 : i32
        %dma_start3A_161 = tpu.memref_slice %arg8[%select_n3A_136, %dma_start3A_159, %dma_start3A_160] : memref<2x128x128xf32, #tpu.memory_space<vmem>> -> memref<1x128x128xf32, #tpu.memory_space<vmem>>
        %dma_start3A_162 = tpu.memref_squeeze %dma_start3A_161 : memref<1x128x128xf32, #tpu.memory_space<vmem>> -> memref<128x128xf32, #tpu.memory_space<vmem>>
        %dma_start3A_163 = arith.constant 0 : i32
        %dma_start3A_164 = tpu.memref_slice %arg2[%dma_start3A_151, %add3A_142, %dma_start3A_163] : memref<3x96000x128xf32, #tpu.memory_space<hbm>> -> memref<1x128x128xf32, #tpu.memory_space<hbm>>
        %dma_start3A_165 = tpu.memref_squeeze %dma_start3A_164 : memref<1x128x128xf32, #tpu.memory_space<hbm>> -> memref<128x128xf32, #tpu.memory_space<hbm>>
        tpu.enqueue_dma source(%dma_start3A_165 : memref<128x128xf32, #tpu.memory_space<hbm>>) target(%dma_start3A_162 : memref<128x128xf32, #tpu.memory_space<vmem>>) target_semaphore(%arg9 : memref<!tpu.dma_semaphore, #tpu.memory_space<semaphore_mem>>)
      } else {
      }
    }
    %scan3A_85 = arith.constant 24 : i32
    %gt3A_86 = arith.constant 23 : i32
    %gt3A_87 = arith.cmpi sgt, %select_n3A, %gt3A_86 : i32
    %and3A_88 = arith.constant true
    %and3A_89 = arith.andi %and3A_88, %gt3A_87 : i1
    %convert_element_type3A_90 = arith.extui %and3A_89 : i1 to i32
    %cond3A_91 = arith.constant 0 : i32
    %cond3A_92 = arith.cmpi ne, %convert_element_type3A_90, %cond3A_91 : i32
    scf.if %cond3A_92 {
      %dma_wait3A = arith.constant 1 : i32
      %dma_wait3A_100 = arith.constant 1 : i32
      %dma_wait3A_101 = arith.constant 0 : i32
      %dma_wait3A_102 = arith.constant 0 : i32
      %dma_wait3A_103 = arith.constant 0 : i32
      %dma_wait3A_104 = tpu.memref_slice %arg8[%dma_wait3A, %dma_wait3A_102, %dma_wait3A_103] : memref<2x128x128xf32, #tpu.memory_space<vmem>> -> memref<1x128x128xf32, #tpu.memory_space<vmem>>
      %dma_wait3A_105 = tpu.memref_squeeze %dma_wait3A_104 : memref<1x128x128xf32, #tpu.memory_space<vmem>> -> memref<128x128xf32, #tpu.memory_space<vmem>>
      %dma_wait3A_106 = arith.constant 0 : i32
      %dma_wait3A_107 = tpu.memref_slice %arg7[%dma_wait3A_100, %dma_wait3A_101, %dma_wait3A_106] : memref<2x1x128xi32, #tpu.memory_space<vmem>> -> memref<1x1x128xi32, #tpu.memory_space<vmem>>
      %dma_wait3A_108 = tpu.memref_squeeze %dma_wait3A_107 : memref<1x1x128xi32, #tpu.memory_space<vmem>> -> memref<128xi32, #tpu.memory_space<vmem>>
      %dma_wait3A_109 = arith.constant 0 : i32
      %dma_wait3A_110 = arith.constant 0 : i32
      %dma_wait3A_111 = tpu.memref_slice %arg6[%dma_wait3A_109, %dma_wait3A_110] : memref<10240x128xf32, #tpu.memory_space<vmem_shared>> -> memref<10240x128xf32, #tpu.memory_space<vmem_shared>>
      tpu.wait_indirect_dma semaphore(%arg10 : memref<!tpu.dma_semaphore, #tpu.memory_space<semaphore_mem>>) src(%dma_wait3A_105 : memref<128x128xf32, #tpu.memory_space<vmem>>) dst(%dma_wait3A_111 : memref<10240x128xf32, #tpu.memory_space<vmem_shared>>)
    } else {
    }
    %barrier3A_93 = arith.constant 0 : index
    tpu.barrier barrier_id(%barrier3A_93)
    %mul3A_94 = arith.constant 640 : i32
    %mul3A_95 = arith.muli %arg1, %mul3A_94 : i32
    %mul3A_96 = arith.constant 640 : i32
    %mul3A_97 = arith.muli %arg1, %mul3A_96 : i32
    %run_scoped3A_98 = arith.constant 2 : i32
    "tpu.region"() ({
      %run_scoped3A_100 = tpu.sem_alloc : memref<!tpu.dma_semaphore, #tpu.memory_space<semaphore_mem>>
      %dma_start3A = arith.constant 0 : i32
      %dma_start3A_101 = tpu.memref_slice %arg5[%arg0, %run_scoped3A_98, %mul3A_97, %dma_start3A] : memref<2x3x10240x128xf32, #tpu.memory_space<hbm>> -> memref<1x1x640x128xf32, #tpu.memory_space<hbm>>
      %dma_start3A_102 = tpu.memref_squeeze %dma_start3A_101 : memref<1x1x640x128xf32, #tpu.memory_space<hbm>> -> memref<640x128xf32, #tpu.memory_space<hbm>>
      %dma_start3A_103 = arith.constant 0 : i32
      %dma_start3A_104 = tpu.memref_slice %arg6[%mul3A_95, %dma_start3A_103] : memref<10240x128xf32, #tpu.memory_space<vmem_shared>> -> memref<640x128xf32, #tpu.memory_space<vmem_shared>>
      tpu.enqueue_dma source(%dma_start3A_104 : memref<640x128xf32, #tpu.memory_space<vmem_shared>>) target(%dma_start3A_102 : memref<640x128xf32, #tpu.memory_space<hbm>>) target_semaphore(%run_scoped3A_100 : memref<!tpu.dma_semaphore, #tpu.memory_space<semaphore_mem>>)
      %dma_wait3A = arith.constant 0 : i32
      %dma_wait3A_105 = tpu.memref_slice %arg5[%arg0, %run_scoped3A_98, %mul3A_97, %dma_wait3A] : memref<2x3x10240x128xf32, #tpu.memory_space<hbm>> -> memref<1x1x640x128xf32, #tpu.memory_space<hbm>>
      %dma_wait3A_106 = tpu.memref_squeeze %dma_wait3A_105 : memref<1x1x640x128xf32, #tpu.memory_space<hbm>> -> memref<640x128xf32, #tpu.memory_space<hbm>>
      %dma_wait3A_107 = arith.constant 0 : i32
      %dma_wait3A_108 = tpu.memref_slice %arg6[%mul3A_95, %dma_wait3A_107] : memref<10240x128xf32, #tpu.memory_space<vmem_shared>> -> memref<640x128xf32, #tpu.memory_space<vmem_shared>>
      tpu.wait_dma2 semaphore(%run_scoped3A_100 : memref<!tpu.dma_semaphore, #tpu.memory_space<semaphore_mem>>) src(%dma_wait3A_108 : memref<640x128xf32, #tpu.memory_space<vmem_shared>>) dst(%dma_wait3A_106 : memref<640x128xf32, #tpu.memory_space<hbm>>)
      tpu.yield
    }) : () -> ()
    %barrier3A_99 = arith.constant 0 : index
    tpu.barrier barrier_id(%barrier3A_99)
    return
  }
}

#map = affine_map<(d0, d1) -> (0, 0)>
#map1 = affine_map<(d0, d1) -> (0)>
module attributes {stable_mosaic.version = 14 : i64} {
  func.func @k(%arg0: i32, %arg1: i32, %arg2: memref<10000x128xf32, #tpu.memory_space<hbm>>, %arg3: memref<64000xi32, #tpu.memory_space<hbm>>, %arg4: memref<64000x128xf32, #tpu.memory_space<hbm>>, %arg5: memref<2x1x128xi32, #tpu.memory_space<vmem>>, %arg6: memref<2x128x128xf32, #tpu.memory_space<vmem>>, %arg7: memref<!tpu.dma_semaphore, #tpu.memory_space<semaphore_mem>>, %arg8: memref<!tpu.dma_semaphore, #tpu.memory_space<semaphore_mem>>) attributes {dimension_semantics = [#tpu.dimension_semantics<core_parallel>, #tpu.dimension_semantics<subcore_parallel>], iteration_bounds = array<i64: 2, 16>, scalar_prefetch = 0 : i64, scratch_operands = 4 : i64, tpu.core_type = #tpu.core_type<sc_vector_subcore>, window_params = [{transform_indices = #map}, {transform_indices = #map1}, {transform_indices = #map}]} {
    %mul3A = arith.constant 2 : i32
    %mul3A_0 = arith.muli %arg1, %mul3A : i32
    %add3A = arith.addi %mul3A_0, %arg0 : i32
    %sub3A = arith.constant 500 : i32
    %sub3A_1 = arith.subi %sub3A, %add3A : i32
    %add3A_2 = arith.constant 32 : i32
    %add3A_3 = arith.addi %sub3A_1, %add3A_2 : i32
    %sub3A_4 = arith.constant 1 : i32
    %sub3A_5 = arith.subi %add3A_3, %sub3A_4 : i32
    %jit3A = arith.constant 32 : i32
    %div3A = arith.divsi %sub3A_5, %jit3A : i32
    %sign3A = arith.constant 0 : i32
    %sign3A_6 = arith.cmpi sgt, %sub3A_5, %sign3A : i32
    %sign3A_7 = arith.extui %sign3A_6 : i1 to i32
    %sign3A_8 = arith.constant 0 : i32
    %sign3A_9 = arith.cmpi slt, %sub3A_5, %sign3A_8 : i32
    %sign3A_10 = arith.extui %sign3A_9 : i1 to i32
    %sign3A_11 = arith.subi %sign3A_7, %sign3A_10 : i32
    %sign3A_12 = arith.constant 0 : i32
    %sign3A_13 = arith.cmpi sgt, %jit3A, %sign3A_12 : i32
    %sign3A_14 = arith.extui %sign3A_13 : i1 to i32
    %sign3A_15 = arith.constant 0 : i32
    %sign3A_16 = arith.cmpi slt, %jit3A, %sign3A_15 : i32
    %sign3A_17 = arith.extui %sign3A_16 : i1 to i32
    %sign3A_18 = arith.subi %sign3A_14, %sign3A_17 : i32
    %ne3A = arith.cmpi ne, %sign3A_11, %sign3A_18 : i32
    %rem3A = arith.remsi %sub3A_5, %jit3A : i32
    %ne3A_19 = arith.constant 0 : i32
    %ne3A_20 = arith.cmpi ne, %rem3A, %ne3A_19 : i32
    %and3A = arith.andi %ne3A, %ne3A_20 : i1
    %sub3A_21 = arith.constant 1 : i32
    %sub3A_22 = arith.subi %div3A, %sub3A_21 : i32
    %select_n3A = arith.select %and3A, %sub3A_22, %div3A : i32
    %gt3A = arith.constant 0 : i32
    %gt3A_23 = arith.cmpi sgt, %select_n3A, %gt3A : i32
    %convert_element_type3A = arith.extui %gt3A_23 : i1 to i32
    %cond3A = arith.constant 0 : i32
    %cond3A_24 = arith.cmpi ne, %convert_element_type3A, %cond3A : i32
    scf.if %cond3A_24 {
      %add3A_44 = arith.constant 0 : i32
      %add3A_45 = arith.addi %add3A, %add3A_44 : i32
      %mul3A_46 = arith.constant 128 : i32
      %mul3A_47 = arith.muli %add3A_45, %mul3A_46 : i32
      %dma_start3A = arith.constant 0 : i32
      %dma_start3A_48 = arith.constant 0 : i32
      %dma_start3A_49 = arith.constant 0 : i32
      %dma_start3A_50 = tpu.memref_slice %arg5[%dma_start3A, %dma_start3A_48, %dma_start3A_49] : memref<2x1x128xi32, #tpu.memory_space<vmem>> -> memref<1x1x128xi32, #tpu.memory_space<vmem>>
      %dma_start3A_51 = tpu.memref_squeeze %dma_start3A_50 : memref<1x1x128xi32, #tpu.memory_space<vmem>> -> memref<128xi32, #tpu.memory_space<vmem>>
      %dma_start3A_52 = tpu.memref_slice %arg3[%mul3A_47] : memref<64000xi32, #tpu.memory_space<hbm>> -> memref<128xi32, #tpu.memory_space<hbm>>
      %dma_start3A_53 = arith.constant 0 : i32
      %dma_start3A_54 = tpu.memref_slice %arg5[%dma_start3A, %dma_start3A_48, %dma_start3A_53] : memref<2x1x128xi32, #tpu.memory_space<vmem>> -> memref<1x1x128xi32, #tpu.memory_space<vmem>>
      %dma_start3A_55 = tpu.memref_squeeze %dma_start3A_54 : memref<1x1x128xi32, #tpu.memory_space<vmem>> -> memref<128xi32, #tpu.memory_space<vmem>>
      %dma_start3A_56 = tpu.memref_slice %arg3[%mul3A_47] : memref<64000xi32, #tpu.memory_space<hbm>> -> memref<128xi32, #tpu.memory_space<hbm>>
      tpu.enqueue_dma source(%dma_start3A_56 : memref<128xi32, #tpu.memory_space<hbm>>) target(%dma_start3A_55 : memref<128xi32, #tpu.memory_space<vmem>>) target_semaphore(%arg7 : memref<!tpu.dma_semaphore, #tpu.memory_space<semaphore_mem>>)
    } else {
    }
    %scan3A = arith.constant 0 : i32
    %scan3A_25 = arith.constant 0 : i32
    %scan3A_26 = arith.constant 16 : i32
    %scan3A_27 = arith.addi %scan3A_25, %scan3A_26 : i32
    %scan3A_28 = arith.constant 1 : i32
    scf.for %scan3A_44 = %scan3A_25 to %scan3A_27 step %scan3A_28  : i32 {
      %jit3A_45 = arith.constant 2 : i32
      %eq3A = arith.constant 0 : i32
      %eq3A_46 = arith.cmpi eq, %jit3A_45, %eq3A : i32
      %jit3A_47 = arith.constant 1 : i32
      %select_n3A_48 = arith.select %eq3A_46, %jit3A_47, %jit3A_45 : i32
      %rem3A_49 = arith.remsi %scan3A_44, %select_n3A_48 : i32
      %ne3A_50 = arith.constant 0 : i32
      %ne3A_51 = arith.cmpi ne, %rem3A_49, %ne3A_50 : i32
      %lt3A = arith.constant 0 : i32
      %lt3A_52 = arith.cmpi slt, %rem3A_49, %lt3A : i32
      %lt3A_53 = arith.constant 0 : i32
      %lt3A_54 = arith.cmpi slt, %select_n3A_48, %lt3A_53 : i32
      %ne3A_55 = arith.xori %lt3A_52, %lt3A_54 : i1
      %and3A_56 = arith.andi %ne3A_55, %ne3A_51 : i1
      %add3A_57 = arith.addi %rem3A_49, %select_n3A_48 : i32
      %select_n3A_58 = arith.select %and3A_56, %add3A_57, %rem3A_49 : i32
      %lt3A_59 = arith.cmpi slt, %scan3A_44, %select_n3A : i32
      %convert_element_type3A_60 = arith.extui %lt3A_59 : i1 to i32
      %cond3A_61 = arith.constant 0 : i32
      %cond3A_62 = arith.cmpi ne, %convert_element_type3A_60, %cond3A_61 : i32
      scf.if %cond3A_62 {
        %jit3A_81 = arith.constant 2 : i32
        %eq3A_82 = arith.constant 0 : i32
        %eq3A_83 = arith.cmpi eq, %jit3A_81, %eq3A_82 : i32
        %jit3A_84 = arith.constant 1 : i32
        %select_n3A_85 = arith.select %eq3A_83, %jit3A_84, %jit3A_81 : i32
        %rem3A_86 = arith.remsi %scan3A_44, %select_n3A_85 : i32
        %ne3A_87 = arith.constant 0 : i32
        %ne3A_88 = arith.cmpi ne, %rem3A_86, %ne3A_87 : i32
        %lt3A_89 = arith.constant 0 : i32
        %lt3A_90 = arith.cmpi slt, %rem3A_86, %lt3A_89 : i32
        %lt3A_91 = arith.constant 0 : i32
        %lt3A_92 = arith.cmpi slt, %select_n3A_85, %lt3A_91 : i32
        %ne3A_93 = arith.xori %lt3A_90, %lt3A_92 : i1
        %and3A_94 = arith.andi %ne3A_93, %ne3A_88 : i1
        %add3A_95 = arith.addi %rem3A_86, %select_n3A_85 : i32
        %select_n3A_96 = arith.select %and3A_94, %add3A_95, %rem3A_86 : i32
        %dma_wait3A = arith.constant 0 : i32
        %dma_wait3A_97 = arith.constant 0 : i32
        %dma_wait3A_98 = tpu.memref_slice %arg5[%select_n3A_96, %dma_wait3A, %dma_wait3A_97] : memref<2x1x128xi32, #tpu.memory_space<vmem>> -> memref<1x1x128xi32, #tpu.memory_space<vmem>>
        %dma_wait3A_99 = tpu.memref_squeeze %dma_wait3A_98 : memref<1x1x128xi32, #tpu.memory_space<vmem>> -> memref<128xi32, #tpu.memory_space<vmem>>
        %dma_wait3A_100 = arith.constant 0 : i32
        %dma_wait3A_101 = tpu.memref_slice %arg3[%dma_wait3A_100] : memref<64000xi32, #tpu.memory_space<hbm>> -> memref<128xi32, #tpu.memory_space<hbm>>
        %dma_wait3A_102 = arith.constant 0 : i32
        %dma_wait3A_103 = tpu.memref_slice %arg5[%select_n3A_96, %dma_wait3A, %dma_wait3A_102] : memref<2x1x128xi32, #tpu.memory_space<vmem>> -> memref<1x1x128xi32, #tpu.memory_space<vmem>>
        %dma_wait3A_104 = tpu.memref_squeeze %dma_wait3A_103 : memref<1x1x128xi32, #tpu.memory_space<vmem>> -> memref<128xi32, #tpu.memory_space<vmem>>
        %dma_wait3A_105 = arith.constant 0 : i32
        %dma_wait3A_106 = tpu.memref_slice %arg3[%dma_wait3A_105] : memref<64000xi32, #tpu.memory_space<hbm>> -> memref<128xi32, #tpu.memory_space<hbm>>
        tpu.wait_dma2 semaphore(%arg7 : memref<!tpu.dma_semaphore, #tpu.memory_space<semaphore_mem>>) src(%dma_wait3A_106 : memref<128xi32, #tpu.memory_space<hbm>>) dst(%dma_wait3A_104 : memref<128xi32, #tpu.memory_space<vmem>>)
      } else {
      }
      %add3A_63 = arith.constant 1 : i32
      %add3A_64 = arith.addi %scan3A_44, %add3A_63 : i32
      %lt3A_65 = arith.cmpi slt, %add3A_64, %select_n3A : i32
      %convert_element_type3A_66 = arith.extui %lt3A_65 : i1 to i32
      %cond3A_67 = arith.constant 0 : i32
      %cond3A_68 = arith.cmpi ne, %convert_element_type3A_66, %cond3A_67 : i32
      scf.if %cond3A_68 {
        %mul3A_81 = arith.constant 32 : i32
        %mul3A_82 = arith.muli %add3A_64, %mul3A_81 : i32
        %add3A_83 = arith.addi %add3A, %mul3A_82 : i32
        %mul3A_84 = arith.constant 128 : i32
        %mul3A_85 = arith.muli %add3A_83, %mul3A_84 : i32
        %jit3A_86 = arith.constant 2 : i32
        %eq3A_87 = arith.constant 0 : i32
        %eq3A_88 = arith.cmpi eq, %jit3A_86, %eq3A_87 : i32
        %jit3A_89 = arith.constant 1 : i32
        %select_n3A_90 = arith.select %eq3A_88, %jit3A_89, %jit3A_86 : i32
        %rem3A_91 = arith.remsi %add3A_64, %select_n3A_90 : i32
        %ne3A_92 = arith.constant 0 : i32
        %ne3A_93 = arith.cmpi ne, %rem3A_91, %ne3A_92 : i32
        %lt3A_94 = arith.constant 0 : i32
        %lt3A_95 = arith.cmpi slt, %rem3A_91, %lt3A_94 : i32
        %lt3A_96 = arith.constant 0 : i32
        %lt3A_97 = arith.cmpi slt, %select_n3A_90, %lt3A_96 : i32
        %ne3A_98 = arith.xori %lt3A_95, %lt3A_97 : i1
        %and3A_99 = arith.andi %ne3A_98, %ne3A_93 : i1
        %add3A_100 = arith.addi %rem3A_91, %select_n3A_90 : i32
        %select_n3A_101 = arith.select %and3A_99, %add3A_100, %rem3A_91 : i32
        %dma_start3A = arith.constant 0 : i32
        %dma_start3A_102 = arith.constant 0 : i32
        %dma_start3A_103 = tpu.memref_slice %arg5[%select_n3A_101, %dma_start3A, %dma_start3A_102] : memref<2x1x128xi32, #tpu.memory_space<vmem>> -> memref<1x1x128xi32, #tpu.memory_space<vmem>>
        %dma_start3A_104 = tpu.memref_squeeze %dma_start3A_103 : memref<1x1x128xi32, #tpu.memory_space<vmem>> -> memref<128xi32, #tpu.memory_space<vmem>>
        %dma_start3A_105 = tpu.memref_slice %arg3[%mul3A_85] : memref<64000xi32, #tpu.memory_space<hbm>> -> memref<128xi32, #tpu.memory_space<hbm>>
        %dma_start3A_106 = arith.constant 0 : i32
        %dma_start3A_107 = tpu.memref_slice %arg5[%select_n3A_101, %dma_start3A, %dma_start3A_106] : memref<2x1x128xi32, #tpu.memory_space<vmem>> -> memref<1x1x128xi32, #tpu.memory_space<vmem>>
        %dma_start3A_108 = tpu.memref_squeeze %dma_start3A_107 : memref<1x1x128xi32, #tpu.memory_space<vmem>> -> memref<128xi32, #tpu.memory_space<vmem>>
        %dma_start3A_109 = tpu.memref_slice %arg3[%mul3A_85] : memref<64000xi32, #tpu.memory_space<hbm>> -> memref<128xi32, #tpu.memory_space<hbm>>
        tpu.enqueue_dma source(%dma_start3A_109 : memref<128xi32, #tpu.memory_space<hbm>>) target(%dma_start3A_108 : memref<128xi32, #tpu.memory_space<vmem>>) target_semaphore(%arg7 : memref<!tpu.dma_semaphore, #tpu.memory_space<semaphore_mem>>)
      } else {
      }
      %sub3A_69 = arith.constant 2 : i32
      %sub3A_70 = arith.subi %scan3A_44, %sub3A_69 : i32
      %ge3A = arith.constant 0 : i32
      %ge3A_71 = arith.cmpi sge, %sub3A_70, %ge3A : i32
      %lt3A_72 = arith.cmpi slt, %sub3A_70, %select_n3A : i32
      %and3A_73 = arith.andi %ge3A_71, %lt3A_72 : i1
      %convert_element_type3A_74 = arith.extui %and3A_73 : i1 to i32
      %cond3A_75 = arith.constant 0 : i32
      %cond3A_76 = arith.cmpi ne, %convert_element_type3A_74, %cond3A_75 : i32
      scf.if %cond3A_76 {
        %jit3A_81 = arith.constant 2 : i32
        %eq3A_82 = arith.constant 0 : i32
        %eq3A_83 = arith.cmpi eq, %jit3A_81, %eq3A_82 : i32
        %jit3A_84 = arith.constant 1 : i32
        %select_n3A_85 = arith.select %eq3A_83, %jit3A_84, %jit3A_81 : i32
        %rem3A_86 = arith.remsi %sub3A_70, %select_n3A_85 : i32
        %ne3A_87 = arith.constant 0 : i32
        %ne3A_88 = arith.cmpi ne, %rem3A_86, %ne3A_87 : i32
        %lt3A_89 = arith.constant 0 : i32
        %lt3A_90 = arith.cmpi slt, %rem3A_86, %lt3A_89 : i32
        %lt3A_91 = arith.constant 0 : i32
        %lt3A_92 = arith.cmpi slt, %select_n3A_85, %lt3A_91 : i32
        %ne3A_93 = arith.xori %lt3A_90, %lt3A_92 : i1
        %and3A_94 = arith.andi %ne3A_93, %ne3A_88 : i1
        %add3A_95 = arith.addi %rem3A_86, %select_n3A_85 : i32
        %select_n3A_96 = arith.select %and3A_94, %add3A_95, %rem3A_86 : i32
        %dma_wait3A = arith.constant 0 : i32
        %dma_wait3A_97 = arith.constant 0 : i32
        %dma_wait3A_98 = tpu.memref_slice %arg6[%select_n3A_96, %dma_wait3A, %dma_wait3A_97] : memref<2x128x128xf32, #tpu.memory_space<vmem>> -> memref<1x128x128xf32, #tpu.memory_space<vmem>>
        %dma_wait3A_99 = tpu.memref_squeeze %dma_wait3A_98 : memref<1x128x128xf32, #tpu.memory_space<vmem>> -> memref<128x128xf32, #tpu.memory_space<vmem>>
        %dma_wait3A_100 = arith.constant 0 : i32
        %dma_wait3A_101 = arith.constant 0 : i32
        %dma_wait3A_102 = tpu.memref_slice %arg4[%dma_wait3A_100, %dma_wait3A_101] : memref<64000x128xf32, #tpu.memory_space<hbm>> -> memref<128x128xf32, #tpu.memory_space<hbm>>
        %dma_wait3A_103 = arith.constant 0 : i32
        %dma_wait3A_104 = arith.constant 0 : i32
        %dma_wait3A_105 = tpu.memref_slice %arg4[%dma_wait3A_103, %dma_wait3A_104] : memref<64000x128xf32, #tpu.memory_space<hbm>> -> memref<128x128xf32, #tpu.memory_space<hbm>>
        %dma_wait3A_106 = arith.constant 0 : i32
        %dma_wait3A_107 = arith.constant 0 : i32
        %dma_wait3A_108 = tpu.memref_slice %arg6[%select_n3A_96, %dma_wait3A_106, %dma_wait3A_107] : memref<2x128x128xf32, #tpu.memory_space<vmem>> -> memref<1x128x128xf32, #tpu.memory_space<vmem>>
        %dma_wait3A_109 = tpu.memref_squeeze %dma_wait3A_108 : memref<1x128x128xf32, #tpu.memory_space<vmem>> -> memref<128x128xf32, #tpu.memory_space<vmem>>
        tpu.wait_dma2 semaphore(%arg8 : memref<!tpu.dma_semaphore, #tpu.memory_space<semaphore_mem>>) src(%dma_wait3A_109 : memref<128x128xf32, #tpu.memory_space<vmem>>) dst(%dma_wait3A_105 : memref<128x128xf32, #tpu.memory_space<hbm>>)
      } else {
      }
      %lt3A_77 = arith.cmpi slt, %scan3A_44, %select_n3A : i32
      %convert_element_type3A_78 = arith.extui %lt3A_77 : i1 to i32
      %cond3A_79 = arith.constant 0 : i32
      %cond3A_80 = arith.cmpi ne, %convert_element_type3A_78, %cond3A_79 : i32
      scf.if %cond3A_80 {
        %run_scoped3A = arith.constant 0 : i32
        "tpu.region"() ({
          %run_scoped3A_97 = tpu.sem_alloc : memref<!tpu.dma_semaphore, #tpu.memory_space<semaphore_mem>>
          %dma_start3A_98 = arith.constant 0 : i32
          %dma_start3A_99 = arith.constant 0 : i32
          %dma_start3A_100 = tpu.memref_slice %arg6[%select_n3A_58, %dma_start3A_98, %dma_start3A_99] : memref<2x128x128xf32, #tpu.memory_space<vmem>> -> memref<1x128x128xf32, #tpu.memory_space<vmem>>
          %dma_start3A_101 = tpu.memref_squeeze %dma_start3A_100 : memref<1x128x128xf32, #tpu.memory_space<vmem>> -> memref<128x128xf32, #tpu.memory_space<vmem>>
          %dma_start3A_102 = arith.constant 0 : i32
          %dma_start3A_103 = tpu.memref_slice %arg5[%select_n3A_58, %run_scoped3A, %dma_start3A_102] : memref<2x1x128xi32, #tpu.memory_space<vmem>> -> memref<1x1x128xi32, #tpu.memory_space<vmem>>
          %dma_start3A_104 = tpu.memref_squeeze %dma_start3A_103 : memref<1x1x128xi32, #tpu.memory_space<vmem>> -> memref<128xi32, #tpu.memory_space<vmem>>
          %dma_start3A_105 = arith.constant 0 : i32
          %dma_start3A_106 = arith.constant 0 : i32
          %dma_start3A_107 = tpu.memref_slice %arg2[%dma_start3A_105, %dma_start3A_106] : memref<10000x128xf32, #tpu.memory_space<hbm>> -> memref<10000x128xf32, #tpu.memory_space<hbm>>
          tpu.enqueue_indirect_dma source(%dma_start3A_107 : memref<10000x128xf32, #tpu.memory_space<hbm>>) target(%dma_start3A_101 : memref<128x128xf32, #tpu.memory_space<vmem>>) offsets(%dma_start3A_104 : memref<128xi32, #tpu.memory_space<vmem>>) semaphore(%run_scoped3A_97 : memref<!tpu.dma_semaphore, #tpu.memory_space<semaphore_mem>>)
          %dma_wait3A = arith.constant 0 : i32
          %dma_wait3A_108 = arith.constant 0 : i32
          %dma_wait3A_109 = tpu.memref_slice %arg6[%select_n3A_58, %dma_wait3A, %dma_wait3A_108] : memref<2x128x128xf32, #tpu.memory_space<vmem>> -> memref<1x128x128xf32, #tpu.memory_space<vmem>>
          %dma_wait3A_110 = tpu.memref_squeeze %dma_wait3A_109 : memref<1x128x128xf32, #tpu.memory_space<vmem>> -> memref<128x128xf32, #tpu.memory_space<vmem>>
          %dma_wait3A_111 = arith.constant 0 : i32
          %dma_wait3A_112 = tpu.memref_slice %arg5[%select_n3A_58, %run_scoped3A, %dma_wait3A_111] : memref<2x1x128xi32, #tpu.memory_space<vmem>> -> memref<1x1x128xi32, #tpu.memory_space<vmem>>
          %dma_wait3A_113 = tpu.memref_squeeze %dma_wait3A_112 : memref<1x1x128xi32, #tpu.memory_space<vmem>> -> memref<128xi32, #tpu.memory_space<vmem>>
          %dma_wait3A_114 = arith.constant 0 : i32
          %dma_wait3A_115 = arith.constant 0 : i32
          %dma_wait3A_116 = tpu.memref_slice %arg2[%dma_wait3A_114, %dma_wait3A_115] : memref<10000x128xf32, #tpu.memory_space<hbm>> -> memref<10000x128xf32, #tpu.memory_space<hbm>>
          tpu.wait_indirect_dma semaphore(%run_scoped3A_97 : memref<!tpu.dma_semaphore, #tpu.memory_space<semaphore_mem>>) src(%dma_wait3A_116 : memref<10000x128xf32, #tpu.memory_space<hbm>>) dst(%dma_wait3A_110 : memref<128x128xf32, #tpu.memory_space<vmem>>)
          tpu.yield
        }) : () -> ()
        %mul3A_81 = arith.constant 32 : i32
        %mul3A_82 = arith.muli %scan3A_44, %mul3A_81 : i32
        %add3A_83 = arith.addi %add3A, %mul3A_82 : i32
        %mul3A_84 = arith.constant 128 : i32
        %mul3A_85 = arith.muli %add3A_83, %mul3A_84 : i32
        %dma_start3A = arith.constant 0 : i32
        %dma_start3A_86 = arith.constant 0 : i32
        %dma_start3A_87 = tpu.memref_slice %arg6[%select_n3A_58, %dma_start3A, %dma_start3A_86] : memref<2x128x128xf32, #tpu.memory_space<vmem>> -> memref<1x128x128xf32, #tpu.memory_space<vmem>>
        %dma_start3A_88 = tpu.memref_squeeze %dma_start3A_87 : memref<1x128x128xf32, #tpu.memory_space<vmem>> -> memref<128x128xf32, #tpu.memory_space<vmem>>
        %dma_start3A_89 = arith.constant 0 : i32
        %dma_start3A_90 = tpu.memref_slice %arg4[%mul3A_85, %dma_start3A_89] : memref<64000x128xf32, #tpu.memory_space<hbm>> -> memref<128x128xf32, #tpu.memory_space<hbm>>
        %dma_start3A_91 = arith.constant 0 : i32
        %dma_start3A_92 = tpu.memref_slice %arg4[%mul3A_85, %dma_start3A_91] : memref<64000x128xf32, #tpu.memory_space<hbm>> -> memref<128x128xf32, #tpu.memory_space<hbm>>
        %dma_start3A_93 = arith.constant 0 : i32
        %dma_start3A_94 = arith.constant 0 : i32
        %dma_start3A_95 = tpu.memref_slice %arg6[%select_n3A_58, %dma_start3A_93, %dma_start3A_94] : memref<2x128x128xf32, #tpu.memory_space<vmem>> -> memref<1x128x128xf32, #tpu.memory_space<vmem>>
        %dma_start3A_96 = tpu.memref_squeeze %dma_start3A_95 : memref<1x128x128xf32, #tpu.memory_space<vmem>> -> memref<128x128xf32, #tpu.memory_space<vmem>>
        tpu.enqueue_dma source(%dma_start3A_96 : memref<128x128xf32, #tpu.memory_space<vmem>>) target(%dma_start3A_92 : memref<128x128xf32, #tpu.memory_space<hbm>>) target_semaphore(%arg8 : memref<!tpu.dma_semaphore, #tpu.memory_space<semaphore_mem>>)
      } else {
      }
    }
    %scan3A_29 = arith.constant 16 : i32
    %gt3A_30 = arith.constant 14 : i32
    %gt3A_31 = arith.cmpi sgt, %select_n3A, %gt3A_30 : i32
    %and3A_32 = arith.constant true
    %and3A_33 = arith.andi %and3A_32, %gt3A_31 : i1
    %convert_element_type3A_34 = arith.extui %and3A_33 : i1 to i32
    %cond3A_35 = arith.constant 0 : i32
    %cond3A_36 = arith.cmpi ne, %convert_element_type3A_34, %cond3A_35 : i32
    scf.if %cond3A_36 {
      %dma_wait3A = arith.constant 0 : i32
      %dma_wait3A_44 = arith.constant 0 : i32
      %dma_wait3A_45 = arith.constant 0 : i32
      %dma_wait3A_46 = tpu.memref_slice %arg6[%dma_wait3A, %dma_wait3A_44, %dma_wait3A_45] : memref<2x128x128xf32, #tpu.memory_space<vmem>> -> memref<1x128x128xf32, #tpu.memory_space<vmem>>
      %dma_wait3A_47 = tpu.memref_squeeze %dma_wait3A_46 : memref<1x128x128xf32, #tpu.memory_space<vmem>> -> memref<128x128xf32, #tpu.memory_space<vmem>>
      %dma_wait3A_48 = arith.constant 0 : i32
      %dma_wait3A_49 = arith.constant 0 : i32
      %dma_wait3A_50 = tpu.memref_slice %arg4[%dma_wait3A_48, %dma_wait3A_49] : memref<64000x128xf32, #tpu.memory_space<hbm>> -> memref<128x128xf32, #tpu.memory_space<hbm>>
      %dma_wait3A_51 = arith.constant 0 : i32
      %dma_wait3A_52 = arith.constant 0 : i32
      %dma_wait3A_53 = tpu.memref_slice %arg4[%dma_wait3A_51, %dma_wait3A_52] : memref<64000x128xf32, #tpu.memory_space<hbm>> -> memref<128x128xf32, #tpu.memory_space<hbm>>
      %dma_wait3A_54 = arith.constant 0 : i32
      %dma_wait3A_55 = arith.constant 0 : i32
      %dma_wait3A_56 = tpu.memref_slice %arg6[%dma_wait3A, %dma_wait3A_54, %dma_wait3A_55] : memref<2x128x128xf32, #tpu.memory_space<vmem>> -> memref<1x128x128xf32, #tpu.memory_space<vmem>>
      %dma_wait3A_57 = tpu.memref_squeeze %dma_wait3A_56 : memref<1x128x128xf32, #tpu.memory_space<vmem>> -> memref<128x128xf32, #tpu.memory_space<vmem>>
      tpu.wait_dma2 semaphore(%arg8 : memref<!tpu.dma_semaphore, #tpu.memory_space<semaphore_mem>>) src(%dma_wait3A_57 : memref<128x128xf32, #tpu.memory_space<vmem>>) dst(%dma_wait3A_53 : memref<128x128xf32, #tpu.memory_space<hbm>>)
    } else {
    }
    %gt3A_37 = arith.constant 15 : i32
    %gt3A_38 = arith.cmpi sgt, %select_n3A, %gt3A_37 : i32
    %and3A_39 = arith.constant true
    %and3A_40 = arith.andi %and3A_39, %gt3A_38 : i1
    %convert_element_type3A_41 = arith.extui %and3A_40 : i1 to i32
    %cond3A_42 = arith.constant 0 : i32
    %cond3A_43 = arith.cmpi ne, %convert_element_type3A_41, %cond3A_42 : i32
    scf.if %cond3A_43 {
      %dma_wait3A = arith.constant 1 : i32
      %dma_wait3A_44 = arith.constant 0 : i32
      %dma_wait3A_45 = arith.constant 0 : i32
      %dma_wait3A_46 = tpu.memref_slice %arg6[%dma_wait3A, %dma_wait3A_44, %dma_wait3A_45] : memref<2x128x128xf32, #tpu.memory_space<vmem>> -> memref<1x128x128xf32, #tpu.memory_space<vmem>>
      %dma_wait3A_47 = tpu.memref_squeeze %dma_wait3A_46 : memref<1x128x128xf32, #tpu.memory_space<vmem>> -> memref<128x128xf32, #tpu.memory_space<vmem>>
      %dma_wait3A_48 = arith.constant 0 : i32
      %dma_wait3A_49 = arith.constant 0 : i32
      %dma_wait3A_50 = tpu.memref_slice %arg4[%dma_wait3A_48, %dma_wait3A_49] : memref<64000x128xf32, #tpu.memory_space<hbm>> -> memref<128x128xf32, #tpu.memory_space<hbm>>
      %dma_wait3A_51 = arith.constant 0 : i32
      %dma_wait3A_52 = arith.constant 0 : i32
      %dma_wait3A_53 = tpu.memref_slice %arg4[%dma_wait3A_51, %dma_wait3A_52] : memref<64000x128xf32, #tpu.memory_space<hbm>> -> memref<128x128xf32, #tpu.memory_space<hbm>>
      %dma_wait3A_54 = arith.constant 0 : i32
      %dma_wait3A_55 = arith.constant 0 : i32
      %dma_wait3A_56 = tpu.memref_slice %arg6[%dma_wait3A, %dma_wait3A_54, %dma_wait3A_55] : memref<2x128x128xf32, #tpu.memory_space<vmem>> -> memref<1x128x128xf32, #tpu.memory_space<vmem>>
      %dma_wait3A_57 = tpu.memref_squeeze %dma_wait3A_56 : memref<1x128x128xf32, #tpu.memory_space<vmem>> -> memref<128x128xf32, #tpu.memory_space<vmem>>
      tpu.wait_dma2 semaphore(%arg8 : memref<!tpu.dma_semaphore, #tpu.memory_space<semaphore_mem>>) src(%dma_wait3A_57 : memref<128x128xf32, #tpu.memory_space<vmem>>) dst(%dma_wait3A_53 : memref<128x128xf32, #tpu.memory_space<hbm>>)
    } else {
    }
    return
  }
}

module attributes {stable_mosaic.version = 14 : i64} {
  func.func @body(%arg0: i32, %arg1: memref<1000x128xf32, #tpu.memory_space<vmem>>, %arg2: memref<128x128xf32, #tpu.memory_space<vmem>>, %arg3: memref<128x96xf32, #tpu.memory_space<vmem>>, %arg4: memref<1000x128xf32, #tpu.memory_space<vmem>>, %arg5: memref<1000x96xf32, #tpu.memory_space<vmem>>) attributes {dimension_semantics = [#tpu.dimension_semantics<arbitrary>], iteration_bounds = array<i64: 10>, scalar_prefetch = 0 : i64, scratch_operands = 0 : i64, tpu.core_type = #tpu.core_type<tc>, window_params = [{transform_indices = @transform_0, window_bounds = array<i64: 1000, 128>}, {pipeline_mode = #tpu.pipeline_mode<synchronous>, transform_indices = @transform_1, window_bounds = array<i64: 128, 128>}, {pipeline_mode = #tpu.pipeline_mode<synchronous>, transform_indices = @transform_2, window_bounds = array<i64: 128, 96>}, {transform_indices = @transform_3, window_bounds = array<i64: 1000, 128>}, {transform_indices = @transform_4, window_bounds = array<i64: 1000, 96>}]} {
    %get3A = arith.constant 0 : index
    %get3A_0 = arith.constant 0 : index
    %get3A_1 = vector.load %arg1[%get3A, %get3A_0] : memref<1000x128xf32, #tpu.memory_space<vmem>>, vector<1000x128xf32>
    %get3A_2 = arith.constant 0 : index
    %get3A_3 = arith.constant 0 : index
    %get3A_4 = vector.load %arg2[%get3A_2, %get3A_3] : memref<128x128xf32, #tpu.memory_space<vmem>>, vector<128x128xf32>
    %dot_general3A = arith.constant dense<0.000000e+00> : vector<1000x128xf32>
    %dot_general3A_5 = tpu.matmul %get3A_1, %get3A_4, %dot_general3A {dimension_numbers = #tpu.dot_dimension_numbers<[1], [0], [0], [1], [0, 0, 1, 1], [], []>, transpose_lhs_hint = false} : vector<1000x128xf32>, vector<128x128xf32>, vector<1000x128xf32> -> vector<1000x128xf32>
    %swap3A = arith.constant 0 : index
    %swap3A_6 = arith.constant 0 : index
    %swap3A_7 = vector.load %arg4[%swap3A, %swap3A_6] : memref<1000x128xf32, #tpu.memory_space<vmem>>, vector<1000x128xf32>
    tpu.vector_store %arg4[%swap3A, %swap3A_6], %dot_general3A_5 {strides = array<i32>} : memref<1000x128xf32, #tpu.memory_space<vmem>>, vector<1000x128xf32>,
    %get3A_8 = arith.constant 0 : index
    %get3A_9 = arith.constant 0 : index
    %get3A_10 = vector.load %arg3[%get3A_8, %get3A_9] : memref<128x96xf32, #tpu.memory_space<vmem>>, vector<128x96xf32>
    %dot_general3A_11 = arith.constant dense<0.000000e+00> : vector<1000x96xf32>
    %dot_general3A_12 = tpu.matmul %get3A_1, %get3A_10, %dot_general3A_11 {dimension_numbers = #tpu.dot_dimension_numbers<[1], [0], [0], [1], [0, 0, 1, 1], [], []>, transpose_lhs_hint = false} : vector<1000x128xf32>, vector<128x96xf32>, vector<1000x96xf32> -> vector<1000x96xf32>
    %swap3A_13 = arith.constant 0 : index
    %swap3A_14 = arith.constant 0 : index
    %swap3A_15 = vector.load %arg5[%swap3A_13, %swap3A_14] : memref<1000x96xf32, #tpu.memory_space<vmem>>, vector<1000x96xf32>
    tpu.vector_store %arg5[%swap3A_13, %swap3A_14], %dot_general3A_12 {strides = array<i32>} : memref<1000x96xf32, #tpu.memory_space<vmem>>, vector<1000x96xf32>,
    return
  }
  func.func @transform_0(%arg0: i32) -> (i32, i32) {
    %c0_i32 = arith.constant 0 : i32
    %c0_i32_0 = arith.constant 0 : i32
    return %arg0, %c0_i32 : i32, i32
  }
  func.func @transform_1(%arg0: i32) -> (i32, i32) {
    %c0_i32 = arith.constant 0 : i32
    %c0_i32_0 = arith.constant 0 : i32
    %c0_i32_1 = arith.constant 0 : i32
    return %c0_i32, %c0_i32_0 : i32, i32
  }
  func.func @transform_2(%arg0: i32) -> (i32, i32) {
    %c0_i32 = arith.constant 0 : i32
    %c0_i32_0 = arith.constant 0 : i32
    %c0_i32_1 = arith.constant 0 : i32
    return %c0_i32, %c0_i32_0 : i32, i32
  }
  func.func @transform_3(%arg0: i32) -> (i32, i32) {
    %c0_i32 = arith.constant 0 : i32
    %c0_i32_0 = arith.constant 0 : i32
    return %arg0, %c0_i32 : i32, i32
  }
  func.func @transform_4(%arg0: i32) -> (i32, i32) {
    %c0_i32 = arith.constant 0 : i32
    %c0_i32_0 = arith.constant 0 : i32
    return %arg0, %c0_i32 : i32, i32
  }
}

module attributes {stable_mosaic.version = 14 : i64} {
  func.func @body(%arg0: i32, %arg1: memref<2000x8xf32, #tpu.memory_space<vmem>>, %arg2: memref<2000x9xf32, #tpu.memory_space<vmem>>, %arg3: memref<2000x128xf32, #tpu.memory_space<vmem>>, %arg4: memref<8x8xf32, #tpu.memory_space<vmem>>, %arg5: memref<8x384xf32, #tpu.memory_space<vmem>>, %arg6: memref<128x128xbf16, #tpu.memory_space<vmem>>, %arg7: memref<128x128xbf16, #tpu.memory_space<vmem>>, %arg8: memref<128x128xbf16, #tpu.memory_space<vmem>>, %arg9: memref<128x128xbf16, #tpu.memory_space<vmem>>, %arg10: memref<9x384xf32, #tpu.memory_space<vmem>>, %arg11: memref<3x2000x128xf32, #tpu.memory_space<vmem>>) attributes {dimension_semantics = [#tpu.dimension_semantics<arbitrary>], iteration_bounds = array<i64: 48>, scalar_prefetch = 0 : i64, scratch_operands = 0 : i64, tpu.core_type = #tpu.core_type<tc>, window_params = [{transform_indices = @transform_0, window_bounds = array<i64: 2000, 8>}, {transform_indices = @transform_1, window_bounds = array<i64: 2000, 9>}, {transform_indices = @transform_2, window_bounds = array<i64: 2000, 128>}, {pipeline_mode = #tpu.pipeline_mode<synchronous>, transform_indices = @transform_3, window_bounds = array<i64: 8, 8>}, {pipeline_mode = #tpu.pipeline_mode<synchronous>, transform_indices = @transform_4, window_bounds = array<i64: 8, 384>}, {pipeline_mode = #tpu.pipeline_mode<synchronous>, transform_indices = @transform_5, window_bounds = array<i64: 128, 128>}, {pipeline_mode = #tpu.pipeline_mode<synchronous>, transform_indices = @transform_6, window_bounds = array<i64: 128, 128>}, {pipeline_mode = #tpu.pipeline_mode<synchronous>, transform_indices = @transform_7, window_bounds = array<i64: 128, 128>}, {pipeline_mode = #tpu.pipeline_mode<synchronous>, transform_indices = @transform_8, window_bounds = array<i64: 128, 128>}, {pipeline_mode = #tpu.pipeline_mode<synchronous>, transform_indices = @transform_9, window_bounds = array<i64: 9, 384>}, {transform_indices = @transform_10, window_bounds = array<i64: 3, 2000, 128>}]} {
    %get3A = arith.constant 0 : index
    %get3A_0 = arith.constant 0 : index
    %get3A_1 = vector.load %arg1[%get3A, %get3A_0] : memref<2000x8xf32, #tpu.memory_space<vmem>>, vector<2000x8xf32>
    %get3A_2 = arith.constant 0 : index
    %get3A_3 = arith.constant 0 : index
    %get3A_4 = vector.load %arg2[%get3A_2, %get3A_3] : memref<2000x9xf32, #tpu.memory_space<vmem>>, vector<2000x9xf32>
    %get3A_5 = arith.constant 0 : index
    %get3A_6 = arith.constant 0 : index
    %get3A_7 = vector.load %arg3[%get3A_5, %get3A_6] : memref<2000x128xf32, #tpu.memory_space<vmem>>, vector<2000x128xf32>
    %get3A_8 = arith.constant 0 : index
    %get3A_9 = arith.constant 0 : index
    %get3A_10 = vector.load %arg4[%get3A_8, %get3A_9] : memref<8x8xf32, #tpu.memory_space<vmem>>, vector<8x8xf32>
    %dot_general3A = arith.constant dense<0.000000e+00> : vector<2000x8xf32>
    %dot_general3A_11 = tpu.matmul %get3A_1, %get3A_10, %dot_general3A {dimension_numbers = #tpu.dot_dimension_numbers<[1], [0], [0], [1], [0, 0, 1, 1], [], []>, transpose_lhs_hint = false} : vector<2000x8xf32>, vector<8x8xf32>, vector<2000x8xf32> -> vector<2000x8xf32>
    %logistic3A = arith.negf %dot_general3A_11 : vector<2000x8xf32>
    %logistic3A_12 = math.exp %logistic3A : vector<2000x8xf32>
    %logistic3A_13 = arith.constant 1.000000e+00 : f32
    %logistic3A_14 = vector.broadcast %logistic3A_13 : f32 to vector<2000x8xf32>
    %logistic3A_15 = arith.addf %logistic3A_14, %logistic3A_12 : vector<2000x8xf32>
    %logistic3A_16 = arith.divf %logistic3A_14, %logistic3A_15 : vector<2000x8xf32>
    %mul3A = arith.mulf %dot_general3A_11, %logistic3A_16 : vector<2000x8xf32>
    %convert_element_type3A = arith.truncf %mul3A : vector<2000x8xf32> to vector<2000x8xbf16>
    %get3A_17 = arith.constant 0 : index
    %get3A_18 = arith.constant 0 : index
    %get3A_19 = vector.load %arg5[%get3A_17, %get3A_18] : memref<8x384xf32, #tpu.memory_space<vmem>>, vector<8x384xf32>
    %convert_element_type3A_20 = arith.truncf %get3A_19 : vector<8x384xf32> to vector<8x384xbf16>
    %dot_general3A_21 = arith.constant dense<0.000000e+00> : vector<2000x384xf32>
    %dot_general3A_22 = tpu.matmul %convert_element_type3A, %convert_element_type3A_20, %dot_general3A_21 {dimension_numbers = #tpu.dot_dimension_numbers<[1], [0], [0], [1], [0, 0, 1, 1], [], []>, transpose_lhs_hint = false} : vector<2000x8xbf16>, vector<8x384xbf16>, vector<2000x384xf32> -> vector<2000x384xf32>
    %slice3A = vector.extract_strided_slice %dot_general3A_22 {offsets = [0, 0], sizes = [2000, 128], strides = [1, 1]} : vector<2000x384xf32> to vector<2000x128xf32>
    %mul3A_23 = arith.mulf %slice3A, %get3A_7 : vector<2000x128xf32>
    %convert_element_type3A_24 = arith.truncf %mul3A_23 : vector<2000x128xf32> to vector<2000x128xbf16>
    %slice3A_25 = vector.extract_strided_slice %dot_general3A_22 {offsets = [0, 128], sizes = [2000, 128], strides = [1, 1]} : vector<2000x384xf32> to vector<2000x128xf32>
    %mul3A_26 = arith.mulf %slice3A_25, %get3A_7 : vector<2000x128xf32>
    %convert_element_type3A_27 = arith.truncf %mul3A_26 : vector<2000x128xf32> to vector<2000x128xbf16>
    %slice3A_28 = vector.extract_strided_slice %dot_general3A_22 {offsets = [0, 256], sizes = [2000, 128], strides = [1, 1]} : vector<2000x384xf32> to vector<2000x128xf32>
    %mul3A_29 = arith.mulf %slice3A_28, %get3A_7 : vector<2000x128xf32>
    %convert_element_type3A_30 = arith.truncf %mul3A_29 : vector<2000x128xf32> to vector<2000x128xbf16>
    %get3A_31 = arith.constant 0 : index
    %get3A_32 = arith.constant 0 : index
    %get3A_33 = vector.load %arg10[%get3A_31, %get3A_32] : memref<9x384xf32, #tpu.memory_space<vmem>>, vector<9x384xf32>
    %dot_general3A_34 = arith.constant dense<0.000000e+00> : vector<2000x384xf32>
    %dot_general3A_35 = tpu.matmul %get3A_4, %get3A_33, %dot_general3A_34 {dimension_numbers = #tpu.dot_dimension_numbers<[1], [0], [0], [1], [0, 0, 1, 1], [], []>, transpose_lhs_hint = false} : vector<2000x9xf32>, vector<9x384xf32>, vector<2000x384xf32> -> vector<2000x384xf32>
    %get3A_36 = arith.constant 0 : index
    %get3A_37 = arith.constant 0 : index
    %get3A_38 = vector.load %arg6[%get3A_36, %get3A_37] : memref<128x128xbf16, #tpu.memory_space<vmem>>, vector<128x128xbf16>
    %dot_general3A_39 = arith.constant dense<0.000000e+00> : vector<2000x128xf32>
    %dot_general3A_40 = tpu.matmul %convert_element_type3A_27, %get3A_38, %dot_general3A_39 {dimension_numbers = #tpu.dot_dimension_numbers<[1], [0], [0], [1], [0, 0, 1, 1], [], []>, transpose_lhs_hint = false} : vector<2000x128xbf16>, vector<128x128xbf16>, vector<2000x128xf32> -> vector<2000x128xf32>
    %get3A_41 = arith.constant 0 : index
    %get3A_42 = arith.constant 0 : index
    %get3A_43 = vector.load %arg7[%get3A_41, %get3A_42] : memref<128x128xbf16, #tpu.memory_space<vmem>>, vector<128x128xbf16>
    %dot_general3A_44 = arith.constant dense<0.000000e+00> : vector<2000x128xf32>
    %dot_general3A_45 = tpu.matmul %convert_element_type3A_30, %get3A_43, %dot_general3A_44 {dimension_numbers = #tpu.dot_dimension_numbers<[1], [0], [0], [1], [0, 0, 1, 1], [], []>, transpose_lhs_hint = false} : vector<2000x128xbf16>, vector<128x128xbf16>, vector<2000x128xf32> -> vector<2000x128xf32>
    %add3A = arith.addf %dot_general3A_40, %dot_general3A_45 : vector<2000x128xf32>
    %get3A_46 = arith.constant 0 : index
    %get3A_47 = arith.constant 0 : index
    %get3A_48 = vector.load %arg8[%get3A_46, %get3A_47] : memref<128x128xbf16, #tpu.memory_space<vmem>>, vector<128x128xbf16>
    %dot_general3A_49 = arith.constant dense<0.000000e+00> : vector<2000x128xf32>
    %dot_general3A_50 = tpu.matmul %convert_element_type3A_30, %get3A_48, %dot_general3A_49 {dimension_numbers = #tpu.dot_dimension_numbers<[1], [0], [0], [1], [0, 0, 1, 1], [], []>, transpose_lhs_hint = false} : vector<2000x128xbf16>, vector<128x128xbf16>, vector<2000x128xf32> -> vector<2000x128xf32>
    %get3A_51 = arith.constant 0 : index
    %get3A_52 = arith.constant 0 : index
    %get3A_53 = vector.load %arg9[%get3A_51, %get3A_52] : memref<128x128xbf16, #tpu.memory_space<vmem>>, vector<128x128xbf16>
    %dot_general3A_54 = arith.constant dense<0.000000e+00> : vector<2000x128xf32>
    %dot_general3A_55 = tpu.matmul %convert_element_type3A_24, %get3A_53, %dot_general3A_54 {dimension_numbers = #tpu.dot_dimension_numbers<[1], [0], [0], [1], [0, 0, 1, 1], [], []>, transpose_lhs_hint = false} : vector<2000x128xbf16>, vector<128x128xbf16>, vector<2000x128xf32> -> vector<2000x128xf32>
    %slice3A_56 = vector.extract_strided_slice %dot_general3A_35 {offsets = [0, 0], sizes = [2000, 128], strides = [1, 1]} : vector<2000x384xf32> to vector<2000x128xf32>
    %mul3A_57 = arith.mulf %add3A, %slice3A_56 : vector<2000x128xf32>
    %swap3A = arith.constant 0 : index
    %swap3A_58 = arith.constant 0 : index
    %swap3A_59 = arith.constant 0 : index
    %swap3A_60 = vector.load %arg11[%swap3A, %swap3A_58, %swap3A_59] : memref<3x2000x128xf32, #tpu.memory_space<vmem>>, vector<1x2000x128xf32>
    %swap3A_61 = vector.shape_cast %swap3A_60 : vector<1x2000x128xf32> to vector<2000x128xf32>
    %swap3A_62 = vector.shape_cast %mul3A_57 : vector<2000x128xf32> to vector<1x2000x128xf32>
    tpu.vector_store %arg11[%swap3A, %swap3A_58, %swap3A_59], %swap3A_62 {strides = array<i32>} : memref<3x2000x128xf32, #tpu.memory_space<vmem>>, vector<1x2000x128xf32>,
    %slice3A_63 = vector.extract_strided_slice %dot_general3A_35 {offsets = [0, 128], sizes = [2000, 128], strides = [1, 1]} : vector<2000x384xf32> to vector<2000x128xf32>
    %mul3A_64 = arith.mulf %dot_general3A_50, %slice3A_63 : vector<2000x128xf32>
    %swap3A_65 = arith.constant 1 : index
    %swap3A_66 = arith.constant 0 : index
    %swap3A_67 = arith.constant 0 : index
    %swap3A_68 = vector.load %arg11[%swap3A_65, %swap3A_66, %swap3A_67] : memref<3x2000x128xf32, #tpu.memory_space<vmem>>, vector<1x2000x128xf32>
    %swap3A_69 = vector.shape_cast %swap3A_68 : vector<1x2000x128xf32> to vector<2000x128xf32>
    %swap3A_70 = vector.shape_cast %mul3A_64 : vector<2000x128xf32> to vector<1x2000x128xf32>
    tpu.vector_store %arg11[%swap3A_65, %swap3A_66, %swap3A_67], %swap3A_70 {strides = array<i32>} : memref<3x2000x128xf32, #tpu.memory_space<vmem>>, vector<1x2000x128xf32>,
    %slice3A_71 = vector.extract_strided_slice %dot_general3A_35 {offsets = [0, 256], sizes = [2000, 128], strides = [1, 1]} : vector<2000x384xf32> to vector<2000x128xf32>
    %mul3A_72 = arith.mulf %dot_general3A_55, %slice3A_71 : vector<2000x128xf32>
    %swap3A_73 = arith.constant 2 : index
    %swap3A_74 = arith.constant 0 : index
    %swap3A_75 = arith.constant 0 : index
    %swap3A_76 = vector.load %arg11[%swap3A_73, %swap3A_74, %swap3A_75] : memref<3x2000x128xf32, #tpu.memory_space<vmem>>, vector<1x2000x128xf32>
    %swap3A_77 = vector.shape_cast %swap3A_76 : vector<1x2000x128xf32> to vector<2000x128xf32>
    %swap3A_78 = vector.shape_cast %mul3A_72 : vector<2000x128xf32> to vector<1x2000x128xf32>
    tpu.vector_store %arg11[%swap3A_73, %swap3A_74, %swap3A_75], %swap3A_78 {strides = array<i32>} : memref<3x2000x128xf32, #tpu.memory_space<vmem>>, vector<1x2000x128xf32>,
    return
  }
  func.func @transform_0(%arg0: i32) -> (i32, i32) {
    %c0_i32 = arith.constant 0 : i32
    %c0_i32_0 = arith.constant 0 : i32
    return %arg0, %c0_i32 : i32, i32
  }
  func.func @transform_1(%arg0: i32) -> (i32, i32) {
    %c0_i32 = arith.constant 0 : i32
    %c0_i32_0 = arith.constant 0 : i32
    return %arg0, %c0_i32 : i32, i32
  }
  func.func @transform_2(%arg0: i32) -> (i32, i32) {
    %c0_i32 = arith.constant 0 : i32
    %c0_i32_0 = arith.constant 0 : i32
    return %arg0, %c0_i32 : i32, i32
  }
  func.func @transform_3(%arg0: i32) -> (i32, i32) {
    %c0_i32 = arith.constant 0 : i32
    %c0_i32_0 = arith.constant 0 : i32
    %c0_i32_1 = arith.constant 0 : i32
    return %c0_i32, %c0_i32_0 : i32, i32
  }
  func.func @transform_4(%arg0: i32) -> (i32, i32) {
    %c0_i32 = arith.constant 0 : i32
    %c0_i32_0 = arith.constant 0 : i32
    %c0_i32_1 = arith.constant 0 : i32
    return %c0_i32, %c0_i32_0 : i32, i32
  }
  func.func @transform_5(%arg0: i32) -> (i32, i32) {
    %c0_i32 = arith.constant 0 : i32
    %c0_i32_0 = arith.constant 0 : i32
    %c0_i32_1 = arith.constant 0 : i32
    return %c0_i32, %c0_i32_0 : i32, i32
  }
  func.func @transform_6(%arg0: i32) -> (i32, i32) {
    %c0_i32 = arith.constant 0 : i32
    %c0_i32_0 = arith.constant 0 : i32
    %c0_i32_1 = arith.constant 0 : i32
    return %c0_i32, %c0_i32_0 : i32, i32
  }
  func.func @transform_7(%arg0: i32) -> (i32, i32) {
    %c0_i32 = arith.constant 0 : i32
    %c0_i32_0 = arith.constant 0 : i32
    %c0_i32_1 = arith.constant 0 : i32
    return %c0_i32, %c0_i32_0 : i32, i32
  }
  func.func @transform_8(%arg0: i32) -> (i32, i32) {
    %c0_i32 = arith.constant 0 : i32
    %c0_i32_0 = arith.constant 0 : i32
    %c0_i32_1 = arith.constant 0 : i32
    return %c0_i32, %c0_i32_0 : i32, i32
  }
  func.func @transform_9(%arg0: i32) -> (i32, i32) {
    %c0_i32 = arith.constant 0 : i32
    %c0_i32_0 = arith.constant 0 : i32
    %c0_i32_1 = arith.constant 0 : i32
    return %c0_i32, %c0_i32_0 : i32, i32
  }
  func.func @transform_10(%arg0: i32) -> (i32, i32, i32) {
    %c0_i32 = arith.constant 0 : i32
    %c0_i32_0 = arith.constant 0 : i32
    %c0_i32_1 = arith.constant 0 : i32
    return %c0_i32, %arg0, %c0_i32_0 : i32, i32, i32
  }
}

module attributes {stable_mosaic.version = 14 : i64} {
  func.func @body(%arg0: i32, %arg1: memref<2000x8xf32, #tpu.memory_space<vmem>>, %arg2: memref<2000x9xf32, #tpu.memory_space<vmem>>, %arg3: memref<2000x128xf32, #tpu.memory_space<vmem>>, %arg4: memref<8x8xf32, #tpu.memory_space<vmem>>, %arg5: memref<8x384xf32, #tpu.memory_space<vmem>>, %arg6: memref<128x128xbf16, #tpu.memory_space<vmem>>, %arg7: memref<128x128xbf16, #tpu.memory_space<vmem>>, %arg8: memref<128x128xbf16, #tpu.memory_space<vmem>>, %arg9: memref<128x128xbf16, #tpu.memory_space<vmem>>, %arg10: memref<9x384xf32, #tpu.memory_space<vmem>>, %arg11: memref<3x2000x128xf32, #tpu.memory_space<vmem>>) attributes {dimension_semantics = [#tpu.dimension_semantics<arbitrary>], iteration_bounds = array<i64: 32>, scalar_prefetch = 0 : i64, scratch_operands = 0 : i64, tpu.core_type = #tpu.core_type<tc>, window_params = [{transform_indices = @transform_0, window_bounds = array<i64: 2000, 8>}, {transform_indices = @transform_1, window_bounds = array<i64: 2000, 9>}, {transform_indices = @transform_2, window_bounds = array<i64: 2000, 128>}, {pipeline_mode = #tpu.pipeline_mode<synchronous>, transform_indices = @transform_3, window_bounds = array<i64: 8, 8>}, {pipeline_mode = #tpu.pipeline_mode<synchronous>, transform_indices = @transform_4, window_bounds = array<i64: 8, 384>}, {pipeline_mode = #tpu.pipeline_mode<synchronous>, transform_indices = @transform_5, window_bounds = array<i64: 128, 128>}, {pipeline_mode = #tpu.pipeline_mode<synchronous>, transform_indices = @transform_6, window_bounds = array<i64: 128, 128>}, {pipeline_mode = #tpu.pipeline_mode<synchronous>, transform_indices = @transform_7, window_bounds = array<i64: 128, 128>}, {pipeline_mode = #tpu.pipeline_mode<synchronous>, transform_indices = @transform_8, window_bounds = array<i64: 128, 128>}, {pipeline_mode = #tpu.pipeline_mode<synchronous>, transform_indices = @transform_9, window_bounds = array<i64: 9, 384>}, {transform_indices = @transform_10, window_bounds = array<i64: 3, 2000, 128>}]} {
    %get3A = arith.constant 0 : index
    %get3A_0 = arith.constant 0 : index
    %get3A_1 = vector.load %arg1[%get3A, %get3A_0] : memref<2000x8xf32, #tpu.memory_space<vmem>>, vector<2000x8xf32>
    %get3A_2 = arith.constant 0 : index
    %get3A_3 = arith.constant 0 : index
    %get3A_4 = vector.load %arg2[%get3A_2, %get3A_3] : memref<2000x9xf32, #tpu.memory_space<vmem>>, vector<2000x9xf32>
    %get3A_5 = arith.constant 0 : index
    %get3A_6 = arith.constant 0 : index
    %get3A_7 = vector.load %arg3[%get3A_5, %get3A_6] : memref<2000x128xf32, #tpu.memory_space<vmem>>, vector<2000x128xf32>
    %get3A_8 = arith.constant 0 : index
    %get3A_9 = arith.constant 0 : index
    %get3A_10 = vector.load %arg4[%get3A_8, %get3A_9] : memref<8x8xf32, #tpu.memory_space<vmem>>, vector<8x8xf32>
    %dot_general3A = arith.constant dense<0.000000e+00> : vector<2000x8xf32>
    %dot_general3A_11 = tpu.matmul %get3A_1, %get3A_10, %dot_general3A {dimension_numbers = #tpu.dot_dimension_numbers<[1], [0], [0], [1], [0, 0, 1, 1], [], []>, transpose_lhs_hint = false} : vector<2000x8xf32>, vector<8x8xf32>, vector<2000x8xf32> -> vector<2000x8xf32>
    %logistic3A = arith.negf %dot_general3A_11 : vector<2000x8xf32>
    %logistic3A_12 = math.exp %logistic3A : vector<2000x8xf32>
    %logistic3A_13 = arith.constant 1.000000e+00 : f32
    %logistic3A_14 = vector.broadcast %logistic3A_13 : f32 to vector<2000x8xf32>
    %logistic3A_15 = arith.addf %logistic3A_14, %logistic3A_12 : vector<2000x8xf32>
    %logistic3A_16 = arith.divf %logistic3A_14, %logistic3A_15 : vector<2000x8xf32>
    %mul3A = arith.mulf %dot_general3A_11, %logistic3A_16 : vector<2000x8xf32>
    %convert_element_type3A = arith.truncf %mul3A : vector<2000x8xf32> to vector<2000x8xbf16>
    %get3A_17 = arith.constant 0 : index
    %get3A_18 = arith.constant 0 : index
    %get3A_19 = vector.load %arg5[%get3A_17, %get3A_18] : memref<8x384xf32, #tpu.memory_space<vmem>>, vector<8x384xf32>
    %convert_element_type3A_20 = arith.truncf %get3A_19 : vector<8x384xf32> to vector<8x384xbf16>
    %dot_general3A_21 = arith.constant dense<0.000000e+00> : vector<2000x384xf32>
    %dot_general3A_22 = tpu.matmul %convert_element_type3A, %convert_element_type3A_20, %dot_general3A_21 {dimension_numbers = #tpu.dot_dimension_numbers<[1], [0], [0], [1], [0, 0, 1, 1], [], []>, transpose_lhs_hint = false} : vector<2000x8xbf16>, vector<8x384xbf16>, vector<2000x384xf32> -> vector<2000x384xf32>
    %slice3A = vector.extract_strided_slice %dot_general3A_22 {offsets = [0, 0], sizes = [2000, 128], strides = [1, 1]} : vector<2000x384xf32> to vector<2000x128xf32>
    %mul3A_23 = arith.mulf %slice3A, %get3A_7 : vector<2000x128xf32>
    %convert_element_type3A_24 = arith.truncf %mul3A_23 : vector<2000x128xf32> to vector<2000x128xbf16>
    %slice3A_25 = vector.extract_strided_slice %dot_general3A_22 {offsets = [0, 128], sizes = [2000, 128], strides = [1, 1]} : vector<2000x384xf32> to vector<2000x128xf32>
    %mul3A_26 = arith.mulf %slice3A_25, %get3A_7 : vector<2000x128xf32>
    %convert_element_type3A_27 = arith.truncf %mul3A_26 : vector<2000x128xf32> to vector<2000x128xbf16>
    %slice3A_28 = vector.extract_strided_slice %dot_general3A_22 {offsets = [0, 256], sizes = [2000, 128], strides = [1, 1]} : vector<2000x384xf32> to vector<2000x128xf32>
    %mul3A_29 = arith.mulf %slice3A_28, %get3A_7 : vector<2000x128xf32>
    %convert_element_type3A_30 = arith.truncf %mul3A_29 : vector<2000x128xf32> to vector<2000x128xbf16>
    %get3A_31 = arith.constant 0 : index
    %get3A_32 = arith.constant 0 : index
    %get3A_33 = vector.load %arg10[%get3A_31, %get3A_32] : memref<9x384xf32, #tpu.memory_space<vmem>>, vector<9x384xf32>
    %dot_general3A_34 = arith.constant dense<0.000000e+00> : vector<2000x384xf32>
    %dot_general3A_35 = tpu.matmul %get3A_4, %get3A_33, %dot_general3A_34 {dimension_numbers = #tpu.dot_dimension_numbers<[1], [0], [0], [1], [0, 0, 1, 1], [], []>, transpose_lhs_hint = false} : vector<2000x9xf32>, vector<9x384xf32>, vector<2000x384xf32> -> vector<2000x384xf32>
    %get3A_36 = arith.constant 0 : index
    %get3A_37 = arith.constant 0 : index
    %get3A_38 = vector.load %arg6[%get3A_36, %get3A_37] : memref<128x128xbf16, #tpu.memory_space<vmem>>, vector<128x128xbf16>
    %dot_general3A_39 = arith.constant dense<0.000000e+00> : vector<2000x128xf32>
    %dot_general3A_40 = tpu.matmul %convert_element_type3A_27, %get3A_38, %dot_general3A_39 {dimension_numbers = #tpu.dot_dimension_numbers<[1], [0], [0], [1], [0, 0, 1, 1], [], []>, transpose_lhs_hint = false} : vector<2000x128xbf16>, vector<128x128xbf16>, vector<2000x128xf32> -> vector<2000x128xf32>
    %get3A_41 = arith.constant 0 : index
    %get3A_42 = arith.constant 0 : index
    %get3A_43 = vector.load %arg7[%get3A_41, %get3A_42] : memref<128x128xbf16, #tpu.memory_space<vmem>>, vector<128x128xbf16>
    %dot_general3A_44 = arith.constant dense<0.000000e+00> : vector<2000x128xf32>
    %dot_general3A_45 = tpu.matmul %convert_element_type3A_30, %get3A_43, %dot_general3A_44 {dimension_numbers = #tpu.dot_dimension_numbers<[1], [0], [0], [1], [0, 0, 1, 1], [], []>, transpose_lhs_hint = false} : vector<2000x128xbf16>, vector<128x128xbf16>, vector<2000x128xf32> -> vector<2000x128xf32>
    %add3A = arith.addf %dot_general3A_40, %dot_general3A_45 : vector<2000x128xf32>
    %get3A_46 = arith.constant 0 : index
    %get3A_47 = arith.constant 0 : index
    %get3A_48 = vector.load %arg8[%get3A_46, %get3A_47] : memref<128x128xbf16, #tpu.memory_space<vmem>>, vector<128x128xbf16>
    %dot_general3A_49 = arith.constant dense<0.000000e+00> : vector<2000x128xf32>
    %dot_general3A_50 = tpu.matmul %convert_element_type3A_30, %get3A_48, %dot_general3A_49 {dimension_numbers = #tpu.dot_dimension_numbers<[1], [0], [0], [1], [0, 0, 1, 1], [], []>, transpose_lhs_hint = false} : vector<2000x128xbf16>, vector<128x128xbf16>, vector<2000x128xf32> -> vector<2000x128xf32>
    %get3A_51 = arith.constant 0 : index
    %get3A_52 = arith.constant 0 : index
    %get3A_53 = vector.load %arg9[%get3A_51, %get3A_52] : memref<128x128xbf16, #tpu.memory_space<vmem>>, vector<128x128xbf16>
    %dot_general3A_54 = arith.constant dense<0.000000e+00> : vector<2000x128xf32>
    %dot_general3A_55 = tpu.matmul %convert_element_type3A_24, %get3A_53, %dot_general3A_54 {dimension_numbers = #tpu.dot_dimension_numbers<[1], [0], [0], [1], [0, 0, 1, 1], [], []>, transpose_lhs_hint = false} : vector<2000x128xbf16>, vector<128x128xbf16>, vector<2000x128xf32> -> vector<2000x128xf32>
    %slice3A_56 = vector.extract_strided_slice %dot_general3A_35 {offsets = [0, 0], sizes = [2000, 128], strides = [1, 1]} : vector<2000x384xf32> to vector<2000x128xf32>
    %mul3A_57 = arith.mulf %add3A, %slice3A_56 : vector<2000x128xf32>
    %swap3A = arith.constant 0 : index
    %swap3A_58 = arith.constant 0 : index
    %swap3A_59 = arith.constant 0 : index
    %swap3A_60 = vector.load %arg11[%swap3A, %swap3A_58, %swap3A_59] : memref<3x2000x128xf32, #tpu.memory_space<vmem>>, vector<1x2000x128xf32>
    %swap3A_61 = vector.shape_cast %swap3A_60 : vector<1x2000x128xf32> to vector<2000x128xf32>
    %swap3A_62 = vector.shape_cast %mul3A_57 : vector<2000x128xf32> to vector<1x2000x128xf32>
    tpu.vector_store %arg11[%swap3A, %swap3A_58, %swap3A_59], %swap3A_62 {strides = array<i32>} : memref<3x2000x128xf32, #tpu.memory_space<vmem>>, vector<1x2000x128xf32>,
    %slice3A_63 = vector.extract_strided_slice %dot_general3A_35 {offsets = [0, 128], sizes = [2000, 128], strides = [1, 1]} : vector<2000x384xf32> to vector<2000x128xf32>
    %mul3A_64 = arith.mulf %dot_general3A_50, %slice3A_63 : vector<2000x128xf32>
    %swap3A_65 = arith.constant 1 : index
    %swap3A_66 = arith.constant 0 : index
    %swap3A_67 = arith.constant 0 : index
    %swap3A_68 = vector.load %arg11[%swap3A_65, %swap3A_66, %swap3A_67] : memref<3x2000x128xf32, #tpu.memory_space<vmem>>, vector<1x2000x128xf32>
    %swap3A_69 = vector.shape_cast %swap3A_68 : vector<1x2000x128xf32> to vector<2000x128xf32>
    %swap3A_70 = vector.shape_cast %mul3A_64 : vector<2000x128xf32> to vector<1x2000x128xf32>
    tpu.vector_store %arg11[%swap3A_65, %swap3A_66, %swap3A_67], %swap3A_70 {strides = array<i32>} : memref<3x2000x128xf32, #tpu.memory_space<vmem>>, vector<1x2000x128xf32>,
    %slice3A_71 = vector.extract_strided_slice %dot_general3A_35 {offsets = [0, 256], sizes = [2000, 128], strides = [1, 1]} : vector<2000x384xf32> to vector<2000x128xf32>
    %mul3A_72 = arith.mulf %dot_general3A_55, %slice3A_71 : vector<2000x128xf32>
    %swap3A_73 = arith.constant 2 : index
    %swap3A_74 = arith.constant 0 : index
    %swap3A_75 = arith.constant 0 : index
    %swap3A_76 = vector.load %arg11[%swap3A_73, %swap3A_74, %swap3A_75] : memref<3x2000x128xf32, #tpu.memory_space<vmem>>, vector<1x2000x128xf32>
    %swap3A_77 = vector.shape_cast %swap3A_76 : vector<1x2000x128xf32> to vector<2000x128xf32>
    %swap3A_78 = vector.shape_cast %mul3A_72 : vector<2000x128xf32> to vector<1x2000x128xf32>
    tpu.vector_store %arg11[%swap3A_73, %swap3A_74, %swap3A_75], %swap3A_78 {strides = array<i32>} : memref<3x2000x128xf32, #tpu.memory_space<vmem>>, vector<1x2000x128xf32>,
    return
  }
  func.func @transform_0(%arg0: i32) -> (i32, i32) {
    %c0_i32 = arith.constant 0 : i32
    %c0_i32_0 = arith.constant 0 : i32
    return %arg0, %c0_i32 : i32, i32
  }
  func.func @transform_1(%arg0: i32) -> (i32, i32) {
    %c0_i32 = arith.constant 0 : i32
    %c0_i32_0 = arith.constant 0 : i32
    return %arg0, %c0_i32 : i32, i32
  }
  func.func @transform_2(%arg0: i32) -> (i32, i32) {
    %c0_i32 = arith.constant 0 : i32
    %c0_i32_0 = arith.constant 0 : i32
    return %arg0, %c0_i32 : i32, i32
  }
  func.func @transform_3(%arg0: i32) -> (i32, i32) {
    %c0_i32 = arith.constant 0 : i32
    %c0_i32_0 = arith.constant 0 : i32
    %c0_i32_1 = arith.constant 0 : i32
    return %c0_i32, %c0_i32_0 : i32, i32
  }
  func.func @transform_4(%arg0: i32) -> (i32, i32) {
    %c0_i32 = arith.constant 0 : i32
    %c0_i32_0 = arith.constant 0 : i32
    %c0_i32_1 = arith.constant 0 : i32
    return %c0_i32, %c0_i32_0 : i32, i32
  }
  func.func @transform_5(%arg0: i32) -> (i32, i32) {
    %c0_i32 = arith.constant 0 : i32
    %c0_i32_0 = arith.constant 0 : i32
    %c0_i32_1 = arith.constant 0 : i32
    return %c0_i32, %c0_i32_0 : i32, i32
  }
  func.func @transform_6(%arg0: i32) -> (i32, i32) {
    %c0_i32 = arith.constant 0 : i32
    %c0_i32_0 = arith.constant 0 : i32
    %c0_i32_1 = arith.constant 0 : i32
    return %c0_i32, %c0_i32_0 : i32, i32
  }
  func.func @transform_7(%arg0: i32) -> (i32, i32) {
    %c0_i32 = arith.constant 0 : i32
    %c0_i32_0 = arith.constant 0 : i32
    %c0_i32_1 = arith.constant 0 : i32
    return %c0_i32, %c0_i32_0 : i32, i32
  }
  func.func @transform_8(%arg0: i32) -> (i32, i32) {
    %c0_i32 = arith.constant 0 : i32
    %c0_i32_0 = arith.constant 0 : i32
    %c0_i32_1 = arith.constant 0 : i32
    return %c0_i32, %c0_i32_0 : i32, i32
  }
  func.func @transform_9(%arg0: i32) -> (i32, i32) {
    %c0_i32 = arith.constant 0 : i32
    %c0_i32_0 = arith.constant 0 : i32
    %c0_i32_1 = arith.constant 0 : i32
    return %c0_i32, %c0_i32_0 : i32, i32
  }
  func.func @transform_10(%arg0: i32) -> (i32, i32, i32) {
    %c0_i32 = arith.constant 0 : i32
    %c0_i32_0 = arith.constant 0 : i32
    %c0_i32_1 = arith.constant 0 : i32
    return %c0_i32, %arg0, %c0_i32_0 : i32, i32, i32
  }
}

module attributes {stable_mosaic.version = 14 : i64} {
  func.func @body(%arg0: i32, %arg1: memref<2x3x1000x128xf32, #tpu.memory_space<vmem>>, %arg2: memref<2x3x1000x128xf32, #tpu.memory_space<vmem>>, %arg3: memref<1000x96xf32, #tpu.memory_space<vmem>>, %arg4: memref<1000x32xf32, #tpu.memory_space<vmem>>, %arg5: memref<1000x96xf32, #tpu.memory_space<vmem>>, %arg6: memref<1000x160xf32, #tpu.memory_space<vmem>>) attributes {dimension_semantics = [#tpu.dimension_semantics<arbitrary>], iteration_bounds = array<i64: 10>, scalar_prefetch = 0 : i64, scratch_operands = 0 : i64, tpu.core_type = #tpu.core_type<tc>, window_params = [{transform_indices = @transform_0, window_bounds = array<i64: 2, 3, 1000, 128>}, {transform_indices = @transform_1, window_bounds = array<i64: 2, 3, 1000, 128>}, {transform_indices = @transform_2, window_bounds = array<i64: 1000, 96>}, {transform_indices = @transform_3, window_bounds = array<i64: 1000, 32>}, {transform_indices = @transform_4, window_bounds = array<i64: 1000, 96>}, {transform_indices = @transform_5, window_bounds = array<i64: 1000, 160>}]} {
    %get3A = arith.constant 0 : index
    %get3A_0 = arith.constant 0 : index
    %get3A_1 = arith.constant 0 : index
    %get3A_2 = arith.constant 0 : index
    %get3A_3 = vector.load %arg1[%get3A, %get3A_0, %get3A_1, %get3A_2] : memref<2x3x1000x128xf32, #tpu.memory_space<vmem>>, vector<1x3x1000x128xf32>
    %get3A_4 = vector.shape_cast %get3A_3 : vector<1x3x1000x128xf32> to vector<3x1000x128xf32>
    %get3A_5 = arith.constant 1 : index
    %get3A_6 = arith.constant 0 : index
    %get3A_7 = arith.constant 0 : index
    %get3A_8 = arith.constant 0 : index
    %get3A_9 = vector.load %arg1[%get3A_5, %get3A_6, %get3A_7, %get3A_8] : memref<2x3x1000x128xf32, #tpu.memory_space<vmem>>, vector<1x3x1000x128xf32>
    %get3A_10 = vector.shape_cast %get3A_9 : vector<1x3x1000x128xf32> to vector<3x1000x128xf32>
    %add3A = arith.addf %get3A_4, %get3A_10 : vector<3x1000x128xf32>
    %get3A_11 = arith.constant 0 : index
    %get3A_12 = arith.constant 0 : index
    %get3A_13 = arith.constant 0 : index
    %get3A_14 = arith.constant 0 : index
    %get3A_15 = vector.load %arg2[%get3A_11, %get3A_12, %get3A_13, %get3A_14] : memref<2x3x1000x128xf32, #tpu.memory_space<vmem>>, vector<1x3x1000x128xf32>
    %get3A_16 = vector.shape_cast %get3A_15 : vector<1x3x1000x128xf32> to vector<3x1000x128xf32>
    %add3A_17 = arith.addf %add3A, %get3A_16 : vector<3x1000x128xf32>
    %get3A_18 = arith.constant 1 : index
    %get3A_19 = arith.constant 0 : index
    %get3A_20 = arith.constant 0 : index
    %get3A_21 = arith.constant 0 : index
    %get3A_22 = vector.load %arg2[%get3A_18, %get3A_19, %get3A_20, %get3A_21] : memref<2x3x1000x128xf32, #tpu.memory_space<vmem>>, vector<1x3x1000x128xf32>
    %get3A_23 = vector.shape_cast %get3A_22 : vector<1x3x1000x128xf32> to vector<3x1000x128xf32>
    %add3A_24 = arith.addf %add3A_17, %get3A_23 : vector<3x1000x128xf32>
    %slice3A = vector.extract_strided_slice %add3A_24 {offsets = [0, 0, 0], sizes = [1, 1000, 128], strides = [1, 1, 1]} : vector<3x1000x128xf32> to vector<1x1000x128xf32>
    %squeeze3A = vector.shape_cast %slice3A : vector<1x1000x128xf32> to vector<1000x128xf32>
    %slice3A_25 = vector.extract_strided_slice %add3A_24 {offsets = [1, 0, 0], sizes = [1, 1000, 128], strides = [1, 1, 1]} : vector<3x1000x128xf32> to vector<1x1000x128xf32>
    %squeeze3A_26 = vector.shape_cast %slice3A_25 : vector<1x1000x128xf32> to vector<1000x128xf32>
    %slice3A_27 = vector.extract_strided_slice %add3A_24 {offsets = [2, 0, 0], sizes = [1, 1000, 128], strides = [1, 1, 1]} : vector<3x1000x128xf32> to vector<1x1000x128xf32>
    %squeeze3A_28 = vector.shape_cast %slice3A_27 : vector<1x1000x128xf32> to vector<1000x128xf32>
    %slice3A_29 = vector.extract_strided_slice %squeeze3A_28 {offsets = [0, 0], sizes = [1000, 96], strides = [1, 1]} : vector<1000x128xf32> to vector<1000x96xf32>
    %mul3A = arith.constant 2.500000e-01 : f32
    %mul3A_30 = vector.broadcast %mul3A : f32 to vector<1000x96xf32>
    %mul3A_31 = arith.mulf %slice3A_29, %mul3A_30 : vector<1000x96xf32>
    %get3A_32 = arith.constant 0 : index
    %get3A_33 = arith.constant 0 : index
    %get3A_34 = vector.load %arg3[%get3A_32, %get3A_33] : memref<1000x96xf32, #tpu.memory_space<vmem>>, vector<1000x96xf32>
    %add3A_35 = arith.addf %mul3A_31, %get3A_34 : vector<1000x96xf32>
    %mul3A_36 = arith.constant 5.000000e-01 : f32
    %mul3A_37 = vector.broadcast %mul3A_36 : f32 to vector<1000x96xf32>
    %mul3A_38 = arith.mulf %mul3A_37, %add3A_35 : vector<1000x96xf32>
    %slice3A_39 = vector.extract_strided_slice %mul3A_38 {offsets = [0, 0], sizes = [1000, 32], strides = [1, 1]} : vector<1000x96xf32> to vector<1000x32xf32>
    %slice3A_40 = vector.extract_strided_slice %mul3A_38 {offsets = [0, 32], sizes = [1000, 32], strides = [1, 1]} : vector<1000x96xf32> to vector<1000x32xf32>
    %slice3A_41 = vector.extract_strided_slice %mul3A_38 {offsets = [0, 64], sizes = [1000, 32], strides = [1, 1]} : vector<1000x96xf32> to vector<1000x32xf32>
    %logistic3A = arith.negf %slice3A_39 : vector<1000x32xf32>
    %logistic3A_42 = math.exp %logistic3A : vector<1000x32xf32>
    %logistic3A_43 = arith.constant 1.000000e+00 : f32
    %logistic3A_44 = vector.broadcast %logistic3A_43 : f32 to vector<1000x32xf32>
    %logistic3A_45 = arith.addf %logistic3A_44, %logistic3A_42 : vector<1000x32xf32>
    %logistic3A_46 = arith.divf %logistic3A_44, %logistic3A_45 : vector<1000x32xf32>
    %mul3A_47 = arith.mulf %slice3A_39, %logistic3A_46 : vector<1000x32xf32>
    %swap3A = arith.constant 0 : index
    %swap3A_48 = arith.constant 0 : index
    %swap3A_49 = vector.load %arg4[%swap3A, %swap3A_48] : memref<1000x32xf32, #tpu.memory_space<vmem>>, vector<1000x32xf32>
    tpu.vector_store %arg4[%swap3A, %swap3A_48], %mul3A_47 {strides = array<i32>} : memref<1000x32xf32, #tpu.memory_space<vmem>>, vector<1000x32xf32>,
    %slice3A_50 = vector.extract_strided_slice %squeeze3A {offsets = [0, 0], sizes = [1000, 96], strides = [1, 1]} : vector<1000x128xf32> to vector<1000x96xf32>
    %slice3A_51 = vector.extract_strided_slice %squeeze3A {offsets = [0, 96], sizes = [1000, 32], strides = [1, 1]} : vector<1000x128xf32> to vector<1000x32xf32>
    %concatenate3A = tpu.concatenate %squeeze3A_26, %slice3A_51 in 1 : vector<1000x128xf32>, vector<1000x32xf32> -> vector<1000x160xf32>
    %logistic3A_52 = arith.negf %slice3A_40 : vector<1000x32xf32>
    %logistic3A_53 = math.exp %logistic3A_52 : vector<1000x32xf32>
    %logistic3A_54 = arith.constant 1.000000e+00 : f32
    %logistic3A_55 = vector.broadcast %logistic3A_54 : f32 to vector<1000x32xf32>
    %logistic3A_56 = arith.addf %logistic3A_55, %logistic3A_53 : vector<1000x32xf32>
    %logistic3A_57 = arith.divf %logistic3A_55, %logistic3A_56 : vector<1000x32xf32>
    %mul3A_58 = arith.mulf %slice3A_40, %logistic3A_57 : vector<1000x32xf32>
    %logistic3A_59 = arith.negf %slice3A_41 : vector<1000x32xf32>
    %logistic3A_60 = math.exp %logistic3A_59 : vector<1000x32xf32>
    %logistic3A_61 = arith.constant 1.000000e+00 : f32
    %logistic3A_62 = vector.broadcast %logistic3A_61 : f32 to vector<1000x32xf32>
    %logistic3A_63 = arith.addf %logistic3A_62, %logistic3A_60 : vector<1000x32xf32>
    %logistic3A_64 = arith.divf %logistic3A_62, %logistic3A_63 : vector<1000x32xf32>
    %mul3A_65 = arith.mulf %slice3A_41, %logistic3A_64 : vector<1000x32xf32>
    %mul3A_66 = arith.constant 1.250000e-01 : f32
    %mul3A_67 = vector.broadcast %mul3A_66 : f32 to vector<1000x96xf32>
    %mul3A_68 = arith.mulf %slice3A_50, %mul3A_67 : vector<1000x96xf32>
    %concatenate3A_69 = tpu.concatenate %mul3A_58, %mul3A_58, %mul3A_58 in 1 : vector<1000x32xf32>, vector<1000x32xf32>, vector<1000x32xf32> -> vector<1000x96xf32>
    %mul3A_70 = arith.mulf %mul3A_68, %concatenate3A_69 : vector<1000x96xf32>
    %swap3A_71 = arith.constant 0 : index
    %swap3A_72 = arith.constant 0 : index
    %swap3A_73 = vector.load %arg5[%swap3A_71, %swap3A_72] : memref<1000x96xf32, #tpu.memory_space<vmem>>, vector<1000x96xf32>
    tpu.vector_store %arg5[%swap3A_71, %swap3A_72], %mul3A_70 {strides = array<i32>} : memref<1000x96xf32, #tpu.memory_space<vmem>>, vector<1000x96xf32>,
    %mul3A_74 = arith.constant 1.250000e-01 : f32
    %mul3A_75 = vector.broadcast %mul3A_74 : f32 to vector<1000x160xf32>
    %mul3A_76 = arith.mulf %concatenate3A, %mul3A_75 : vector<1000x160xf32>
    %concatenate3A_77 = tpu.concatenate %mul3A_65, %mul3A_65, %mul3A_65, %mul3A_65, %mul3A_65 in 1 : vector<1000x32xf32>, vector<1000x32xf32>, vector<1000x32xf32>, vector<1000x32xf32>, vector<1000x32xf32> -> vector<1000x160xf32>
    %mul3A_78 = arith.mulf %mul3A_76, %concatenate3A_77 : vector<1000x160xf32>
    %swap3A_79 = arith.constant 0 : index
    %swap3A_80 = arith.constant 0 : index
    %swap3A_81 = vector.load %arg6[%swap3A_79, %swap3A_80] : memref<1000x160xf32, #tpu.memory_space<vmem>>, vector<1000x160xf32>
    tpu.vector_store %arg6[%swap3A_79, %swap3A_80], %mul3A_78 {strides = array<i32>} : memref<1000x160xf32, #tpu.memory_space<vmem>>, vector<1000x160xf32>,
    return
  }
  func.func @transform_0(%arg0: i32) -> (i32, i32, i32, i32) {
    %c0_i32 = arith.constant 0 : i32
    %c0_i32_0 = arith.constant 0 : i32
    %c0_i32_1 = arith.constant 0 : i32
    %c0_i32_2 = arith.constant 0 : i32
    return %c0_i32, %c0_i32_0, %arg0, %c0_i32_1 : i32, i32, i32, i32
  }
  func.func @transform_1(%arg0: i32) -> (i32, i32, i32, i32) {
    %c0_i32 = arith.constant 0 : i32
    %c0_i32_0 = arith.constant 0 : i32
    %c0_i32_1 = arith.constant 0 : i32
    %c0_i32_2 = arith.constant 0 : i32
    return %c0_i32, %c0_i32_0, %arg0, %c0_i32_1 : i32, i32, i32, i32
  }
  func.func @transform_2(%arg0: i32) -> (i32, i32) {
    %c0_i32 = arith.constant 0 : i32
    %c0_i32_0 = arith.constant 0 : i32
    return %arg0, %c0_i32 : i32, i32
  }
  func.func @transform_3(%arg0: i32) -> (i32, i32) {
    %c0_i32 = arith.constant 0 : i32
    %c0_i32_0 = arith.constant 0 : i32
    return %arg0, %c0_i32 : i32, i32
  }
  func.func @transform_4(%arg0: i32) -> (i32, i32) {
    %c0_i32 = arith.constant 0 : i32
    %c0_i32_0 = arith.constant 0 : i32
    return %arg0, %c0_i32 : i32, i32
  }
  func.func @transform_5(%arg0: i32) -> (i32, i32) {
    %c0_i32 = arith.constant 0 : i32
    %c0_i32_0 = arith.constant 0 : i32
    return %arg0, %c0_i32 : i32, i32
  }
}

</mosaic_0001>

<sc_bundles>
// kernel: kernel.10.cloned.1.call-start
scs
__scs_entry_jumppad:
0x0: {  	(pc) =	sbr.rel $0x88, $3  }
0x1: {  	(tag) =	ssettag $0x0;
	lr =	simm.s32 $0x1  }
0x2: {  	[smem:$0x3F95] =	sst lr;
	_ =	strace $0xD0000000  }
0x3: {  	_ = 	snop  }
0x4: {  	_ = 	snop  }
0x5: {  	_ = 	snop  }
0x6: {  	_ = 	snop  }
0x7: {  	_ = 	snop  }
__scs_overlays_trampoline_lowered:
0x8: {  	[smem:$0x3FA4] =	sst s0  }
0x9: {  	[smem:$0x3FA5] =	sst s1  }
0xa: {  	[smem:$0x3FA6] =	sst s2  }
0xb: {  	[smem:$0x3FA7] =	sst s3  }
0xc: {  	[smem:$0x3FA8] =	sst s4  }
0xd: {  	[smem:$0x3FA9] =	sst s5  }
0xe: {  	[smem:$0x3FAA] =	sst s6  }
0xf: {  	[smem:$0x3FAB] =	sst s7  }
0x10: {  	[smem:$0x3FAC] =	sst s8  }
0x11: {  	[smem:$0x3FAD] =	sst s9;
	s0 =	simm.s32 @!p0 $0x0  }
0x12: {  	s1 =	sld [smem:$0x3F93];
	s0 =	simm.s32 @p0 $0x1  }
0x13: {  	[smem:$0x3FAE] =	sst s0;
	s0 =	simm.s32 @!p1 $0x0  }
0x14: {  	s2 =	sld [smem:$0x3F92];
	s0 =	simm.s32 @p1 $0x1  }
0x15: {  	[smem:$0x3FAF] =	sst s0;
	s0 =	simm.s32 @!p2 $0x0  }
0x16: {  	s3 =	sld [smem:$0x3FDB];
	s0 =	simm.s32 @p2 $0x1  }
0x17: {  	s4 =	simm.s32 $0x1BF5;
	[smem:$0x3FB1] =	sst s0  }
0x18: {  	s0 =	sld [smem:$0x3F94];
	_ =	swait.ge [sflag:s4], $0x0  }
0x19: {  	s7 =	sld [smem:$0x3F95]  }
0x1a: {  	s8 =	sadd.s32 $0xFFFFE003, lr  }
0x1b: {  	s9 =	sadd.s32 $0xFFFFFEF7, lr;
	s5 =	simm.s32 $0xFFFFFFFF;
	p2 =	slt.u32 s8, $0xFFFFF086  }
0x1c: {  	p1 =	slt.u32 s9, $0xF7A;
	s5 =	simm.s32 @!p2 $0x0  }
0x1d: {  	s5 =	simm.s32 @p1 $0x1;
	p0 =	seq.s32 s7, s2  }
0x1e: {  	s7 =	smul.u32 @!p0 $0xF7A, s2;
	p2 =	seq.s32 @!p0 s5, $0x0  }
0x1f: {  	s9 =	smul.u32 $0xF7A, s1;
	s8 =	simm.s32 @!p0 $0x1BF5;
	p2 =	por !p2, p0  }
0x20: {  	[sflag:s8] =	ssyncset.s32 @!p0 $0xFFFFF086;
	s6 =	sadd.s32 @!p0 s3, s7;
	s7 =	simm.s32 @!p0 $0x108  }
0x21: {  	s3 =	sadd.s32 s3, s9;
	s6 =	sadd.s32 @!p0 $0x88, s6;
	s7 =	simm.s32 @p2 $0x1082  }
0x22: {  	[simem:s7], [sflag:s8] =	dma.local @!p0 [hbm:s6], $0xF7A  }
0x23: {  	s9 =	sor.u32 $0xD0000000, s2;
	s6 =	simm.s32 $0x108;
	_ =	swait.ge @!p0 [sflag:s8], $0x0  }
0x24: {  	s3 =	sadd.s32 $0x88, s3;
	s6 =	simm.s32 @!p1 $0x1082;
	[sflag:s4] =	ssyncset.s32 $0xFFFFF086  }
0x25: {  	[simem:s6], [sflag:s4] =	dma.local [hbm:s3], $0xF7A  }
0x26: {  	[smem:$0x3F95] =	sst s1;
	(tag) =	ssettag s2;
	_ =	strace s9  }
0x27: {  	s1 =	sld [smem:$0x3FA5]  }
0x28: {  	s2 =	sld [smem:$0x3FA6]  }
0x29: {  	s4 =	sld [smem:$0x3FA8]  }
0x2a: {  	p0 =	seq.s32 s5, $0x0;
	s5 =	sld [smem:$0x3FA9]  }
0x2b: {  	s6 =	sld [smem:$0x3FAA]  }
0x2c: {  	s7 =	sld [smem:$0x3FAB]  }
0x2d: {  	s3 =	simm.s32 $0x108;
	s8 =	sld [smem:$0x3FAC]  }
0x2e: {  	s3 =	simm.s32 @!p0 $0x1082;
	s9 =	sld [smem:$0x3FAD]  }
0x2f: {  	lr =	sadd.s32 s0, s3;
	s0 =	sld [smem:$0x3FA4]  }
0x30: {  	s3 =	sld [smem:$0x3FA7]  }
0x31: {  	[smem:$0x3FB0] =	sst s10  }
0x32: {  	s10 =	sld [smem:$0x3FAE];
	_ =	sdelay $0x3  }
0x33: {  	p0 =	seq.s32 s10, $0x1;
	s10 =	sld [smem:$0x3FB0];
	_ =	sdelay $0x3  }
0x34: {  	[smem:$0x3FB0] =	sst s10  }
0x35: {  	s10 =	sld [smem:$0x3FAF];
	_ =	sdelay $0x3  }
0x36: {  	p1 =	seq.s32 s10, $0x1;
	s10 =	sld [smem:$0x3FB0];
	_ =	sdelay $0x3  }
0x37: {  	[smem:$0x3FB0] =	sst s10  }
0x38: {  	s10 =	sld [smem:$0x3FB1]  }
0x39: {  	_ = 	snop;
	(pc) =	sbr.ind lr, $3  }
0x3a: {  	_ = 	snop  }
0x3b: {  	_ = 	snop  }
0x3c: {  	p2 =	seq.s32 s10, $0x1;
	s10 =	sld [smem:$0x3FB0]  }
0x3d: {  	_ =	shalt  }
0x3e: {  	_ =	shalt  }
0x3f: {  	_ =	shalt  }
0x40: {  	_ =	shalt  }
0x41: {  	_ =	shalt  }
0x42: {  	_ =	shalt  }
0x43: {  	_ =	shalt  }
0x44: {  	_ =	shalt  }
0x45: {  	_ =	shalt  }
0x46: {  	_ =	shalt  }
0x47: {  	_ =	shalt  }
0x48: {  	_ =	shalt  }
0x49: {  	_ =	shalt  }
0x4a: {  	_ =	shalt  }
0x4b: {  	_ =	shalt  }
0x4c: {  	_ =	shalt  }
0x4d: {  	_ =	shalt  }
0x4e: {  	_ =	shalt  }
0x4f: {  	_ =	shalt  }
0x50: {  	_ =	shalt  }
0x51: {  	_ =	shalt  }
0x52: {  	_ =	shalt  }
0x53: {  	_ =	shalt  }
0x54: {  	_ =	shalt  }
0x55: {  	_ =	shalt  }
0x56: {  	_ =	shalt  }
0x57: {  	_ =	shalt  }
0x58: {  	_ =	shalt  }
0x59: {  	_ =	shalt  }
0x5a: {  	_ =	shalt  }
0x5b: {  	_ =	shalt  }
0x5c: {  	_ =	shalt  }
0x5d: {  	_ =	shalt  }
0x5e: {  	_ =	shalt  }
0x5f: {  	_ =	shalt  }
0x60: {  	_ =	shalt  }
0x61: {  	_ =	shalt  }
0x62: {  	_ =	shalt  }
0x63: {  	_ =	shalt  }
0x64: {  	_ =	shalt  }
0x65: {  	_ =	shalt  }
0x66: {  	_ =	shalt  }
0x67: {  	_ =	shalt  }
0x68: {  	_ =	shalt  }
0x69: {  	_ =	shalt  }
0x6a: {  	_ =	shalt  }
0x6b: {  	_ =	shalt  }
0x6c: {  	_ =	shalt  }
0x6d: {  	_ =	shalt  }
0x6e: {  	_ =	shalt  }
0x6f: {  	_ =	shalt  }
0x70: {  	_ =	shalt  }
0x71: {  	_ =	shalt  }
0x72: {  	_ =	shalt  }
0x73: {  	_ =	shalt  }
0x74: {  	_ =	shalt  }
0x75: {  	_ =	shalt  }
0x76: {  	_ =	shalt  }
0x77: {  	_ =	shalt  }
0x78: {  	_ =	shalt  }
0x79: {  	_ =	shalt  }
0x7a: {  	_ =	shalt  }
0x7b: {  	_ =	shalt  }
0x7c: {  	_ =	shalt  }
0x7d: {  	_ =	shalt  }
0x7e: {  	_ =	shalt  }
0x7f: {  	_ =	shalt  }
0x80: {  	_ =	shalt  }
0x81: {  	_ =	shalt  }
0x82: {  	_ =	shalt  }
0x83: {  	_ =	shalt  }
0x84: {  	_ =	shalt  }
0x85: {  	_ =	shalt  }
0x86: {  	_ =	shalt  }
0x87: {  	_ =	shalt  }
.Lfunc_end0:
.L_simem_size_0:
called_computation_lowered:
.L_overlay_start_0:
0x88: {  	s2 =	sld [smem:$0x3FD9]  }
0x89: {  	s3 =	sld [smem:$0x3FFE];
	_ =	sdelay $0x1  }
0x8a: {  	s1 =	srdreg.scid  }
0x8b: {  	s0 =	sand.u32 $0x1, s1  }
0x8c: {  	s17 =	sshll.u32 s0, $0xA;
	s2 =	sadd.s32 s3, s2  }
0x8d: {  	s2 =	sadd.s32 s2, s17  }
0x8e: {  	[smem:$0x3FBC] =	sst s2  }
0x8f: {  	_ = 	snop  }
0x90: {  	s18 =	sld [smem:$0x3FD0];
	(tm) =	ssettm $0x1  }
0x91: {  	s19 =	sld [smem:$0x3FFB];
	_ =	sdelay $0x3  }
0x92: {  	_ =	strace s19  }
0x93: {  	s2 =	sld [smem:$0x3FFC];
	_ =	sdelay $0x3  }
0x94: {  	_ =	strace s2  }
0x95: {  	s2 =	sld [smem:$0x3FFD];
	_ =	sdelay $0x3  }
0x96: {  	_ =	strace s2  }
0x97: {  	_ =	strace $0x8FFFFFFF  }
0x98: {  	s20 =	sld [smem:$0x3FDB];
	_ =	sdelay $0x1  }
0x99: {  	s4 =	simm.s32 $_scs_section_size  }
0x9a: {  	s5 =	simm.s32 $_size__tile_overlayer_lowered;
	s6 =	simm.s32 $_tile_overlayer_lowered  }
0x9b: {  	s7 =	simm.s32 $0x1BFF;
	s21 =	sshll.u32 s6, $0x1;
	s4 =	sadd.s32 s4, s20  }
0x9c: {  	s22 =	simm.s32 $0x0;
	s5 =	sshll.u32 s5, $0x1;
	s6 =	sadd.s32 s21, s4  }
0x9d: {  	[timem:s22], [sflag:s7] =	dma.local [hbm:s6], s5  }
0x9e: {  	_ =	swait.ge [sflag:s7], s5  }
0x9f: {  	s5 =	ssub.s32 $0x0, s5;
	[sflag:s7] =	ssyncset.done $0x0  }
0xa0: {  	[sflag:s7] =	ssyncadd.s32 s5;
	_ =	sdelay $0x1  }
0xa1: {  	s23 =	simm.s32 $0x1B8B  }
0xa2: {  	_ =	swait.ge [sflag:s23], $0x1  }
0xa3: {  	[sflag:s23] =	ssyncset.done $0x0  }
0xa4: {  	[sflag:s23] =	ssyncadd.s32 $0xFFFFFFFF  }
0xa5: {  	s5 =	sld [smem:$0x0]  }
0xa6: {  	s6 =	sand.u32 $0xFFFFFFFE, s1  }
0xa7: {  	p0 =	sne.s32 s1, s6  }
0xa8: {  	s6 =	sshll.u32 @p0 s6, $0xE  }
0xa9: {  	s6 =	sadd.s32 @p0 $0x11B8D, s6;
	s7 =	sshll.u32 @p0 s5, $0x11  }
0xaa: {  	s6 =	sor.u32 @p0 s7, s6  }
0xab: {  	[sflag:s6] =	ssyncadd.remote.s32 @p0 $0x1;
	_ =	sdelay $0x1  }
0xac: {  	s6 =	simm.s32 @p0 $0x1B8D  }
0xad: {  	_ =	swait.eq @p0 [sflag:s6], $0x1  }
0xae: {  	[sflag:s6] =	ssyncadd.s32 @p0 $0xFFFFFFFF  }
0xaf: {  	s7 =	sshll.u32 @!p0 s1, $0xE  }
0xb0: {  	s7 =	sor.u32 @!p0 $0x4000, s7;
	s6 =	simm.s32 @!p0 $0x1B8D  }
0xb1: {  	s5 =	sshll.u32 @!p0 s5, $0x11;
	s7 =	sadd.s32 @!p0 $0x11B8D, s7;
	_ =	swait.eq @!p0 [sflag:s6], $0x1  }
0xb2: {  	s5 =	sor.u32 @!p0 s5, s7;
	[sflag:s6] =	ssyncadd.s32 @!p0 $0xFFFFFFFF  }
0xb3: {  	s25 =	simm.s32 $0x1B8E;
	s24 =	sld [smem:$0x3FFE];
	[sflag:s5] =	ssyncadd.remote.s32 @!p0 $0x1  }
0xb4: {  	s26 =	simm.s32 $execute0_lowered;
	[smem:$0x3FD2] =	sst s25  }
0xb5: {  	s6 =	sshll.u32 s26, $0x1;
	_ =	strace $0x80000049;
	[dreg:$0x1] =	wrdreg $0xFFFFFFFF  }
0xb6: {  	s28 =	simm.s32 $_size_execute0_lowered;
	s4 =	sadd.s32 s4, s6;
	[dreg:$0x0] =	wrdreg $0x0  }
0xb7: {  	s6 =	sshll.u32 s28, $0x1;
	[dreg:$0x2] =	wrdreg s4  }
0xb8: {  	[dreg:$0x3] =	wrdreg s6  }
0xb9: {  	[dreg:$0x4] =	wrdreg $0xC0  }
0xba: {  	_ =	task [dreg:s22], $0x5FFFF  }
0xbb: {  	[dreg:$0x1] =	wrdreg $0xFFFFFFFF  }
0xbc: {  	[dreg:$0x0] =	wrdreg $0x60  }
0xbd: {  	[dreg:$0x2] =	wrdreg s18  }
0xbe: {  	[dreg:$0x3] =	wrdreg s24  }
0xbf: {  	[dreg:$0x4] =	wrdreg $0x9  }
0xc0: {  	_ =	task.clear_ibuf [dreg:s22], $0x5FFFF;
	_ =	strace $0x90000049  }
0xc1: {  	s29 =	simm.s32 $0x9;
	_ =	strace $0x8000004B  }
0xc2: {  	_ =	swait.ge [sflag:s29], $0x1  }
0xc3: {  	[sflag:s29] =	ssyncadd.s32 $0xFFFFFFFF  }
0xc4: {  	_ =	strace $0x9000004B  }
0xc5: {  	_ =	sfence  }
0xc6: {  	s30 =	sld [smem:$0x0];
	_ =	sdelay $0x2  }
0xc7: {  	s31 =	sshll.u32 s1, $0xD;
	s1 =	sshrl.u32 s1, $0x2  }
0xc8: {  	s4 =	sand.u32 $0x4000, s31;
	s1 =	sadd.s32 s1, s30  }
0xc9: {  	s0 =	sor.u32 s4, s0;
	s1 =	sshll.u32 s1, $0x11  }
0xca: {  	s0 =	sor.u32 s1, s0  }
0xcb: {  	s0 =	sadd.s32 $0x8F2B, s0  }
0xcc: {  	[sflag:s0] =	ssyncadd.remote.s32 $0x1  }
0xcd: {  	_ =	sfence.sel $0xFFFF  }
0xce: {  	[dreg:$0x0] =	wrdreg $0xFFFFFFFF;
	(pc) =	sbr.abs _section_cstart, $3  }
0xcf: {  	[dreg:$0x1] =	wrdreg $0xFFFFFFFF  }
0xd0: {  	_ =	task.clear_ibuf [dreg:s22], $0x2FFFF;
	_ =	strace $0x9FFFFFFF  }
0xd1: {  	(tm) =	ssettm $0x7FFFFFFF  }
tec
execute0_lowered:
.L_overlay_start_1:
0x0: {  	(tag) =	ssettag $0x1  }
0x1: {  	s1 =	rddreg [dreg:$0x0]  }
0x2: {  	s4 =	rddreg [dreg:$0x1];
	s2 =	simm.s32 $0x0  }
0x3: {  	s3 =	srdreg.scid;
	s0 =	stileid.u32;
	s15 =	simm.s32 $0x100  }
0x4: {  	s16 =	simm.s32 $0x4100;
	s17 =	simm.s32 $0x2;
	s18 =	simm.s32 $0x0  }
0x5: {  	[smem:$0x7FF] =	sst s2;
	s10 =	sand.u32 $0x1, s3;
	s11 =	sadd.s32 $0x1A6800, s4  }
0x6: {  	s7 =	sshll.u32 s0, $0x1;
	s12 =	sadd.s32 $0x1A8800, s4;
	s13 =	sshll.u32 s0, $0xC  }
0x7: {  	s30 =	sshll.u32 s0, $0x5;
	p0 =	sgt.u32 s0, $0x9;
	_ =	strace $0x8000004A  }
0x8: {  	s5 =	ssub.s32 $0x2, s10;
	s26 =	sor.u32 s10, s7;
	s14 =	sshll.u32 s10, $0xB  }
0x9: {  	s31 =	sshll.u32 s10, $0x4;
	s6 =	sshrl.u32 s5, $0x1;
	s28 =	ssub.s32 $0x213, s26  }
0xa: {  	s29 =	sshll.u32 s26, $0x4;
	s7 =	sshll.u32 s26, $0xB;
	s8 =	ssub.s32 s5, s6  }
0xb: {  	s4 =	sshrl.u32 s28, $0x5;
	s5 =	sadd.s32 s11, s29;
	s6 =	sadd.s32 s12, s7  }
0xc: {  	s12 =	sadd.s32 s13, s12;
	s11 =	sadd.s32 s30, s11;
	s7 =	smax.u32 s8, $0x1  }
0xd: {  	s8 =	sadd.s32 $0x200, s5;
	s9 =	sadd.s32 $0x400, s5;
	s10 =	sadd.s32 $0x10000, s6  }
0xe: {  	s12 =	sadd.s32 s14, s12;
	s13 =	sadd.s32 s31, s11;
	s14 =	simm.s32 $0x80  }
0xf: {  	s11 =	sadd.s32 $0x20000, s12;
	s12 =	sadd.s32 $0x600, s13;
	s13 =	simm.s32 $0x1  }
.LBB2_1:
0x10: {  	[tilespmem:s2], [sflag:$0x1] =	stream.linear.gather [hbm4b:s5+s2], $0x80, $0x38;
	[tilespmem:$0x8100] =	vst v63  }
0x11: {  	_ =	swait.ge [sflag:s13], $0x80  }
0x12: {  	[sflag:s13] =	ssyncset.done $0x0  }
0x13: {  	[sflag:s13] =	ssyncadd.s32 $0xFFFFFF80  }
0x14: {  	[tilespmem:s14], [sflag:$0x1] =	stream.linear.gather [hbm4b:s8+s2], $0x80, $0x38;
	[tilespmem:$0x8100] =	vst v63  }
0x15: {  	s19 =	simm.s32 $0x3  }
0x16: {  	[tilespmem:s15], [sflag:$0x3] =	stream.indirect.gather [hbm4b:s1+s14], $0x80, s2, s14, $0xb8;
	[tilespmem:$0x8100] =	vst v63  }
0x17: {  	_ =	swait.ge [sflag:s19], $0x4000  }
0x18: {  	[sflag:s19] =	ssyncset.done $0x0  }
0x19: {  	[sflag:s19] =	ssyncadd.s32 $0xFFFFC000  }
0x1a: {  	[hbm4b:s6+s2] =	stream.linear.scatter [tilespmem:s15], [sflag:$0x2], $0x4000, $0x38;
	[tilespmem:$0x8100] =	vst v63  }
0x1b: {  	_ =	swait.ge [sflag:s13], $0x80  }
0x1c: {  	[sflag:s13] =	ssyncset.done $0x0  }
0x1d: {  	[sflag:s13] =	ssyncadd.s32 $0xFFFFFF80  }
0x1e: {  	[tilespmem:s2], [sflag:$0x1] =	stream.linear.gather [hbm4b:s9+s2], $0x80, $0x38;
	[tilespmem:$0x8100] =	vst v63  }
0x1f: {  	_ = 	snop  }
0x20: {  	[tilespmem:s16], [sflag:$0x3] =	stream.indirect.gather [hbm4b:s1+s14], $0x80, s14, s14, $0xb8;
	[tilespmem:$0x8100] =	vst v63  }
0x21: {  	_ =	swait.ge [sflag:s19], $0x4000  }
0x22: {  	p1 =	sle.u32 s4, $0x2;
	s21 =	simm.s32 $0x180;
	[sflag:s19] =	ssyncset.done $0x0  }
0x23: {  	s22 =	simm.s32 $0x2;
	s20 =	simm.s32 @!p1 $0x1;
	[sflag:s19] =	ssyncadd.s32 $0xFFFFC000  }
0x24: {  	[hbm4b:s10+s2] =	stream.linear.scatter [tilespmem:s16], [sflag:$0x2], $0x4000, $0x38;
	[tilespmem:$0x8100] =	vst v63  }
0x25: {  	p2 =	sle.u32 s4, $0x3;
	s24 =	simm.s32 $0x4;
	_ =	swait.ge @!p1 [sflag:s20], $0x80  }
0x26: {  	s28 =	simm.s32 $0x3;
	s25 =	smov.u32 s11;
	[sflag:s20] =	ssyncset.done @!p1 $0x0  }
0x27: {  	s23 =	simm.s32 @!p1 $0x0;
	s26 =	simm.s32 @!p1 $0x3;
	[sflag:s20] =	ssyncadd.s32 @!p1 $0xFFFFFF80  }
0x28: {  	s20 =	sand.u32 @!p2 $0x80, s21;
	s21 =	sand.u32 $0x1, s22;
	s22 =	simm.s32 @!p2 $0x0  }
0x29: {  	[tilespmem:s20], [sflag:$0x1] =	stream.linear.gather @!p2 [hbm4b:s12+s22], $0x80, $0x38;
	[tilespmem:$0x8100] =	vst v63  }
0x2a: {  	s19 =	simm.s32 $0x200;
	s20 =	sshll.u32 @!p1 s21, $0xE;
	_ =	swait.ge [sflag:s17], $0x4000  }
0x2b: {  	s22 =	simm.s32 $0x280;
	s29 =	sor.u32 @!p1 $0x100, s20;
	[sflag:s17] =	ssyncset.done $0x0  }
0x2c: {  	s20 =	sshll.u32 @!p1 s21, $0x7;
	s21 =	simm.s32 @!p1 $0x80;
	[sflag:s17] =	ssyncadd.s32 $0xFFFFC000  }
0x2d: {  	[tilespmem:s29], [sflag:$0x3] =	stream.indirect.gather @!p1 [hbm4b:s1+s21], $0x80, s20, s21, $0xb8;
	[tilespmem:$0x8100] =	vst v63  }
0x2e: {  	s21 =	sadd.s32 $0x200, s12;
	s20 =	sadd.s32 $0x10000, s11;
	_ =	swait.ge @!p1 [sflag:s26], $0x4000  }
.LBB2_2:
0x2f: {  	[sflag:s26] =	ssyncset.done @!p1 $0x0  }
0x30: {  	s30 =	smov.u32 s19;
	s19 =	smov.u32 s22;
	s22 =	sadd.s32 $0x80, s22  }
0x31: {  	s31 =	smov.u32 s21;
	p2 =	por p1, p1;
	p1 =	sge.u32 s28, s4  }
0x32: {  	s0 =	simm.s32 @!p1 $0x1;
	s3 =	simm.s32 @!p1 $0x0;
	[sflag:s26] =	ssyncadd.s32 @!p2 $0xFFFFC000  }
0x33: {  	[hbm4b:s25+s23] =	stream.linear.scatter @!p2 [tilespmem:s29], [sflag:$0x2], $0x4000, $0x38;
	[tilespmem:$0x8100] =	vst v63  }
0x34: {  	p2 =	sne.s32 s22, $0x880;
	s23 =	smov.u32 s3;
	_ =	swait.ge @!p1 [sflag:s0], $0x80  }
0x35: {  	p3 =	sge.u32 s24, s4;
	s25 =	smov.u32 s20;
	[sflag:s0] =	ssyncset.done @!p1 $0x0  }
0x36: {  	s26 =	simm.s32 @!p1 $0x3;
	[sflag:s0] =	ssyncadd.s32 @!p1 $0xFFFFFF80;
	s0 =	sand.u32 @!p3 $0x80, s30  }
0x37: {  	s21 =	sadd.s32 $0x200, s21;
	s3 =	sand.u32 $0x1, s28;
	s28 =	simm.s32 @!p3 $0x0  }
0x38: {  	[tilespmem:s0], [sflag:$0x1] =	stream.linear.gather @!p3 [hbm4b:s31+s28], $0x80, $0x38;
	[tilespmem:$0x8100] =	vst v63  }
.Ltmp0:
0x39: {  	s0 =	sshll.u32 @!p1 s3, $0xE;
	_ =	swait.ge [sflag:s17], $0x4000;
	(pc) =	sbr.rel @p2 .LBB2_2-.Ltmp0, $4  }
0x3a: {  	s29 =	sor.u32 @!p1 $0x100, s0;
	s0 =	sshll.u32 @!p1 s3, $0x7;
	[sflag:s17] =	ssyncset.done $0x0  }
0x3b: {  	s24 =	sadd.s32 $0x1, s24;
	s3 =	simm.s32 @!p1 $0x80;
	[sflag:s17] =	ssyncadd.s32 $0xFFFFC000  }
0x3c: {  	[tilespmem:s29], [sflag:$0x3] =	stream.indirect.gather @!p1 [hbm4b:s1+s3], $0x80, s0, s3, $0xb8;
	[tilespmem:$0x8100] =	vst v63  }
0x3d: {  	s20 =	sadd.s32 $0x10000, s20;
	s28 =	sadd.s32 $0xFFFFFFFF, s24;
	_ =	swait.ge @!p1 [sflag:s26], $0x4000  }
0x3e: {  	p2 =	sge.u32 s28, s4;
	[sflag:s26] =	ssyncset.done @!p1 $0x0;
	p1 =	por p1, p1  }
0x3f: {  	s0 =	simm.s32 @!p2 $0x1;
	[sflag:s26] =	ssyncadd.s32 @!p1 $0xFFFFC000  }
0x40: {  	[hbm4b:s25+s23] =	stream.linear.scatter @!p1 [tilespmem:s29], [sflag:$0x2], $0x4000, $0x38;
	[tilespmem:$0x8100] =	vst v63  }
0x41: {  	_ =	swait.ge @!p2 [sflag:s0], $0x80  }
0x42: {  	s3 =	sand.u32 $0x1, s28;
	p1 =	sge.u32 s24, s4;
	[sflag:s0] =	ssyncset.done @!p2 $0x0  }
0x43: {  	[sflag:s0] =	ssyncadd.s32 @!p2 $0xFFFFFF80;
	s0 =	sand.u32 @!p1 $0x80, s19;
	s19 =	simm.s32 @!p1 $0x0  }
0x44: {  	[tilespmem:s0], [sflag:$0x1] =	stream.linear.gather @!p1 [hbm4b:s21+s19], $0x80, $0x38;
	[tilespmem:$0x8100] =	vst v63  }
0x45: {  	s0 =	sshll.u32 @!p2 s3, $0xE;
	_ =	swait.ge [sflag:s17], $0x4000  }
0x46: {  	s19 =	simm.s32 @!p2 $0x3;
	s3 =	sshll.u32 @!p2 s3, $0x7;
	[sflag:s17] =	ssyncset.done $0x0  }
0x47: {  	s21 =	simm.s32 @!p2 $0x80;
	s0 =	sor.u32 @!p2 $0x100, s0;
	[sflag:s17] =	ssyncadd.s32 $0xFFFFC000  }
0x48: {  	[tilespmem:s0], [sflag:$0x3] =	stream.indirect.gather @!p2 [hbm4b:s1+s21], $0x80, s3, s21, $0xb8;
	[tilespmem:$0x8100] =	vst v63  }
0x49: {  	_ =	swait.ge @!p2 [sflag:s19], $0x4000  }
0x4a: {  	p1 =	por p2, p2;
	[sflag:s19] =	ssyncset.done @!p2 $0x0  }
0x4b: {  	s18 =	sadd.s32 $0x1, s18;
	s3 =	simm.s32 @!p2 $0x0;
	[sflag:s19] =	ssyncadd.s32 @!p1 $0xFFFFC000  }
0x4c: {  	[hbm4b:s20+s3] =	stream.linear.scatter @!p1 [tilespmem:s0], [sflag:$0x2], $0x4000, $0x38;
	[tilespmem:$0x8100] =	vst v63  }
0x4d: {  	p1 =	sne.s32 s18, s7;
	_ =	swait.ge [sflag:s17], $0x4000  }
.Ltmp1:
0x4e: {  	[sflag:s17] =	ssyncset.done $0x0;
	(pc) =	sbr.rel @p1 .LBB2_1-.Ltmp1, $4  }
0x4f: {  	s0 =	simm.s32 @!p0 $0x2;
	[sflag:s17] =	ssyncadd.s32 $0xFFFFC000  }
0x50: {  	_ =	swait.ge @!p0 [sflag:s0], $0x4000  }
0x51: {  	[sflag:s0] =	ssyncset.done @!p0 $0x0  }
0x52: {  	[sflag:s0] =	ssyncadd.s32 @!p0 $0xFFFFC000  }
0x53: {  	_ =	sfence.sel $0x180000  }
0x54: {  	[bflag:$0x0] =	sbarrier.arrive $0xFFFF  }
0x55: {  	_ =	strace $0x9000004A  }
0x56: {  	s0 =	stileid.u32;
	[bflag:$0x2] =	sbarrier.arrive $0xFFFF  }
0x57: {  	p0 =	sne.s32 s0, $0x0;
	s0 =	rddreg [dreg:$0x2]  }
0x58: {  	s0 =	sadd.s32 @!p0 $0x100000, s0  }
0x59: {  	[sflag:s0] =	ssyncadd.tile.s32 @!p0 $0x1;
	_ =	shalt  }
.Lfunc_end2:
_tile_overlayer_lowered:
.L_overlay_start_2:
0x5a: {  	(tag) =	ssettag $0x2  }
0x5b: {  	s0 =	rddreg [dreg:$0x0];
	s2 =	stileid.u32  }
0x5c: {  	s1 =	rddreg [dreg:$0x1];
	p0 =	sne.s32 s2, $0x0  }
0x5d: {  	s3 =	rddreg [dreg:$0x2];
	[bflag:$0x3] =	sbarrier.arrive $0xFFFF;
	s2 =	simm.s32 @!p0 $0x1C03  }
0x5e: {  	[timem:s3], [sflag:s2] =	dma.local @!p0 [hbm:s0], s1  }
0x5f: {  	s0 =	simm.s32 @!p0 $0x3  }
0x60: {  	_ =	swait.ge @!p0 [sflag:s0], s1  }
0x61: {  	s1 =	ssub.s32 @!p0 $0x0, s1;
	[sflag:s0] =	ssyncset.done @!p0 $0x0  }
0x62: {  	[sflag:s0] =	ssyncadd.s32 @!p0 s1  }
0x63: {  	[bflag:$0x3] =	sbarrier.arrive $0xFFFF  }
0x64: {  	_ =	shalt  }

// kernel: kernel.13.cloned.1.call-start
scs
__scs_entry_jumppad:
0x0: {  	(pc) =	sbr.rel $0x88, $3  }
0x1: {  	(tag) =	ssettag $0x0;
	lr =	simm.s32 $0x1  }
0x2: {  	[smem:$0x3F95] =	sst lr;
	_ =	strace $0xD0000000  }
0x3: {  	_ = 	snop  }
0x4: {  	_ = 	snop  }
0x5: {  	_ = 	snop  }
0x6: {  	_ = 	snop  }
0x7: {  	_ = 	snop  }
__scs_overlays_trampoline_lowered:
0x8: {  	[smem:$0x3FA4] =	sst s0  }
0x9: {  	[smem:$0x3FA5] =	sst s1  }
0xa: {  	[smem:$0x3FA6] =	sst s2  }
0xb: {  	[smem:$0x3FA7] =	sst s3  }
0xc: {  	[smem:$0x3FA8] =	sst s4  }
0xd: {  	[smem:$0x3FA9] =	sst s5  }
0xe: {  	[smem:$0x3FAA] =	sst s6  }
0xf: {  	[smem:$0x3FAB] =	sst s7  }
0x10: {  	[smem:$0x3FAC] =	sst s8  }
0x11: {  	[smem:$0x3FAD] =	sst s9;
	s0 =	simm.s32 @!p0 $0x0  }
0x12: {  	s1 =	sld [smem:$0x3F93];
	s0 =	simm.s32 @p0 $0x1  }
0x13: {  	[smem:$0x3FAE] =	sst s0;
	s0 =	simm.s32 @!p1 $0x0  }
0x14: {  	s2 =	sld [smem:$0x3F92];
	s0 =	simm.s32 @p1 $0x1  }
0x15: {  	[smem:$0x3FAF] =	sst s0;
	s0 =	simm.s32 @!p2 $0x0  }
0x16: {  	s3 =	sld [smem:$0x3FDB];
	s0 =	simm.s32 @p2 $0x1  }
0x17: {  	s4 =	simm.s32 $0x1BF5;
	[smem:$0x3FB1] =	sst s0  }
0x18: {  	s0 =	sld [smem:$0x3F94];
	_ =	swait.ge [sflag:s4], $0x0  }
0x19: {  	s7 =	sld [smem:$0x3F95]  }
0x1a: {  	s8 =	sadd.s32 $0xFFFFE003, lr  }
0x1b: {  	s9 =	sadd.s32 $0xFFFFFEF7, lr;
	s5 =	simm.s32 $0xFFFFFFFF;
	p2 =	slt.u32 s8, $0xFFFFF086  }
0x1c: {  	p1 =	slt.u32 s9, $0xF7A;
	s5 =	simm.s32 @!p2 $0x0  }
0x1d: {  	s5 =	simm.s32 @p1 $0x1;
	p0 =	seq.s32 s7, s2  }
0x1e: {  	s7 =	smul.u32 @!p0 $0xF7A, s2;
	p2 =	seq.s32 @!p0 s5, $0x0  }
0x1f: {  	s9 =	smul.u32 $0xF7A, s1;
	s8 =	simm.s32 @!p0 $0x1BF5;
	p2 =	por !p2, p0  }
0x20: {  	[sflag:s8] =	ssyncset.s32 @!p0 $0xFFFFF086;
	s6 =	sadd.s32 @!p0 s3, s7;
	s7 =	simm.s32 @!p0 $0x108  }
0x21: {  	s3 =	sadd.s32 s3, s9;
	s6 =	sadd.s32 @!p0 $0x88, s6;
	s7 =	simm.s32 @p2 $0x1082  }
0x22: {  	[simem:s7], [sflag:s8] =	dma.local @!p0 [hbm:s6], $0xF7A  }
0x23: {  	s9 =	sor.u32 $0xD0000000, s2;
	s6 =	simm.s32 $0x108;
	_ =	swait.ge @!p0 [sflag:s8], $0x0  }
0x24: {  	s3 =	sadd.s32 $0x88, s3;
	s6 =	simm.s32 @!p1 $0x1082;
	[sflag:s4] =	ssyncset.s32 $0xFFFFF086  }
0x25: {  	[simem:s6], [sflag:s4] =	dma.local [hbm:s3], $0xF7A  }
0x26: {  	[smem:$0x3F95] =	sst s1;
	(tag) =	ssettag s2;
	_ =	strace s9  }
0x27: {  	s1 =	sld [smem:$0x3FA5]  }
0x28: {  	s2 =	sld [smem:$0x3FA6]  }
0x29: {  	s4 =	sld [smem:$0x3FA8]  }
0x2a: {  	p0 =	seq.s32 s5, $0x0;
	s5 =	sld [smem:$0x3FA9]  }
0x2b: {  	s6 =	sld [smem:$0x3FAA]  }
0x2c: {  	s7 =	sld [smem:$0x3FAB]  }
0x2d: {  	s3 =	simm.s32 $0x108;
	s8 =	sld [smem:$0x3FAC]  }
0x2e: {  	s3 =	simm.s32 @!p0 $0x1082;
	s9 =	sld [smem:$0x3FAD]  }
0x2f: {  	lr =	sadd.s32 s0, s3;
	s0 =	sld [smem:$0x3FA4]  }
0x30: {  	s3 =	sld [smem:$0x3FA7]  }
0x31: {  	[smem:$0x3FB0] =	sst s10  }
0x32: {  	s10 =	sld [smem:$0x3FAE];
	_ =	sdelay $0x3  }
0x33: {  	p0 =	seq.s32 s10, $0x1;
	s10 =	sld [smem:$0x3FB0];
	_ =	sdelay $0x3  }
0x34: {  	[smem:$0x3FB0] =	sst s10  }
0x35: {  	s10 =	sld [smem:$0x3FAF];
	_ =	sdelay $0x3  }
0x36: {  	p1 =	seq.s32 s10, $0x1;
	s10 =	sld [smem:$0x3FB0];
	_ =	sdelay $0x3  }
0x37: {  	[smem:$0x3FB0] =	sst s10  }
0x38: {  	s10 =	sld [smem:$0x3FB1]  }
0x39: {  	_ = 	snop;
	(pc) =	sbr.ind lr, $3  }
0x3a: {  	_ = 	snop  }
0x3b: {  	_ = 	snop  }
0x3c: {  	p2 =	seq.s32 s10, $0x1;
	s10 =	sld [smem:$0x3FB0]  }
0x3d: {  	_ =	shalt  }
0x3e: {  	_ =	shalt  }
0x3f: {  	_ =	shalt  }
0x40: {  	_ =	shalt  }
0x41: {  	_ =	shalt  }
0x42: {  	_ =	shalt  }
0x43: {  	_ =	shalt  }
0x44: {  	_ =	shalt  }
0x45: {  	_ =	shalt  }
0x46: {  	_ =	shalt  }
0x47: {  	_ =	shalt  }
0x48: {  	_ =	shalt  }
0x49: {  	_ =	shalt  }
0x4a: {  	_ =	shalt  }
0x4b: {  	_ =	shalt  }
0x4c: {  	_ =	shalt  }
0x4d: {  	_ =	shalt  }
0x4e: {  	_ =	shalt  }
0x4f: {  	_ =	shalt  }
0x50: {  	_ =	shalt  }
0x51: {  	_ =	shalt  }
0x52: {  	_ =	shalt  }
0x53: {  	_ =	shalt  }
0x54: {  	_ =	shalt  }
0x55: {  	_ =	shalt  }
0x56: {  	_ =	shalt  }
0x57: {  	_ =	shalt  }
0x58: {  	_ =	shalt  }
0x59: {  	_ =	shalt  }
0x5a: {  	_ =	shalt  }
0x5b: {  	_ =	shalt  }
0x5c: {  	_ =	shalt  }
0x5d: {  	_ =	shalt  }
0x5e: {  	_ =	shalt  }
0x5f: {  	_ =	shalt  }
0x60: {  	_ =	shalt  }
0x61: {  	_ =	shalt  }
0x62: {  	_ =	shalt  }
0x63: {  	_ =	shalt  }
0x64: {  	_ =	shalt  }
0x65: {  	_ =	shalt  }
0x66: {  	_ =	shalt  }
0x67: {  	_ =	shalt  }
0x68: {  	_ =	shalt  }
0x69: {  	_ =	shalt  }
0x6a: {  	_ =	shalt  }
0x6b: {  	_ =	shalt  }
0x6c: {  	_ =	shalt  }
0x6d: {  	_ =	shalt  }
0x6e: {  	_ =	shalt  }
0x6f: {  	_ =	shalt  }
0x70: {  	_ =	shalt  }
0x71: {  	_ =	shalt  }
0x72: {  	_ =	shalt  }
0x73: {  	_ =	shalt  }
0x74: {  	_ =	shalt  }
0x75: {  	_ =	shalt  }
0x76: {  	_ =	shalt  }
0x77: {  	_ =	shalt  }
0x78: {  	_ =	shalt  }
0x79: {  	_ =	shalt  }
0x7a: {  	_ =	shalt  }
0x7b: {  	_ =	shalt  }
0x7c: {  	_ =	shalt  }
0x7d: {  	_ =	shalt  }
0x7e: {  	_ =	shalt  }
0x7f: {  	_ =	shalt  }
0x80: {  	_ =	shalt  }
0x81: {  	_ =	shalt  }
0x82: {  	_ =	shalt  }
0x83: {  	_ =	shalt  }
0x84: {  	_ =	shalt  }
0x85: {  	_ =	shalt  }
0x86: {  	_ =	shalt  }
0x87: {  	_ =	shalt  }
.Lfunc_end0:
.L_simem_size_0:
called_computation.1_lowered:
.L_overlay_start_0:
0x88: {  	s2 =	sld [smem:$0x3FD9]  }
0x89: {  	s3 =	sld [smem:$0x3FFE];
	_ =	sdelay $0x1  }
0x8a: {  	s1 =	srdreg.scid  }
0x8b: {  	s0 =	sand.u32 $0x1, s1  }
0x8c: {  	s17 =	sshll.u32 s0, $0xA;
	s2 =	sadd.s32 s3, s2  }
0x8d: {  	s2 =	sadd.s32 s2, s17  }
0x8e: {  	[smem:$0x3FBC] =	sst s2  }
0x8f: {  	_ = 	snop  }
0x90: {  	s2 =	sld [smem:$0x3FD0];
	(tm) =	ssettm $0x1  }
0x91: {  	s18 =	sld [smem:$0x3FFB];
	_ =	sdelay $0x3  }
0x92: {  	_ =	strace s18  }
0x93: {  	s3 =	sld [smem:$0x3FFC];
	_ =	sdelay $0x3  }
0x94: {  	_ =	strace s3  }
0x95: {  	s3 =	sld [smem:$0x3FFD];
	_ =	sdelay $0x3  }
0x96: {  	_ =	strace s3  }
0x97: {  	_ =	strace $0x8FFFFFFF  }
0x98: {  	s19 =	sld [smem:$0x3FDB];
	_ =	sdelay $0x1  }
0x99: {  	s4 =	simm.s32 $_scs_section_size  }
0x9a: {  	s5 =	simm.s32 $_size__tile_overlayer_lowered;
	s6 =	simm.s32 $_tile_overlayer_lowered  }
0x9b: {  	s22 =	simm.s32 $0x1BFF;
	s21 =	sshll.u32 s6, $0x1;
	s3 =	sadd.s32 s4, s19  }
0x9c: {  	s7 =	simm.s32 $0x0;
	s20 =	sshll.u32 s5, $0x1;
	s5 =	sadd.s32 s21, s3  }
0x9d: {  	[timem:s7], [sflag:s22] =	dma.local [hbm:s5], s20  }
0x9e: {  	_ =	swait.ge [sflag:s22], s20  }
0x9f: {  	s4 =	ssub.s32 $0x0, s20;
	[sflag:s22] =	ssyncset.done $0x0  }
0xa0: {  	[sflag:s22] =	ssyncadd.s32 s4;
	_ =	sdelay $0x1  }
0xa1: {  	s23 =	simm.s32 $0x1B8B  }
0xa2: {  	_ =	swait.ge [sflag:s23], $0x1  }
0xa3: {  	[sflag:s23] =	ssyncset.done $0x0  }
0xa4: {  	s25 =	simm.s32 $0x1B8E;
	s24 =	sld [smem:$0x3FFE];
	[sflag:s23] =	ssyncadd.s32 $0xFFFFFFFF  }
0xa5: {  	s26 =	simm.s32 $execute0_lowered;
	[smem:$0x3FD2] =	sst s25  }
0xa6: {  	s5 =	sshll.u32 s26, $0x1;
	_ =	strace $0x80000046;
	[dreg:$0x1] =	wrdreg $0xFFFFFFFF  }
0xa7: {  	s28 =	simm.s32 $_size_execute0_lowered;
	s3 =	sadd.s32 s3, s5;
	[dreg:$0x0] =	wrdreg $0x0  }
0xa8: {  	s5 =	sshll.u32 s28, $0x1;
	[dreg:$0x2] =	wrdreg s3  }
0xa9: {  	[dreg:$0x3] =	wrdreg s5  }
0xaa: {  	[dreg:$0x4] =	wrdreg $0xC0  }
0xab: {  	_ =	task [dreg:s7], $0x5FFFF  }
0xac: {  	[dreg:$0x1] =	wrdreg $0xFFFFFFFF  }
0xad: {  	[dreg:$0x0] =	wrdreg $0x60  }
0xae: {  	[dreg:$0x2] =	wrdreg s2  }
0xaf: {  	[dreg:$0x3] =	wrdreg s24  }
0xb0: {  	[dreg:$0x4] =	wrdreg $0xA  }
0xb1: {  	_ =	task.clear_ibuf [dreg:s7], $0x5FFFF;
	_ =	strace $0x90000046  }
0xb2: {  	s29 =	simm.s32 $0xA;
	_ =	strace $0x80000048  }
0xb3: {  	_ =	swait.ge [sflag:s29], $0x1  }
0xb4: {  	[sflag:s29] =	ssyncadd.s32 $0xFFFFFFFF  }
0xb5: {  	_ =	strace $0x90000048  }
0xb6: {  	_ =	sfence  }
0xb7: {  	s30 =	sld [smem:$0x0];
	_ =	sdelay $0x2  }
0xb8: {  	s31 =	sshll.u32 s1, $0xD;
	s1 =	sshrl.u32 s1, $0x2  }
0xb9: {  	s3 =	sand.u32 $0x4000, s31;
	s1 =	sadd.s32 s1, s30  }
0xba: {  	s0 =	sor.u32 s3, s0;
	s1 =	sshll.u32 s1, $0x11  }
0xbb: {  	s0 =	sor.u32 s1, s0  }
0xbc: {  	s0 =	sadd.s32 $0x8F2B, s0  }
0xbd: {  	[sflag:s0] =	ssyncadd.remote.s32 $0x1  }
0xbe: {  	_ =	sfence.sel $0xFFFF  }
0xbf: {  	[dreg:$0x0] =	wrdreg $0xFFFFFFFF;
	(pc) =	sbr.abs _section_cstart, $3  }
0xc0: {  	[dreg:$0x1] =	wrdreg $0xFFFFFFFF  }
0xc1: {  	_ =	task.clear_ibuf [dreg:s7], $0x2FFFF;
	_ =	strace $0x9FFFFFFF  }
0xc2: {  	(tm) =	ssettm $0x7FFFFFFF  }
0xc3: {  	_ =	shalt  }
tec
execute0_lowered:
.L_overlay_start_1:
0x0: {  	(tag) =	ssettag $0x1  }
0x1: {  	s1 =	rddreg [dreg:$0x0]  }
0x2: {  	s4 =	rddreg [dreg:$0x1];
	s2 =	simm.s32 $0x0  }
0x3: {  	s3 =	srdreg.scid;
	s0 =	stileid.u32;
	s15 =	simm.s32 $0x100  }
0x4: {  	s16 =	simm.s32 $0x4100;
	s17 =	simm.s32 $0x2;
	s18 =	simm.s32 $0x0  }
0x5: {  	[smem:$0x7FF] =	sst s2;
	s10 =	sand.u32 $0x1, s3;
	s11 =	sadd.s32 $0x5600, s4  }
0x6: {  	s7 =	sshll.u32 s0, $0x1;
	s12 =	sadd.s32 $0x2F800, s4;
	s13 =	sshll.u32 s0, $0xC  }
0x7: {  	s30 =	sshll.u32 s0, $0x5;
	p0 =	sgt.u32 s0, $0x6;
	_ =	strace $0x80000047  }
0x8: {  	s5 =	ssub.s32 $0x2, s10;
	s26 =	sor.u32 s10, s7;
	s14 =	sshll.u32 s10, $0xB  }
0x9: {  	s31 =	sshll.u32 s10, $0x4;
	s6 =	sshrl.u32 s5, $0x1;
	s28 =	ssub.s32 $0x30D, s26  }
0xa: {  	s29 =	sshll.u32 s26, $0x4;
	s7 =	sshll.u32 s26, $0xB;
	s8 =	ssub.s32 s5, s6  }
0xb: {  	s4 =	sshrl.u32 s28, $0x5;
	s5 =	sadd.s32 s11, s29;
	s6 =	sadd.s32 s12, s7  }
0xc: {  	s12 =	sadd.s32 s13, s12;
	s11 =	sadd.s32 s30, s11;
	s7 =	smax.u32 s8, $0x1  }
0xd: {  	s8 =	sadd.s32 $0x200, s5;
	s9 =	sadd.s32 $0x400, s5;
	s10 =	sadd.s32 $0x10000, s6  }
0xe: {  	s12 =	sadd.s32 s14, s12;
	s13 =	sadd.s32 s31, s11;
	s14 =	simm.s32 $0x80  }
0xf: {  	s11 =	sadd.s32 $0x20000, s12;
	s12 =	sadd.s32 $0x600, s13;
	s13 =	simm.s32 $0x1  }
.LBB2_1:
0x10: {  	[tilespmem:s2], [sflag:$0x1] =	stream.linear.gather [hbm4b:s5+s2], $0x80, $0x38;
	[tilespmem:$0x8100] =	vst v63  }
0x11: {  	_ =	swait.ge [sflag:s13], $0x80  }
0x12: {  	[sflag:s13] =	ssyncset.done $0x0  }
0x13: {  	[sflag:s13] =	ssyncadd.s32 $0xFFFFFF80  }
0x14: {  	[tilespmem:s14], [sflag:$0x1] =	stream.linear.gather [hbm4b:s8+s2], $0x80, $0x38;
	[tilespmem:$0x8100] =	vst v63  }
0x15: {  	s19 =	simm.s32 $0x3  }
0x16: {  	[tilespmem:s15], [sflag:$0x3] =	stream.indirect.gather [hbm4b:s1+s14], $0x80, s2, s14, $0xb8;
	[tilespmem:$0x8100] =	vst v63  }
0x17: {  	_ =	swait.ge [sflag:s19], $0x4000  }
0x18: {  	[sflag:s19] =	ssyncset.done $0x0  }
0x19: {  	[sflag:s19] =	ssyncadd.s32 $0xFFFFC000  }
0x1a: {  	[hbm4b:s6+s2] =	stream.linear.scatter [tilespmem:s15], [sflag:$0x2], $0x4000, $0x38;
	[tilespmem:$0x8100] =	vst v63  }
0x1b: {  	_ =	swait.ge [sflag:s13], $0x80  }
0x1c: {  	[sflag:s13] =	ssyncset.done $0x0  }
0x1d: {  	[sflag:s13] =	ssyncadd.s32 $0xFFFFFF80  }
0x1e: {  	[tilespmem:s2], [sflag:$0x1] =	stream.linear.gather [hbm4b:s9+s2], $0x80, $0x38;
	[tilespmem:$0x8100] =	vst v63  }
0x1f: {  	_ = 	snop  }
0x20: {  	[tilespmem:s16], [sflag:$0x3] =	stream.indirect.gather [hbm4b:s1+s14], $0x80, s14, s14, $0xb8;
	[tilespmem:$0x8100] =	vst v63  }
0x21: {  	_ =	swait.ge [sflag:s19], $0x4000  }
0x22: {  	p1 =	sle.u32 s4, $0x2;
	s21 =	simm.s32 $0x180;
	[sflag:s19] =	ssyncset.done $0x0  }
0x23: {  	s22 =	simm.s32 $0x2;
	s20 =	simm.s32 @!p1 $0x1;
	[sflag:s19] =	ssyncadd.s32 $0xFFFFC000  }
0x24: {  	[hbm4b:s10+s2] =	stream.linear.scatter [tilespmem:s16], [sflag:$0x2], $0x4000, $0x38;
	[tilespmem:$0x8100] =	vst v63  }
0x25: {  	p2 =	sle.u32 s4, $0x3;
	s24 =	simm.s32 $0x4;
	_ =	swait.ge @!p1 [sflag:s20], $0x80  }
0x26: {  	s28 =	simm.s32 $0x3;
	s25 =	smov.u32 s11;
	[sflag:s20] =	ssyncset.done @!p1 $0x0  }
0x27: {  	s23 =	simm.s32 @!p1 $0x0;
	s26 =	simm.s32 @!p1 $0x3;
	[sflag:s20] =	ssyncadd.s32 @!p1 $0xFFFFFF80  }
0x28: {  	s20 =	sand.u32 @!p2 $0x80, s21;
	s21 =	sand.u32 $0x1, s22;
	s22 =	simm.s32 @!p2 $0x0  }
0x29: {  	[tilespmem:s20], [sflag:$0x1] =	stream.linear.gather @!p2 [hbm4b:s12+s22], $0x80, $0x38;
	[tilespmem:$0x8100] =	vst v63  }
0x2a: {  	s19 =	simm.s32 $0x200;
	s20 =	sshll.u32 @!p1 s21, $0xE;
	_ =	swait.ge [sflag:s17], $0x4000  }
0x2b: {  	s22 =	simm.s32 $0x280;
	s29 =	sor.u32 @!p1 $0x100, s20;
	[sflag:s17] =	ssyncset.done $0x0  }
0x2c: {  	s20 =	sshll.u32 @!p1 s21, $0x7;
	s21 =	simm.s32 @!p1 $0x80;
	[sflag:s17] =	ssyncadd.s32 $0xFFFFC000  }
0x2d: {  	[tilespmem:s29], [sflag:$0x3] =	stream.indirect.gather @!p1 [hbm4b:s1+s21], $0x80, s20, s21, $0xb8;
	[tilespmem:$0x8100] =	vst v63  }
0x2e: {  	s21 =	sadd.s32 $0x200, s12;
	s20 =	sadd.s32 $0x10000, s11;
	_ =	swait.ge @!p1 [sflag:s26], $0x4000  }
.LBB2_2:
0x2f: {  	[sflag:s26] =	ssyncset.done @!p1 $0x0  }
0x30: {  	s30 =	smov.u32 s19;
	s19 =	smov.u32 s22;
	s22 =	sadd.s32 $0x80, s22  }
0x31: {  	s31 =	smov.u32 s21;
	p2 =	por p1, p1;
	p1 =	sge.u32 s28, s4  }
0x32: {  	s0 =	simm.s32 @!p1 $0x1;
	s3 =	simm.s32 @!p1 $0x0;
	[sflag:s26] =	ssyncadd.s32 @!p2 $0xFFFFC000  }
0x33: {  	[hbm4b:s25+s23] =	stream.linear.scatter @!p2 [tilespmem:s29], [sflag:$0x2], $0x4000, $0x38;
	[tilespmem:$0x8100] =	vst v63  }
0x34: {  	p2 =	sne.s32 s22, $0xC80;
	s23 =	smov.u32 s3;
	_ =	swait.ge @!p1 [sflag:s0], $0x80  }
0x35: {  	p3 =	sge.u32 s24, s4;
	s25 =	smov.u32 s20;
	[sflag:s0] =	ssyncset.done @!p1 $0x0  }
0x36: {  	s26 =	simm.s32 @!p1 $0x3;
	[sflag:s0] =	ssyncadd.s32 @!p1 $0xFFFFFF80;
	s0 =	sand.u32 @!p3 $0x80, s30  }
0x37: {  	s21 =	sadd.s32 $0x200, s21;
	s3 =	sand.u32 $0x1, s28;
	s28 =	simm.s32 @!p3 $0x0  }
0x38: {  	[tilespmem:s0], [sflag:$0x1] =	stream.linear.gather @!p3 [hbm4b:s31+s28], $0x80, $0x38;
	[tilespmem:$0x8100] =	vst v63  }
.Ltmp0:
0x39: {  	s0 =	sshll.u32 @!p1 s3, $0xE;
	_ =	swait.ge [sflag:s17], $0x4000;
	(pc) =	sbr.rel @p2 .LBB2_2-.Ltmp0, $4  }
0x3a: {  	s29 =	sor.u32 @!p1 $0x100, s0;
	s0 =	sshll.u32 @!p1 s3, $0x7;
	[sflag:s17] =	ssyncset.done $0x0  }
0x3b: {  	s24 =	sadd.s32 $0x1, s24;
	s3 =	simm.s32 @!p1 $0x80;
	[sflag:s17] =	ssyncadd.s32 $0xFFFFC000  }
0x3c: {  	[tilespmem:s29], [sflag:$0x3] =	stream.indirect.gather @!p1 [hbm4b:s1+s3], $0x80, s0, s3, $0xb8;
	[tilespmem:$0x8100] =	vst v63  }
0x3d: {  	s20 =	sadd.s32 $0x10000, s20;
	s28 =	sadd.s32 $0xFFFFFFFF, s24;
	_ =	swait.ge @!p1 [sflag:s26], $0x4000  }
0x3e: {  	p2 =	sge.u32 s28, s4;
	[sflag:s26] =	ssyncset.done @!p1 $0x0;
	p1 =	por p1, p1  }
0x3f: {  	s0 =	simm.s32 @!p2 $0x1;
	[sflag:s26] =	ssyncadd.s32 @!p1 $0xFFFFC000  }
0x40: {  	[hbm4b:s25+s23] =	stream.linear.scatter @!p1 [tilespmem:s29], [sflag:$0x2], $0x4000, $0x38;
	[tilespmem:$0x8100] =	vst v63  }
0x41: {  	_ =	swait.ge @!p2 [sflag:s0], $0x80  }
0x42: {  	s3 =	sand.u32 $0x1, s28;
	p1 =	sge.u32 s24, s4;
	[sflag:s0] =	ssyncset.done @!p2 $0x0  }
0x43: {  	[sflag:s0] =	ssyncadd.s32 @!p2 $0xFFFFFF80;
	s0 =	sand.u32 @!p1 $0x80, s19;
	s19 =	simm.s32 @!p1 $0x0  }
0x44: {  	[tilespmem:s0], [sflag:$0x1] =	stream.linear.gather @!p1 [hbm4b:s21+s19], $0x80, $0x38;
	[tilespmem:$0x8100] =	vst v63  }
0x45: {  	s0 =	sshll.u32 @!p2 s3, $0xE;
	_ =	swait.ge [sflag:s17], $0x4000  }
0x46: {  	s19 =	simm.s32 @!p2 $0x3;
	s3 =	sshll.u32 @!p2 s3, $0x7;
	[sflag:s17] =	ssyncset.done $0x0  }
0x47: {  	s21 =	simm.s32 @!p2 $0x80;
	s0 =	sor.u32 @!p2 $0x100, s0;
	[sflag:s17] =	ssyncadd.s32 $0xFFFFC000  }
0x48: {  	[tilespmem:s0], [sflag:$0x3] =	stream.indirect.gather @!p2 [hbm4b:s1+s21], $0x80, s3, s21, $0xb8;
	[tilespmem:$0x8100] =	vst v63  }
0x49: {  	_ =	swait.ge @!p2 [sflag:s19], $0x4000  }
0x4a: {  	p1 =	por p2, p2;
	[sflag:s19] =	ssyncset.done @!p2 $0x0  }
0x4b: {  	s18 =	sadd.s32 $0x1, s18;
	s3 =	simm.s32 @!p2 $0x0;
	[sflag:s19] =	ssyncadd.s32 @!p1 $0xFFFFC000  }
0x4c: {  	[hbm4b:s20+s3] =	stream.linear.scatter @!p1 [tilespmem:s0], [sflag:$0x2], $0x4000, $0x38;
	[tilespmem:$0x8100] =	vst v63  }
0x4d: {  	p1 =	sne.s32 s18, s7;
	_ =	swait.ge [sflag:s17], $0x4000  }
.Ltmp1:
0x4e: {  	[sflag:s17] =	ssyncset.done $0x0;
	(pc) =	sbr.rel @p1 .LBB2_1-.Ltmp1, $4  }
0x4f: {  	s0 =	simm.s32 @!p0 $0x2;
	[sflag:s17] =	ssyncadd.s32 $0xFFFFC000  }
0x50: {  	_ =	swait.ge @!p0 [sflag:s0], $0x4000  }
0x51: {  	[sflag:s0] =	ssyncset.done @!p0 $0x0  }
0x52: {  	[sflag:s0] =	ssyncadd.s32 @!p0 $0xFFFFC000  }
0x53: {  	_ =	sfence.sel $0x180000  }
0x54: {  	[bflag:$0x0] =	sbarrier.arrive $0xFFFF  }
0x55: {  	_ =	strace $0x90000047  }
0x56: {  	s0 =	stileid.u32;
	[bflag:$0x2] =	sbarrier.arrive $0xFFFF  }
0x57: {  	p0 =	sne.s32 s0, $0x0;
	s0 =	rddreg [dreg:$0x2]  }
0x58: {  	s0 =	sadd.s32 @!p0 $0x100000, s0  }
0x59: {  	[sflag:s0] =	ssyncadd.tile.s32 @!p0 $0x1;
	_ =	shalt  }
.Lfunc_end2:
_tile_overlayer_lowered:
.L_overlay_start_2:
0x5a: {  	(tag) =	ssettag $0x2  }
0x5b: {  	s0 =	rddreg [dreg:$0x0];
	s2 =	stileid.u32  }
0x5c: {  	s1 =	rddreg [dreg:$0x1];
	p0 =	sne.s32 s2, $0x0  }
0x5d: {  	s3 =	rddreg [dreg:$0x2];
	[bflag:$0x3] =	sbarrier.arrive $0xFFFF;
	s2 =	simm.s32 @!p0 $0x1C03  }
0x5e: {  	[timem:s3], [sflag:s2] =	dma.local @!p0 [hbm:s0], s1  }
0x5f: {  	s0 =	simm.s32 @!p0 $0x3  }
0x60: {  	_ =	swait.ge @!p0 [sflag:s0], s1  }
0x61: {  	s1 =	ssub.s32 @!p0 $0x0, s1;
	[sflag:s0] =	ssyncset.done @!p0 $0x0  }
0x62: {  	[sflag:s0] =	ssyncadd.s32 @!p0 s1  }
0x63: {  	[bflag:$0x3] =	sbarrier.arrive $0xFFFF  }
0x64: {  	_ =	shalt  }

// kernel: kernel.16.cloned.1.call-start
scs
__scs_entry_jumppad:
0x0: {  	(pc) =	sbr.rel $0x88, $3  }
0x1: {  	(tag) =	ssettag $0x0;
	lr =	simm.s32 $0x1  }
0x2: {  	[smem:$0x3F95] =	sst lr;
	_ =	strace $0xD0000000  }
0x3: {  	_ = 	snop  }
0x4: {  	_ = 	snop  }
0x5: {  	_ = 	snop  }
0x6: {  	_ = 	snop  }
0x7: {  	_ = 	snop  }
__scs_overlays_trampoline_lowered:
0x8: {  	[smem:$0x3FA4] =	sst s0  }
0x9: {  	[smem:$0x3FA5] =	sst s1  }
0xa: {  	[smem:$0x3FA6] =	sst s2  }
0xb: {  	[smem:$0x3FA7] =	sst s3  }
0xc: {  	[smem:$0x3FA8] =	sst s4  }
0xd: {  	[smem:$0x3FA9] =	sst s5  }
0xe: {  	[smem:$0x3FAA] =	sst s6  }
0xf: {  	[smem:$0x3FAB] =	sst s7  }
0x10: {  	[smem:$0x3FAC] =	sst s8  }
0x11: {  	[smem:$0x3FAD] =	sst s9;
	s0 =	simm.s32 @!p0 $0x0  }
0x12: {  	s1 =	sld [smem:$0x3F93];
	s0 =	simm.s32 @p0 $0x1  }
0x13: {  	[smem:$0x3FAE] =	sst s0;
	s0 =	simm.s32 @!p1 $0x0  }
0x14: {  	s2 =	sld [smem:$0x3F92];
	s0 =	simm.s32 @p1 $0x1  }
0x15: {  	[smem:$0x3FAF] =	sst s0;
	s0 =	simm.s32 @!p2 $0x0  }
0x16: {  	s3 =	sld [smem:$0x3FDB];
	s0 =	simm.s32 @p2 $0x1  }
0x17: {  	s4 =	simm.s32 $0x1BF5;
	[smem:$0x3FB1] =	sst s0  }
0x18: {  	s0 =	sld [smem:$0x3F94];
	_ =	swait.ge [sflag:s4], $0x0  }
0x19: {  	s7 =	sld [smem:$0x3F95]  }
0x1a: {  	s8 =	sadd.s32 $0xFFFFE003, lr  }
0x1b: {  	s9 =	sadd.s32 $0xFFFFFEF7, lr;
	s5 =	simm.s32 $0xFFFFFFFF;
	p2 =	slt.u32 s8, $0xFFFFF086  }
0x1c: {  	p1 =	slt.u32 s9, $0xF7A;
	s5 =	simm.s32 @!p2 $0x0  }
0x1d: {  	s5 =	simm.s32 @p1 $0x1;
	p0 =	seq.s32 s7, s2  }
0x1e: {  	s7 =	smul.u32 @!p0 $0xF7A, s2;
	p2 =	seq.s32 @!p0 s5, $0x0  }
0x1f: {  	s9 =	smul.u32 $0xF7A, s1;
	s8 =	simm.s32 @!p0 $0x1BF5;
	p2 =	por !p2, p0  }
0x20: {  	[sflag:s8] =	ssyncset.s32 @!p0 $0xFFFFF086;
	s6 =	sadd.s32 @!p0 s3, s7;
	s7 =	simm.s32 @!p0 $0x108  }
0x21: {  	s3 =	sadd.s32 s3, s9;
	s6 =	sadd.s32 @!p0 $0x88, s6;
	s7 =	simm.s32 @p2 $0x1082  }
0x22: {  	[simem:s7], [sflag:s8] =	dma.local @!p0 [hbm:s6], $0xF7A  }
0x23: {  	s9 =	sor.u32 $0xD0000000, s2;
	s6 =	simm.s32 $0x108;
	_ =	swait.ge @!p0 [sflag:s8], $0x0  }
0x24: {  	s3 =	sadd.s32 $0x88, s3;
	s6 =	simm.s32 @!p1 $0x1082;
	[sflag:s4] =	ssyncset.s32 $0xFFFFF086  }
0x25: {  	[simem:s6], [sflag:s4] =	dma.local [hbm:s3], $0xF7A  }
0x26: {  	[smem:$0x3F95] =	sst s1;
	(tag) =	ssettag s2;
	_ =	strace s9  }
0x27: {  	s1 =	sld [smem:$0x3FA5]  }
0x28: {  	s2 =	sld [smem:$0x3FA6]  }
0x29: {  	s4 =	sld [smem:$0x3FA8]  }
0x2a: {  	p0 =	seq.s32 s5, $0x0;
	s5 =	sld [smem:$0x3FA9]  }
0x2b: {  	s6 =	sld [smem:$0x3FAA]  }
0x2c: {  	s7 =	sld [smem:$0x3FAB]  }
0x2d: {  	s3 =	simm.s32 $0x108;
	s8 =	sld [smem:$0x3FAC]  }
0x2e: {  	s3 =	simm.s32 @!p0 $0x1082;
	s9 =	sld [smem:$0x3FAD]  }
0x2f: {  	lr =	sadd.s32 s0, s3;
	s0 =	sld [smem:$0x3FA4]  }
0x30: {  	s3 =	sld [smem:$0x3FA7]  }
0x31: {  	[smem:$0x3FB0] =	sst s10  }
0x32: {  	s10 =	sld [smem:$0x3FAE];
	_ =	sdelay $0x3  }
0x33: {  	p0 =	seq.s32 s10, $0x1;
	s10 =	sld [smem:$0x3FB0];
	_ =	sdelay $0x3  }
0x34: {  	[smem:$0x3FB0] =	sst s10  }
0x35: {  	s10 =	sld [smem:$0x3FAF];
	_ =	sdelay $0x3  }
0x36: {  	p1 =	seq.s32 s10, $0x1;
	s10 =	sld [smem:$0x3FB0];
	_ =	sdelay $0x3  }
0x37: {  	[smem:$0x3FB0] =	sst s10  }
0x38: {  	s10 =	sld [smem:$0x3FB1]  }
0x39: {  	_ = 	snop;
	(pc) =	sbr.ind lr, $3  }
0x3a: {  	_ = 	snop  }
0x3b: {  	_ = 	snop  }
0x3c: {  	p2 =	seq.s32 s10, $0x1;
	s10 =	sld [smem:$0x3FB0]  }
0x3d: {  	_ =	shalt  }
0x3e: {  	_ =	shalt  }
0x3f: {  	_ =	shalt  }
0x40: {  	_ =	shalt  }
0x41: {  	_ =	shalt  }
0x42: {  	_ =	shalt  }
0x43: {  	_ =	shalt  }
0x44: {  	_ =	shalt  }
0x45: {  	_ =	shalt  }
0x46: {  	_ =	shalt  }
0x47: {  	_ =	shalt  }
0x48: {  	_ =	shalt  }
0x49: {  	_ =	shalt  }
0x4a: {  	_ =	shalt  }
0x4b: {  	_ =	shalt  }
0x4c: {  	_ =	shalt  }
0x4d: {  	_ =	shalt  }
0x4e: {  	_ =	shalt  }
0x4f: {  	_ =	shalt  }
0x50: {  	_ =	shalt  }
0x51: {  	_ =	shalt  }
0x52: {  	_ =	shalt  }
0x53: {  	_ =	shalt  }
0x54: {  	_ =	shalt  }
0x55: {  	_ =	shalt  }
0x56: {  	_ =	shalt  }
0x57: {  	_ =	shalt  }
0x58: {  	_ =	shalt  }
0x59: {  	_ =	shalt  }
0x5a: {  	_ =	shalt  }
0x5b: {  	_ =	shalt  }
0x5c: {  	_ =	shalt  }
0x5d: {  	_ =	shalt  }
0x5e: {  	_ =	shalt  }
0x5f: {  	_ =	shalt  }
0x60: {  	_ =	shalt  }
0x61: {  	_ =	shalt  }
0x62: {  	_ =	shalt  }
0x63: {  	_ =	shalt  }
0x64: {  	_ =	shalt  }
0x65: {  	_ =	shalt  }
0x66: {  	_ =	shalt  }
0x67: {  	_ =	shalt  }
0x68: {  	_ =	shalt  }
0x69: {  	_ =	shalt  }
0x6a: {  	_ =	shalt  }
0x6b: {  	_ =	shalt  }
0x6c: {  	_ =	shalt  }
0x6d: {  	_ =	shalt  }
0x6e: {  	_ =	shalt  }
0x6f: {  	_ =	shalt  }
0x70: {  	_ =	shalt  }
0x71: {  	_ =	shalt  }
0x72: {  	_ =	shalt  }
0x73: {  	_ =	shalt  }
0x74: {  	_ =	shalt  }
0x75: {  	_ =	shalt  }
0x76: {  	_ =	shalt  }
0x77: {  	_ =	shalt  }
0x78: {  	_ =	shalt  }
0x79: {  	_ =	shalt  }
0x7a: {  	_ =	shalt  }
0x7b: {  	_ =	shalt  }
0x7c: {  	_ =	shalt  }
0x7d: {  	_ =	shalt  }
0x7e: {  	_ =	shalt  }
0x7f: {  	_ =	shalt  }
0x80: {  	_ =	shalt  }
0x81: {  	_ =	shalt  }
0x82: {  	_ =	shalt  }
0x83: {  	_ =	shalt  }
0x84: {  	_ =	shalt  }
0x85: {  	_ =	shalt  }
0x86: {  	_ =	shalt  }
0x87: {  	_ =	shalt  }
.Lfunc_end0:
.L_simem_size_0:
called_computation.2_lowered:
.L_overlay_start_0:
0x88: {  	s2 =	sld [smem:$0x3FD9]  }
0x89: {  	s3 =	sld [smem:$0x3FFE];
	_ =	sdelay $0x1  }
0x8a: {  	s1 =	srdreg.scid  }
0x8b: {  	s0 =	sand.u32 $0x1, s1  }
0x8c: {  	s17 =	sshll.u32 s0, $0xA;
	s2 =	sadd.s32 s3, s2  }
0x8d: {  	s2 =	sadd.s32 s2, s17  }
0x8e: {  	[smem:$0x3FBC] =	sst s2  }
0x8f: {  	_ = 	snop  }
0x90: {  	(tm) =	ssettm $0x1  }
0x91: {  	s18 =	sld [smem:$0x3FFB];
	_ =	sdelay $0x3  }
0x92: {  	_ =	strace s18  }
0x93: {  	s2 =	sld [smem:$0x3FFC];
	_ =	sdelay $0x3  }
0x94: {  	_ =	strace s2  }
0x95: {  	s2 =	sld [smem:$0x3FFD];
	_ =	sdelay $0x3  }
0x96: {  	_ =	strace s2  }
0x97: {  	_ =	strace $0x8FFFFFFF  }
0x98: {  	s19 =	sld [smem:$0x3FDB];
	_ =	sdelay $0x1  }
0x99: {  	s20 =	simm.s32 $_scs_section_size  }
0x9a: {  	s4 =	simm.s32 $_size__tile_overlayer_lowered;
	s5 =	simm.s32 $_tile_overlayer_lowered  }
0x9b: {  	s6 =	simm.s32 $0x1BFF;
	s21 =	sshll.u32 s5, $0x1;
	s3 =	sadd.s32 s20, s19  }
0x9c: {  	s22 =	simm.s32 $0x0;
	s4 =	sshll.u32 s4, $0x1;
	s5 =	sadd.s32 s21, s3  }
0x9d: {  	[timem:s22], [sflag:s6] =	dma.local [hbm:s5], s4  }
0x9e: {  	_ =	swait.ge [sflag:s6], s4  }
0x9f: {  	s4 =	ssub.s32 $0x0, s4;
	[sflag:s6] =	ssyncset.done $0x0  }
0xa0: {  	[sflag:s6] =	ssyncadd.s32 s4;
	_ =	sdelay $0x1  }
0xa1: {  	s23 =	simm.s32 $0x1B8B  }
0xa2: {  	_ =	swait.ge [sflag:s23], $0x1  }
0xa3: {  	[sflag:s23] =	ssyncset.done $0x0  }
0xa4: {  	[sflag:s23] =	ssyncadd.s32 $0xFFFFFFFF  }
0xa5: {  	s4 =	sld [smem:$0x0]  }
0xa6: {  	s5 =	sand.u32 $0xFFFFFFFE, s1  }
0xa7: {  	p0 =	sne.s32 s1, s5  }
0xa8: {  	s5 =	sshll.u32 @p0 s5, $0xE  }
0xa9: {  	s5 =	sadd.s32 @p0 $0x11B8D, s5;
	s6 =	sshll.u32 @p0 s4, $0x11  }
0xaa: {  	s5 =	sor.u32 @p0 s6, s5  }
0xab: {  	[sflag:s5] =	ssyncadd.remote.s32 @p0 $0x1;
	_ =	sdelay $0x1  }
0xac: {  	s5 =	simm.s32 @p0 $0x1B8D  }
0xad: {  	_ =	swait.eq @p0 [sflag:s5], $0x1  }
0xae: {  	[sflag:s5] =	ssyncadd.s32 @p0 $0xFFFFFFFF  }
0xaf: {  	s6 =	sshll.u32 @!p0 s1, $0xE  }
0xb0: {  	s6 =	sor.u32 @!p0 $0x4000, s6;
	s5 =	simm.s32 @!p0 $0x1B8D  }
0xb1: {  	s4 =	sshll.u32 @!p0 s4, $0x11;
	s6 =	sadd.s32 @!p0 $0x11B8D, s6;
	_ =	swait.eq @!p0 [sflag:s5], $0x1  }
0xb2: {  	s4 =	sor.u32 @!p0 s4, s6;
	[sflag:s5] =	ssyncadd.s32 @!p0 $0xFFFFFFFF  }
0xb3: {  	s25 =	simm.s32 $0x1B8E;
	s24 =	sld [smem:$0x3FFE];
	[sflag:s4] =	ssyncadd.remote.s32 @!p0 $0x1  }
0xb4: {  	s26 =	simm.s32 $execute0_lowered;
	[smem:$0x3FD2] =	sst s25  }
0xb5: {  	s5 =	sshll.u32 s26, $0x1;
	_ =	strace $0x8000004F;
	[dreg:$0x1] =	wrdreg $0xFFFFFFFF  }
0xb6: {  	s28 =	simm.s32 $_size_execute0_lowered;
	s3 =	sadd.s32 s3, s5;
	[dreg:$0x0] =	wrdreg $0x0  }
0xb7: {  	s5 =	sshll.u32 s28, $0x1;
	[dreg:$0x2] =	wrdreg s3  }
0xb8: {  	[dreg:$0x3] =	wrdreg s5  }
0xb9: {  	[dreg:$0x4] =	wrdreg $0xC0  }
0xba: {  	_ =	task [dreg:s22], $0x5FFFF  }
0xbb: {  	[dreg:$0x1] =	wrdreg $0xFFFFFFFF  }
0xbc: {  	[dreg:$0x0] =	wrdreg $0x60  }
0xbd: {  	[dreg:$0x2] =	wrdreg s24  }
0xbe: {  	[dreg:$0x3] =	wrdreg $0x0  }
0xbf: {  	[dreg:$0x4] =	wrdreg $0x9  }
0xc0: {  	_ =	task.clear_ibuf [dreg:s22], $0x5FFFF;
	_ =	strace $0x9000004F  }
0xc1: {  	s29 =	simm.s32 $0x9;
	_ =	strace $0x80000051  }
0xc2: {  	_ =	swait.ge [sflag:s29], $0x1  }
0xc3: {  	[sflag:s29] =	ssyncadd.s32 $0xFFFFFFFF  }
0xc4: {  	_ =	strace $0x90000051  }
0xc5: {  	_ =	sfence  }
0xc6: {  	s30 =	sld [smem:$0x0];
	_ =	sdelay $0x2  }
0xc7: {  	s31 =	sshll.u32 s1, $0xD;
	s1 =	sshrl.u32 s1, $0x2  }
0xc8: {  	s4 =	sand.u32 $0x4000, s31;
	s1 =	sadd.s32 s1, s30  }
0xc9: {  	s0 =	sor.u32 s4, s0;
	s1 =	sshll.u32 s1, $0x11  }
0xca: {  	s0 =	sor.u32 s1, s0  }
0xcb: {  	s0 =	sadd.s32 $0x8F2B, s0  }
0xcc: {  	[sflag:s0] =	ssyncadd.remote.s32 $0x1  }
0xcd: {  	_ =	sfence.sel $0xFFFF  }
0xce: {  	[dreg:$0x0] =	wrdreg $0xFFFFFFFF;
	(pc) =	sbr.abs _section_cstart, $3  }
0xcf: {  	[dreg:$0x1] =	wrdreg $0xFFFFFFFF  }
0xd0: {  	_ =	task.clear_ibuf [dreg:s22], $0x2FFFF;
	_ =	strace $0x9FFFFFFF  }
0xd1: {  	(tm) =	ssettm $0x7FFFFFFF  }
tec
execute0_lowered:
.L_overlay_start_1:
0x0: {  	(tag) =	ssettag $0x1  }
0x1: {  	s0 =	rddreg [dreg:$0x0];
	s1 =	srdreg.scid  }
0x2: {  	s2 =	rddreg [dreg:$0x1];
	s3 =	stileid.u32;
	s6 =	simm.s32 $0x0  }
0x3: {  	s1 =	sand.u32 $0x1, s1;
	s5 =	smul.u32 $0x14000, s3;
	[smem:$0x7FF] =	sst s6  }
0x4: {  	s10 =	sadd.s32 $0x9F9C00, s0;
	s8 =	ssub.s32 $0x109, s3;
	s9 =	smul.u32 $0x50000, s3  }
0x5: {  	s24 =	sshll.u32 s3, $0x6;
	s25 =	sshll.u32 s3, $0x7;
	s29 =	sshll.u32 s3, $0xB  }
0x6: {  	p0 =	sgt.u32 s3, $0x9;
	s4 =	smul.u32 $0x3C0000, s1;
	_ =	strace $0x80000050  }
0x7: {  	s22 =	ssub.s32 $0x2, s1;
	s12 =	smul.u32 $0x7D00, s1;
	s6 =	sshrl.u32 s8, $0x4  }
0x8: {  	s1 =	smul.u32 $0x7D000, s1;
	s7 =	sshrl.u32 s22, $0x1;
	s23 =	sshrl.u32 s9, $0x2  }
0x9: {  	s5 =	sadd.s32 s5, s4;
	s4 =	sadd.s32 $0x11F800, s0;
	s11 =	ssub.s32 s22, s7  }
0xa: {  	s13 =	sadd.s32 s23, s2;
	s7 =	sor.u32 $0x1C03, s24;
	s12 =	sadd.s32 s25, s12  }
0xb: {  	s1 =	sadd.s32 s1, s10;
	s23 =	simm.s32 $0x14100;
	s24 =	simm.s32 $0x0  }
0xc: {  	s21 =	sshrl.u32 s5, $0x3;
	s5 =	sadd.s32 $0x5600, s0;
	s26 =	sshrl.u32 s12, $0x3  }
0xd: {  	s9 =	sshll.u32 s12, $0x4;
	s1 =	sadd.s32 s29, s1;
	s31 =	smax.u32 s11, $0x1  }
0xe: {  	s0 =	sadd.s32 s21, s0;
	s9 =	sadd.s32 s10, s9;
	[dreg:$0x9] =	wrdreg s31  }
0xf: {  	s17 =	sadd.s32 $0x800, s12;
	s14 =	sadd.s32 $0x121800, s0;
	[dreg:$0x3] =	wrdreg s9  }
0x10: {  	s20 =	sshrl.u32 s13, $0x3;
	s28 =	sadd.s32 $0xFA000, s9;
	[dreg:$0x4] =	wrdreg s14  }
0x11: {  	s8 =	sadd.s32 s4, s26;
	s30 =	sadd.s32 $0x149800, s0;
	[dreg:$0x5] =	wrdreg s28  }
0x12: {  	s16 =	sadd.s32 $0x8000, s1;
	s9 =	sadd.s32 $0x1F4000, s9;
	[dreg:$0x6] =	wrdreg s30  }
0x13: {  	s18 =	sadd.s32 $0x102000, s1;
	s0 =	sadd.s32 $0x171800, s0;
	[dreg:$0x7] =	wrdreg s9  }
0x14: {  	s19 =	sadd.s32 $0x1FC000, s1;
	s21 =	simm.s32 $0x3;
	[dreg:$0x8] =	wrdreg s0  }
.LBB2_1:
0x15: {  	[spmem:s20], [sflag:s7] =	dma.local [hbm:s5], $0x2800  }
0x16: {  	s0 =	simm.s32 $0x0;
	_ =	swait.ge [sflag:s21], $0x2800  }
0x17: {  	s1 =	simm.s32 $0x14000;
	s28 =	simm.s32 $0x1;
	[sflag:s21] =	ssyncset.done $0x0  }
0x18: {  	p2 =	sle.u32 s6, $0xFFFFFFFF;
	p1 =	sle.u32 s6, $0x0;
	[sflag:s21] =	ssyncadd.s32 $0xFFFFD800  }
0x19: {  	s29 =	sadd.s32 $0x800, s17;
	s25 =	sadd.s32 $0x8000, s16;
	[bflag:$0x0] =	sbarrier.arrive $0xFFFF  }
0x1a: {  	[tilespmem:s1], [sflag:$0x1] =	stream.linear.gather [hbm4b:s8+s0], $0x80, $0x38;
	[tilespmem:$0x1C100] =	vst v63  }
0x1b: {  	s30 =	smov.u32 s16;
	s11 =	simm.s32 @!p2 $0x2;
	s26 =	rddreg [dreg:$0x3]  }
0x1c: {  	[tilespmem:s23], [sflag:$0x1] =	stream.linear.gather [hbm4b:s26+s0], $0x4000, $0x38;
	[tilespmem:$0x1C100] =	vst v63  }
0x1d: {  	s10 =	simm.s32 @!p1 $0x1;
	s0 =	sand.u32 @!p1 $0x1, s0;
	_ =	swait.ge @!p2 [sflag:s11], $0x4000  }
0x1e: {  	s26 =	simm.s32 $0x2;
	s1 =	sshll.u32 @!p1 s0, $0x7;
	[sflag:s11] =	ssyncset.done @!p2 $0x0  }
0x1f: {  	s31 =	sshll.u32 @!p1 s0, $0xE;
	[sflag:s11] =	ssyncadd.s32 @!p2 $0xFFFFC000;
	p2 =	sle.u32 s6, $0x1  }
0x20: {  	s11 =	simm.s32 @!p1 $0x80;
	_ =	swait.ge @!p1 [sflag:s10], $0x80;
	s12 =	sshrl.u32 @!p2 s17, $0x3  }
0x21: {  	s14 =	sand.u32 @!p2 $0x1, s28;
	s0 =	simm.s32 @!p2 $0x0;
	[sflag:s10] =	ssyncset.done @!p1 $0x0  }
0x22: {  	s13 =	sshll.u32 @!p2 s14, $0x7;
	s12 =	sadd.s32 @!p2 s4, s12;
	[sflag:s10] =	ssyncadd.s32 @!p1 $0xFFFFFF80  }
0x23: {  	s14 =	sshll.u32 @!p2 s14, $0xE;
	s13 =	sor.u32 @!p2 $0x14000, s13;
	_ =	swait.ge @!p1 [sflag:s10], $0x4000  }
.LBB2_2:
0x24: {  	s1 =	sor.u32 @!p1 $0x14000, s1;
	s31 =	sadd.s32 @!p1 $0x14100, s31;
	[sflag:s10] =	ssyncset.done @!p1 $0x0  }
0x25: {  	s15 =	smov.u32 s26;
	s9 =	smov.u32 s26;
	s3 =	smov.u32 s29  }
0x26: {  	s22 =	sadd.s32 $0xFFFFFFFF, s28;
	[sflag:s10] =	ssyncadd.s32 @!p1 $0xFFFFC000;
	s10 =	sadd.s32 @!p2 $0x14100, s14  }
0x27: {  	[spmem:s2] =	stream.indirect.scatter.add.f32 @!p1 [tilespmem:s31], [sflag:$0x2], $0x80, s1, s11, $0xb8;
	[tilespmem:$0x1C100] =	vst v63  }
0x28: {  	s26 =	sadd.s32 $0x1, s26;
	p4 =	sge.u32 s22, s6;
	p1 =	sge.u32 s28, s6  }
0x29: {  	[tilespmem:s13], [sflag:$0x1] =	stream.linear.gather @!p2 [hbm4b:s12+s0], $0x80, $0x38;
	[tilespmem:$0x1C100] =	vst v63  }
0x2a: {  	p3 =	sne.s32 s26, $0x10;
	s11 =	sand.u32 @!p1 $0x1, s28;
	s28 =	smov.u32 s9  }
0x2b: {  	s9 =	simm.s32 @!p4 $0x2;
	s1 =	sshll.u32 @!p1 s11, $0x7;
	s31 =	sshll.u32 @!p1 s11, $0xE  }
0x2c: {  	[tilespmem:s10], [sflag:$0x1] =	stream.linear.gather @!p2 [hbm4b:s30+s0], $0x4000, $0x38;
	[tilespmem:$0x1C100] =	vst v63  }
0x2d: {  	s29 =	sadd.s32 $0x800, s29;
	s30 =	smov.u32 s25;
	_ =	swait.ge @!p4 [sflag:s9], $0x4000  }
0x2e: {  	s10 =	simm.s32 @!p1 $0x1;
	s25 =	sadd.s32 $0x8000, s25;
	[sflag:s9] =	ssyncset.done @!p4 $0x0  }
.Ltmp0:
0x2f: {  	p2 =	sge.u32 s15, s6;
	[sflag:s9] =	ssyncadd.s32 @!p4 $0xFFFFC000;
	(pc) =	sbr.rel @p3 .LBB2_2-.Ltmp0, $4  }
0x30: {  	s11 =	simm.s32 @!p1 $0x80;
	s3 =	sshrl.u32 @!p2 s3, $0x3;
	_ =	swait.ge @!p1 [sflag:s10], $0x80  }
0x31: {  	s0 =	simm.s32 @!p2 $0x0;
	s9 =	sand.u32 @!p2 $0x1, s15;
	[sflag:s10] =	ssyncset.done @!p1 $0x0  }
0x32: {  	s12 =	sadd.s32 @!p2 s4, s3;
	s13 =	sshll.u32 @!p2 s9, $0x7;
	[sflag:s10] =	ssyncadd.s32 @!p1 $0xFFFFFF80  }
0x33: {  	s14 =	sshll.u32 @!p2 s9, $0xE;
	s13 =	sor.u32 @!p2 $0x14000, s13;
	_ =	swait.ge @!p1 [sflag:s10], $0x4000  }
0x34: {  	s1 =	sor.u32 @!p1 $0x14000, s1;
	[sflag:s10] =	ssyncset.done @!p1 $0x0  }
0x35: {  	s3 =	sadd.s32 @!p1 $0x14100, s31;
	s9 =	sadd.s32 $0xFFFFFFFF, s28;
	[sflag:s10] =	ssyncadd.s32 @!p1 $0xFFFFC000  }
0x36: {  	[spmem:s2] =	stream.indirect.scatter.add.f32 @!p1 [tilespmem:s3], [sflag:$0x2], $0x80, s1, s11, $0xb8;
	[tilespmem:$0x1C100] =	vst v63  }
0x37: {  	p3 =	sge.u32 s9, s6  }
0x38: {  	[tilespmem:s13], [sflag:$0x1] =	stream.linear.gather @!p2 [hbm4b:s12+s0], $0x80, $0x38;
	[tilespmem:$0x1C100] =	vst v63  }
0x39: {  	s1 =	sadd.s32 @!p2 $0x14100, s14;
	s3 =	simm.s32 @!p3 $0x2  }
0x3a: {  	[tilespmem:s1], [sflag:$0x1] =	stream.linear.gather @!p2 [hbm4b:s30+s0], $0x4000, $0x38;
	[tilespmem:$0x1C100] =	vst v63  }
0x3b: {  	_ =	swait.ge @!p3 [sflag:s3], $0x4000  }
0x3c: {  	p1 =	sge.u32 s28, s6;
	[sflag:s3] =	ssyncset.done @!p3 $0x0  }
0x3d: {  	s0 =	simm.s32 @!p1 $0x1;
	[sflag:s3] =	ssyncadd.s32 @!p3 $0xFFFFC000  }
0x3e: {  	s9 =	simm.s32 @!p1 $0x80;
	_ =	swait.ge @!p1 [sflag:s0], $0x80  }
0x3f: {  	s1 =	sand.u32 @!p1 $0x1, s28;
	p2 =	sge.u32 s26, s6;
	[sflag:s0] =	ssyncset.done @!p1 $0x0  }
0x40: {  	s10 =	sshrl.u32 @!p2 s29, $0x3;
	s11 =	sand.u32 @!p2 $0x1, s26;
	[sflag:s0] =	ssyncadd.s32 @!p1 $0xFFFFFF80  }
0x41: {  	s12 =	simm.s32 @!p2 $0x0;
	s13 =	sshll.u32 @!p2 s11, $0x7;
	_ =	swait.ge @!p1 [sflag:s0], $0x4000  }
0x42: {  	s3 =	sshll.u32 @!p1 s1, $0x7;
	s1 =	sshll.u32 @!p1 s1, $0xE;
	[sflag:s0] =	ssyncset.done @!p1 $0x0  }
0x43: {  	s3 =	sor.u32 @!p1 $0x14000, s3;
	s1 =	sadd.s32 @!p1 $0x14100, s1;
	[sflag:s0] =	ssyncadd.s32 @!p1 $0xFFFFC000  }
0x44: {  	[spmem:s2] =	stream.indirect.scatter.add.f32 @!p1 [tilespmem:s1], [sflag:$0x2], $0x80, s3, s9, $0xb8;
	[tilespmem:$0x1C100] =	vst v63  }
0x45: {  	s0 =	sadd.s32 @!p2 s4, s10;
	s1 =	sor.u32 @!p2 $0x14000, s13;
	s3 =	sshll.u32 @!p2 s11, $0xE  }
0x46: {  	[tilespmem:s1], [sflag:$0x1] =	stream.linear.gather @!p2 [hbm4b:s0+s12], $0x80, $0x38;
	[tilespmem:$0x1C100] =	vst v63  }
0x47: {  	s0 =	sadd.s32 @!p2 $0x14100, s3  }
0x48: {  	[tilespmem:s0], [sflag:$0x1] =	stream.linear.gather @!p2 [hbm4b:s25+s12], $0x4000, $0x38;
	[tilespmem:$0x1C100] =	vst v63  }
0x49: {  	s0 =	simm.s32 @!p0 $0x2  }
0x4a: {  	_ =	swait.ge @!p0 [sflag:s0], $0x4000  }
0x4b: {  	[sflag:s0] =	ssyncset.done @!p0 $0x0  }
0x4c: {  	[sflag:s0] =	ssyncadd.s32 @!p0 $0xFFFFC000  }
0x4d: {  	[bflag:$0x0] =	sbarrier.arrive $0xFFFF  }
0x4e: {  	s22 =	rddreg [dreg:$0x4]  }
0x4f: {  	[hbm:s22], [sflag:s7] =	dma.local [spmem:s20], $0x2800  }
0x50: {  	_ =	swait.ge [sflag:s21], $0x2800  }
0x51: {  	[sflag:s21] =	ssyncset.done $0x0  }
0x52: {  	[sflag:s21] =	ssyncadd.s32 $0xFFFFD800  }
0x53: {  	[bflag:$0x0] =	sbarrier.arrive $0xFFFF  }
0x54: {  	[spmem:s20], [sflag:s7] =	dma.local [hbm:s5], $0x2800  }
0x55: {  	s28 =	simm.s32 $0x1;
	_ =	swait.ge [sflag:s21], $0x2800  }
0x56: {  	s30 =	smov.u32 s18;
	s29 =	sadd.s32 $0x800, s17;
	[sflag:s21] =	ssyncset.done $0x0  }
0x57: {  	p1 =	sle.u32 s6, $0x0;
	s25 =	simm.s32 $0x14000;
	[sflag:s21] =	ssyncadd.s32 $0xFFFFD800  }
0x58: {  	p2 =	sle.u32 s6, $0xFFFFFFFF;
	s0 =	simm.s32 $0x0;
	[bflag:$0x0] =	sbarrier.arrive $0xFFFF  }
0x59: {  	[tilespmem:s25], [sflag:$0x1] =	stream.linear.gather [hbm4b:s8+s0], $0x80, $0x38;
	[tilespmem:$0x1C100] =	vst v63  }
0x5a: {  	s10 =	simm.s32 @!p1 $0x1;
	s3 =	simm.s32 @!p2 $0x2;
	s26 =	rddreg [dreg:$0x5]  }
0x5b: {  	[tilespmem:s23], [sflag:$0x1] =	stream.linear.gather [hbm4b:s26+s0], $0x4000, $0x38;
	[tilespmem:$0x1C100] =	vst v63  }
0x5c: {  	s11 =	simm.s32 @!p1 $0x80;
	s25 =	sadd.s32 $0x8000, s18;
	_ =	swait.ge @!p2 [sflag:s3], $0x4000  }
0x5d: {  	s26 =	simm.s32 $0x2;
	s0 =	sand.u32 @!p1 $0x1, s0;
	[sflag:s3] =	ssyncset.done @!p2 $0x0  }
0x5e: {  	s1 =	sshll.u32 @!p1 s0, $0x7;
	[sflag:s3] =	ssyncadd.s32 @!p2 $0xFFFFC000;
	p2 =	sle.u32 s6, $0x1  }
0x5f: {  	s0 =	sshll.u32 @!p1 s0, $0xE;
	_ =	swait.ge @!p1 [sflag:s10], $0x80;
	s3 =	sshrl.u32 @!p2 s17, $0x3  }
0x60: {  	s9 =	sand.u32 @!p2 $0x1, s28;
	s31 =	simm.s32 @!p2 $0x0;
	[sflag:s10] =	ssyncset.done @!p1 $0x0  }
0x61: {  	s13 =	sshll.u32 @!p2 s9, $0x7;
	s12 =	sadd.s32 @!p2 s4, s3;
	[sflag:s10] =	ssyncadd.s32 @!p1 $0xFFFFFF80  }
0x62: {  	s14 =	sshll.u32 @!p2 s9, $0xE;
	s13 =	sor.u32 @!p2 $0x14000, s13;
	_ =	swait.ge @!p1 [sflag:s10], $0x4000  }
.LBB2_4:
0x63: {  	s1 =	sor.u32 @!p1 $0x14000, s1;
	s0 =	sadd.s32 @!p1 $0x14100, s0;
	[sflag:s10] =	ssyncset.done @!p1 $0x0  }
0x64: {  	s3 =	smov.u32 s26;
	s9 =	smov.u32 s26;
	s15 =	smov.u32 s29  }
0x65: {  	s22 =	sadd.s32 $0xFFFFFFFF, s28;
	[sflag:s10] =	ssyncadd.s32 @!p1 $0xFFFFC000;
	s10 =	sadd.s32 @!p2 $0x14100, s14  }
0x66: {  	[spmem:s2] =	stream.indirect.scatter.add.f32 @!p1 [tilespmem:s0], [sflag:$0x2], $0x80, s1, s11, $0xb8;
	[tilespmem:$0x1C100] =	vst v63  }
0x67: {  	s26 =	sadd.s32 $0x1, s26;
	p4 =	sge.u32 s22, s6;
	p1 =	sge.u32 s28, s6  }
0x68: {  	[tilespmem:s13], [sflag:$0x1] =	stream.linear.gather @!p2 [hbm4b:s12+s31], $0x80, $0x38;
	[tilespmem:$0x1C100] =	vst v63  }
0x69: {  	p3 =	sne.s32 s26, $0x10;
	s0 =	sand.u32 @!p1 $0x1, s28;
	s28 =	smov.u32 s9  }
0x6a: {  	s9 =	simm.s32 @!p4 $0x2;
	s1 =	sshll.u32 @!p1 s0, $0x7;
	s0 =	sshll.u32 @!p1 s0, $0xE  }
0x6b: {  	[tilespmem:s10], [sflag:$0x1] =	stream.linear.gather @!p2 [hbm4b:s30+s31], $0x4000, $0x38;
	[tilespmem:$0x1C100] =	vst v63  }
0x6c: {  	s29 =	sadd.s32 $0x800, s29;
	s30 =	smov.u32 s25;
	_ =	swait.ge @!p4 [sflag:s9], $0x4000  }
0x6d: {  	s10 =	simm.s32 @!p1 $0x1;
	s25 =	sadd.s32 $0x8000, s25;
	[sflag:s9] =	ssyncset.done @!p4 $0x0  }
.Ltmp1:
0x6e: {  	p2 =	sge.u32 s3, s6;
	[sflag:s9] =	ssyncadd.s32 @!p4 $0xFFFFC000;
	(pc) =	sbr.rel @p3 .LBB2_4-.Ltmp1, $4  }
0x6f: {  	s11 =	simm.s32 @!p1 $0x80;
	s9 =	sshrl.u32 @!p2 s15, $0x3;
	_ =	swait.ge @!p1 [sflag:s10], $0x80  }
0x70: {  	s3 =	sand.u32 @!p2 $0x1, s3;
	s31 =	simm.s32 @!p2 $0x0;
	[sflag:s10] =	ssyncset.done @!p1 $0x0  }
0x71: {  	s13 =	sshll.u32 @!p2 s3, $0x7;
	s12 =	sadd.s32 @!p2 s4, s9;
	[sflag:s10] =	ssyncadd.s32 @!p1 $0xFFFFFF80  }
0x72: {  	s14 =	sshll.u32 @!p2 s3, $0xE;
	s13 =	sor.u32 @!p2 $0x14000, s13;
	_ =	swait.ge @!p1 [sflag:s10], $0x4000  }
0x73: {  	s1 =	sor.u32 @!p1 $0x14000, s1;
	[sflag:s10] =	ssyncset.done @!p1 $0x0  }
0x74: {  	s0 =	sadd.s32 @!p1 $0x14100, s0;
	s3 =	sadd.s32 $0xFFFFFFFF, s28;
	[sflag:s10] =	ssyncadd.s32 @!p1 $0xFFFFC000  }
0x75: {  	[spmem:s2] =	stream.indirect.scatter.add.f32 @!p1 [tilespmem:s0], [sflag:$0x2], $0x80, s1, s11, $0xb8;
	[tilespmem:$0x1C100] =	vst v63  }
0x76: {  	p3 =	sge.u32 s3, s6  }
0x77: {  	[tilespmem:s13], [sflag:$0x1] =	stream.linear.gather @!p2 [hbm4b:s12+s31], $0x80, $0x38;
	[tilespmem:$0x1C100] =	vst v63  }
0x78: {  	s0 =	sadd.s32 @!p2 $0x14100, s14;
	s1 =	simm.s32 @!p3 $0x2  }
0x79: {  	[tilespmem:s0], [sflag:$0x1] =	stream.linear.gather @!p2 [hbm4b:s30+s31], $0x4000, $0x38;
	[tilespmem:$0x1C100] =	vst v63  }
0x7a: {  	_ =	swait.ge @!p3 [sflag:s1], $0x4000  }
0x7b: {  	p1 =	sge.u32 s28, s6;
	[sflag:s1] =	ssyncset.done @!p3 $0x0  }
0x7c: {  	s0 =	simm.s32 @!p1 $0x1;
	[sflag:s1] =	ssyncadd.s32 @!p3 $0xFFFFC000  }
0x7d: {  	p2 =	sge.u32 s26, s6;
	_ =	swait.ge @!p1 [sflag:s0], $0x80  }
0x7e: {  	s9 =	simm.s32 @!p1 $0x80;
	s10 =	sshrl.u32 @!p2 s29, $0x3;
	[sflag:s0] =	ssyncset.done @!p1 $0x0  }
0x7f: {  	s11 =	sand.u32 @!p2 $0x1, s26;
	s12 =	simm.s32 @!p2 $0x0;
	[sflag:s0] =	ssyncadd.s32 @!p1 $0xFFFFFF80  }
0x80: {  	s13 =	sshll.u32 @!p2 s11, $0x7;
	s1 =	sand.u32 @!p1 $0x1, s28;
	_ =	swait.ge @!p1 [sflag:s0], $0x4000  }
0x81: {  	s3 =	sshll.u32 @!p1 s1, $0x7;
	s1 =	sshll.u32 @!p1 s1, $0xE;
	[sflag:s0] =	ssyncset.done @!p1 $0x0  }
0x82: {  	s3 =	sor.u32 @!p1 $0x14000, s3;
	s1 =	sadd.s32 @!p1 $0x14100, s1;
	[sflag:s0] =	ssyncadd.s32 @!p1 $0xFFFFC000  }
0x83: {  	[spmem:s2] =	stream.indirect.scatter.add.f32 @!p1 [tilespmem:s1], [sflag:$0x2], $0x80, s3, s9, $0xb8;
	[tilespmem:$0x1C100] =	vst v63  }
0x84: {  	s0 =	sadd.s32 @!p2 s4, s10;
	s1 =	sor.u32 @!p2 $0x14000, s13;
	s3 =	sshll.u32 @!p2 s11, $0xE  }
0x85: {  	[tilespmem:s1], [sflag:$0x1] =	stream.linear.gather @!p2 [hbm4b:s0+s12], $0x80, $0x38;
	[tilespmem:$0x1C100] =	vst v63  }
0x86: {  	s0 =	sadd.s32 @!p2 $0x14100, s3  }
0x87: {  	[tilespmem:s0], [sflag:$0x1] =	stream.linear.gather @!p2 [hbm4b:s25+s12], $0x4000, $0x38;
	[tilespmem:$0x1C100] =	vst v63  }
0x88: {  	s0 =	simm.s32 @!p0 $0x2  }
0x89: {  	_ =	swait.ge @!p0 [sflag:s0], $0x4000  }
0x8a: {  	[sflag:s0] =	ssyncset.done @!p0 $0x0  }
0x8b: {  	[sflag:s0] =	ssyncadd.s32 @!p0 $0xFFFFC000  }
0x8c: {  	[bflag:$0x0] =	sbarrier.arrive $0xFFFF  }
0x8d: {  	s22 =	rddreg [dreg:$0x6]  }
0x8e: {  	[hbm:s22], [sflag:s7] =	dma.local [spmem:s20], $0x2800  }
0x8f: {  	_ =	swait.ge [sflag:s21], $0x2800  }
0x90: {  	[sflag:s21] =	ssyncset.done $0x0  }
0x91: {  	[sflag:s21] =	ssyncadd.s32 $0xFFFFD800  }
0x92: {  	[bflag:$0x0] =	sbarrier.arrive $0xFFFF  }
0x93: {  	[spmem:s20], [sflag:s7] =	dma.local [hbm:s5], $0x2800  }
0x94: {  	s30 =	smov.u32 s19;
	_ =	swait.ge [sflag:s21], $0x2800  }
0x95: {  	s29 =	sadd.s32 $0x800, s17;
	s28 =	simm.s32 $0x1;
	[sflag:s21] =	ssyncset.done $0x0  }
0x96: {  	p1 =	sle.u32 s6, $0x0;
	s25 =	simm.s32 $0x14000;
	[sflag:s21] =	ssyncadd.s32 $0xFFFFD800  }
0x97: {  	p2 =	sle.u32 s6, $0xFFFFFFFF;
	s0 =	simm.s32 $0x0;
	[bflag:$0x0] =	sbarrier.arrive $0xFFFF  }
0x98: {  	[tilespmem:s25], [sflag:$0x1] =	stream.linear.gather [hbm4b:s8+s0], $0x80, $0x38;
	[tilespmem:$0x1C100] =	vst v63  }
0x99: {  	s10 =	simm.s32 @!p1 $0x1;
	s3 =	simm.s32 @!p2 $0x2;
	s26 =	rddreg [dreg:$0x7]  }
0x9a: {  	[tilespmem:s23], [sflag:$0x1] =	stream.linear.gather [hbm4b:s26+s0], $0x4000, $0x38;
	[tilespmem:$0x1C100] =	vst v63  }
0x9b: {  	s11 =	simm.s32 @!p1 $0x80;
	s25 =	sadd.s32 $0x8000, s19;
	_ =	swait.ge @!p2 [sflag:s3], $0x4000  }
0x9c: {  	s26 =	simm.s32 $0x2;
	s0 =	sand.u32 @!p1 $0x1, s0;
	[sflag:s3] =	ssyncset.done @!p2 $0x0  }
0x9d: {  	s1 =	sshll.u32 @!p1 s0, $0x7;
	[sflag:s3] =	ssyncadd.s32 @!p2 $0xFFFFC000;
	p2 =	sle.u32 s6, $0x1  }
0x9e: {  	s0 =	sshll.u32 @!p1 s0, $0xE;
	_ =	swait.ge @!p1 [sflag:s10], $0x80;
	s3 =	sshrl.u32 @!p2 s17, $0x3  }
0x9f: {  	s9 =	sand.u32 @!p2 $0x1, s28;
	s31 =	simm.s32 @!p2 $0x0;
	[sflag:s10] =	ssyncset.done @!p1 $0x0  }
0xa0: {  	s13 =	sshll.u32 @!p2 s9, $0x7;
	s12 =	sadd.s32 @!p2 s4, s3;
	[sflag:s10] =	ssyncadd.s32 @!p1 $0xFFFFFF80  }
0xa1: {  	s14 =	sshll.u32 @!p2 s9, $0xE;
	s13 =	sor.u32 @!p2 $0x14000, s13;
	_ =	swait.ge @!p1 [sflag:s10], $0x4000  }
.LBB2_6:
0xa2: {  	s1 =	sor.u32 @!p1 $0x14000, s1;
	s0 =	sadd.s32 @!p1 $0x14100, s0;
	[sflag:s10] =	ssyncset.done @!p1 $0x0  }
0xa3: {  	s3 =	smov.u32 s26;
	s9 =	smov.u32 s26;
	s15 =	smov.u32 s29  }
0xa4: {  	s22 =	sadd.s32 $0xFFFFFFFF, s28;
	[sflag:s10] =	ssyncadd.s32 @!p1 $0xFFFFC000;
	s10 =	sadd.s32 @!p2 $0x14100, s14  }
0xa5: {  	[spmem:s2] =	stream.indirect.scatter.add.f32 @!p1 [tilespmem:s0], [sflag:$0x2], $0x80, s1, s11, $0xb8;
	[tilespmem:$0x1C100] =	vst v63  }
0xa6: {  	s26 =	sadd.s32 $0x1, s26;
	p4 =	sge.u32 s22, s6;
	p1 =	sge.u32 s28, s6  }
0xa7: {  	[tilespmem:s13], [sflag:$0x1] =	stream.linear.gather @!p2 [hbm4b:s12+s31], $0x80, $0x38;
	[tilespmem:$0x1C100] =	vst v63  }
0xa8: {  	p3 =	sne.s32 s26, $0x10;
	s0 =	sand.u32 @!p1 $0x1, s28;
	s28 =	smov.u32 s9  }
0xa9: {  	s9 =	simm.s32 @!p4 $0x2;
	s1 =	sshll.u32 @!p1 s0, $0x7;
	s0 =	sshll.u32 @!p1 s0, $0xE  }
0xaa: {  	[tilespmem:s10], [sflag:$0x1] =	stream.linear.gather @!p2 [hbm4b:s30+s31], $0x4000, $0x38;
	[tilespmem:$0x1C100] =	vst v63  }
0xab: {  	s29 =	sadd.s32 $0x800, s29;
	s30 =	smov.u32 s25;
	_ =	swait.ge @!p4 [sflag:s9], $0x4000  }
0xac: {  	s10 =	simm.s32 @!p1 $0x1;
	s25 =	sadd.s32 $0x8000, s25;
	[sflag:s9] =	ssyncset.done @!p4 $0x0  }
.Ltmp2:
0xad: {  	p2 =	sge.u32 s3, s6;
	[sflag:s9] =	ssyncadd.s32 @!p4 $0xFFFFC000;
	(pc) =	sbr.rel @p3 .LBB2_6-.Ltmp2, $4  }
0xae: {  	s11 =	simm.s32 @!p1 $0x80;
	s9 =	sshrl.u32 @!p2 s15, $0x3;
	_ =	swait.ge @!p1 [sflag:s10], $0x80  }
0xaf: {  	s3 =	sand.u32 @!p2 $0x1, s3;
	s31 =	simm.s32 @!p2 $0x0;
	[sflag:s10] =	ssyncset.done @!p1 $0x0  }
0xb0: {  	s13 =	sshll.u32 @!p2 s3, $0x7;
	s12 =	sadd.s32 @!p2 s4, s9;
	[sflag:s10] =	ssyncadd.s32 @!p1 $0xFFFFFF80  }
0xb1: {  	s14 =	sshll.u32 @!p2 s3, $0xE;
	s13 =	sor.u32 @!p2 $0x14000, s13;
	_ =	swait.ge @!p1 [sflag:s10], $0x4000  }
0xb2: {  	s1 =	sor.u32 @!p1 $0x14000, s1;
	[sflag:s10] =	ssyncset.done @!p1 $0x0  }
0xb3: {  	s0 =	sadd.s32 @!p1 $0x14100, s0;
	s3 =	sadd.s32 $0xFFFFFFFF, s28;
	[sflag:s10] =	ssyncadd.s32 @!p1 $0xFFFFC000  }
0xb4: {  	[spmem:s2] =	stream.indirect.scatter.add.f32 @!p1 [tilespmem:s0], [sflag:$0x2], $0x80, s1, s11, $0xb8;
	[tilespmem:$0x1C100] =	vst v63  }
0xb5: {  	p3 =	sge.u32 s3, s6  }
0xb6: {  	[tilespmem:s13], [sflag:$0x1] =	stream.linear.gather @!p2 [hbm4b:s12+s31], $0x80, $0x38;
	[tilespmem:$0x1C100] =	vst v63  }
0xb7: {  	s0 =	sadd.s32 @!p2 $0x14100, s14;
	s1 =	simm.s32 @!p3 $0x2  }
0xb8: {  	[tilespmem:s0], [sflag:$0x1] =	stream.linear.gather @!p2 [hbm4b:s30+s31], $0x4000, $0x38;
	[tilespmem:$0x1C100] =	vst v63  }
0xb9: {  	_ =	swait.ge @!p3 [sflag:s1], $0x4000  }
0xba: {  	p1 =	sge.u32 s28, s6;
	[sflag:s1] =	ssyncset.done @!p3 $0x0  }
0xbb: {  	s0 =	simm.s32 @!p1 $0x1;
	[sflag:s1] =	ssyncadd.s32 @!p3 $0xFFFFC000  }
0xbc: {  	p2 =	sge.u32 s26, s6;
	_ =	swait.ge @!p1 [sflag:s0], $0x80  }
0xbd: {  	s9 =	simm.s32 @!p1 $0x80;
	s10 =	sshrl.u32 @!p2 s29, $0x3;
	[sflag:s0] =	ssyncset.done @!p1 $0x0  }
0xbe: {  	s11 =	sand.u32 @!p2 $0x1, s26;
	s12 =	simm.s32 @!p2 $0x0;
	[sflag:s0] =	ssyncadd.s32 @!p1 $0xFFFFFF80  }
0xbf: {  	s13 =	sshll.u32 @!p2 s11, $0x7;
	s1 =	sand.u32 @!p1 $0x1, s28;
	_ =	swait.ge @!p1 [sflag:s0], $0x4000  }
0xc0: {  	s3 =	sshll.u32 @!p1 s1, $0x7;
	s1 =	sshll.u32 @!p1 s1, $0xE;
	[sflag:s0] =	ssyncset.done @!p1 $0x0  }
0xc1: {  	s3 =	sor.u32 @!p1 $0x14000, s3;
	s1 =	sadd.s32 @!p1 $0x14100, s1;
	[sflag:s0] =	ssyncadd.s32 @!p1 $0xFFFFC000  }
0xc2: {  	[spmem:s2] =	stream.indirect.scatter.add.f32 @!p1 [tilespmem:s1], [sflag:$0x2], $0x80, s3, s9, $0xb8;
	[tilespmem:$0x1C100] =	vst v63  }
0xc3: {  	s0 =	sadd.s32 @!p2 s4, s10;
	s1 =	sor.u32 @!p2 $0x14000, s13;
	s3 =	sshll.u32 @!p2 s11, $0xE  }
0xc4: {  	[tilespmem:s1], [sflag:$0x1] =	stream.linear.gather @!p2 [hbm4b:s0+s12], $0x80, $0x38;
	[tilespmem:$0x1C100] =	vst v63  }
0xc5: {  	s0 =	sadd.s32 @!p2 $0x14100, s3  }
0xc6: {  	[tilespmem:s0], [sflag:$0x1] =	stream.linear.gather @!p2 [hbm4b:s25+s12], $0x4000, $0x38;
	[tilespmem:$0x1C100] =	vst v63  }
0xc7: {  	s0 =	simm.s32 @!p0 $0x2  }
0xc8: {  	_ =	swait.ge @!p0 [sflag:s0], $0x4000  }
0xc9: {  	[sflag:s0] =	ssyncset.done @!p0 $0x0  }
0xca: {  	[sflag:s0] =	ssyncadd.s32 @!p0 $0xFFFFC000  }
0xcb: {  	[bflag:$0x0] =	sbarrier.arrive $0xFFFF  }
0xcc: {  	s30 =	rddreg [dreg:$0x8]  }
0xcd: {  	[hbm:s30], [sflag:s7] =	dma.local [spmem:s20], $0x2800  }
0xce: {  	_ =	swait.ge [sflag:s21], $0x2800  }
0xcf: {  	s24 =	sadd.s32 $0x1, s24;
	s31 =	rddreg [dreg:$0x9]  }
0xd0: {  	p1 =	sne.s32 s24, s31  }
.Ltmp3:
0xd1: {  	_ = 	snop;
	(pc) =	sbr.rel @p1 .LBB2_1-.Ltmp3, $3  }
0xd2: {  	[sflag:s21] =	ssyncset.done $0x0  }
0xd3: {  	[sflag:s21] =	ssyncadd.s32 $0xFFFFD800  }
0xd4: {  	[bflag:$0x0] =	sbarrier.arrive $0xFFFF;
	_ =	sdelay $0x1  }
0xd5: {  	_ =	sfence.sel $0x180000  }
0xd6: {  	[bflag:$0x0] =	sbarrier.arrive $0xFFFF  }
0xd7: {  	_ =	strace $0x90000050  }
0xd8: {  	s0 =	stileid.u32;
	[bflag:$0x2] =	sbarrier.arrive $0xFFFF  }
0xd9: {  	p0 =	sne.s32 s0, $0x0;
	s0 =	rddreg [dreg:$0x2]  }
0xda: {  	s0 =	sadd.s32 @!p0 $0x100000, s0  }
0xdb: {  	[sflag:s0] =	ssyncadd.tile.s32 @!p0 $0x1;
	_ =	shalt  }
.Lfunc_end2:
_tile_overlayer_lowered:
.L_overlay_start_2:
0xdc: {  	(tag) =	ssettag $0x2  }
0xdd: {  	s0 =	rddreg [dreg:$0x0];
	s2 =	stileid.u32  }
0xde: {  	s1 =	rddreg [dreg:$0x1];
	p0 =	sne.s32 s2, $0x0  }
0xdf: {  	s3 =	rddreg [dreg:$0x2];
	[bflag:$0x3] =	sbarrier.arrive $0xFFFF;
	s2 =	simm.s32 @!p0 $0x1C03  }
0xe0: {  	[timem:s3], [sflag:s2] =	dma.local @!p0 [hbm:s0], s1  }
0xe1: {  	s0 =	simm.s32 @!p0 $0x3  }
0xe2: {  	_ =	swait.ge @!p0 [sflag:s0], s1  }
0xe3: {  	s1 =	ssub.s32 @!p0 $0x0, s1;
	[sflag:s0] =	ssyncset.done @!p0 $0x0  }
0xe4: {  	[sflag:s0] =	ssyncadd.s32 @!p0 s1  }
0xe5: {  	[bflag:$0x3] =	sbarrier.arrive $0xFFFF  }
0xe6: {  	_ =	shalt  }

// kernel: kernel.19.cloned.1.call-start
scs
__scs_entry_jumppad:
0x0: {  	(pc) =	sbr.rel $0x88, $3  }
0x1: {  	(tag) =	ssettag $0x0;
	lr =	simm.s32 $0x1  }
0x2: {  	[smem:$0x3F95] =	sst lr;
	_ =	strace $0xD0000000  }
0x3: {  	_ = 	snop  }
0x4: {  	_ = 	snop  }
0x5: {  	_ = 	snop  }
0x6: {  	_ = 	snop  }
0x7: {  	_ = 	snop  }
__scs_overlays_trampoline_lowered:
0x8: {  	[smem:$0x3FA4] =	sst s0  }
0x9: {  	[smem:$0x3FA5] =	sst s1  }
0xa: {  	[smem:$0x3FA6] =	sst s2  }
0xb: {  	[smem:$0x3FA7] =	sst s3  }
0xc: {  	[smem:$0x3FA8] =	sst s4  }
0xd: {  	[smem:$0x3FA9] =	sst s5  }
0xe: {  	[smem:$0x3FAA] =	sst s6  }
0xf: {  	[smem:$0x3FAB] =	sst s7  }
0x10: {  	[smem:$0x3FAC] =	sst s8  }
0x11: {  	[smem:$0x3FAD] =	sst s9;
	s0 =	simm.s32 @!p0 $0x0  }
0x12: {  	s1 =	sld [smem:$0x3F93];
	s0 =	simm.s32 @p0 $0x1  }
0x13: {  	[smem:$0x3FAE] =	sst s0;
	s0 =	simm.s32 @!p1 $0x0  }
0x14: {  	s2 =	sld [smem:$0x3F92];
	s0 =	simm.s32 @p1 $0x1  }
0x15: {  	[smem:$0x3FAF] =	sst s0;
	s0 =	simm.s32 @!p2 $0x0  }
0x16: {  	s3 =	sld [smem:$0x3FDB];
	s0 =	simm.s32 @p2 $0x1  }
0x17: {  	s4 =	simm.s32 $0x1BF5;
	[smem:$0x3FB1] =	sst s0  }
0x18: {  	s0 =	sld [smem:$0x3F94];
	_ =	swait.ge [sflag:s4], $0x0  }
0x19: {  	s7 =	sld [smem:$0x3F95]  }
0x1a: {  	s8 =	sadd.s32 $0xFFFFE003, lr  }
0x1b: {  	s9 =	sadd.s32 $0xFFFFFEF7, lr;
	s5 =	simm.s32 $0xFFFFFFFF;
	p2 =	slt.u32 s8, $0xFFFFF086  }
0x1c: {  	p1 =	slt.u32 s9, $0xF7A;
	s5 =	simm.s32 @!p2 $0x0  }
0x1d: {  	s5 =	simm.s32 @p1 $0x1;
	p0 =	seq.s32 s7, s2  }
0x1e: {  	s7 =	smul.u32 @!p0 $0xF7A, s2;
	p2 =	seq.s32 @!p0 s5, $0x0  }
0x1f: {  	s9 =	smul.u32 $0xF7A, s1;
	s8 =	simm.s32 @!p0 $0x1BF5;
	p2 =	por !p2, p0  }
0x20: {  	[sflag:s8] =	ssyncset.s32 @!p0 $0xFFFFF086;
	s6 =	sadd.s32 @!p0 s3, s7;
	s7 =	simm.s32 @!p0 $0x108  }
0x21: {  	s3 =	sadd.s32 s3, s9;
	s6 =	sadd.s32 @!p0 $0x88, s6;
	s7 =	simm.s32 @p2 $0x1082  }
0x22: {  	[simem:s7], [sflag:s8] =	dma.local @!p0 [hbm:s6], $0xF7A  }
0x23: {  	s9 =	sor.u32 $0xD0000000, s2;
	s6 =	simm.s32 $0x108;
	_ =	swait.ge @!p0 [sflag:s8], $0x0  }
0x24: {  	s3 =	sadd.s32 $0x88, s3;
	s6 =	simm.s32 @!p1 $0x1082;
	[sflag:s4] =	ssyncset.s32 $0xFFFFF086  }
0x25: {  	[simem:s6], [sflag:s4] =	dma.local [hbm:s3], $0xF7A  }
0x26: {  	[smem:$0x3F95] =	sst s1;
	(tag) =	ssettag s2;
	_ =	strace s9  }
0x27: {  	s1 =	sld [smem:$0x3FA5]  }
0x28: {  	s2 =	sld [smem:$0x3FA6]  }
0x29: {  	s4 =	sld [smem:$0x3FA8]  }
0x2a: {  	p0 =	seq.s32 s5, $0x0;
	s5 =	sld [smem:$0x3FA9]  }
0x2b: {  	s6 =	sld [smem:$0x3FAA]  }
0x2c: {  	s7 =	sld [smem:$0x3FAB]  }
0x2d: {  	s3 =	simm.s32 $0x108;
	s8 =	sld [smem:$0x3FAC]  }
0x2e: {  	s3 =	simm.s32 @!p0 $0x1082;
	s9 =	sld [smem:$0x3FAD]  }
0x2f: {  	lr =	sadd.s32 s0, s3;
	s0 =	sld [smem:$0x3FA4]  }
0x30: {  	s3 =	sld [smem:$0x3FA7]  }
0x31: {  	[smem:$0x3FB0] =	sst s10  }
0x32: {  	s10 =	sld [smem:$0x3FAE];
	_ =	sdelay $0x3  }
0x33: {  	p0 =	seq.s32 s10, $0x1;
	s10 =	sld [smem:$0x3FB0];
	_ =	sdelay $0x3  }
0x34: {  	[smem:$0x3FB0] =	sst s10  }
0x35: {  	s10 =	sld [smem:$0x3FAF];
	_ =	sdelay $0x3  }
0x36: {  	p1 =	seq.s32 s10, $0x1;
	s10 =	sld [smem:$0x3FB0];
	_ =	sdelay $0x3  }
0x37: {  	[smem:$0x3FB0] =	sst s10  }
0x38: {  	s10 =	sld [smem:$0x3FB1]  }
0x39: {  	_ = 	snop;
	(pc) =	sbr.ind lr, $3  }
0x3a: {  	_ = 	snop  }
0x3b: {  	_ = 	snop  }
0x3c: {  	p2 =	seq.s32 s10, $0x1;
	s10 =	sld [smem:$0x3FB0]  }
0x3d: {  	_ =	shalt  }
0x3e: {  	_ =	shalt  }
0x3f: {  	_ =	shalt  }
0x40: {  	_ =	shalt  }
0x41: {  	_ =	shalt  }
0x42: {  	_ =	shalt  }
0x43: {  	_ =	shalt  }
0x44: {  	_ =	shalt  }
0x45: {  	_ =	shalt  }
0x46: {  	_ =	shalt  }
0x47: {  	_ =	shalt  }
0x48: {  	_ =	shalt  }
0x49: {  	_ =	shalt  }
0x4a: {  	_ =	shalt  }
0x4b: {  	_ =	shalt  }
0x4c: {  	_ =	shalt  }
0x4d: {  	_ =	shalt  }
0x4e: {  	_ =	shalt  }
0x4f: {  	_ =	shalt  }
0x50: {  	_ =	shalt  }
0x51: {  	_ =	shalt  }
0x52: {  	_ =	shalt  }
0x53: {  	_ =	shalt  }
0x54: {  	_ =	shalt  }
0x55: {  	_ =	shalt  }
0x56: {  	_ =	shalt  }
0x57: {  	_ =	shalt  }
0x58: {  	_ =	shalt  }
0x59: {  	_ =	shalt  }
0x5a: {  	_ =	shalt  }
0x5b: {  	_ =	shalt  }
0x5c: {  	_ =	shalt  }
0x5d: {  	_ =	shalt  }
0x5e: {  	_ =	shalt  }
0x5f: {  	_ =	shalt  }
0x60: {  	_ =	shalt  }
0x61: {  	_ =	shalt  }
0x62: {  	_ =	shalt  }
0x63: {  	_ =	shalt  }
0x64: {  	_ =	shalt  }
0x65: {  	_ =	shalt  }
0x66: {  	_ =	shalt  }
0x67: {  	_ =	shalt  }
0x68: {  	_ =	shalt  }
0x69: {  	_ =	shalt  }
0x6a: {  	_ =	shalt  }
0x6b: {  	_ =	shalt  }
0x6c: {  	_ =	shalt  }
0x6d: {  	_ =	shalt  }
0x6e: {  	_ =	shalt  }
0x6f: {  	_ =	shalt  }
0x70: {  	_ =	shalt  }
0x71: {  	_ =	shalt  }
0x72: {  	_ =	shalt  }
0x73: {  	_ =	shalt  }
0x74: {  	_ =	shalt  }
0x75: {  	_ =	shalt  }
0x76: {  	_ =	shalt  }
0x77: {  	_ =	shalt  }
0x78: {  	_ =	shalt  }
0x79: {  	_ =	shalt  }
0x7a: {  	_ =	shalt  }
0x7b: {  	_ =	shalt  }
0x7c: {  	_ =	shalt  }
0x7d: {  	_ =	shalt  }
0x7e: {  	_ =	shalt  }
0x7f: {  	_ =	shalt  }
0x80: {  	_ =	shalt  }
0x81: {  	_ =	shalt  }
0x82: {  	_ =	shalt  }
0x83: {  	_ =	shalt  }
0x84: {  	_ =	shalt  }
0x85: {  	_ =	shalt  }
0x86: {  	_ =	shalt  }
0x87: {  	_ =	shalt  }
.Lfunc_end0:
.L_simem_size_0:
called_computation.3_lowered:
.L_overlay_start_0:
0x88: {  	s2 =	sld [smem:$0x3FD9]  }
0x89: {  	s3 =	sld [smem:$0x3FFE];
	_ =	sdelay $0x1  }
0x8a: {  	s1 =	srdreg.scid  }
0x8b: {  	s0 =	sand.u32 $0x1, s1  }
0x8c: {  	s17 =	sshll.u32 s0, $0xA;
	s2 =	sadd.s32 s3, s2  }
0x8d: {  	s2 =	sadd.s32 s2, s17  }
0x8e: {  	[smem:$0x3FBC] =	sst s2  }
0x8f: {  	_ = 	snop  }
0x90: {  	(tm) =	ssettm $0x1  }
0x91: {  	s18 =	sld [smem:$0x3FFB];
	_ =	sdelay $0x3  }
0x92: {  	_ =	strace s18  }
0x93: {  	s2 =	sld [smem:$0x3FFC];
	_ =	sdelay $0x3  }
0x94: {  	_ =	strace s2  }
0x95: {  	s2 =	sld [smem:$0x3FFD];
	_ =	sdelay $0x3  }
0x96: {  	_ =	strace s2  }
0x97: {  	_ =	strace $0x8FFFFFFF  }
0x98: {  	s19 =	sld [smem:$0x3FDB];
	_ =	sdelay $0x1  }
0x99: {  	s20 =	simm.s32 $_scs_section_size  }
0x9a: {  	s4 =	simm.s32 $_size__tile_overlayer_lowered;
	s5 =	simm.s32 $_tile_overlayer_lowered  }
0x9b: {  	s6 =	simm.s32 $0x1BFF;
	s21 =	sshll.u32 s5, $0x1;
	s3 =	sadd.s32 s20, s19  }
0x9c: {  	s22 =	simm.s32 $0x0;
	s4 =	sshll.u32 s4, $0x1;
	s5 =	sadd.s32 s21, s3  }
0x9d: {  	[timem:s22], [sflag:s6] =	dma.local [hbm:s5], s4  }
0x9e: {  	_ =	swait.ge [sflag:s6], s4  }
0x9f: {  	s4 =	ssub.s32 $0x0, s4;
	[sflag:s6] =	ssyncset.done $0x0  }
0xa0: {  	[sflag:s6] =	ssyncadd.s32 s4;
	_ =	sdelay $0x1  }
0xa1: {  	s23 =	simm.s32 $0x1B8B  }
0xa2: {  	_ =	swait.ge [sflag:s23], $0x1  }
0xa3: {  	[sflag:s23] =	ssyncset.done $0x0  }
0xa4: {  	[sflag:s23] =	ssyncadd.s32 $0xFFFFFFFF  }
0xa5: {  	s4 =	sld [smem:$0x0]  }
0xa6: {  	s5 =	sand.u32 $0xFFFFFFFE, s1  }
0xa7: {  	p0 =	sne.s32 s1, s5  }
0xa8: {  	s5 =	sshll.u32 @p0 s5, $0xE  }
0xa9: {  	s5 =	sadd.s32 @p0 $0x11B8D, s5;
	s6 =	sshll.u32 @p0 s4, $0x11  }
0xaa: {  	s5 =	sor.u32 @p0 s6, s5  }
0xab: {  	[sflag:s5] =	ssyncadd.remote.s32 @p0 $0x1;
	_ =	sdelay $0x1  }
0xac: {  	s5 =	simm.s32 @p0 $0x1B8D  }
0xad: {  	_ =	swait.eq @p0 [sflag:s5], $0x1  }
0xae: {  	[sflag:s5] =	ssyncadd.s32 @p0 $0xFFFFFFFF  }
0xaf: {  	s6 =	sshll.u32 @!p0 s1, $0xE  }
0xb0: {  	s6 =	sor.u32 @!p0 $0x4000, s6;
	s5 =	simm.s32 @!p0 $0x1B8D  }
0xb1: {  	s4 =	sshll.u32 @!p0 s4, $0x11;
	s6 =	sadd.s32 @!p0 $0x11B8D, s6;
	_ =	swait.eq @!p0 [sflag:s5], $0x1  }
0xb2: {  	s4 =	sor.u32 @!p0 s4, s6;
	[sflag:s5] =	ssyncadd.s32 @!p0 $0xFFFFFFFF  }
0xb3: {  	s25 =	simm.s32 $0x1B8E;
	s24 =	sld [smem:$0x3FFE];
	[sflag:s4] =	ssyncadd.remote.s32 @!p0 $0x1  }
0xb4: {  	s26 =	simm.s32 $execute0_lowered;
	[smem:$0x3FD2] =	sst s25  }
0xb5: {  	s5 =	sshll.u32 s26, $0x1;
	_ =	strace $0x8000004C;
	[dreg:$0x1] =	wrdreg $0xFFFFFFFF  }
0xb6: {  	s28 =	simm.s32 $_size_execute0_lowered;
	s3 =	sadd.s32 s3, s5;
	[dreg:$0x0] =	wrdreg $0x0  }
0xb7: {  	s5 =	sshll.u32 s28, $0x1;
	[dreg:$0x2] =	wrdreg s3  }
0xb8: {  	[dreg:$0x3] =	wrdreg s5  }
0xb9: {  	[dreg:$0x4] =	wrdreg $0xC0  }
0xba: {  	_ =	task [dreg:s22], $0x5FFFF  }
0xbb: {  	[dreg:$0x1] =	wrdreg $0xFFFFFFFF  }
0xbc: {  	[dreg:$0x0] =	wrdreg $0x60  }
0xbd: {  	[dreg:$0x2] =	wrdreg s24  }
0xbe: {  	[dreg:$0x3] =	wrdreg $0x0  }
0xbf: {  	[dreg:$0x4] =	wrdreg $0xA  }
0xc0: {  	_ =	task.clear_ibuf [dreg:s22], $0x5FFFF;
	_ =	strace $0x9000004C  }
0xc1: {  	s29 =	simm.s32 $0xA;
	_ =	strace $0x8000004E  }
0xc2: {  	_ =	swait.ge [sflag:s29], $0x1  }
0xc3: {  	[sflag:s29] =	ssyncadd.s32 $0xFFFFFFFF  }
0xc4: {  	_ =	strace $0x9000004E  }
0xc5: {  	_ =	sfence  }
0xc6: {  	s30 =	sld [smem:$0x0];
	_ =	sdelay $0x2  }
0xc7: {  	s31 =	sshll.u32 s1, $0xD;
	s1 =	sshrl.u32 s1, $0x2  }
0xc8: {  	s4 =	sand.u32 $0x4000, s31;
	s1 =	sadd.s32 s1, s30  }
0xc9: {  	s0 =	sor.u32 s4, s0;
	s1 =	sshll.u32 s1, $0x11  }
0xca: {  	s0 =	sor.u32 s1, s0  }
0xcb: {  	s0 =	sadd.s32 $0x8F2B, s0  }
0xcc: {  	[sflag:s0] =	ssyncadd.remote.s32 $0x1  }
0xcd: {  	_ =	sfence.sel $0xFFFF  }
0xce: {  	[dreg:$0x0] =	wrdreg $0xFFFFFFFF;
	(pc) =	sbr.abs _section_cstart, $3  }
0xcf: {  	[dreg:$0x1] =	wrdreg $0xFFFFFFFF  }
0xd0: {  	_ =	task.clear_ibuf [dreg:s22], $0x2FFFF;
	_ =	strace $0x9FFFFFFF  }
0xd1: {  	(tm) =	ssettm $0x7FFFFFFF  }
tec
execute0_lowered:
.L_overlay_start_1:
0x0: {  	(tag) =	ssettag $0x1  }
0x1: {  	s0 =	rddreg [dreg:$0x0];
	s1 =	srdreg.scid  }
0x2: {  	s2 =	rddreg [dreg:$0x1];
	s3 =	stileid.u32;
	s6 =	simm.s32 $0x0  }
0x3: {  	s1 =	sand.u32 $0x1, s1;
	s5 =	smul.u32 $0x14000, s3;
	[smem:$0x7FF] =	sst s6  }
0x4: {  	s10 =	sadd.s32 $0x594C00, s0;
	s8 =	ssub.s32 $0x186, s3;
	s9 =	smul.u32 $0x50000, s3  }
0x5: {  	s24 =	sshll.u32 s3, $0x6;
	s25 =	sshll.u32 s3, $0x7;
	s29 =	sshll.u32 s3, $0xB  }
0x6: {  	p0 =	sgt.u32 s3, $0x6;
	s4 =	smul.u32 $0x3C0000, s1;
	_ =	strace $0x8000004D  }
0x7: {  	s22 =	ssub.s32 $0x2, s1;
	s12 =	smul.u32 $0xBB80, s1;
	s6 =	sshrl.u32 s8, $0x4  }
0x8: {  	s1 =	smul.u32 $0xBB800, s1;
	s7 =	sshrl.u32 s22, $0x1;
	s23 =	sshrl.u32 s9, $0x2  }
0x9: {  	s5 =	sadd.s32 s5, s4;
	s4 =	sadd.s32 $0x590C00, s0;
	s11 =	ssub.s32 s22, s7  }
0xa: {  	s13 =	sadd.s32 s23, s2;
	s7 =	sor.u32 $0x1C03, s24;
	s12 =	sadd.s32 s25, s12  }
0xb: {  	s1 =	sadd.s32 s1, s10;
	s23 =	simm.s32 $0x14100;
	s24 =	simm.s32 $0x0  }
0xc: {  	s21 =	sshrl.u32 s5, $0x3;
	s5 =	sadd.s32 $0x5600, s0;
	s26 =	sshrl.u32 s12, $0x3  }
0xd: {  	s9 =	sshll.u32 s12, $0x4;
	s1 =	sadd.s32 s29, s1;
	s31 =	smax.u32 s11, $0x1  }
0xe: {  	s0 =	sadd.s32 s21, s0;
	s9 =	sadd.s32 s10, s9;
	[dreg:$0x9] =	wrdreg s31  }
0xf: {  	s17 =	sadd.s32 $0x800, s12;
	s14 =	sadd.s32 $0x2F800, s0;
	[dreg:$0x3] =	wrdreg s9  }
0x10: {  	s20 =	sshrl.u32 s13, $0x3;
	s28 =	sadd.s32 $0x177000, s9;
	[dreg:$0x4] =	wrdreg s14  }
0x11: {  	s8 =	sadd.s32 s4, s26;
	s30 =	sadd.s32 $0x57800, s0;
	[dreg:$0x5] =	wrdreg s28  }
0x12: {  	s16 =	sadd.s32 $0x8000, s1;
	s9 =	sadd.s32 $0x2EE000, s9;
	[dreg:$0x6] =	wrdreg s30  }
0x13: {  	s18 =	sadd.s32 $0x17F000, s1;
	s0 =	sadd.s32 $0x7F800, s0;
	[dreg:$0x7] =	wrdreg s9  }
0x14: {  	s19 =	sadd.s32 $0x2F6000, s1;
	s21 =	simm.s32 $0x3;
	[dreg:$0x8] =	wrdreg s0  }
.LBB2_1:
0x15: {  	[spmem:s20], [sflag:s7] =	dma.local [hbm:s5], $0x2800  }
0x16: {  	s0 =	simm.s32 $0x0;
	_ =	swait.ge [sflag:s21], $0x2800  }
0x17: {  	s1 =	simm.s32 $0x14000;
	s28 =	simm.s32 $0x1;
	[sflag:s21] =	ssyncset.done $0x0  }
0x18: {  	p2 =	sle.u32 s6, $0xFFFFFFFF;
	p1 =	sle.u32 s6, $0x0;
	[sflag:s21] =	ssyncadd.s32 $0xFFFFD800  }
0x19: {  	s29 =	sadd.s32 $0x800, s17;
	s25 =	sadd.s32 $0x8000, s16;
	[bflag:$0x0] =	sbarrier.arrive $0xFFFF  }
0x1a: {  	[tilespmem:s1], [sflag:$0x1] =	stream.linear.gather [hbm4b:s8+s0], $0x80, $0x38;
	[tilespmem:$0x1C100] =	vst v63  }
0x1b: {  	s30 =	smov.u32 s16;
	s11 =	simm.s32 @!p2 $0x2;
	s26 =	rddreg [dreg:$0x3]  }
0x1c: {  	[tilespmem:s23], [sflag:$0x1] =	stream.linear.gather [hbm4b:s26+s0], $0x4000, $0x38;
	[tilespmem:$0x1C100] =	vst v63  }
0x1d: {  	s10 =	simm.s32 @!p1 $0x1;
	s0 =	sand.u32 @!p1 $0x1, s0;
	_ =	swait.ge @!p2 [sflag:s11], $0x4000  }
0x1e: {  	s26 =	simm.s32 $0x2;
	s1 =	sshll.u32 @!p1 s0, $0x7;
	[sflag:s11] =	ssyncset.done @!p2 $0x0  }
0x1f: {  	s31 =	sshll.u32 @!p1 s0, $0xE;
	[sflag:s11] =	ssyncadd.s32 @!p2 $0xFFFFC000;
	p2 =	sle.u32 s6, $0x1  }
0x20: {  	s11 =	simm.s32 @!p1 $0x80;
	_ =	swait.ge @!p1 [sflag:s10], $0x80;
	s12 =	sshrl.u32 @!p2 s17, $0x3  }
0x21: {  	s14 =	sand.u32 @!p2 $0x1, s28;
	s0 =	simm.s32 @!p2 $0x0;
	[sflag:s10] =	ssyncset.done @!p1 $0x0  }
0x22: {  	s13 =	sshll.u32 @!p2 s14, $0x7;
	s12 =	sadd.s32 @!p2 s4, s12;
	[sflag:s10] =	ssyncadd.s32 @!p1 $0xFFFFFF80  }
0x23: {  	s14 =	sshll.u32 @!p2 s14, $0xE;
	s13 =	sor.u32 @!p2 $0x14000, s13;
	_ =	swait.ge @!p1 [sflag:s10], $0x4000  }
.LBB2_2:
0x24: {  	s1 =	sor.u32 @!p1 $0x14000, s1;
	s31 =	sadd.s32 @!p1 $0x14100, s31;
	[sflag:s10] =	ssyncset.done @!p1 $0x0  }
0x25: {  	s15 =	smov.u32 s26;
	s9 =	smov.u32 s26;
	s3 =	smov.u32 s29  }
0x26: {  	s22 =	sadd.s32 $0xFFFFFFFF, s28;
	[sflag:s10] =	ssyncadd.s32 @!p1 $0xFFFFC000;
	s10 =	sadd.s32 @!p2 $0x14100, s14  }
0x27: {  	[spmem:s2] =	stream.indirect.scatter.add.f32 @!p1 [tilespmem:s31], [sflag:$0x2], $0x80, s1, s11, $0xb8;
	[tilespmem:$0x1C100] =	vst v63  }
0x28: {  	s26 =	sadd.s32 $0x1, s26;
	p4 =	sge.u32 s22, s6;
	p1 =	sge.u32 s28, s6  }
0x29: {  	[tilespmem:s13], [sflag:$0x1] =	stream.linear.gather @!p2 [hbm4b:s12+s0], $0x80, $0x38;
	[tilespmem:$0x1C100] =	vst v63  }
0x2a: {  	p3 =	sne.s32 s26, $0x18;
	s11 =	sand.u32 @!p1 $0x1, s28;
	s28 =	smov.u32 s9  }
0x2b: {  	s9 =	simm.s32 @!p4 $0x2;
	s1 =	sshll.u32 @!p1 s11, $0x7;
	s31 =	sshll.u32 @!p1 s11, $0xE  }
0x2c: {  	[tilespmem:s10], [sflag:$0x1] =	stream.linear.gather @!p2 [hbm4b:s30+s0], $0x4000, $0x38;
	[tilespmem:$0x1C100] =	vst v63  }
0x2d: {  	s29 =	sadd.s32 $0x800, s29;
	s30 =	smov.u32 s25;
	_ =	swait.ge @!p4 [sflag:s9], $0x4000  }
0x2e: {  	s10 =	simm.s32 @!p1 $0x1;
	s25 =	sadd.s32 $0x8000, s25;
	[sflag:s9] =	ssyncset.done @!p4 $0x0  }
.Ltmp0:
0x2f: {  	p2 =	sge.u32 s15, s6;
	[sflag:s9] =	ssyncadd.s32 @!p4 $0xFFFFC000;
	(pc) =	sbr.rel @p3 .LBB2_2-.Ltmp0, $4  }
0x30: {  	s11 =	simm.s32 @!p1 $0x80;
	s3 =	sshrl.u32 @!p2 s3, $0x3;
	_ =	swait.ge @!p1 [sflag:s10], $0x80  }
0x31: {  	s0 =	simm.s32 @!p2 $0x0;
	s9 =	sand.u32 @!p2 $0x1, s15;
	[sflag:s10] =	ssyncset.done @!p1 $0x0  }
0x32: {  	s12 =	sadd.s32 @!p2 s4, s3;
	s13 =	sshll.u32 @!p2 s9, $0x7;
	[sflag:s10] =	ssyncadd.s32 @!p1 $0xFFFFFF80  }
0x33: {  	s14 =	sshll.u32 @!p2 s9, $0xE;
	s13 =	sor.u32 @!p2 $0x14000, s13;
	_ =	swait.ge @!p1 [sflag:s10], $0x4000  }
0x34: {  	s1 =	sor.u32 @!p1 $0x14000, s1;
	[sflag:s10] =	ssyncset.done @!p1 $0x0  }
0x35: {  	s3 =	sadd.s32 @!p1 $0x14100, s31;
	s9 =	sadd.s32 $0xFFFFFFFF, s28;
	[sflag:s10] =	ssyncadd.s32 @!p1 $0xFFFFC000  }
0x36: {  	[spmem:s2] =	stream.indirect.scatter.add.f32 @!p1 [tilespmem:s3], [sflag:$0x2], $0x80, s1, s11, $0xb8;
	[tilespmem:$0x1C100] =	vst v63  }
0x37: {  	p3 =	sge.u32 s9, s6  }
0x38: {  	[tilespmem:s13], [sflag:$0x1] =	stream.linear.gather @!p2 [hbm4b:s12+s0], $0x80, $0x38;
	[tilespmem:$0x1C100] =	vst v63  }
0x39: {  	s1 =	sadd.s32 @!p2 $0x14100, s14;
	s3 =	simm.s32 @!p3 $0x2  }
0x3a: {  	[tilespmem:s1], [sflag:$0x1] =	stream.linear.gather @!p2 [hbm4b:s30+s0], $0x4000, $0x38;
	[tilespmem:$0x1C100] =	vst v63  }
0x3b: {  	_ =	swait.ge @!p3 [sflag:s3], $0x4000  }
0x3c: {  	p1 =	sge.u32 s28, s6;
	[sflag:s3] =	ssyncset.done @!p3 $0x0  }
0x3d: {  	s0 =	simm.s32 @!p1 $0x1;
	[sflag:s3] =	ssyncadd.s32 @!p3 $0xFFFFC000  }
0x3e: {  	s9 =	simm.s32 @!p1 $0x80;
	_ =	swait.ge @!p1 [sflag:s0], $0x80  }
0x3f: {  	s1 =	sand.u32 @!p1 $0x1, s28;
	p2 =	sge.u32 s26, s6;
	[sflag:s0] =	ssyncset.done @!p1 $0x0  }
0x40: {  	s10 =	sshrl.u32 @!p2 s29, $0x3;
	s11 =	sand.u32 @!p2 $0x1, s26;
	[sflag:s0] =	ssyncadd.s32 @!p1 $0xFFFFFF80  }
0x41: {  	s12 =	simm.s32 @!p2 $0x0;
	s13 =	sshll.u32 @!p2 s11, $0x7;
	_ =	swait.ge @!p1 [sflag:s0], $0x4000  }
0x42: {  	s3 =	sshll.u32 @!p1 s1, $0x7;
	s1 =	sshll.u32 @!p1 s1, $0xE;
	[sflag:s0] =	ssyncset.done @!p1 $0x0  }
0x43: {  	s3 =	sor.u32 @!p1 $0x14000, s3;
	s1 =	sadd.s32 @!p1 $0x14100, s1;
	[sflag:s0] =	ssyncadd.s32 @!p1 $0xFFFFC000  }
0x44: {  	[spmem:s2] =	stream.indirect.scatter.add.f32 @!p1 [tilespmem:s1], [sflag:$0x2], $0x80, s3, s9, $0xb8;
	[tilespmem:$0x1C100] =	vst v63  }
0x45: {  	s0 =	sadd.s32 @!p2 s4, s10;
	s1 =	sor.u32 @!p2 $0x14000, s13;
	s3 =	sshll.u32 @!p2 s11, $0xE  }
0x46: {  	[tilespmem:s1], [sflag:$0x1] =	stream.linear.gather @!p2 [hbm4b:s0+s12], $0x80, $0x38;
	[tilespmem:$0x1C100] =	vst v63  }
0x47: {  	s0 =	sadd.s32 @!p2 $0x14100, s3  }
0x48: {  	[tilespmem:s0], [sflag:$0x1] =	stream.linear.gather @!p2 [hbm4b:s25+s12], $0x4000, $0x38;
	[tilespmem:$0x1C100] =	vst v63  }
0x49: {  	s0 =	simm.s32 @!p0 $0x2  }
0x4a: {  	_ =	swait.ge @!p0 [sflag:s0], $0x4000  }
0x4b: {  	[sflag:s0] =	ssyncset.done @!p0 $0x0  }
0x4c: {  	[sflag:s0] =	ssyncadd.s32 @!p0 $0xFFFFC000  }
0x4d: {  	[bflag:$0x0] =	sbarrier.arrive $0xFFFF  }
0x4e: {  	s22 =	rddreg [dreg:$0x4]  }
0x4f: {  	[hbm:s22], [sflag:s7] =	dma.local [spmem:s20], $0x2800  }
0x50: {  	_ =	swait.ge [sflag:s21], $0x2800  }
0x51: {  	[sflag:s21] =	ssyncset.done $0x0  }
0x52: {  	[sflag:s21] =	ssyncadd.s32 $0xFFFFD800  }
0x53: {  	[bflag:$0x0] =	sbarrier.arrive $0xFFFF  }
0x54: {  	[spmem:s20], [sflag:s7] =	dma.local [hbm:s5], $0x2800  }
0x55: {  	s28 =	simm.s32 $0x1;
	_ =	swait.ge [sflag:s21], $0x2800  }
0x56: {  	s30 =	smov.u32 s18;
	s29 =	sadd.s32 $0x800, s17;
	[sflag:s21] =	ssyncset.done $0x0  }
0x57: {  	p1 =	sle.u32 s6, $0x0;
	s25 =	simm.s32 $0x14000;
	[sflag:s21] =	ssyncadd.s32 $0xFFFFD800  }
0x58: {  	p2 =	sle.u32 s6, $0xFFFFFFFF;
	s0 =	simm.s32 $0x0;
	[bflag:$0x0] =	sbarrier.arrive $0xFFFF  }
0x59: {  	[tilespmem:s25], [sflag:$0x1] =	stream.linear.gather [hbm4b:s8+s0], $0x80, $0x38;
	[tilespmem:$0x1C100] =	vst v63  }
0x5a: {  	s10 =	simm.s32 @!p1 $0x1;
	s3 =	simm.s32 @!p2 $0x2;
	s26 =	rddreg [dreg:$0x5]  }
0x5b: {  	[tilespmem:s23], [sflag:$0x1] =	stream.linear.gather [hbm4b:s26+s0], $0x4000, $0x38;
	[tilespmem:$0x1C100] =	vst v63  }
0x5c: {  	s11 =	simm.s32 @!p1 $0x80;
	s25 =	sadd.s32 $0x8000, s18;
	_ =	swait.ge @!p2 [sflag:s3], $0x4000  }
0x5d: {  	s26 =	simm.s32 $0x2;
	s0 =	sand.u32 @!p1 $0x1, s0;
	[sflag:s3] =	ssyncset.done @!p2 $0x0  }
0x5e: {  	s1 =	sshll.u32 @!p1 s0, $0x7;
	[sflag:s3] =	ssyncadd.s32 @!p2 $0xFFFFC000;
	p2 =	sle.u32 s6, $0x1  }
0x5f: {  	s0 =	sshll.u32 @!p1 s0, $0xE;
	_ =	swait.ge @!p1 [sflag:s10], $0x80;
	s3 =	sshrl.u32 @!p2 s17, $0x3  }
0x60: {  	s9 =	sand.u32 @!p2 $0x1, s28;
	s31 =	simm.s32 @!p2 $0x0;
	[sflag:s10] =	ssyncset.done @!p1 $0x0  }
0x61: {  	s13 =	sshll.u32 @!p2 s9, $0x7;
	s12 =	sadd.s32 @!p2 s4, s3;
	[sflag:s10] =	ssyncadd.s32 @!p1 $0xFFFFFF80  }
0x62: {  	s14 =	sshll.u32 @!p2 s9, $0xE;
	s13 =	sor.u32 @!p2 $0x14000, s13;
	_ =	swait.ge @!p1 [sflag:s10], $0x4000  }
.LBB2_4:
0x63: {  	s1 =	sor.u32 @!p1 $0x14000, s1;
	s0 =	sadd.s32 @!p1 $0x14100, s0;
	[sflag:s10] =	ssyncset.done @!p1 $0x0  }
0x64: {  	s3 =	smov.u32 s26;
	s9 =	smov.u32 s26;
	s15 =	smov.u32 s29  }
0x65: {  	s22 =	sadd.s32 $0xFFFFFFFF, s28;
	[sflag:s10] =	ssyncadd.s32 @!p1 $0xFFFFC000;
	s10 =	sadd.s32 @!p2 $0x14100, s14  }
0x66: {  	[spmem:s2] =	stream.indirect.scatter.add.f32 @!p1 [tilespmem:s0], [sflag:$0x2], $0x80, s1, s11, $0xb8;
	[tilespmem:$0x1C100] =	vst v63  }
0x67: {  	s26 =	sadd.s32 $0x1, s26;
	p4 =	sge.u32 s22, s6;
	p1 =	sge.u32 s28, s6  }
0x68: {  	[tilespmem:s13], [sflag:$0x1] =	stream.linear.gather @!p2 [hbm4b:s12+s31], $0x80, $0x38;
	[tilespmem:$0x1C100] =	vst v63  }
0x69: {  	p3 =	sne.s32 s26, $0x18;
	s0 =	sand.u32 @!p1 $0x1, s28;
	s28 =	smov.u32 s9  }
0x6a: {  	s9 =	simm.s32 @!p4 $0x2;
	s1 =	sshll.u32 @!p1 s0, $0x7;
	s0 =	sshll.u32 @!p1 s0, $0xE  }
0x6b: {  	[tilespmem:s10], [sflag:$0x1] =	stream.linear.gather @!p2 [hbm4b:s30+s31], $0x4000, $0x38;
	[tilespmem:$0x1C100] =	vst v63  }
0x6c: {  	s29 =	sadd.s32 $0x800, s29;
	s30 =	smov.u32 s25;
	_ =	swait.ge @!p4 [sflag:s9], $0x4000  }
0x6d: {  	s10 =	simm.s32 @!p1 $0x1;
	s25 =	sadd.s32 $0x8000, s25;
	[sflag:s9] =	ssyncset.done @!p4 $0x0  }
.Ltmp1:
0x6e: {  	p2 =	sge.u32 s3, s6;
	[sflag:s9] =	ssyncadd.s32 @!p4 $0xFFFFC000;
	(pc) =	sbr.rel @p3 .LBB2_4-.Ltmp1, $4  }
0x6f: {  	s11 =	simm.s32 @!p1 $0x80;
	s9 =	sshrl.u32 @!p2 s15, $0x3;
	_ =	swait.ge @!p1 [sflag:s10], $0x80  }
0x70: {  	s3 =	sand.u32 @!p2 $0x1, s3;
	s31 =	simm.s32 @!p2 $0x0;
	[sflag:s10] =	ssyncset.done @!p1 $0x0  }
0x71: {  	s13 =	sshll.u32 @!p2 s3, $0x7;
	s12 =	sadd.s32 @!p2 s4, s9;
	[sflag:s10] =	ssyncadd.s32 @!p1 $0xFFFFFF80  }
0x72: {  	s14 =	sshll.u32 @!p2 s3, $0xE;
	s13 =	sor.u32 @!p2 $0x14000, s13;
	_ =	swait.ge @!p1 [sflag:s10], $0x4000  }
0x73: {  	s1 =	sor.u32 @!p1 $0x14000, s1;
	[sflag:s10] =	ssyncset.done @!p1 $0x0  }
0x74: {  	s0 =	sadd.s32 @!p1 $0x14100, s0;
	s3 =	sadd.s32 $0xFFFFFFFF, s28;
	[sflag:s10] =	ssyncadd.s32 @!p1 $0xFFFFC000  }
0x75: {  	[spmem:s2] =	stream.indirect.scatter.add.f32 @!p1 [tilespmem:s0], [sflag:$0x2], $0x80, s1, s11, $0xb8;
	[tilespmem:$0x1C100] =	vst v63  }
0x76: {  	p3 =	sge.u32 s3, s6  }
0x77: {  	[tilespmem:s13], [sflag:$0x1] =	stream.linear.gather @!p2 [hbm4b:s12+s31], $0x80, $0x38;
	[tilespmem:$0x1C100] =	vst v63  }
0x78: {  	s0 =	sadd.s32 @!p2 $0x14100, s14;
	s1 =	simm.s32 @!p3 $0x2  }
0x79: {  	[tilespmem:s0], [sflag:$0x1] =	stream.linear.gather @!p2 [hbm4b:s30+s31], $0x4000, $0x38;
	[tilespmem:$0x1C100] =	vst v63  }
0x7a: {  	_ =	swait.ge @!p3 [sflag:s1], $0x4000  }
0x7b: {  	p1 =	sge.u32 s28, s6;
	[sflag:s1] =	ssyncset.done @!p3 $0x0  }
0x7c: {  	s0 =	simm.s32 @!p1 $0x1;
	[sflag:s1] =	ssyncadd.s32 @!p3 $0xFFFFC000  }
0x7d: {  	p2 =	sge.u32 s26, s6;
	_ =	swait.ge @!p1 [sflag:s0], $0x80  }
0x7e: {  	s9 =	simm.s32 @!p1 $0x80;
	s10 =	sshrl.u32 @!p2 s29, $0x3;
	[sflag:s0] =	ssyncset.done @!p1 $0x0  }
0x7f: {  	s11 =	sand.u32 @!p2 $0x1, s26;
	s12 =	simm.s32 @!p2 $0x0;
	[sflag:s0] =	ssyncadd.s32 @!p1 $0xFFFFFF80  }
0x80: {  	s13 =	sshll.u32 @!p2 s11, $0x7;
	s1 =	sand.u32 @!p1 $0x1, s28;
	_ =	swait.ge @!p1 [sflag:s0], $0x4000  }
0x81: {  	s3 =	sshll.u32 @!p1 s1, $0x7;
	s1 =	sshll.u32 @!p1 s1, $0xE;
	[sflag:s0] =	ssyncset.done @!p1 $0x0  }
0x82: {  	s3 =	sor.u32 @!p1 $0x14000, s3;
	s1 =	sadd.s32 @!p1 $0x14100, s1;
	[sflag:s0] =	ssyncadd.s32 @!p1 $0xFFFFC000  }
0x83: {  	[spmem:s2] =	stream.indirect.scatter.add.f32 @!p1 [tilespmem:s1], [sflag:$0x2], $0x80, s3, s9, $0xb8;
	[tilespmem:$0x1C100] =	vst v63  }
0x84: {  	s0 =	sadd.s32 @!p2 s4, s10;
	s1 =	sor.u32 @!p2 $0x14000, s13;
	s3 =	sshll.u32 @!p2 s11, $0xE  }
0x85: {  	[tilespmem:s1], [sflag:$0x1] =	stream.linear.gather @!p2 [hbm4b:s0+s12], $0x80, $0x38;
	[tilespmem:$0x1C100] =	vst v63  }
0x86: {  	s0 =	sadd.s32 @!p2 $0x14100, s3  }
0x87: {  	[tilespmem:s0], [sflag:$0x1] =	stream.linear.gather @!p2 [hbm4b:s25+s12], $0x4000, $0x38;
	[tilespmem:$0x1C100] =	vst v63  }
0x88: {  	s0 =	simm.s32 @!p0 $0x2  }
0x89: {  	_ =	swait.ge @!p0 [sflag:s0], $0x4000  }
0x8a: {  	[sflag:s0] =	ssyncset.done @!p0 $0x0  }
0x8b: {  	[sflag:s0] =	ssyncadd.s32 @!p0 $0xFFFFC000  }
0x8c: {  	[bflag:$0x0] =	sbarrier.arrive $0xFFFF  }
0x8d: {  	s22 =	rddreg [dreg:$0x6]  }
0x8e: {  	[hbm:s22], [sflag:s7] =	dma.local [spmem:s20], $0x2800  }
0x8f: {  	_ =	swait.ge [sflag:s21], $0x2800  }
0x90: {  	[sflag:s21] =	ssyncset.done $0x0  }
0x91: {  	[sflag:s21] =	ssyncadd.s32 $0xFFFFD800  }
0x92: {  	[bflag:$0x0] =	sbarrier.arrive $0xFFFF  }
0x93: {  	[spmem:s20], [sflag:s7] =	dma.local [hbm:s5], $0x2800  }
0x94: {  	s30 =	smov.u32 s19;
	_ =	swait.ge [sflag:s21], $0x2800  }
0x95: {  	s29 =	sadd.s32 $0x800, s17;
	s28 =	simm.s32 $0x1;
	[sflag:s21] =	ssyncset.done $0x0  }
0x96: {  	p1 =	sle.u32 s6, $0x0;
	s25 =	simm.s32 $0x14000;
	[sflag:s21] =	ssyncadd.s32 $0xFFFFD800  }
0x97: {  	p2 =	sle.u32 s6, $0xFFFFFFFF;
	s0 =	simm.s32 $0x0;
	[bflag:$0x0] =	sbarrier.arrive $0xFFFF  }
0x98: {  	[tilespmem:s25], [sflag:$0x1] =	stream.linear.gather [hbm4b:s8+s0], $0x80, $0x38;
	[tilespmem:$0x1C100] =	vst v63  }
0x99: {  	s10 =	simm.s32 @!p1 $0x1;
	s3 =	simm.s32 @!p2 $0x2;
	s26 =	rddreg [dreg:$0x7]  }
0x9a: {  	[tilespmem:s23], [sflag:$0x1] =	stream.linear.gather [hbm4b:s26+s0], $0x4000, $0x38;
	[tilespmem:$0x1C100] =	vst v63  }
0x9b: {  	s11 =	simm.s32 @!p1 $0x80;
	s25 =	sadd.s32 $0x8000, s19;
	_ =	swait.ge @!p2 [sflag:s3], $0x4000  }
0x9c: {  	s26 =	simm.s32 $0x2;
	s0 =	sand.u32 @!p1 $0x1, s0;
	[sflag:s3] =	ssyncset.done @!p2 $0x0  }
0x9d: {  	s1 =	sshll.u32 @!p1 s0, $0x7;
	[sflag:s3] =	ssyncadd.s32 @!p2 $0xFFFFC000;
	p2 =	sle.u32 s6, $0x1  }
0x9e: {  	s0 =	sshll.u32 @!p1 s0, $0xE;
	_ =	swait.ge @!p1 [sflag:s10], $0x80;
	s3 =	sshrl.u32 @!p2 s17, $0x3  }
0x9f: {  	s9 =	sand.u32 @!p2 $0x1, s28;
	s31 =	simm.s32 @!p2 $0x0;
	[sflag:s10] =	ssyncset.done @!p1 $0x0  }
0xa0: {  	s13 =	sshll.u32 @!p2 s9, $0x7;
	s12 =	sadd.s32 @!p2 s4, s3;
	[sflag:s10] =	ssyncadd.s32 @!p1 $0xFFFFFF80  }
0xa1: {  	s14 =	sshll.u32 @!p2 s9, $0xE;
	s13 =	sor.u32 @!p2 $0x14000, s13;
	_ =	swait.ge @!p1 [sflag:s10], $0x4000  }
.LBB2_6:
0xa2: {  	s1 =	sor.u32 @!p1 $0x14000, s1;
	s0 =	sadd.s32 @!p1 $0x14100, s0;
	[sflag:s10] =	ssyncset.done @!p1 $0x0  }
0xa3: {  	s3 =	smov.u32 s26;
	s9 =	smov.u32 s26;
	s15 =	smov.u32 s29  }
0xa4: {  	s22 =	sadd.s32 $0xFFFFFFFF, s28;
	[sflag:s10] =	ssyncadd.s32 @!p1 $0xFFFFC000;
	s10 =	sadd.s32 @!p2 $0x14100, s14  }
0xa5: {  	[spmem:s2] =	stream.indirect.scatter.add.f32 @!p1 [tilespmem:s0], [sflag:$0x2], $0x80, s1, s11, $0xb8;
	[tilespmem:$0x1C100] =	vst v63  }
0xa6: {  	s26 =	sadd.s32 $0x1, s26;
	p4 =	sge.u32 s22, s6;
	p1 =	sge.u32 s28, s6  }
0xa7: {  	[tilespmem:s13], [sflag:$0x1] =	stream.linear.gather @!p2 [hbm4b:s12+s31], $0x80, $0x38;
	[tilespmem:$0x1C100] =	vst v63  }
0xa8: {  	p3 =	sne.s32 s26, $0x18;
	s0 =	sand.u32 @!p1 $0x1, s28;
	s28 =	smov.u32 s9  }
0xa9: {  	s9 =	simm.s32 @!p4 $0x2;
	s1 =	sshll.u32 @!p1 s0, $0x7;
	s0 =	sshll.u32 @!p1 s0, $0xE  }
0xaa: {  	[tilespmem:s10], [sflag:$0x1] =	stream.linear.gather @!p2 [hbm4b:s30+s31], $0x4000, $0x38;
	[tilespmem:$0x1C100] =	vst v63  }
0xab: {  	s29 =	sadd.s32 $0x800, s29;
	s30 =	smov.u32 s25;
	_ =	swait.ge @!p4 [sflag:s9], $0x4000  }
0xac: {  	s10 =	simm.s32 @!p1 $0x1;
	s25 =	sadd.s32 $0x8000, s25;
	[sflag:s9] =	ssyncset.done @!p4 $0x0  }
.Ltmp2:
0xad: {  	p2 =	sge.u32 s3, s6;
	[sflag:s9] =	ssyncadd.s32 @!p4 $0xFFFFC000;
	(pc) =	sbr.rel @p3 .LBB2_6-.Ltmp2, $4  }
0xae: {  	s11 =	simm.s32 @!p1 $0x80;
	s9 =	sshrl.u32 @!p2 s15, $0x3;
	_ =	swait.ge @!p1 [sflag:s10], $0x80  }
0xaf: {  	s3 =	sand.u32 @!p2 $0x1, s3;
	s31 =	simm.s32 @!p2 $0x0;
	[sflag:s10] =	ssyncset.done @!p1 $0x0  }
0xb0: {  	s13 =	sshll.u32 @!p2 s3, $0x7;
	s12 =	sadd.s32 @!p2 s4, s9;
	[sflag:s10] =	ssyncadd.s32 @!p1 $0xFFFFFF80  }
0xb1: {  	s14 =	sshll.u32 @!p2 s3, $0xE;
	s13 =	sor.u32 @!p2 $0x14000, s13;
	_ =	swait.ge @!p1 [sflag:s10], $0x4000  }
0xb2: {  	s1 =	sor.u32 @!p1 $0x14000, s1;
	[sflag:s10] =	ssyncset.done @!p1 $0x0  }
0xb3: {  	s0 =	sadd.s32 @!p1 $0x14100, s0;
	s3 =	sadd.s32 $0xFFFFFFFF, s28;
	[sflag:s10] =	ssyncadd.s32 @!p1 $0xFFFFC000  }
0xb4: {  	[spmem:s2] =	stream.indirect.scatter.add.f32 @!p1 [tilespmem:s0], [sflag:$0x2], $0x80, s1, s11, $0xb8;
	[tilespmem:$0x1C100] =	vst v63  }
0xb5: {  	p3 =	sge.u32 s3, s6  }
0xb6: {  	[tilespmem:s13], [sflag:$0x1] =	stream.linear.gather @!p2 [hbm4b:s12+s31], $0x80, $0x38;
	[tilespmem:$0x1C100] =	vst v63  }
0xb7: {  	s0 =	sadd.s32 @!p2 $0x14100, s14;
	s1 =	simm.s32 @!p3 $0x2  }
0xb8: {  	[tilespmem:s0], [sflag:$0x1] =	stream.linear.gather @!p2 [hbm4b:s30+s31], $0x4000, $0x38;
	[tilespmem:$0x1C100] =	vst v63  }
0xb9: {  	_ =	swait.ge @!p3 [sflag:s1], $0x4000  }
0xba: {  	p1 =	sge.u32 s28, s6;
	[sflag:s1] =	ssyncset.done @!p3 $0x0  }
0xbb: {  	s0 =	simm.s32 @!p1 $0x1;
	[sflag:s1] =	ssyncadd.s32 @!p3 $0xFFFFC000  }
0xbc: {  	p2 =	sge.u32 s26, s6;
	_ =	swait.ge @!p1 [sflag:s0], $0x80  }
0xbd: {  	s9 =	simm.s32 @!p1 $0x80;
	s10 =	sshrl.u32 @!p2 s29, $0x3;
	[sflag:s0] =	ssyncset.done @!p1 $0x0  }
0xbe: {  	s11 =	sand.u32 @!p2 $0x1, s26;
	s12 =	simm.s32 @!p2 $0x0;
	[sflag:s0] =	ssyncadd.s32 @!p1 $0xFFFFFF80  }
0xbf: {  	s13 =	sshll.u32 @!p2 s11, $0x7;
	s1 =	sand.u32 @!p1 $0x1, s28;
	_ =	swait.ge @!p1 [sflag:s0], $0x4000  }
0xc0: {  	s3 =	sshll.u32 @!p1 s1, $0x7;
	s1 =	sshll.u32 @!p1 s1, $0xE;
	[sflag:s0] =	ssyncset.done @!p1 $0x0  }
0xc1: {  	s3 =	sor.u32 @!p1 $0x14000, s3;
	s1 =	sadd.s32 @!p1 $0x14100, s1;
	[sflag:s0] =	ssyncadd.s32 @!p1 $0xFFFFC000  }
0xc2: {  	[spmem:s2] =	stream.indirect.scatter.add.f32 @!p1 [tilespmem:s1], [sflag:$0x2], $0x80, s3, s9, $0xb8;
	[tilespmem:$0x1C100] =	vst v63  }
0xc3: {  	s0 =	sadd.s32 @!p2 s4, s10;
	s1 =	sor.u32 @!p2 $0x14000, s13;
	s3 =	sshll.u32 @!p2 s11, $0xE  }
0xc4: {  	[tilespmem:s1], [sflag:$0x1] =	stream.linear.gather @!p2 [hbm4b:s0+s12], $0x80, $0x38;
	[tilespmem:$0x1C100] =	vst v63  }
0xc5: {  	s0 =	sadd.s32 @!p2 $0x14100, s3  }
0xc6: {  	[tilespmem:s0], [sflag:$0x1] =	stream.linear.gather @!p2 [hbm4b:s25+s12], $0x4000, $0x38;
	[tilespmem:$0x1C100] =	vst v63  }
0xc7: {  	s0 =	simm.s32 @!p0 $0x2  }
0xc8: {  	_ =	swait.ge @!p0 [sflag:s0], $0x4000  }
0xc9: {  	[sflag:s0] =	ssyncset.done @!p0 $0x0  }
0xca: {  	[sflag:s0] =	ssyncadd.s32 @!p0 $0xFFFFC000  }
0xcb: {  	[bflag:$0x0] =	sbarrier.arrive $0xFFFF  }
0xcc: {  	s30 =	rddreg [dreg:$0x8]  }
0xcd: {  	[hbm:s30], [sflag:s7] =	dma.local [spmem:s20], $0x2800  }
0xce: {  	_ =	swait.ge [sflag:s21], $0x2800  }
0xcf: {  	s24 =	sadd.s32 $0x1, s24;
	s31 =	rddreg [dreg:$0x9]  }
0xd0: {  	p1 =	sne.s32 s24, s31  }
.Ltmp3:
0xd1: {  	_ = 	snop;
	(pc) =	sbr.rel @p1 .LBB2_1-.Ltmp3, $3  }
0xd2: {  	[sflag:s21] =	ssyncset.done $0x0  }
0xd3: {  	[sflag:s21] =	ssyncadd.s32 $0xFFFFD800  }
0xd4: {  	[bflag:$0x0] =	sbarrier.arrive $0xFFFF;
	_ =	sdelay $0x1  }
0xd5: {  	_ =	sfence.sel $0x180000  }
0xd6: {  	[bflag:$0x0] =	sbarrier.arrive $0xFFFF  }
0xd7: {  	_ =	strace $0x9000004D  }
0xd8: {  	s0 =	stileid.u32;
	[bflag:$0x2] =	sbarrier.arrive $0xFFFF  }
0xd9: {  	p0 =	sne.s32 s0, $0x0;
	s0 =	rddreg [dreg:$0x2]  }
0xda: {  	s0 =	sadd.s32 @!p0 $0x100000, s0  }
0xdb: {  	[sflag:s0] =	ssyncadd.tile.s32 @!p0 $0x1;
	_ =	shalt  }
.Lfunc_end2:
_tile_overlayer_lowered:
.L_overlay_start_2:
0xdc: {  	(tag) =	ssettag $0x2  }
0xdd: {  	s0 =	rddreg [dreg:$0x0];
	s2 =	stileid.u32  }
0xde: {  	s1 =	rddreg [dreg:$0x1];
	p0 =	sne.s32 s2, $0x0  }
0xdf: {  	s3 =	rddreg [dreg:$0x2];
	[bflag:$0x3] =	sbarrier.arrive $0xFFFF;
	s2 =	simm.s32 @!p0 $0x1C03  }
0xe0: {  	[timem:s3], [sflag:s2] =	dma.local @!p0 [hbm:s0], s1  }
0xe1: {  	s0 =	simm.s32 @!p0 $0x3  }
0xe2: {  	_ =	swait.ge @!p0 [sflag:s0], s1  }
0xe3: {  	s1 =	ssub.s32 @!p0 $0x0, s1;
	[sflag:s0] =	ssyncset.done @!p0 $0x0  }
0xe4: {  	[sflag:s0] =	ssyncadd.s32 @!p0 s1  }
0xe5: {  	[bflag:$0x3] =	sbarrier.arrive $0xFFFF  }
0xe6: {  	_ =	shalt  }

</sc_bundles>
